<compile_context>
chip_gen: v7x
topology: tpu7x:2x2x1
jax: 0.10.2.dev20260603
libtpu: 0.0.44.dev20260713+nightly
codegen_flags: <defaults>
</compile_context>

<pallas_src>
import functools

import jax
import jax.numpy as jnp
from jax import lax
from jax.experimental import pallas as pl
from jax.experimental.pallas import tpu as pltpu
from jax.experimental.pallas import tpu_sc as plsc

N = 10000
E = 320000
D = 128

NC = 2
NS = 16
NW = NC * NS
C = 128
NCHUNK = 78
NPAIR = NCHUNK // 2
XTRA_WORKERS = E // C - NW * NCHUNK
WB = 80
RPT = 640
RPT_LAST_CHUNKS = (N - (NS - 1) * RPT) // WB
RPT_CHUNKS = RPT // WB


def _mm_body(f_ref, w_ref, b_ref, lap_ref, o_ref, cols_ref):
    o_ref[...] = (
        jax.lax.dot_general(
            f_ref[...], w_ref[...], (((1,), (1,)), ((), ())),
            preferred_element_type=jnp.float32)
        + b_ref[...]
    )
    @pl.when(pl.program_id(0) == 0)
    def _():
        cols_ref[...] = lap_ref[1, :]


def _add_body(p_ref, o_ref):
    o_ref[...] = p_ref[0] + p_ref[1]


def _bcast_lane(v, lane):
    return lax.gather(
        v, jnp.full((16, 1), lane, jnp.int32),
        lax.GatherDimensionNumbers(
            offset_dims=(), collapsed_slice_dims=(0,), start_index_map=(0,)),
        (1,), mode=lax.GatherScatterMode.PROMISE_IN_BOUNDS)


def _sc_spmm_body(support_hbm, lap_hbm, cols_hbm, vals_hbm, out_hbm,
                  cbuf, rbufa, rbufb, lbufm, vbufa, vbufb, bufa, bufb,
                  acc, gsema, gsemb, esema, esemb, ssem):
    cid = lax.axis_index("c")
    sid = lax.axis_index("s")
    wid = cid * NS + sid
    base_w = (NCHUNK * wid + jnp.minimum(wid, XTRA_WORKERS)) * C
    zero16 = jnp.zeros((16,), jnp.float32)

    pltpu.async_copy(cols_hbm.at[pl.ds(base_w, NCHUNK * C)], cbuf, esema)

    def zrow(g, carry):
        for j in range(D // 16):
            bufa[g, pl.ds(j * 16, 16)] = zero16
        return carry
    lax.fori_loop(0, C, zrow, 0)

    row0 = sid * RPT
    nwb = jnp.where(sid == NS - 1, RPT_LAST_CHUNKS, RPT_CHUNKS)

    def zacc(k, carry):
        pltpu.sync_copy(bufa.at[pl.ds(0, WB)], acc.at[pl.ds(row0 + k * WB, WB)])
        return carry
    lax.fori_loop(0, nwb, zacc, 0)

    plsc.subcore_barrier()
    pltpu.make_async_copy(
        cols_hbm.at[pl.ds(base_w, NCHUNK * C)], cbuf, esema).wait()

    def start_all(ci, buf, rbuf, vbuf, gsem, esem):
        pltpu.async_copy(
            support_hbm.at[cbuf.at[pl.ds(ci * C, C)]], buf, gsem)
        pltpu.async_copy(lap_hbm.at[0, pl.ds(base_w + ci * C, C)], rbuf, esem)
        pltpu.async_copy(vals_hbm.at[pl.ds(base_w + ci * C, C)], vbuf, esem)

    def wait_all(ci, buf, rbuf, vbuf, gsem, esem):
        pltpu.make_async_copy(
            support_hbm.at[cbuf.at[pl.ds(ci * C, C)]], buf, gsem).wait()
        pltpu.make_async_copy(
            lap_hbm.at[0, pl.ds(base_w + ci * C, C)], rbuf, esem).wait()
        pltpu.make_async_copy(
            vals_hbm.at[pl.ds(base_w + ci * C, C)], vbuf, esem).wait()

    def scale(bufg, vbuf, ngroup):
        def body(g, carry):
            vv = vbuf[pl.ds(g * 16, 16)]
            for i2 in range(16):
                r = g * 16 + i2
                s = _bcast_lane(vv, i2)
                for j in range(D // 16):
                    bufg[r, pl.ds(j * 16, 16)] = bufg[r, pl.ds(j * 16, 16)] * s
            return carry
        lax.fori_loop(0, ngroup, body, 0)

    def scatter(buf, rbuf):
        pltpu.async_copy(buf, acc.at[rbuf], ssem, add=True).wait()

    start_all(0, bufa, rbufa, vbufa, gsema, esema)

    def pair(k, carry):
        ci = 2 * k
        wait_all(ci, bufa, rbufa, vbufa, gsema, esema)
        start_all(ci + 1, bufb, rbufb, vbufb, gsemb, esemb)
        scale(bufa, vbufa, C // 16)
        scatter(bufa, rbufa)
        wait_all(ci + 1, bufb, rbufb, vbufb, gsemb, esemb)

        @pl.when(k < NPAIR - 1)
        def _():
            start_all(ci + 2, bufa, rbufa, vbufa, gsema, esema)
        scale(bufb, vbufb, C // 16)
        scatter(bufb, rbufb)
        return carry
    lax.fori_loop(0, NPAIR, pair, 0)

    @pl.when(wid < XTRA_WORKERS)
    def _():
        pltpu.sync_copy(lap_hbm.at[:, pl.ds(base_w + NCHUNK * C, C)], lbufm)
        pltpu.sync_copy(vals_hbm.at[pl.ds(base_w + NCHUNK * C, C)], vbufa)
        pltpu.async_copy(support_hbm.at[lbufm.at[1]], bufa, gsema).wait()
        scale(bufa, vbufa, C // 16)
        pltpu.async_copy(bufa, acc.at[lbufm.at[0]], ssem, add=True).wait()

    plsc.subcore_barrier()

    def wb(k, carry):
        sl = pl.ds(row0 + k * WB, WB)
        pltpu.sync_copy(acc.at[sl], out_hbm.at[cid, sl])
        return carry
    lax.fori_loop(0, nwb, wb, 0)


_sc_spmm = functools.partial(
    pl.kernel,
    out_type=jax.ShapeDtypeStruct((NC, N, D), jnp.float32),
    mesh=plsc.VectorSubcoreMesh(
        core_axis_name="c", subcore_axis_name="s",
        num_cores=NC, num_subcores=NS),
    scratch_types=[
        pltpu.VMEM((NCHUNK * C,), jnp.int32),
        pltpu.VMEM((C,), jnp.int32),
        pltpu.VMEM((C,), jnp.int32),
        pltpu.VMEM((2, C), jnp.int32),
        pltpu.VMEM((C,), jnp.float32),
        pltpu.VMEM((C,), jnp.float32),
        pltpu.VMEM((C, D), jnp.float32),
        pltpu.VMEM((C, D), jnp.float32),
        pltpu.VMEM_SHARED((N, D), jnp.float32),
        pltpu.SemaphoreType.DMA,
        pltpu.SemaphoreType.DMA,
        pltpu.SemaphoreType.DMA,
        pltpu.SemaphoreType.DMA,
        pltpu.SemaphoreType.DMA,
    ],
)(_sc_spmm_body)


def kernel(laplacian_indices, laplacian_values, features, W, b):
    b2 = b.reshape(1, D)

    support, cols_flat = pl.pallas_call(
        _mm_body,
        grid=(5,),
        in_specs=[
            pl.BlockSpec((N // 5, D), lambda i: (i, 0)),
            pl.BlockSpec((D, D), lambda i: (0, 0)),
            pl.BlockSpec((1, D), lambda i: (0, 0)),
            pl.BlockSpec((2, E), lambda i: (0, 0)),
        ],
        out_specs=[
            pl.BlockSpec((N // 5, D), lambda i: (i, 0)),
            pl.BlockSpec((E,), lambda i: (0,)),
        ],
        out_shape=[
            jax.ShapeDtypeStruct((N, D), jnp.float32),
            jax.ShapeDtypeStruct((E,), jnp.int32),
        ],
    )(features, W, b2, laplacian_indices)

    partials = _sc_spmm(support, laplacian_indices, cols_flat,
                        laplacian_values)

    out = pl.pallas_call(
        _add_body,
        grid=(10,),
        in_specs=[pl.BlockSpec((NC, N // 10, D), lambda i: (0, i, 0))],
        out_specs=pl.BlockSpec((N // 10, D), lambda i: (i, 0)),
        out_shape=jax.ShapeDtypeStruct((N, D), jnp.float32),
    )(partials)
    return out

# --- scband reference (transcript-rebuilt; emitter-appended) ---
"""Pipeline reference for scband-gcllayer-68478958567603 (READ-ONLY COPY).

The authoritative reference and input builder live on the scoring server;
editing this copy changes nothing except your own understanding.
"""

import jax, jax.numpy as jnp
import numpy as np

N_NODES = 10000
N_EDGES = 320000
IN_DIM = 128
OUT_DIM = 128

def setup_inputs(seed: int = 0) -> dict:
    key = jax.random.key(seed)
    k1, k2, k3, k4, k5 = jax.random.split(key, 5)
    laplacian_indices = jax.random.randint(k1, (2, N_EDGES), 0, N_NODES, dtype=jnp.int64 if jax.config.jax_enable_x64 else jnp.int32).astype(jnp.int32)
    laplacian_values = jax.random.normal(k2, (N_EDGES,), dtype=jnp.float32)
    features = jax.random.normal(k3, (N_NODES, IN_DIM), dtype=jnp.float32)
    # nn.Linear(input_dim, output_dim) params: W [out, in], b [out]
    bound = 1.0 / np.sqrt(IN_DIM)
    W = jax.random.uniform(k4, (OUT_DIM, IN_DIM), minval=-bound, maxval=bound, dtype=jnp.float32)
    b = jax.random.uniform(k5, (OUT_DIM,), minval=-bound, maxval=bound, dtype=jnp.float32)
    return {"laplacian_indices": laplacian_indices, "laplacian_values": laplacian_values, "features": features, "W": W, "b": b}

def reference(laplacian_indices, laplacian_values, features, W, b):
    # support = self.linear(features)
    support = features @ W.T + b
    # output = torch.sparse.mm(Laplacian, support)
    # COO sparse mm: out[row] += val * support[col]
    rows = laplacian_indices[0]
    cols = laplacian_indices[1]
    gathered = jnp.take(support, cols, axis=0) * laplacian_values[:, None]
    output = jnp.zeros((N_NODES, OUT_DIM), dtype=support.dtype).at[rows].add(gathered)
    return output

if __name__ == "__main__":
    import jax
    _d = setup_inputs()
    print(jax.jit(kernel)(*tuple(_d.values())))

</pallas_src>

<mosaic_0001>
#map = affine_map<(d0, d1) -> (0, 0)>
#map1 = affine_map<(d0, d1) -> (0)>
#map2 = affine_map<(d0, d1) -> (0, 0, 0)>
module attributes {stable_mosaic.version = 14 : i64} {
  func.func @_sc_spmm_body(%arg0: i32, %arg1: i32, %arg2: memref<10000x128xf32, #tpu.memory_space<hbm>>, %arg3: memref<2x320000xi32, #tpu.memory_space<hbm>>, %arg4: memref<320000xi32, #tpu.memory_space<hbm>>, %arg5: memref<320000xf32, #tpu.memory_space<hbm>>, %arg6: memref<2x10000x128xf32, #tpu.memory_space<hbm>>, %arg7: memref<9984xi32, #tpu.memory_space<vmem>>, %arg8: memref<128xi32, #tpu.memory_space<vmem>>, %arg9: memref<128xi32, #tpu.memory_space<vmem>>, %arg10: memref<2x128xi32, #tpu.memory_space<vmem>>, %arg11: memref<128xf32, #tpu.memory_space<vmem>>, %arg12: memref<128xf32, #tpu.memory_space<vmem>>, %arg13: memref<128x128xf32, #tpu.memory_space<vmem>>, %arg14: memref<128x128xf32, #tpu.memory_space<vmem>>, %arg15: memref<10000x128xf32, #tpu.memory_space<vmem_shared>>, %arg16: memref<!tpu.dma_semaphore, #tpu.memory_space<semaphore_mem>>, %arg17: memref<!tpu.dma_semaphore, #tpu.memory_space<semaphore_mem>>, %arg18: memref<!tpu.dma_semaphore, #tpu.memory_space<semaphore_mem>>, %arg19: memref<!tpu.dma_semaphore, #tpu.memory_space<semaphore_mem>>, %arg20: memref<!tpu.dma_semaphore, #tpu.memory_space<semaphore_mem>>) attributes {dimension_semantics = [#tpu.dimension_semantics<core_parallel>, #tpu.dimension_semantics<subcore_parallel>], iteration_bounds = array<i64: 2, 16>, scalar_prefetch = 0 : i64, scratch_operands = 14 : i64, tpu.core_type = #tpu.core_type<sc_vector_subcore>, window_params = [{transform_indices = #map}, {transform_indices = #map}, {transform_indices = #map1}, {transform_indices = #map1}, {transform_indices = #map2}]} {
    %mul3A = arith.constant 16 : i32
    %mul3A_0 = arith.muli %arg0, %mul3A : i32
    %add3A = arith.addi %mul3A_0, %arg1 : i32
    %mul3A_1 = arith.constant 78 : i32
    %mul3A_2 = arith.muli %mul3A_1, %add3A : i32
    %min3A = arith.constant 4 : i32
    %min3A_3 = arith.minsi %add3A, %min3A : i32
    %add3A_4 = arith.addi %mul3A_2, %min3A_3 : i32
    %mul3A_5 = arith.constant 128 : i32
    %mul3A_6 = arith.muli %add3A_4, %mul3A_5 : i32
    %broadcast_in_dim3A = arith.constant 0.000000e+00 : f32
    %broadcast_in_dim3A_7 = vector.broadcast %broadcast_in_dim3A : f32 to vector<16xf32>
    %dma_start3A = tpu.memref_slice %arg4[%mul3A_6] : memref<320000xi32, #tpu.memory_space<hbm>> -> memref<9984xi32, #tpu.memory_space<hbm>>
    %dma_start3A_8 = tpu.memref_slice %arg4[%mul3A_6] : memref<320000xi32, #tpu.memory_space<hbm>> -> memref<9984xi32, #tpu.memory_space<hbm>>
    tpu.enqueue_dma source(%dma_start3A_8 : memref<9984xi32, #tpu.memory_space<hbm>>) target(%arg7 : memref<9984xi32, #tpu.memory_space<vmem>>) target_semaphore(%arg18 : memref<!tpu.dma_semaphore, #tpu.memory_space<semaphore_mem>>)
    %scan3A = arith.constant 0 : i32
    %scan3A_9 = arith.constant 0 : i32
    %scan3A_10 = arith.constant 128 : i32
    %scan3A_11 = arith.addi %scan3A_9, %scan3A_10 : i32
    %scan3A_12 = arith.constant 1 : i32
    scf.for %scan3A_63 = %scan3A_9 to %scan3A_11 step %scan3A_12  : i32 {
      %swap3A = arith.index_cast %scan3A_63 : i32 to index
      %swap3A_64 = arith.constant 0 : index
      %swap3A_65 = tpu.vector_load %arg13[%swap3A, %swap3A_64] {strides = array<i32>} : memref<128x128xf32, #tpu.memory_space<vmem>>, vector<1x16xf32>,
      %swap3A_66 = vector.shape_cast %swap3A_65 : vector<1x16xf32> to vector<16xf32>
      %swap3A_67 = vector.shape_cast %broadcast_in_dim3A_7 : vector<16xf32> to vector<1x16xf32>
      tpu.vector_store %arg13[%swap3A, %swap3A_64], %swap3A_67 {strides = array<i32>} : memref<128x128xf32, #tpu.memory_space<vmem>>, vector<1x16xf32>,
      %swap3A_68 = arith.index_cast %scan3A_63 : i32 to index
      %swap3A_69 = arith.constant 16 : index
      %swap3A_70 = tpu.vector_load %arg13[%swap3A_68, %swap3A_69] {strides = array<i32>} : memref<128x128xf32, #tpu.memory_space<vmem>>, vector<1x16xf32>,
      %swap3A_71 = vector.shape_cast %swap3A_70 : vector<1x16xf32> to vector<16xf32>
      %swap3A_72 = vector.shape_cast %broadcast_in_dim3A_7 : vector<16xf32> to vector<1x16xf32>
      tpu.vector_store %arg13[%swap3A_68, %swap3A_69], %swap3A_72 {strides = array<i32>} : memref<128x128xf32, #tpu.memory_space<vmem>>, vector<1x16xf32>,
      %swap3A_73 = arith.index_cast %scan3A_63 : i32 to index
      %swap3A_74 = arith.constant 32 : index
      %swap3A_75 = tpu.vector_load %arg13[%swap3A_73, %swap3A_74] {strides = array<i32>} : memref<128x128xf32, #tpu.memory_space<vmem>>, vector<1x16xf32>,
      %swap3A_76 = vector.shape_cast %swap3A_75 : vector<1x16xf32> to vector<16xf32>
      %swap3A_77 = vector.shape_cast %broadcast_in_dim3A_7 : vector<16xf32> to vector<1x16xf32>
      tpu.vector_store %arg13[%swap3A_73, %swap3A_74], %swap3A_77 {strides = array<i32>} : memref<128x128xf32, #tpu.memory_space<vmem>>, vector<1x16xf32>,
      %swap3A_78 = arith.index_cast %scan3A_63 : i32 to index
      %swap3A_79 = arith.constant 48 : index
      %swap3A_80 = tpu.vector_load %arg13[%swap3A_78, %swap3A_79] {strides = array<i32>} : memref<128x128xf32, #tpu.memory_space<vmem>>, vector<1x16xf32>,
      %swap3A_81 = vector.shape_cast %swap3A_80 : vector<1x16xf32> to vector<16xf32>
      %swap3A_82 = vector.shape_cast %broadcast_in_dim3A_7 : vector<16xf32> to vector<1x16xf32>
      tpu.vector_store %arg13[%swap3A_78, %swap3A_79], %swap3A_82 {strides = array<i32>} : memref<128x128xf32, #tpu.memory_space<vmem>>, vector<1x16xf32>,
      %swap3A_83 = arith.index_cast %scan3A_63 : i32 to index
      %swap3A_84 = arith.constant 64 : index
      %swap3A_85 = tpu.vector_load %arg13[%swap3A_83, %swap3A_84] {strides = array<i32>} : memref<128x128xf32, #tpu.memory_space<vmem>>, vector<1x16xf32>,
      %swap3A_86 = vector.shape_cast %swap3A_85 : vector<1x16xf32> to vector<16xf32>
      %swap3A_87 = vector.shape_cast %broadcast_in_dim3A_7 : vector<16xf32> to vector<1x16xf32>
      tpu.vector_store %arg13[%swap3A_83, %swap3A_84], %swap3A_87 {strides = array<i32>} : memref<128x128xf32, #tpu.memory_space<vmem>>, vector<1x16xf32>,
      %swap3A_88 = arith.index_cast %scan3A_63 : i32 to index
      %swap3A_89 = arith.constant 80 : index
      %swap3A_90 = tpu.vector_load %arg13[%swap3A_88, %swap3A_89] {strides = array<i32>} : memref<128x128xf32, #tpu.memory_space<vmem>>, vector<1x16xf32>,
      %swap3A_91 = vector.shape_cast %swap3A_90 : vector<1x16xf32> to vector<16xf32>
      %swap3A_92 = vector.shape_cast %broadcast_in_dim3A_7 : vector<16xf32> to vector<1x16xf32>
      tpu.vector_store %arg13[%swap3A_88, %swap3A_89], %swap3A_92 {strides = array<i32>} : memref<128x128xf32, #tpu.memory_space<vmem>>, vector<1x16xf32>,
      %swap3A_93 = arith.index_cast %scan3A_63 : i32 to index
      %swap3A_94 = arith.constant 96 : index
      %swap3A_95 = tpu.vector_load %arg13[%swap3A_93, %swap3A_94] {strides = array<i32>} : memref<128x128xf32, #tpu.memory_space<vmem>>, vector<1x16xf32>,
      %swap3A_96 = vector.shape_cast %swap3A_95 : vector<1x16xf32> to vector<16xf32>
      %swap3A_97 = vector.shape_cast %broadcast_in_dim3A_7 : vector<16xf32> to vector<1x16xf32>
      tpu.vector_store %arg13[%swap3A_93, %swap3A_94], %swap3A_97 {strides = array<i32>} : memref<128x128xf32, #tpu.memory_space<vmem>>, vector<1x16xf32>,
      %swap3A_98 = arith.index_cast %scan3A_63 : i32 to index
      %swap3A_99 = arith.constant 112 : index
      %swap3A_100 = tpu.vector_load %arg13[%swap3A_98, %swap3A_99] {strides = array<i32>} : memref<128x128xf32, #tpu.memory_space<vmem>>, vector<1x16xf32>,
      %swap3A_101 = vector.shape_cast %swap3A_100 : vector<1x16xf32> to vector<16xf32>
      %swap3A_102 = vector.shape_cast %broadcast_in_dim3A_7 : vector<16xf32> to vector<1x16xf32>
      tpu.vector_store %arg13[%swap3A_98, %swap3A_99], %swap3A_102 {strides = array<i32>} : memref<128x128xf32, #tpu.memory_space<vmem>>, vector<1x16xf32>,
    }
    %scan3A_13 = arith.constant 128 : i32
    %mul3A_14 = arith.constant 640 : i32
    %mul3A_15 = arith.muli %arg1, %mul3A_14 : i32
    %eq3A = arith.constant 15 : i32
    %eq3A_16 = arith.cmpi eq, %arg1, %eq3A : i32
    %jit3A = arith.constant 5 : i32
    %jit3A_17 = arith.constant 8 : i32
    %select_n3A = arith.select %eq3A_16, %jit3A, %jit3A_17 : i32
    %while3A = arith.constant 0 : i32
    %while3A_18 = arith.constant 0 : i32
    %while3A_19 = arith.subi %select_n3A, %while3A_18 : i32
    %while3A_20 = arith.addi %while3A_18, %while3A_19 : i32
    %while3A_21 = arith.constant 1 : i32
    %while3A_22 = arith.divsi %while3A_19, %while3A_21 : i32
    %while3A_23 = arith.muli %while3A_22, %while3A_21 : i32
    %while3A_24 = arith.addi %while3A_18, %while3A_23 : i32
    %while3A_25 = arith.constant 1 : i32
    scf.for %while3A_63 = %while3A_18 to %while3A_24 step %while3A_25  : i32 {
      %mul3A_64 = arith.constant 80 : i32
      %mul3A_65 = arith.muli %while3A_63, %mul3A_64 : i32
      %add3A_66 = arith.addi %mul3A_15, %mul3A_65 : i32
      "tpu.region"() ({
        %run_scoped3A = tpu.sem_alloc : memref<!tpu.dma_semaphore, #tpu.memory_space<semaphore_mem>>
        %dma_start3A_67 = arith.constant 0 : i32
        %dma_start3A_68 = arith.constant 0 : i32
        %dma_start3A_69 = tpu.memref_slice %arg13[%dma_start3A_67, %dma_start3A_68] : memref<128x128xf32, #tpu.memory_space<vmem>> -> memref<80x128xf32, #tpu.memory_space<vmem>>
        %dma_start3A_70 = arith.constant 0 : i32
        %dma_start3A_71 = tpu.memref_slice %arg15[%add3A_66, %dma_start3A_70] : memref<10000x128xf32, #tpu.memory_space<vmem_shared>> -> memref<80x128xf32, #tpu.memory_space<vmem_shared>>
        %dma_start3A_72 = arith.constant 0 : i32
        %dma_start3A_73 = tpu.memref_slice %arg15[%add3A_66, %dma_start3A_72] : memref<10000x128xf32, #tpu.memory_space<vmem_shared>> -> memref<80x128xf32, #tpu.memory_space<vmem_shared>>
        %dma_start3A_74 = arith.constant 0 : i32
        %dma_start3A_75 = arith.constant 0 : i32
        %dma_start3A_76 = tpu.memref_slice %arg13[%dma_start3A_74, %dma_start3A_75] : memref<128x128xf32, #tpu.memory_space<vmem>> -> memref<80x128xf32, #tpu.memory_space<vmem>>
        tpu.enqueue_dma source(%dma_start3A_76 : memref<80x128xf32, #tpu.memory_space<vmem>>) target(%dma_start3A_73 : memref<80x128xf32, #tpu.memory_space<vmem_shared>>) target_semaphore(%run_scoped3A : memref<!tpu.dma_semaphore, #tpu.memory_space<semaphore_mem>>)
        %dma_wait3A_77 = arith.constant 0 : i32
        %dma_wait3A_78 = arith.constant 0 : i32
        %dma_wait3A_79 = tpu.memref_slice %arg13[%dma_wait3A_77, %dma_wait3A_78] : memref<128x128xf32, #tpu.memory_space<vmem>> -> memref<80x128xf32, #tpu.memory_space<vmem>>
        %dma_wait3A_80 = arith.constant 0 : i32
        %dma_wait3A_81 = tpu.memref_slice %arg15[%add3A_66, %dma_wait3A_80] : memref<10000x128xf32, #tpu.memory_space<vmem_shared>> -> memref<80x128xf32, #tpu.memory_space<vmem_shared>>
        %dma_wait3A_82 = arith.constant 0 : i32
        %dma_wait3A_83 = tpu.memref_slice %arg15[%add3A_66, %dma_wait3A_82] : memref<10000x128xf32, #tpu.memory_space<vmem_shared>> -> memref<80x128xf32, #tpu.memory_space<vmem_shared>>
        %dma_wait3A_84 = arith.constant 0 : i32
        %dma_wait3A_85 = arith.constant 0 : i32
        %dma_wait3A_86 = tpu.memref_slice %arg13[%dma_wait3A_84, %dma_wait3A_85] : memref<128x128xf32, #tpu.memory_space<vmem>> -> memref<80x128xf32, #tpu.memory_space<vmem>>
        tpu.wait_dma2 semaphore(%run_scoped3A : memref<!tpu.dma_semaphore, #tpu.memory_space<semaphore_mem>>) src(%dma_wait3A_86 : memref<80x128xf32, #tpu.memory_space<vmem>>) dst(%dma_wait3A_83 : memref<80x128xf32, #tpu.memory_space<vmem_shared>>)
        tpu.yield
      }) : () -> ()
    }
    %while3A_26 = arith.constant 1 : i32
    scf.for %while3A_63 = %while3A_24 to %while3A_20 step %while3A_26  : i32 {
      %mul3A_64 = arith.constant 80 : i32
      %mul3A_65 = arith.muli %while3A_63, %mul3A_64 : i32
      %add3A_66 = arith.addi %mul3A_15, %mul3A_65 : i32
      "tpu.region"() ({
        %run_scoped3A = tpu.sem_alloc : memref<!tpu.dma_semaphore, #tpu.memory_space<semaphore_mem>>
        %dma_start3A_67 = arith.constant 0 : i32
        %dma_start3A_68 = arith.constant 0 : i32
        %dma_start3A_69 = tpu.memref_slice %arg13[%dma_start3A_67, %dma_start3A_68] : memref<128x128xf32, #tpu.memory_space<vmem>> -> memref<80x128xf32, #tpu.memory_space<vmem>>
        %dma_start3A_70 = arith.constant 0 : i32
        %dma_start3A_71 = tpu.memref_slice %arg15[%add3A_66, %dma_start3A_70] : memref<10000x128xf32, #tpu.memory_space<vmem_shared>> -> memref<80x128xf32, #tpu.memory_space<vmem_shared>>
        %dma_start3A_72 = arith.constant 0 : i32
        %dma_start3A_73 = tpu.memref_slice %arg15[%add3A_66, %dma_start3A_72] : memref<10000x128xf32, #tpu.memory_space<vmem_shared>> -> memref<80x128xf32, #tpu.memory_space<vmem_shared>>
        %dma_start3A_74 = arith.constant 0 : i32
        %dma_start3A_75 = arith.constant 0 : i32
        %dma_start3A_76 = tpu.memref_slice %arg13[%dma_start3A_74, %dma_start3A_75] : memref<128x128xf32, #tpu.memory_space<vmem>> -> memref<80x128xf32, #tpu.memory_space<vmem>>
        tpu.enqueue_dma source(%dma_start3A_76 : memref<80x128xf32, #tpu.memory_space<vmem>>) target(%dma_start3A_73 : memref<80x128xf32, #tpu.memory_space<vmem_shared>>) target_semaphore(%run_scoped3A : memref<!tpu.dma_semaphore, #tpu.memory_space<semaphore_mem>>)
        %dma_wait3A_77 = arith.constant 0 : i32
        %dma_wait3A_78 = arith.constant 0 : i32
        %dma_wait3A_79 = tpu.memref_slice %arg13[%dma_wait3A_77, %dma_wait3A_78] : memref<128x128xf32, #tpu.memory_space<vmem>> -> memref<80x128xf32, #tpu.memory_space<vmem>>
        %dma_wait3A_80 = arith.constant 0 : i32
        %dma_wait3A_81 = tpu.memref_slice %arg15[%add3A_66, %dma_wait3A_80] : memref<10000x128xf32, #tpu.memory_space<vmem_shared>> -> memref<80x128xf32, #tpu.memory_space<vmem_shared>>
        %dma_wait3A_82 = arith.constant 0 : i32
        %dma_wait3A_83 = tpu.memref_slice %arg15[%add3A_66, %dma_wait3A_82] : memref<10000x128xf32, #tpu.memory_space<vmem_shared>> -> memref<80x128xf32, #tpu.memory_space<vmem_shared>>
        %dma_wait3A_84 = arith.constant 0 : i32
        %dma_wait3A_85 = arith.constant 0 : i32
        %dma_wait3A_86 = tpu.memref_slice %arg13[%dma_wait3A_84, %dma_wait3A_85] : memref<128x128xf32, #tpu.memory_space<vmem>> -> memref<80x128xf32, #tpu.memory_space<vmem>>
        tpu.wait_dma2 semaphore(%run_scoped3A : memref<!tpu.dma_semaphore, #tpu.memory_space<semaphore_mem>>) src(%dma_wait3A_86 : memref<80x128xf32, #tpu.memory_space<vmem>>) dst(%dma_wait3A_83 : memref<80x128xf32, #tpu.memory_space<vmem_shared>>)
        tpu.yield
      }) : () -> ()
    }
    %barrier3A = arith.constant 0 : index
    tpu.barrier barrier_id(%barrier3A)
    %dma_wait3A = tpu.memref_slice %arg4[%mul3A_6] : memref<320000xi32, #tpu.memory_space<hbm>> -> memref<9984xi32, #tpu.memory_space<hbm>>
    %dma_wait3A_27 = tpu.memref_slice %arg4[%mul3A_6] : memref<320000xi32, #tpu.memory_space<hbm>> -> memref<9984xi32, #tpu.memory_space<hbm>>
    tpu.wait_dma2 semaphore(%arg18 : memref<!tpu.dma_semaphore, #tpu.memory_space<semaphore_mem>>) src(%dma_wait3A_27 : memref<9984xi32, #tpu.memory_space<hbm>>) dst(%arg7 : memref<9984xi32, #tpu.memory_space<vmem>>)
    %dma_start3A_28 = arith.constant 0 : i32
    %dma_start3A_29 = tpu.memref_slice %arg7[%dma_start3A_28] : memref<9984xi32, #tpu.memory_space<vmem>> -> memref<128xi32, #tpu.memory_space<vmem>>
    %dma_start3A_30 = arith.constant 0 : i32
    %dma_start3A_31 = arith.constant 0 : i32
    %dma_start3A_32 = tpu.memref_slice %arg2[%dma_start3A_30, %dma_start3A_31] : memref<10000x128xf32, #tpu.memory_space<hbm>> -> memref<10000x128xf32, #tpu.memory_space<hbm>>
    tpu.enqueue_indirect_dma source(%dma_start3A_32 : memref<10000x128xf32, #tpu.memory_space<hbm>>) target(%arg13 : memref<128x128xf32, #tpu.memory_space<vmem>>) offsets(%dma_start3A_29 : memref<128xi32, #tpu.memory_space<vmem>>) semaphore(%arg16 : memref<!tpu.dma_semaphore, #tpu.memory_space<semaphore_mem>>)
    %add3A_33 = arith.constant 0 : i32
    %add3A_34 = arith.addi %mul3A_6, %add3A_33 : i32
    %dma_start3A_35 = arith.constant 0 : i32
    %dma_start3A_36 = tpu.memref_slice %arg3[%dma_start3A_35, %add3A_34] : memref<2x320000xi32, #tpu.memory_space<hbm>> -> memref<1x128xi32, #tpu.memory_space<hbm>>
    %dma_start3A_37 = tpu.memref_squeeze %dma_start3A_36 : memref<1x128xi32, #tpu.memory_space<hbm>> -> memref<128xi32, #tpu.memory_space<hbm>>
    %dma_start3A_38 = tpu.memref_slice %arg3[%dma_start3A_35, %add3A_34] : memref<2x320000xi32, #tpu.memory_space<hbm>> -> memref<1x128xi32, #tpu.memory_space<hbm>>
    %dma_start3A_39 = tpu.memref_squeeze %dma_start3A_38 : memref<1x128xi32, #tpu.memory_space<hbm>> -> memref<128xi32, #tpu.memory_space<hbm>>
    tpu.enqueue_dma source(%dma_start3A_39 : memref<128xi32, #tpu.memory_space<hbm>>) target(%arg8 : memref<128xi32, #tpu.memory_space<vmem>>) target_semaphore(%arg18 : memref<!tpu.dma_semaphore, #tpu.memory_space<semaphore_mem>>)
    %add3A_40 = arith.constant 0 : i32
    %add3A_41 = arith.addi %mul3A_6, %add3A_40 : i32
    %dma_start3A_42 = tpu.memref_slice %arg5[%add3A_41] : memref<320000xf32, #tpu.memory_space<hbm>> -> memref<128xf32, #tpu.memory_space<hbm>>
    %dma_start3A_43 = tpu.memref_slice %arg5[%add3A_41] : memref<320000xf32, #tpu.memory_space<hbm>> -> memref<128xf32, #tpu.memory_space<hbm>>
    tpu.enqueue_dma source(%dma_start3A_43 : memref<128xf32, #tpu.memory_space<hbm>>) target(%arg11 : memref<128xf32, #tpu.memory_space<vmem>>) target_semaphore(%arg18 : memref<!tpu.dma_semaphore, #tpu.memory_space<semaphore_mem>>)
    %scan3A_44 = arith.constant 0 : i32
    %scan3A_45 = arith.constant 0 : i32
    %scan3A_46 = arith.constant 39 : i32
    %scan3A_47 = arith.addi %scan3A_45, %scan3A_46 : i32
    %scan3A_48 = arith.constant 1 : i32
    scf.for %scan3A_63 = %scan3A_45 to %scan3A_47 step %scan3A_48  : i32 {
      %mul3A_64 = arith.constant 2 : i32
      %mul3A_65 = arith.muli %mul3A_64, %scan3A_63 : i32
      %mul3A_66 = arith.constant 128 : i32
      %mul3A_67 = arith.muli %mul3A_65, %mul3A_66 : i32
      %dma_wait3A_68 = tpu.memref_slice %arg7[%mul3A_67] : memref<9984xi32, #tpu.memory_space<vmem>> -> memref<128xi32, #tpu.memory_space<vmem>>
      %dma_wait3A_69 = arith.constant 0 : i32
      %dma_wait3A_70 = arith.constant 0 : i32
      %dma_wait3A_71 = tpu.memref_slice %arg2[%dma_wait3A_69, %dma_wait3A_70] : memref<10000x128xf32, #tpu.memory_space<hbm>> -> memref<10000x128xf32, #tpu.memory_space<hbm>>
      tpu.wait_indirect_dma semaphore(%arg16 : memref<!tpu.dma_semaphore, #tpu.memory_space<semaphore_mem>>) src(%dma_wait3A_71 : memref<10000x128xf32, #tpu.memory_space<hbm>>) dst(%arg13 : memref<128x128xf32, #tpu.memory_space<vmem>>)
      %mul3A_72 = arith.constant 128 : i32
      %mul3A_73 = arith.muli %mul3A_65, %mul3A_72 : i32
      %add3A_74 = arith.addi %mul3A_6, %mul3A_73 : i32
      %dma_wait3A_75 = arith.constant 0 : i32
      %dma_wait3A_76 = tpu.memref_slice %arg3[%dma_wait3A_75, %add3A_74] : memref<2x320000xi32, #tpu.memory_space<hbm>> -> memref<1x128xi32, #tpu.memory_space<hbm>>
      %dma_wait3A_77 = tpu.memref_squeeze %dma_wait3A_76 : memref<1x128xi32, #tpu.memory_space<hbm>> -> memref<128xi32, #tpu.memory_space<hbm>>
      %dma_wait3A_78 = tpu.memref_slice %arg3[%dma_wait3A_75, %add3A_74] : memref<2x320000xi32, #tpu.memory_space<hbm>> -> memref<1x128xi32, #tpu.memory_space<hbm>>
      %dma_wait3A_79 = tpu.memref_squeeze %dma_wait3A_78 : memref<1x128xi32, #tpu.memory_space<hbm>> -> memref<128xi32, #tpu.memory_space<hbm>>
      tpu.wait_dma2 semaphore(%arg18 : memref<!tpu.dma_semaphore, #tpu.memory_space<semaphore_mem>>) src(%dma_wait3A_79 : memref<128xi32, #tpu.memory_space<hbm>>) dst(%arg8 : memref<128xi32, #tpu.memory_space<vmem>>)
      %mul3A_80 = arith.constant 128 : i32
      %mul3A_81 = arith.muli %mul3A_65, %mul3A_80 : i32
      %add3A_82 = arith.addi %mul3A_6, %mul3A_81 : i32
      %dma_wait3A_83 = tpu.memref_slice %arg5[%add3A_82] : memref<320000xf32, #tpu.memory_space<hbm>> -> memref<128xf32, #tpu.memory_space<hbm>>
      %dma_wait3A_84 = tpu.memref_slice %arg5[%add3A_82] : memref<320000xf32, #tpu.memory_space<hbm>> -> memref<128xf32, #tpu.memory_space<hbm>>
      tpu.wait_dma2 semaphore(%arg18 : memref<!tpu.dma_semaphore, #tpu.memory_space<semaphore_mem>>) src(%dma_wait3A_84 : memref<128xf32, #tpu.memory_space<hbm>>) dst(%arg11 : memref<128xf32, #tpu.memory_space<vmem>>)
      %add3A_85 = arith.constant 1 : i32
      %add3A_86 = arith.addi %mul3A_65, %add3A_85 : i32
      %mul3A_87 = arith.constant 128 : i32
      %mul3A_88 = arith.muli %add3A_86, %mul3A_87 : i32
      %dma_start3A_89 = tpu.memref_slice %arg7[%mul3A_88] : memref<9984xi32, #tpu.memory_space<vmem>> -> memref<128xi32, #tpu.memory_space<vmem>>
      %dma_start3A_90 = arith.constant 0 : i32
      %dma_start3A_91 = arith.constant 0 : i32
      %dma_start3A_92 = tpu.memref_slice %arg2[%dma_start3A_90, %dma_start3A_91] : memref<10000x128xf32, #tpu.memory_space<hbm>> -> memref<10000x128xf32, #tpu.memory_space<hbm>>
      tpu.enqueue_indirect_dma source(%dma_start3A_92 : memref<10000x128xf32, #tpu.memory_space<hbm>>) target(%arg14 : memref<128x128xf32, #tpu.memory_space<vmem>>) offsets(%dma_start3A_89 : memref<128xi32, #tpu.memory_space<vmem>>) semaphore(%arg17 : memref<!tpu.dma_semaphore, #tpu.memory_space<semaphore_mem>>)
      %mul3A_93 = arith.constant 128 : i32
      %mul3A_94 = arith.muli %add3A_86, %mul3A_93 : i32
      %add3A_95 = arith.addi %mul3A_6, %mul3A_94 : i32
      %dma_start3A_96 = arith.constant 0 : i32
      %dma_start3A_97 = tpu.memref_slice %arg3[%dma_start3A_96, %add3A_95] : memref<2x320000xi32, #tpu.memory_space<hbm>> -> memref<1x128xi32, #tpu.memory_space<hbm>>
      %dma_start3A_98 = tpu.memref_squeeze %dma_start3A_97 : memref<1x128xi32, #tpu.memory_space<hbm>> -> memref<128xi32, #tpu.memory_space<hbm>>
      %dma_start3A_99 = tpu.memref_slice %arg3[%dma_start3A_96, %add3A_95] : memref<2x320000xi32, #tpu.memory_space<hbm>> -> memref<1x128xi32, #tpu.memory_space<hbm>>
      %dma_start3A_100 = tpu.memref_squeeze %dma_start3A_99 : memref<1x128xi32, #tpu.memory_space<hbm>> -> memref<128xi32, #tpu.memory_space<hbm>>
      tpu.enqueue_dma source(%dma_start3A_100 : memref<128xi32, #tpu.memory_space<hbm>>) target(%arg9 : memref<128xi32, #tpu.memory_space<vmem>>) target_semaphore(%arg19 : memref<!tpu.dma_semaphore, #tpu.memory_space<semaphore_mem>>)
      %mul3A_101 = arith.constant 128 : i32
      %mul3A_102 = arith.muli %add3A_86, %mul3A_101 : i32
      %add3A_103 = arith.addi %mul3A_6, %mul3A_102 : i32
      %dma_start3A_104 = tpu.memref_slice %arg5[%add3A_103] : memref<320000xf32, #tpu.memory_space<hbm>> -> memref<128xf32, #tpu.memory_space<hbm>>
      %dma_start3A_105 = tpu.memref_slice %arg5[%add3A_103] : memref<320000xf32, #tpu.memory_space<hbm>> -> memref<128xf32, #tpu.memory_space<hbm>>
      tpu.enqueue_dma source(%dma_start3A_105 : memref<128xf32, #tpu.memory_space<hbm>>) target(%arg12 : memref<128xf32, #tpu.memory_space<vmem>>) target_semaphore(%arg19 : memref<!tpu.dma_semaphore, #tpu.memory_space<semaphore_mem>>)
      %scan3A_106 = arith.constant 0 : i32
      %scan3A_107 = arith.constant 0 : i32
      %scan3A_108 = arith.constant 8 : i32
      %scan3A_109 = arith.addi %scan3A_107, %scan3A_108 : i32
      %scan3A_110 = arith.constant 1 : i32
      scf.for %scan3A_156 = %scan3A_107 to %scan3A_109 step %scan3A_110  : i32 {
        %mul3A_157 = arith.constant 16 : i32
        %mul3A_158 = arith.muli %scan3A_156, %mul3A_157 : i32
        %get3A = arith.index_cast %mul3A_158 : i32 to index
        %get3A_159 = tpu.vector_load %arg11[%get3A] {strides = array<i32>} : memref<128xf32, #tpu.memory_space<vmem>>, vector<16xf32>,
        %get3A_160 = vector.shape_cast %get3A_159 : vector<16xf32> to vector<16xf32>
        %mul3A_161 = arith.constant 16 : i32
        %mul3A_162 = arith.muli %scan3A_156, %mul3A_161 : i32
        %add3A_163 = arith.constant 0 : i32
        %add3A_164 = arith.addi %mul3A_162, %add3A_163 : i32
        %broadcast_in_dim3A_165 = arith.constant 0 : i32
        %broadcast_in_dim3A_166 = vector.broadcast %broadcast_in_dim3A_165 : i32 to vector<16x1xi32>
        %gather3A = vector.shape_cast %broadcast_in_dim3A_166 : vector<16x1xi32> to vector<16xi32>
        %gather3A_167 = tpu.dynamic_gather %get3A_160[%gather3A] in [0] : vector<16xf32>, vector<16xi32> -> vector<16xf32>
        %get3A_168 = arith.index_cast %add3A_164 : i32 to index
        %get3A_169 = arith.constant 0 : index
        %get3A_170 = tpu.vector_load %arg13[%get3A_168, %get3A_169] {strides = array<i32>} : memref<128x128xf32, #tpu.memory_space<vmem>>, vector<1x16xf32>,
        %get3A_171 = vector.shape_cast %get3A_170 : vector<1x16xf32> to vector<16xf32>
        %mul3A_172 = arith.mulf %get3A_171, %gather3A_167 : vector<16xf32>
        %swap3A = arith.index_cast %add3A_164 : i32 to index
        %swap3A_173 = arith.constant 0 : index
        %swap3A_174 = tpu.vector_load %arg13[%swap3A, %swap3A_173] {strides = array<i32>} : memref<128x128xf32, #tpu.memory_space<vmem>>, vector<1x16xf32>,
        %swap3A_175 = vector.shape_cast %swap3A_174 : vector<1x16xf32> to vector<16xf32>
        %swap3A_176 = vector.shape_cast %mul3A_172 : vector<16xf32> to vector<1x16xf32>
        tpu.vector_store %arg13[%swap3A, %swap3A_173], %swap3A_176 {strides = array<i32>} : memref<128x128xf32, #tpu.memory_space<vmem>>, vector<1x16xf32>,
        %get3A_177 = arith.index_cast %add3A_164 : i32 to index
        %get3A_178 = arith.constant 16 : index
        %get3A_179 = tpu.vector_load %arg13[%get3A_177, %get3A_178] {strides = array<i32>} : memref<128x128xf32, #tpu.memory_space<vmem>>, vector<1x16xf32>,
        %get3A_180 = vector.shape_cast %get3A_179 : vector<1x16xf32> to vector<16xf32>
        %mul3A_181 = arith.mulf %get3A_180, %gather3A_167 : vector<16xf32>
        %swap3A_182 = arith.index_cast %add3A_164 : i32 to index
        %swap3A_183 = arith.constant 16 : index
        %swap3A_184 = tpu.vector_load %arg13[%swap3A_182, %swap3A_183] {strides = array<i32>} : memref<128x128xf32, #tpu.memory_space<vmem>>, vector<1x16xf32>,
        %swap3A_185 = vector.shape_cast %swap3A_184 : vector<1x16xf32> to vector<16xf32>
        %swap3A_186 = vector.shape_cast %mul3A_181 : vector<16xf32> to vector<1x16xf32>
        tpu.vector_store %arg13[%swap3A_182, %swap3A_183], %swap3A_186 {strides = array<i32>} : memref<128x128xf32, #tpu.memory_space<vmem>>, vector<1x16xf32>,
        %get3A_187 = arith.index_cast %add3A_164 : i32 to index
        %get3A_188 = arith.constant 32 : index
        %get3A_189 = tpu.vector_load %arg13[%get3A_187, %get3A_188] {strides = array<i32>} : memref<128x128xf32, #tpu.memory_space<vmem>>, vector<1x16xf32>,
        %get3A_190 = vector.shape_cast %get3A_189 : vector<1x16xf32> to vector<16xf32>
        %mul3A_191 = arith.mulf %get3A_190, %gather3A_167 : vector<16xf32>
        %swap3A_192 = arith.index_cast %add3A_164 : i32 to index
        %swap3A_193 = arith.constant 32 : index
        %swap3A_194 = tpu.vector_load %arg13[%swap3A_192, %swap3A_193] {strides = array<i32>} : memref<128x128xf32, #tpu.memory_space<vmem>>, vector<1x16xf32>,
        %swap3A_195 = vector.shape_cast %swap3A_194 : vector<1x16xf32> to vector<16xf32>
        %swap3A_196 = vector.shape_cast %mul3A_191 : vector<16xf32> to vector<1x16xf32>
        tpu.vector_store %arg13[%swap3A_192, %swap3A_193], %swap3A_196 {strides = array<i32>} : memref<128x128xf32, #tpu.memory_space<vmem>>, vector<1x16xf32>,
        %get3A_197 = arith.index_cast %add3A_164 : i32 to index
        %get3A_198 = arith.constant 48 : index
        %get3A_199 = tpu.vector_load %arg13[%get3A_197, %get3A_198] {strides = array<i32>} : memref<128x128xf32, #tpu.memory_space<vmem>>, vector<1x16xf32>,
        %get3A_200 = vector.shape_cast %get3A_199 : vector<1x16xf32> to vector<16xf32>
        %mul3A_201 = arith.mulf %get3A_200, %gather3A_167 : vector<16xf32>
        %swap3A_202 = arith.index_cast %add3A_164 : i32 to index
        %swap3A_203 = arith.constant 48 : index
        %swap3A_204 = tpu.vector_load %arg13[%swap3A_202, %swap3A_203] {strides = array<i32>} : memref<128x128xf32, #tpu.memory_space<vmem>>, vector<1x16xf32>,
        %swap3A_205 = vector.shape_cast %swap3A_204 : vector<1x16xf32> to vector<16xf32>
        %swap3A_206 = vector.shape_cast %mul3A_201 : vector<16xf32> to vector<1x16xf32>
        tpu.vector_store %arg13[%swap3A_202, %swap3A_203], %swap3A_206 {strides = array<i32>} : memref<128x128xf32, #tpu.memory_space<vmem>>, vector<1x16xf32>,
        %get3A_207 = arith.index_cast %add3A_164 : i32 to index
        %get3A_208 = arith.constant 64 : index
        %get3A_209 = tpu.vector_load %arg13[%get3A_207, %get3A_208] {strides = array<i32>} : memref<128x128xf32, #tpu.memory_space<vmem>>, vector<1x16xf32>,
        %get3A_210 = vector.shape_cast %get3A_209 : vector<1x16xf32> to vector<16xf32>
        %mul3A_211 = arith.mulf %get3A_210, %gather3A_167 : vector<16xf32>
        %swap3A_212 = arith.index_cast %add3A_164 : i32 to index
        %swap3A_213 = arith.constant 64 : index
        %swap3A_214 = tpu.vector_load %arg13[%swap3A_212, %swap3A_213] {strides = array<i32>} : memref<128x128xf32, #tpu.memory_space<vmem>>, vector<1x16xf32>,
        %swap3A_215 = vector.shape_cast %swap3A_214 : vector<1x16xf32> to vector<16xf32>
        %swap3A_216 = vector.shape_cast %mul3A_211 : vector<16xf32> to vector<1x16xf32>
        tpu.vector_store %arg13[%swap3A_212, %swap3A_213], %swap3A_216 {strides = array<i32>} : memref<128x128xf32, #tpu.memory_space<vmem>>, vector<1x16xf32>,
        %get3A_217 = arith.index_cast %add3A_164 : i32 to index
        %get3A_218 = arith.constant 80 : index
        %get3A_219 = tpu.vector_load %arg13[%get3A_217, %get3A_218] {strides = array<i32>} : memref<128x128xf32, #tpu.memory_space<vmem>>, vector<1x16xf32>,
        %get3A_220 = vector.shape_cast %get3A_219 : vector<1x16xf32> to vector<16xf32>
        %mul3A_221 = arith.mulf %get3A_220, %gather3A_167 : vector<16xf32>
        %swap3A_222 = arith.index_cast %add3A_164 : i32 to index
        %swap3A_223 = arith.constant 80 : index
        %swap3A_224 = tpu.vector_load %arg13[%swap3A_222, %swap3A_223] {strides = array<i32>} : memref<128x128xf32, #tpu.memory_space<vmem>>, vector<1x16xf32>,
        %swap3A_225 = vector.shape_cast %swap3A_224 : vector<1x16xf32> to vector<16xf32>
        %swap3A_226 = vector.shape_cast %mul3A_221 : vector<16xf32> to vector<1x16xf32>
        tpu.vector_store %arg13[%swap3A_222, %swap3A_223], %swap3A_226 {strides = array<i32>} : memref<128x128xf32, #tpu.memory_space<vmem>>, vector<1x16xf32>,
        %get3A_227 = arith.index_cast %add3A_164 : i32 to index
        %get3A_228 = arith.constant 96 : index
        %get3A_229 = tpu.vector_load %arg13[%get3A_227, %get3A_228] {strides = array<i32>} : memref<128x128xf32, #tpu.memory_space<vmem>>, vector<1x16xf32>,
        %get3A_230 = vector.shape_cast %get3A_229 : vector<1x16xf32> to vector<16xf32>
        %mul3A_231 = arith.mulf %get3A_230, %gather3A_167 : vector<16xf32>
        %swap3A_232 = arith.index_cast %add3A_164 : i32 to index
        %swap3A_233 = arith.constant 96 : index
        %swap3A_234 = tpu.vector_load %arg13[%swap3A_232, %swap3A_233] {strides = array<i32>} : memref<128x128xf32, #tpu.memory_space<vmem>>, vector<1x16xf32>,
        %swap3A_235 = vector.shape_cast %swap3A_234 : vector<1x16xf32> to vector<16xf32>
        %swap3A_236 = vector.shape_cast %mul3A_231 : vector<16xf32> to vector<1x16xf32>
        tpu.vector_store %arg13[%swap3A_232, %swap3A_233], %swap3A_236 {strides = array<i32>} : memref<128x128xf32, #tpu.memory_space<vmem>>, vector<1x16xf32>,
        %get3A_237 = arith.index_cast %add3A_164 : i32 to index
        %get3A_238 = arith.constant 112 : index
        %get3A_239 = tpu.vector_load %arg13[%get3A_237, %get3A_238] {strides = array<i32>} : memref<128x128xf32, #tpu.memory_space<vmem>>, vector<1x16xf32>,
        %get3A_240 = vector.shape_cast %get3A_239 : vector<1x16xf32> to vector<16xf32>
        %mul3A_241 = arith.mulf %get3A_240, %gather3A_167 : vector<16xf32>
        %swap3A_242 = arith.index_cast %add3A_164 : i32 to index
        %swap3A_243 = arith.constant 112 : index
        %swap3A_244 = tpu.vector_load %arg13[%swap3A_242, %swap3A_243] {strides = array<i32>} : memref<128x128xf32, #tpu.memory_space<vmem>>, vector<1x16xf32>,
        %swap3A_245 = vector.shape_cast %swap3A_244 : vector<1x16xf32> to vector<16xf32>
        %swap3A_246 = vector.shape_cast %mul3A_241 : vector<16xf32> to vector<1x16xf32>
        tpu.vector_store %arg13[%swap3A_242, %swap3A_243], %swap3A_246 {strides = array<i32>} : memref<128x128xf32, #tpu.memory_space<vmem>>, vector<1x16xf32>,
        %mul3A_247 = arith.constant 16 : i32
        %mul3A_248 = arith.muli %scan3A_156, %mul3A_247 : i32
        %add3A_249 = arith.constant 1 : i32
        %add3A_250 = arith.addi %mul3A_248, %add3A_249 : i32
        %broadcast_in_dim3A_251 = arith.constant 1 : i32
        %broadcast_in_dim3A_252 = vector.broadcast %broadcast_in_dim3A_251 : i32 to vector<16x1xi32>
        %gather3A_253 = vector.shape_cast %broadcast_in_dim3A_252 : vector<16x1xi32> to vector<16xi32>
        %gather3A_254 = tpu.dynamic_gather %get3A_160[%gather3A_253] in [0] : vector<16xf32>, vector<16xi32> -> vector<16xf32>
        %get3A_255 = arith.index_cast %add3A_250 : i32 to index
        %get3A_256 = arith.constant 0 : index
        %get3A_257 = tpu.vector_load %arg13[%get3A_255, %get3A_256] {strides = array<i32>} : memref<128x128xf32, #tpu.memory_space<vmem>>, vector<1x16xf32>,
        %get3A_258 = vector.shape_cast %get3A_257 : vector<1x16xf32> to vector<16xf32>
        %mul3A_259 = arith.mulf %get3A_258, %gather3A_254 : vector<16xf32>
        %swap3A_260 = arith.index_cast %add3A_250 : i32 to index
        %swap3A_261 = arith.constant 0 : index
        %swap3A_262 = tpu.vector_load %arg13[%swap3A_260, %swap3A_261] {strides = array<i32>} : memref<128x128xf32, #tpu.memory_space<vmem>>, vector<1x16xf32>,
        %swap3A_263 = vector.shape_cast %swap3A_262 : vector<1x16xf32> to vector<16xf32>
        %swap3A_264 = vector.shape_cast %mul3A_259 : vector<16xf32> to vector<1x16xf32>
        tpu.vector_store %arg13[%swap3A_260, %swap3A_261], %swap3A_264 {strides = array<i32>} : memref<128x128xf32, #tpu.memory_space<vmem>>, vector<1x16xf32>,
        %get3A_265 = arith.index_cast %add3A_250 : i32 to index
        %get3A_266 = arith.constant 16 : index
        %get3A_267 = tpu.vector_load %arg13[%get3A_265, %get3A_266] {strides = array<i32>} : memref<128x128xf32, #tpu.memory_space<vmem>>, vector<1x16xf32>,
        %get3A_268 = vector.shape_cast %get3A_267 : vector<1x16xf32> to vector<16xf32>
        %mul3A_269 = arith.mulf %get3A_268, %gather3A_254 : vector<16xf32>
        %swap3A_270 = arith.index_cast %add3A_250 : i32 to index
        %swap3A_271 = arith.constant 16 : index
        %swap3A_272 = tpu.vector_load %arg13[%swap3A_270, %swap3A_271] {strides = array<i32>} : memref<128x128xf32, #tpu.memory_space<vmem>>, vector<1x16xf32>,
        %swap3A_273 = vector.shape_cast %swap3A_272 : vector<1x16xf32> to vector<16xf32>
        %swap3A_274 = vector.shape_cast %mul3A_269 : vector<16xf32> to vector<1x16xf32>
        tpu.vector_store %arg13[%swap3A_270, %swap3A_271], %swap3A_274 {strides = array<i32>} : memref<128x128xf32, #tpu.memory_space<vmem>>, vector<1x16xf32>,
        %get3A_275 = arith.index_cast %add3A_250 : i32 to index
        %get3A_276 = arith.constant 32 : index
        %get3A_277 = tpu.vector_load %arg13[%get3A_275, %get3A_276] {strides = array<i32>} : memref<128x128xf32, #tpu.memory_space<vmem>>, vector<1x16xf32>,
        %get3A_278 = vector.shape_cast %get3A_277 : vector<1x16xf32> to vector<16xf32>
        %mul3A_279 = arith.mulf %get3A_278, %gather3A_254 : vector<16xf32>
        %swap3A_280 = arith.index_cast %add3A_250 : i32 to index
        %swap3A_281 = arith.constant 32 : index
        %swap3A_282 = tpu.vector_load %arg13[%swap3A_280, %swap3A_281] {strides = array<i32>} : memref<128x128xf32, #tpu.memory_space<vmem>>, vector<1x16xf32>,
        %swap3A_283 = vector.shape_cast %swap3A_282 : vector<1x16xf32> to vector<16xf32>
        %swap3A_284 = vector.shape_cast %mul3A_279 : vector<16xf32> to vector<1x16xf32>
        tpu.vector_store %arg13[%swap3A_280, %swap3A_281], %swap3A_284 {strides = array<i32>} : memref<128x128xf32, #tpu.memory_space<vmem>>, vector<1x16xf32>,
        %get3A_285 = arith.index_cast %add3A_250 : i32 to index
        %get3A_286 = arith.constant 48 : index
        %get3A_287 = tpu.vector_load %arg13[%get3A_285, %get3A_286] {strides = array<i32>} : memref<128x128xf32, #tpu.memory_space<vmem>>, vector<1x16xf32>,
        %get3A_288 = vector.shape_cast %get3A_287 : vector<1x16xf32> to vector<16xf32>
        %mul3A_289 = arith.mulf %get3A_288, %gather3A_254 : vector<16xf32>
        %swap3A_290 = arith.index_cast %add3A_250 : i32 to index
        %swap3A_291 = arith.constant 48 : index
        %swap3A_292 = tpu.vector_load %arg13[%swap3A_290, %swap3A_291] {strides = array<i32>} : memref<128x128xf32, #tpu.memory_space<vmem>>, vector<1x16xf32>,
        %swap3A_293 = vector.shape_cast %swap3A_292 : vector<1x16xf32> to vector<16xf32>
        %swap3A_294 = vector.shape_cast %mul3A_289 : vector<16xf32> to vector<1x16xf32>
        tpu.vector_store %arg13[%swap3A_290, %swap3A_291], %swap3A_294 {strides = array<i32>} : memref<128x128xf32, #tpu.memory_space<vmem>>, vector<1x16xf32>,
        %get3A_295 = arith.index_cast %add3A_250 : i32 to index
        %get3A_296 = arith.constant 64 : index
        %get3A_297 = tpu.vector_load %arg13[%get3A_295, %get3A_296] {strides = array<i32>} : memref<128x128xf32, #tpu.memory_space<vmem>>, vector<1x16xf32>,
        %get3A_298 = vector.shape_cast %get3A_297 : vector<1x16xf32> to vector<16xf32>
        %mul3A_299 = arith.mulf %get3A_298, %gather3A_254 : vector<16xf32>
        %swap3A_300 = arith.index_cast %add3A_250 : i32 to index
        %swap3A_301 = arith.constant 64 : index
        %swap3A_302 = tpu.vector_load %arg13[%swap3A_300, %swap3A_301] {strides = array<i32>} : memref<128x128xf32, #tpu.memory_space<vmem>>, vector<1x16xf32>,
        %swap3A_303 = vector.shape_cast %swap3A_302 : vector<1x16xf32> to vector<16xf32>
        %swap3A_304 = vector.shape_cast %mul3A_299 : vector<16xf32> to vector<1x16xf32>
        tpu.vector_store %arg13[%swap3A_300, %swap3A_301], %swap3A_304 {strides = array<i32>} : memref<128x128xf32, #tpu.memory_space<vmem>>, vector<1x16xf32>,
        %get3A_305 = arith.index_cast %add3A_250 : i32 to index
        %get3A_306 = arith.constant 80 : index
        %get3A_307 = tpu.vector_load %arg13[%get3A_305, %get3A_306] {strides = array<i32>} : memref<128x128xf32, #tpu.memory_space<vmem>>, vector<1x16xf32>,
        %get3A_308 = vector.shape_cast %get3A_307 : vector<1x16xf32> to vector<16xf32>
        %mul3A_309 = arith.mulf %get3A_308, %gather3A_254 : vector<16xf32>
        %swap3A_310 = arith.index_cast %add3A_250 : i32 to index
        %swap3A_311 = arith.constant 80 : index
        %swap3A_312 = tpu.vector_load %arg13[%swap3A_310, %swap3A_311] {strides = array<i32>} : memref<128x128xf32, #tpu.memory_space<vmem>>, vector<1x16xf32>,
        %swap3A_313 = vector.shape_cast %swap3A_312 : vector<1x16xf32> to vector<16xf32>
        %swap3A_314 = vector.shape_cast %mul3A_309 : vector<16xf32> to vector<1x16xf32>
        tpu.vector_store %arg13[%swap3A_310, %swap3A_311], %swap3A_314 {strides = array<i32>} : memref<128x128xf32, #tpu.memory_space<vmem>>, vector<1x16xf32>,
        %get3A_315 = arith.index_cast %add3A_250 : i32 to index
        %get3A_316 = arith.constant 96 : index
        %get3A_317 = tpu.vector_load %arg13[%get3A_315, %get3A_316] {strides = array<i32>} : memref<128x128xf32, #tpu.memory_space<vmem>>, vector<1x16xf32>,
        %get3A_318 = vector.shape_cast %get3A_317 : vector<1x16xf32> to vector<16xf32>
        %mul3A_319 = arith.mulf %get3A_318, %gather3A_254 : vector<16xf32>
        %swap3A_320 = arith.index_cast %add3A_250 : i32 to index
        %swap3A_321 = arith.constant 96 : index
        %swap3A_322 = tpu.vector_load %arg13[%swap3A_320, %swap3A_321] {strides = array<i32>} : memref<128x128xf32, #tpu.memory_space<vmem>>, vector<1x16xf32>,
        %swap3A_323 = vector.shape_cast %swap3A_322 : vector<1x16xf32> to vector<16xf32>
        %swap3A_324 = vector.shape_cast %mul3A_319 : vector<16xf32> to vector<1x16xf32>
        tpu.vector_store %arg13[%swap3A_320, %swap3A_321], %swap3A_324 {strides = array<i32>} : memref<128x128xf32, #tpu.memory_space<vmem>>, vector<1x16xf32>,
        %get3A_325 = arith.index_cast %add3A_250 : i32 to index
        %get3A_326 = arith.constant 112 : index
        %get3A_327 = tpu.vector_load %arg13[%get3A_325, %get3A_326] {strides = array<i32>} : memref<128x128xf32, #tpu.memory_space<vmem>>, vector<1x16xf32>,
        %get3A_328 = vector.shape_cast %get3A_327 : vector<1x16xf32> to vector<16xf32>
        %mul3A_329 = arith.mulf %get3A_328, %gather3A_254 : vector<16xf32>
        %swap3A_330 = arith.index_cast %add3A_250 : i32 to index
        %swap3A_331 = arith.constant 112 : index
        %swap3A_332 = tpu.vector_load %arg13[%swap3A_330, %swap3A_331] {strides = array<i32>} : memref<128x128xf32, #tpu.memory_space<vmem>>, vector<1x16xf32>,
        %swap3A_333 = vector.shape_cast %swap3A_332 : vector<1x16xf32> to vector<16xf32>
        %swap3A_334 = vector.shape_cast %mul3A_329 : vector<16xf32> to vector<1x16xf32>
        tpu.vector_store %arg13[%swap3A_330, %swap3A_331], %swap3A_334 {strides = array<i32>} : memref<128x128xf32, #tpu.memory_space<vmem>>, vector<1x16xf32>,
        %mul3A_335 = arith.constant 16 : i32
        %mul3A_336 = arith.muli %scan3A_156, %mul3A_335 : i32
        %add3A_337 = arith.constant 2 : i32
        %add3A_338 = arith.addi %mul3A_336, %add3A_337 : i32
        %broadcast_in_dim3A_339 = arith.constant 2 : i32
        %broadcast_in_dim3A_340 = vector.broadcast %broadcast_in_dim3A_339 : i32 to vector<16x1xi32>
        %gather3A_341 = vector.shape_cast %broadcast_in_dim3A_340 : vector<16x1xi32> to vector<16xi32>
        %gather3A_342 = tpu.dynamic_gather %get3A_160[%gather3A_341] in [0] : vector<16xf32>, vector<16xi32> -> vector<16xf32>
        %get3A_343 = arith.index_cast %add3A_338 : i32 to index
        %get3A_344 = arith.constant 0 : index
        %get3A_345 = tpu.vector_load %arg13[%get3A_343, %get3A_344] {strides = array<i32>} : memref<128x128xf32, #tpu.memory_space<vmem>>, vector<1x16xf32>,
        %get3A_346 = vector.shape_cast %get3A_345 : vector<1x16xf32> to vector<16xf32>
        %mul3A_347 = arith.mulf %get3A_346, %gather3A_342 : vector<16xf32>
        %swap3A_348 = arith.index_cast %add3A_338 : i32 to index
        %swap3A_349 = arith.constant 0 : index
        %swap3A_350 = tpu.vector_load %arg13[%swap3A_348, %swap3A_349] {strides = array<i32>} : memref<128x128xf32, #tpu.memory_space<vmem>>, vector<1x16xf32>,
        %swap3A_351 = vector.shape_cast %swap3A_350 : vector<1x16xf32> to vector<16xf32>
        %swap3A_352 = vector.shape_cast %mul3A_347 : vector<16xf32> to vector<1x16xf32>
        tpu.vector_store %arg13[%swap3A_348, %swap3A_349], %swap3A_352 {strides = array<i32>} : memref<128x128xf32, #tpu.memory_space<vmem>>, vector<1x16xf32>,
        %get3A_353 = arith.index_cast %add3A_338 : i32 to index
        %get3A_354 = arith.constant 16 : index
        %get3A_355 = tpu.vector_load %arg13[%get3A_353, %get3A_354] {strides = array<i32>} : memref<128x128xf32, #tpu.memory_space<vmem>>, vector<1x16xf32>,
        %get3A_356 = vector.shape_cast %get3A_355 : vector<1x16xf32> to vector<16xf32>
        %mul3A_357 = arith.mulf %get3A_356, %gather3A_342 : vector<16xf32>
        %swap3A_358 = arith.index_cast %add3A_338 : i32 to index
        %swap3A_359 = arith.constant 16 : index
        %swap3A_360 = tpu.vector_load %arg13[%swap3A_358, %swap3A_359] {strides = array<i32>} : memref<128x128xf32, #tpu.memory_space<vmem>>, vector<1x16xf32>,
        %swap3A_361 = vector.shape_cast %swap3A_360 : vector<1x16xf32> to vector<16xf32>
        %swap3A_362 = vector.shape_cast %mul3A_357 : vector<16xf32> to vector<1x16xf32>
        tpu.vector_store %arg13[%swap3A_358, %swap3A_359], %swap3A_362 {strides = array<i32>} : memref<128x128xf32, #tpu.memory_space<vmem>>, vector<1x16xf32>,
        %get3A_363 = arith.index_cast %add3A_338 : i32 to index
        %get3A_364 = arith.constant 32 : index
        %get3A_365 = tpu.vector_load %arg13[%get3A_363, %get3A_364] {strides = array<i32>} : memref<128x128xf32, #tpu.memory_space<vmem>>, vector<1x16xf32>,
        %get3A_366 = vector.shape_cast %get3A_365 : vector<1x16xf32> to vector<16xf32>
        %mul3A_367 = arith.mulf %get3A_366, %gather3A_342 : vector<16xf32>
        %swap3A_368 = arith.index_cast %add3A_338 : i32 to index
        %swap3A_369 = arith.constant 32 : index
        %swap3A_370 = tpu.vector_load %arg13[%swap3A_368, %swap3A_369] {strides = array<i32>} : memref<128x128xf32, #tpu.memory_space<vmem>>, vector<1x16xf32>,
        %swap3A_371 = vector.shape_cast %swap3A_370 : vector<1x16xf32> to vector<16xf32>
        %swap3A_372 = vector.shape_cast %mul3A_367 : vector<16xf32> to vector<1x16xf32>
        tpu.vector_store %arg13[%swap3A_368, %swap3A_369], %swap3A_372 {strides = array<i32>} : memref<128x128xf32, #tpu.memory_space<vmem>>, vector<1x16xf32>,
        %get3A_373 = arith.index_cast %add3A_338 : i32 to index
        %get3A_374 = arith.constant 48 : index
        %get3A_375 = tpu.vector_load %arg13[%get3A_373, %get3A_374] {strides = array<i32>} : memref<128x128xf32, #tpu.memory_space<vmem>>, vector<1x16xf32>,
        %get3A_376 = vector.shape_cast %get3A_375 : vector<1x16xf32> to vector<16xf32>
        %mul3A_377 = arith.mulf %get3A_376, %gather3A_342 : vector<16xf32>
        %swap3A_378 = arith.index_cast %add3A_338 : i32 to index
        %swap3A_379 = arith.constant 48 : index
        %swap3A_380 = tpu.vector_load %arg13[%swap3A_378, %swap3A_379] {strides = array<i32>} : memref<128x128xf32, #tpu.memory_space<vmem>>, vector<1x16xf32>,
        %swap3A_381 = vector.shape_cast %swap3A_380 : vector<1x16xf32> to vector<16xf32>
        %swap3A_382 = vector.shape_cast %mul3A_377 : vector<16xf32> to vector<1x16xf32>
        tpu.vector_store %arg13[%swap3A_378, %swap3A_379], %swap3A_382 {strides = array<i32>} : memref<128x128xf32, #tpu.memory_space<vmem>>, vector<1x16xf32>,
        %get3A_383 = arith.index_cast %add3A_338 : i32 to index
        %get3A_384 = arith.constant 64 : index
        %get3A_385 = tpu.vector_load %arg13[%get3A_383, %get3A_384] {strides = array<i32>} : memref<128x128xf32, #tpu.memory_space<vmem>>, vector<1x16xf32>,
        %get3A_386 = vector.shape_cast %get3A_385 : vector<1x16xf32> to vector<16xf32>
        %mul3A_387 = arith.mulf %get3A_386, %gather3A_342 : vector<16xf32>
        %swap3A_388 = arith.index_cast %add3A_338 : i32 to index
        %swap3A_389 = arith.constant 64 : index
        %swap3A_390 = tpu.vector_load %arg13[%swap3A_388, %swap3A_389] {strides = array<i32>} : memref<128x128xf32, #tpu.memory_space<vmem>>, vector<1x16xf32>,
        %swap3A_391 = vector.shape_cast %swap3A_390 : vector<1x16xf32> to vector<16xf32>
        %swap3A_392 = vector.shape_cast %mul3A_387 : vector<16xf32> to vector<1x16xf32>
        tpu.vector_store %arg13[%swap3A_388, %swap3A_389], %swap3A_392 {strides = array<i32>} : memref<128x128xf32, #tpu.memory_space<vmem>>, vector<1x16xf32>,
        %get3A_393 = arith.index_cast %add3A_338 : i32 to index
        %get3A_394 = arith.constant 80 : index
        %get3A_395 = tpu.vector_load %arg13[%get3A_393, %get3A_394] {strides = array<i32>} : memref<128x128xf32, #tpu.memory_space<vmem>>, vector<1x16xf32>,
        %get3A_396 = vector.shape_cast %get3A_395 : vector<1x16xf32> to vector<16xf32>
        %mul3A_397 = arith.mulf %get3A_396, %gather3A_342 : vector<16xf32>
        %swap3A_398 = arith.index_cast %add3A_338 : i32 to index
        %swap3A_399 = arith.constant 80 : index
        %swap3A_400 = tpu.vector_load %arg13[%swap3A_398, %swap3A_399] {strides = array<i32>} : memref<128x128xf32, #tpu.memory_space<vmem>>, vector<1x16xf32>,
        %swap3A_401 = vector.shape_cast %swap3A_400 : vector<1x16xf32> to vector<16xf32>
        %swap3A_402 = vector.shape_cast %mul3A_397 : vector<16xf32> to vector<1x16xf32>
        tpu.vector_store %arg13[%swap3A_398, %swap3A_399], %swap3A_402 {strides = array<i32>} : memref<128x128xf32, #tpu.memory_space<vmem>>, vector<1x16xf32>,
        %get3A_403 = arith.index_cast %add3A_338 : i32 to index
        %get3A_404 = arith.constant 96 : index
        %get3A_405 = tpu.vector_load %arg13[%get3A_403, %get3A_404] {strides = array<i32>} : memref<128x128xf32, #tpu.memory_space<vmem>>, vector<1x16xf32>,
        %get3A_406 = vector.shape_cast %get3A_405 : vector<1x16xf32> to vector<16xf32>
        %mul3A_407 = arith.mulf %get3A_406, %gather3A_342 : vector<16xf32>
        %swap3A_408 = arith.index_cast %add3A_338 : i32 to index
        %swap3A_409 = arith.constant 96 : index
        %swap3A_410 = tpu.vector_load %arg13[%swap3A_408, %swap3A_409] {strides = array<i32>} : memref<128x128xf32, #tpu.memory_space<vmem>>, vector<1x16xf32>,
        %swap3A_411 = vector.shape_cast %swap3A_410 : vector<1x16xf32> to vector<16xf32>
        %swap3A_412 = vector.shape_cast %mul3A_407 : vector<16xf32> to vector<1x16xf32>
        tpu.vector_store %arg13[%swap3A_408, %swap3A_409], %swap3A_412 {strides = array<i32>} : memref<128x128xf32, #tpu.memory_space<vmem>>, vector<1x16xf32>,
        %get3A_413 = arith.index_cast %add3A_338 : i32 to index
        %get3A_414 = arith.constant 112 : index
        %get3A_415 = tpu.vector_load %arg13[%get3A_413, %get3A_414] {strides = array<i32>} : memref<128x128xf32, #tpu.memory_space<vmem>>, vector<1x16xf32>,
        %get3A_416 = vector.shape_cast %get3A_415 : vector<1x16xf32> to vector<16xf32>
        %mul3A_417 = arith.mulf %get3A_416, %gather3A_342 : vector<16xf32>
        %swap3A_418 = arith.index_cast %add3A_338 : i32 to index
        %swap3A_419 = arith.constant 112 : index
        %swap3A_420 = tpu.vector_load %arg13[%swap3A_418, %swap3A_419] {strides = array<i32>} : memref<128x128xf32, #tpu.memory_space<vmem>>, vector<1x16xf32>,
        %swap3A_421 = vector.shape_cast %swap3A_420 : vector<1x16xf32> to vector<16xf32>
        %swap3A_422 = vector.shape_cast %mul3A_417 : vector<16xf32> to vector<1x16xf32>
        tpu.vector_store %arg13[%swap3A_418, %swap3A_419], %swap3A_422 {strides = array<i32>} : memref<128x128xf32, #tpu.memory_space<vmem>>, vector<1x16xf32>,
        %mul3A_423 = arith.constant 16 : i32
        %mul3A_424 = arith.muli %scan3A_156, %mul3A_423 : i32
        %add3A_425 = arith.constant 3 : i32
        %add3A_426 = arith.addi %mul3A_424, %add3A_425 : i32
        %broadcast_in_dim3A_427 = arith.constant 3 : i32
        %broadcast_in_dim3A_428 = vector.broadcast %broadcast_in_dim3A_427 : i32 to vector<16x1xi32>
        %gather3A_429 = vector.shape_cast %broadcast_in_dim3A_428 : vector<16x1xi32> to vector<16xi32>
        %gather3A_430 = tpu.dynamic_gather %get3A_160[%gather3A_429] in [0] : vector<16xf32>, vector<16xi32> -> vector<16xf32>
        %get3A_431 = arith.index_cast %add3A_426 : i32 to index
        %get3A_432 = arith.constant 0 : index
        %get3A_433 = tpu.vector_load %arg13[%get3A_431, %get3A_432] {strides = array<i32>} : memref<128x128xf32, #tpu.memory_space<vmem>>, vector<1x16xf32>,
        %get3A_434 = vector.shape_cast %get3A_433 : vector<1x16xf32> to vector<16xf32>
        %mul3A_435 = arith.mulf %get3A_434, %gather3A_430 : vector<16xf32>
        %swap3A_436 = arith.index_cast %add3A_426 : i32 to index
        %swap3A_437 = arith.constant 0 : index
        %swap3A_438 = tpu.vector_load %arg13[%swap3A_436, %swap3A_437] {strides = array<i32>} : memref<128x128xf32, #tpu.memory_space<vmem>>, vector<1x16xf32>,
        %swap3A_439 = vector.shape_cast %swap3A_438 : vector<1x16xf32> to vector<16xf32>
        %swap3A_440 = vector.shape_cast %mul3A_435 : vector<16xf32> to vector<1x16xf32>
        tpu.vector_store %arg13[%swap3A_436, %swap3A_437], %swap3A_440 {strides = array<i32>} : memref<128x128xf32, #tpu.memory_space<vmem>>, vector<1x16xf32>,
        %get3A_441 = arith.index_cast %add3A_426 : i32 to index
        %get3A_442 = arith.constant 16 : index
        %get3A_443 = tpu.vector_load %arg13[%get3A_441, %get3A_442] {strides = array<i32>} : memref<128x128xf32, #tpu.memory_space<vmem>>, vector<1x16xf32>,
        %get3A_444 = vector.shape_cast %get3A_443 : vector<1x16xf32> to vector<16xf32>
        %mul3A_445 = arith.mulf %get3A_444, %gather3A_430 : vector<16xf32>
        %swap3A_446 = arith.index_cast %add3A_426 : i32 to index
        %swap3A_447 = arith.constant 16 : index
        %swap3A_448 = tpu.vector_load %arg13[%swap3A_446, %swap3A_447] {strides = array<i32>} : memref<128x128xf32, #tpu.memory_space<vmem>>, vector<1x16xf32>,
        %swap3A_449 = vector.shape_cast %swap3A_448 : vector<1x16xf32> to vector<16xf32>
        %swap3A_450 = vector.shape_cast %mul3A_445 : vector<16xf32> to vector<1x16xf32>
        tpu.vector_store %arg13[%swap3A_446, %swap3A_447], %swap3A_450 {strides = array<i32>} : memref<128x128xf32, #tpu.memory_space<vmem>>, vector<1x16xf32>,
        %get3A_451 = arith.index_cast %add3A_426 : i32 to index
        %get3A_452 = arith.constant 32 : index
        %get3A_453 = tpu.vector_load %arg13[%get3A_451, %get3A_452] {strides = array<i32>} : memref<128x128xf32, #tpu.memory_space<vmem>>, vector<1x16xf32>,
        %get3A_454 = vector.shape_cast %get3A_453 : vector<1x16xf32> to vector<16xf32>
        %mul3A_455 = arith.mulf %get3A_454, %gather3A_430 : vector<16xf32>
        %swap3A_456 = arith.index_cast %add3A_426 : i32 to index
        %swap3A_457 = arith.constant 32 : index
        %swap3A_458 = tpu.vector_load %arg13[%swap3A_456, %swap3A_457] {strides = array<i32>} : memref<128x128xf32, #tpu.memory_space<vmem>>, vector<1x16xf32>,
        %swap3A_459 = vector.shape_cast %swap3A_458 : vector<1x16xf32> to vector<16xf32>
        %swap3A_460 = vector.shape_cast %mul3A_455 : vector<16xf32> to vector<1x16xf32>
        tpu.vector_store %arg13[%swap3A_456, %swap3A_457], %swap3A_460 {strides = array<i32>} : memref<128x128xf32, #tpu.memory_space<vmem>>, vector<1x16xf32>,
        %get3A_461 = arith.index_cast %add3A_426 : i32 to index
        %get3A_462 = arith.constant 48 : index
        %get3A_463 = tpu.vector_load %arg13[%get3A_461, %get3A_462] {strides = array<i32>} : memref<128x128xf32, #tpu.memory_space<vmem>>, vector<1x16xf32>,
        %get3A_464 = vector.shape_cast %get3A_463 : vector<1x16xf32> to vector<16xf32>
        %mul3A_465 = arith.mulf %get3A_464, %gather3A_430 : vector<16xf32>
        %swap3A_466 = arith.index_cast %add3A_426 : i32 to index
        %swap3A_467 = arith.constant 48 : index
        %swap3A_468 = tpu.vector_load %arg13[%swap3A_466, %swap3A_467] {strides = array<i32>} : memref<128x128xf32, #tpu.memory_space<vmem>>, vector<1x16xf32>,
        %swap3A_469 = vector.shape_cast %swap3A_468 : vector<1x16xf32> to vector<16xf32>
        %swap3A_470 = vector.shape_cast %mul3A_465 : vector<16xf32> to vector<1x16xf32>
        tpu.vector_store %arg13[%swap3A_466, %swap3A_467], %swap3A_470 {strides = array<i32>} : memref<128x128xf32, #tpu.memory_space<vmem>>, vector<1x16xf32>,
        %get3A_471 = arith.index_cast %add3A_426 : i32 to index
        %get3A_472 = arith.constant 64 : index
        %get3A_473 = tpu.vector_load %arg13[%get3A_471, %get3A_472] {strides = array<i32>} : memref<128x128xf32, #tpu.memory_space<vmem>>, vector<1x16xf32>,
        %get3A_474 = vector.shape_cast %get3A_473 : vector<1x16xf32> to vector<16xf32>
        %mul3A_475 = arith.mulf %get3A_474, %gather3A_430 : vector<16xf32>
        %swap3A_476 = arith.index_cast %add3A_426 : i32 to index
        %swap3A_477 = arith.constant 64 : index
        %swap3A_478 = tpu.vector_load %arg13[%swap3A_476, %swap3A_477] {strides = array<i32>} : memref<128x128xf32, #tpu.memory_space<vmem>>, vector<1x16xf32>,
        %swap3A_479 = vector.shape_cast %swap3A_478 : vector<1x16xf32> to vector<16xf32>
        %swap3A_480 = vector.shape_cast %mul3A_475 : vector<16xf32> to vector<1x16xf32>
        tpu.vector_store %arg13[%swap3A_476, %swap3A_477], %swap3A_480 {strides = array<i32>} : memref<128x128xf32, #tpu.memory_space<vmem>>, vector<1x16xf32>,
        %get3A_481 = arith.index_cast %add3A_426 : i32 to index
        %get3A_482 = arith.constant 80 : index
        %get3A_483 = tpu.vector_load %arg13[%get3A_481, %get3A_482] {strides = array<i32>} : memref<128x128xf32, #tpu.memory_space<vmem>>, vector<1x16xf32>,
        %get3A_484 = vector.shape_cast %get3A_483 : vector<1x16xf32> to vector<16xf32>
        %mul3A_485 = arith.mulf %get3A_484, %gather3A_430 : vector<16xf32>
        %swap3A_486 = arith.index_cast %add3A_426 : i32 to index
        %swap3A_487 = arith.constant 80 : index
        %swap3A_488 = tpu.vector_load %arg13[%swap3A_486, %swap3A_487] {strides = array<i32>} : memref<128x128xf32, #tpu.memory_space<vmem>>, vector<1x16xf32>,
        %swap3A_489 = vector.shape_cast %swap3A_488 : vector<1x16xf32> to vector<16xf32>
        %swap3A_490 = vector.shape_cast %mul3A_485 : vector<16xf32> to vector<1x16xf32>
        tpu.vector_store %arg13[%swap3A_486, %swap3A_487], %swap3A_490 {strides = array<i32>} : memref<128x128xf32, #tpu.memory_space<vmem>>, vector<1x16xf32>,
        %get3A_491 = arith.index_cast %add3A_426 : i32 to index
        %get3A_492 = arith.constant 96 : index
        %get3A_493 = tpu.vector_load %arg13[%get3A_491, %get3A_492] {strides = array<i32>} : memref<128x128xf32, #tpu.memory_space<vmem>>, vector<1x16xf32>,
        %get3A_494 = vector.shape_cast %get3A_493 : vector<1x16xf32> to vector<16xf32>
        %mul3A_495 = arith.mulf %get3A_494, %gather3A_430 : vector<16xf32>
        %swap3A_496 = arith.index_cast %add3A_426 : i32 to index
        %swap3A_497 = arith.constant 96 : index
        %swap3A_498 = tpu.vector_load %arg13[%swap3A_496, %swap3A_497] {strides = array<i32>} : memref<128x128xf32, #tpu.memory_space<vmem>>, vector<1x16xf32>,
        %swap3A_499 = vector.shape_cast %swap3A_498 : vector<1x16xf32> to vector<16xf32>
        %swap3A_500 = vector.shape_cast %mul3A_495 : vector<16xf32> to vector<1x16xf32>
        tpu.vector_store %arg13[%swap3A_496, %swap3A_497], %swap3A_500 {strides = array<i32>} : memref<128x128xf32, #tpu.memory_space<vmem>>, vector<1x16xf32>,
        %get3A_501 = arith.index_cast %add3A_426 : i32 to index
        %get3A_502 = arith.constant 112 : index
        %get3A_503 = tpu.vector_load %arg13[%get3A_501, %get3A_502] {strides = array<i32>} : memref<128x128xf32, #tpu.memory_space<vmem>>, vector<1x16xf32>,
        %get3A_504 = vector.shape_cast %get3A_503 : vector<1x16xf32> to vector<16xf32>
        %mul3A_505 = arith.mulf %get3A_504, %gather3A_430 : vector<16xf32>
        %swap3A_506 = arith.index_cast %add3A_426 : i32 to index
        %swap3A_507 = arith.constant 112 : index
        %swap3A_508 = tpu.vector_load %arg13[%swap3A_506, %swap3A_507] {strides = array<i32>} : memref<128x128xf32, #tpu.memory_space<vmem>>, vector<1x16xf32>,
        %swap3A_509 = vector.shape_cast %swap3A_508 : vector<1x16xf32> to vector<16xf32>
        %swap3A_510 = vector.shape_cast %mul3A_505 : vector<16xf32> to vector<1x16xf32>
        tpu.vector_store %arg13[%swap3A_506, %swap3A_507], %swap3A_510 {strides = array<i32>} : memref<128x128xf32, #tpu.memory_space<vmem>>, vector<1x16xf32>,
        %mul3A_511 = arith.constant 16 : i32
        %mul3A_512 = arith.muli %scan3A_156, %mul3A_511 : i32
        %add3A_513 = arith.constant 4 : i32
        %add3A_514 = arith.addi %mul3A_512, %add3A_513 : i32
        %broadcast_in_dim3A_515 = arith.constant 4 : i32
        %broadcast_in_dim3A_516 = vector.broadcast %broadcast_in_dim3A_515 : i32 to vector<16x1xi32>
        %gather3A_517 = vector.shape_cast %broadcast_in_dim3A_516 : vector<16x1xi32> to vector<16xi32>
        %gather3A_518 = tpu.dynamic_gather %get3A_160[%gather3A_517] in [0] : vector<16xf32>, vector<16xi32> -> vector<16xf32>
        %get3A_519 = arith.index_cast %add3A_514 : i32 to index
        %get3A_520 = arith.constant 0 : index
        %get3A_521 = tpu.vector_load %arg13[%get3A_519, %get3A_520] {strides = array<i32>} : memref<128x128xf32, #tpu.memory_space<vmem>>, vector<1x16xf32>,
        %get3A_522 = vector.shape_cast %get3A_521 : vector<1x16xf32> to vector<16xf32>
        %mul3A_523 = arith.mulf %get3A_522, %gather3A_518 : vector<16xf32>
        %swap3A_524 = arith.index_cast %add3A_514 : i32 to index
        %swap3A_525 = arith.constant 0 : index
        %swap3A_526 = tpu.vector_load %arg13[%swap3A_524, %swap3A_525] {strides = array<i32>} : memref<128x128xf32, #tpu.memory_space<vmem>>, vector<1x16xf32>,
        %swap3A_527 = vector.shape_cast %swap3A_526 : vector<1x16xf32> to vector<16xf32>
        %swap3A_528 = vector.shape_cast %mul3A_523 : vector<16xf32> to vector<1x16xf32>
        tpu.vector_store %arg13[%swap3A_524, %swap3A_525], %swap3A_528 {strides = array<i32>} : memref<128x128xf32, #tpu.memory_space<vmem>>, vector<1x16xf32>,
        %get3A_529 = arith.index_cast %add3A_514 : i32 to index
        %get3A_530 = arith.constant 16 : index
        %get3A_531 = tpu.vector_load %arg13[%get3A_529, %get3A_530] {strides = array<i32>} : memref<128x128xf32, #tpu.memory_space<vmem>>, vector<1x16xf32>,
        %get3A_532 = vector.shape_cast %get3A_531 : vector<1x16xf32> to vector<16xf32>
        %mul3A_533 = arith.mulf %get3A_532, %gather3A_518 : vector<16xf32>
        %swap3A_534 = arith.index_cast %add3A_514 : i32 to index
        %swap3A_535 = arith.constant 16 : index
        %swap3A_536 = tpu.vector_load %arg13[%swap3A_534, %swap3A_535] {strides = array<i32>} : memref<128x128xf32, #tpu.memory_space<vmem>>, vector<1x16xf32>,
        %swap3A_537 = vector.shape_cast %swap3A_536 : vector<1x16xf32> to vector<16xf32>
        %swap3A_538 = vector.shape_cast %mul3A_533 : vector<16xf32> to vector<1x16xf32>
        tpu.vector_store %arg13[%swap3A_534, %swap3A_535], %swap3A_538 {strides = array<i32>} : memref<128x128xf32, #tpu.memory_space<vmem>>, vector<1x16xf32>,
        %get3A_539 = arith.index_cast %add3A_514 : i32 to index
        %get3A_540 = arith.constant 32 : index
        %get3A_541 = tpu.vector_load %arg13[%get3A_539, %get3A_540] {strides = array<i32>} : memref<128x128xf32, #tpu.memory_space<vmem>>, vector<1x16xf32>,
        %get3A_542 = vector.shape_cast %get3A_541 : vector<1x16xf32> to vector<16xf32>
        %mul3A_543 = arith.mulf %get3A_542, %gather3A_518 : vector<16xf32>
        %swap3A_544 = arith.index_cast %add3A_514 : i32 to index
        %swap3A_545 = arith.constant 32 : index
        %swap3A_546 = tpu.vector_load %arg13[%swap3A_544, %swap3A_545] {strides = array<i32>} : memref<128x128xf32, #tpu.memory_space<vmem>>, vector<1x16xf32>,
        %swap3A_547 = vector.shape_cast %swap3A_546 : vector<1x16xf32> to vector<16xf32>
        %swap3A_548 = vector.shape_cast %mul3A_543 : vector<16xf32> to vector<1x16xf32>
        tpu.vector_store %arg13[%swap3A_544, %swap3A_545], %swap3A_548 {strides = array<i32>} : memref<128x128xf32, #tpu.memory_space<vmem>>, vector<1x16xf32>,
        %get3A_549 = arith.index_cast %add3A_514 : i32 to index
        %get3A_550 = arith.constant 48 : index
        %get3A_551 = tpu.vector_load %arg13[%get3A_549, %get3A_550] {strides = array<i32>} : memref<128x128xf32, #tpu.memory_space<vmem>>, vector<1x16xf32>,
        %get3A_552 = vector.shape_cast %get3A_551 : vector<1x16xf32> to vector<16xf32>
        %mul3A_553 = arith.mulf %get3A_552, %gather3A_518 : vector<16xf32>
        %swap3A_554 = arith.index_cast %add3A_514 : i32 to index
        %swap3A_555 = arith.constant 48 : index
        %swap3A_556 = tpu.vector_load %arg13[%swap3A_554, %swap3A_555] {strides = array<i32>} : memref<128x128xf32, #tpu.memory_space<vmem>>, vector<1x16xf32>,
        %swap3A_557 = vector.shape_cast %swap3A_556 : vector<1x16xf32> to vector<16xf32>
        %swap3A_558 = vector.shape_cast %mul3A_553 : vector<16xf32> to vector<1x16xf32>
        tpu.vector_store %arg13[%swap3A_554, %swap3A_555], %swap3A_558 {strides = array<i32>} : memref<128x128xf32, #tpu.memory_space<vmem>>, vector<1x16xf32>,
        %get3A_559 = arith.index_cast %add3A_514 : i32 to index
        %get3A_560 = arith.constant 64 : index
        %get3A_561 = tpu.vector_load %arg13[%get3A_559, %get3A_560] {strides = array<i32>} : memref<128x128xf32, #tpu.memory_space<vmem>>, vector<1x16xf32>,
        %get3A_562 = vector.shape_cast %get3A_561 : vector<1x16xf32> to vector<16xf32>
        %mul3A_563 = arith.mulf %get3A_562, %gather3A_518 : vector<16xf32>
        %swap3A_564 = arith.index_cast %add3A_514 : i32 to index
        %swap3A_565 = arith.constant 64 : index
        %swap3A_566 = tpu.vector_load %arg13[%swap3A_564, %swap3A_565] {strides = array<i32>} : memref<128x128xf32, #tpu.memory_space<vmem>>, vector<1x16xf32>,
        %swap3A_567 = vector.shape_cast %swap3A_566 : vector<1x16xf32> to vector<16xf32>
        %swap3A_568 = vector.shape_cast %mul3A_563 : vector<16xf32> to vector<1x16xf32>
        tpu.vector_store %arg13[%swap3A_564, %swap3A_565], %swap3A_568 {strides = array<i32>} : memref<128x128xf32, #tpu.memory_space<vmem>>, vector<1x16xf32>,
        %get3A_569 = arith.index_cast %add3A_514 : i32 to index
        %get3A_570 = arith.constant 80 : index
        %get3A_571 = tpu.vector_load %arg13[%get3A_569, %get3A_570] {strides = array<i32>} : memref<128x128xf32, #tpu.memory_space<vmem>>, vector<1x16xf32>,
        %get3A_572 = vector.shape_cast %get3A_571 : vector<1x16xf32> to vector<16xf32>
        %mul3A_573 = arith.mulf %get3A_572, %gather3A_518 : vector<16xf32>
        %swap3A_574 = arith.index_cast %add3A_514 : i32 to index
        %swap3A_575 = arith.constant 80 : index
        %swap3A_576 = tpu.vector_load %arg13[%swap3A_574, %swap3A_575] {strides = array<i32>} : memref<128x128xf32, #tpu.memory_space<vmem>>, vector<1x16xf32>,
        %swap3A_577 = vector.shape_cast %swap3A_576 : vector<1x16xf32> to vector<16xf32>
        %swap3A_578 = vector.shape_cast %mul3A_573 : vector<16xf32> to vector<1x16xf32>
        tpu.vector_store %arg13[%swap3A_574, %swap3A_575], %swap3A_578 {strides = array<i32>} : memref<128x128xf32, #tpu.memory_space<vmem>>, vector<1x16xf32>,
        %get3A_579 = arith.index_cast %add3A_514 : i32 to index
        %get3A_580 = arith.constant 96 : index
        %get3A_581 = tpu.vector_load %arg13[%get3A_579, %get3A_580] {strides = array<i32>} : memref<128x128xf32, #tpu.memory_space<vmem>>, vector<1x16xf32>,
        %get3A_582 = vector.shape_cast %get3A_581 : vector<1x16xf32> to vector<16xf32>
        %mul3A_583 = arith.mulf %get3A_582, %gather3A_518 : vector<16xf32>
        %swap3A_584 = arith.index_cast %add3A_514 : i32 to index
        %swap3A_585 = arith.constant 96 : index
        %swap3A_586 = tpu.vector_load %arg13[%swap3A_584, %swap3A_585] {strides = array<i32>} : memref<128x128xf32, #tpu.memory_space<vmem>>, vector<1x16xf32>,
        %swap3A_587 = vector.shape_cast %swap3A_586 : vector<1x16xf32> to vector<16xf32>
        %swap3A_588 = vector.shape_cast %mul3A_583 : vector<16xf32> to vector<1x16xf32>
        tpu.vector_store %arg13[%swap3A_584, %swap3A_585], %swap3A_588 {strides = array<i32>} : memref<128x128xf32, #tpu.memory_space<vmem>>, vector<1x16xf32>,
        %get3A_589 = arith.index_cast %add3A_514 : i32 to index
        %get3A_590 = arith.constant 112 : index
        %get3A_591 = tpu.vector_load %arg13[%get3A_589, %get3A_590] {strides = array<i32>} : memref<128x128xf32, #tpu.memory_space<vmem>>, vector<1x16xf32>,
        %get3A_592 = vector.shape_cast %get3A_591 : vector<1x16xf32> to vector<16xf32>
        %mul3A_593 = arith.mulf %get3A_592, %gather3A_518 : vector<16xf32>
        %swap3A_594 = arith.index_cast %add3A_514 : i32 to index
        %swap3A_595 = arith.constant 112 : index
        %swap3A_596 = tpu.vector_load %arg13[%swap3A_594, %swap3A_595] {strides = array<i32>} : memref<128x128xf32, #tpu.memory_space<vmem>>, vector<1x16xf32>,
        %swap3A_597 = vector.shape_cast %swap3A_596 : vector<1x16xf32> to vector<16xf32>
        %swap3A_598 = vector.shape_cast %mul3A_593 : vector<16xf32> to vector<1x16xf32>
        tpu.vector_store %arg13[%swap3A_594, %swap3A_595], %swap3A_598 {strides = array<i32>} : memref<128x128xf32, #tpu.memory_space<vmem>>, vector<1x16xf32>,
        %mul3A_599 = arith.constant 16 : i32
        %mul3A_600 = arith.muli %scan3A_156, %mul3A_599 : i32
        %add3A_601 = arith.constant 5 : i32
        %add3A_602 = arith.addi %mul3A_600, %add3A_601 : i32
        %broadcast_in_dim3A_603 = arith.constant 5 : i32
        %broadcast_in_dim3A_604 = vector.broadcast %broadcast_in_dim3A_603 : i32 to vector<16x1xi32>
        %gather3A_605 = vector.shape_cast %broadcast_in_dim3A_604 : vector<16x1xi32> to vector<16xi32>
        %gather3A_606 = tpu.dynamic_gather %get3A_160[%gather3A_605] in [0] : vector<16xf32>, vector<16xi32> -> vector<16xf32>
        %get3A_607 = arith.index_cast %add3A_602 : i32 to index
        %get3A_608 = arith.constant 0 : index
        %get3A_609 = tpu.vector_load %arg13[%get3A_607, %get3A_608] {strides = array<i32>} : memref<128x128xf32, #tpu.memory_space<vmem>>, vector<1x16xf32>,
        %get3A_610 = vector.shape_cast %get3A_609 : vector<1x16xf32> to vector<16xf32>
        %mul3A_611 = arith.mulf %get3A_610, %gather3A_606 : vector<16xf32>
        %swap3A_612 = arith.index_cast %add3A_602 : i32 to index
        %swap3A_613 = arith.constant 0 : index
        %swap3A_614 = tpu.vector_load %arg13[%swap3A_612, %swap3A_613] {strides = array<i32>} : memref<128x128xf32, #tpu.memory_space<vmem>>, vector<1x16xf32>,
        %swap3A_615 = vector.shape_cast %swap3A_614 : vector<1x16xf32> to vector<16xf32>
        %swap3A_616 = vector.shape_cast %mul3A_611 : vector<16xf32> to vector<1x16xf32>
        tpu.vector_store %arg13[%swap3A_612, %swap3A_613], %swap3A_616 {strides = array<i32>} : memref<128x128xf32, #tpu.memory_space<vmem>>, vector<1x16xf32>,
        %get3A_617 = arith.index_cast %add3A_602 : i32 to index
        %get3A_618 = arith.constant 16 : index
        %get3A_619 = tpu.vector_load %arg13[%get3A_617, %get3A_618] {strides = array<i32>} : memref<128x128xf32, #tpu.memory_space<vmem>>, vector<1x16xf32>,
        %get3A_620 = vector.shape_cast %get3A_619 : vector<1x16xf32> to vector<16xf32>
        %mul3A_621 = arith.mulf %get3A_620, %gather3A_606 : vector<16xf32>
        %swap3A_622 = arith.index_cast %add3A_602 : i32 to index
        %swap3A_623 = arith.constant 16 : index
        %swap3A_624 = tpu.vector_load %arg13[%swap3A_622, %swap3A_623] {strides = array<i32>} : memref<128x128xf32, #tpu.memory_space<vmem>>, vector<1x16xf32>,
        %swap3A_625 = vector.shape_cast %swap3A_624 : vector<1x16xf32> to vector<16xf32>
        %swap3A_626 = vector.shape_cast %mul3A_621 : vector<16xf32> to vector<1x16xf32>
        tpu.vector_store %arg13[%swap3A_622, %swap3A_623], %swap3A_626 {strides = array<i32>} : memref<128x128xf32, #tpu.memory_space<vmem>>, vector<1x16xf32>,
        %get3A_627 = arith.index_cast %add3A_602 : i32 to index
        %get3A_628 = arith.constant 32 : index
        %get3A_629 = tpu.vector_load %arg13[%get3A_627, %get3A_628] {strides = array<i32>} : memref<128x128xf32, #tpu.memory_space<vmem>>, vector<1x16xf32>,
        %get3A_630 = vector.shape_cast %get3A_629 : vector<1x16xf32> to vector<16xf32>
        %mul3A_631 = arith.mulf %get3A_630, %gather3A_606 : vector<16xf32>
        %swap3A_632 = arith.index_cast %add3A_602 : i32 to index
        %swap3A_633 = arith.constant 32 : index
        %swap3A_634 = tpu.vector_load %arg13[%swap3A_632, %swap3A_633] {strides = array<i32>} : memref<128x128xf32, #tpu.memory_space<vmem>>, vector<1x16xf32>,
        %swap3A_635 = vector.shape_cast %swap3A_634 : vector<1x16xf32> to vector<16xf32>
        %swap3A_636 = vector.shape_cast %mul3A_631 : vector<16xf32> to vector<1x16xf32>
        tpu.vector_store %arg13[%swap3A_632, %swap3A_633], %swap3A_636 {strides = array<i32>} : memref<128x128xf32, #tpu.memory_space<vmem>>, vector<1x16xf32>,
        %get3A_637 = arith.index_cast %add3A_602 : i32 to index
        %get3A_638 = arith.constant 48 : index
        %get3A_639 = tpu.vector_load %arg13[%get3A_637, %get3A_638] {strides = array<i32>} : memref<128x128xf32, #tpu.memory_space<vmem>>, vector<1x16xf32>,
        %get3A_640 = vector.shape_cast %get3A_639 : vector<1x16xf32> to vector<16xf32>
        %mul3A_641 = arith.mulf %get3A_640, %gather3A_606 : vector<16xf32>
        %swap3A_642 = arith.index_cast %add3A_602 : i32 to index
        %swap3A_643 = arith.constant 48 : index
        %swap3A_644 = tpu.vector_load %arg13[%swap3A_642, %swap3A_643] {strides = array<i32>} : memref<128x128xf32, #tpu.memory_space<vmem>>, vector<1x16xf32>,
        %swap3A_645 = vector.shape_cast %swap3A_644 : vector<1x16xf32> to vector<16xf32>
        %swap3A_646 = vector.shape_cast %mul3A_641 : vector<16xf32> to vector<1x16xf32>
        tpu.vector_store %arg13[%swap3A_642, %swap3A_643], %swap3A_646 {strides = array<i32>} : memref<128x128xf32, #tpu.memory_space<vmem>>, vector<1x16xf32>,
        %get3A_647 = arith.index_cast %add3A_602 : i32 to index
        %get3A_648 = arith.constant 64 : index
        %get3A_649 = tpu.vector_load %arg13[%get3A_647, %get3A_648] {strides = array<i32>} : memref<128x128xf32, #tpu.memory_space<vmem>>, vector<1x16xf32>,
        %get3A_650 = vector.shape_cast %get3A_649 : vector<1x16xf32> to vector<16xf32>
        %mul3A_651 = arith.mulf %get3A_650, %gather3A_606 : vector<16xf32>
        %swap3A_652 = arith.index_cast %add3A_602 : i32 to index
        %swap3A_653 = arith.constant 64 : index
        %swap3A_654 = tpu.vector_load %arg13[%swap3A_652, %swap3A_653] {strides = array<i32>} : memref<128x128xf32, #tpu.memory_space<vmem>>, vector<1x16xf32>,
        %swap3A_655 = vector.shape_cast %swap3A_654 : vector<1x16xf32> to vector<16xf32>
        %swap3A_656 = vector.shape_cast %mul3A_651 : vector<16xf32> to vector<1x16xf32>
        tpu.vector_store %arg13[%swap3A_652, %swap3A_653], %swap3A_656 {strides = array<i32>} : memref<128x128xf32, #tpu.memory_space<vmem>>, vector<1x16xf32>,
        %get3A_657 = arith.index_cast %add3A_602 : i32 to index
        %get3A_658 = arith.constant 80 : index
        %get3A_659 = tpu.vector_load %arg13[%get3A_657, %get3A_658] {strides = array<i32>} : memref<128x128xf32, #tpu.memory_space<vmem>>, vector<1x16xf32>,
        %get3A_660 = vector.shape_cast %get3A_659 : vector<1x16xf32> to vector<16xf32>
        %mul3A_661 = arith.mulf %get3A_660, %gather3A_606 : vector<16xf32>
        %swap3A_662 = arith.index_cast %add3A_602 : i32 to index
        %swap3A_663 = arith.constant 80 : index
        %swap3A_664 = tpu.vector_load %arg13[%swap3A_662, %swap3A_663] {strides = array<i32>} : memref<128x128xf32, #tpu.memory_space<vmem>>, vector<1x16xf32>,
        %swap3A_665 = vector.shape_cast %swap3A_664 : vector<1x16xf32> to vector<16xf32>
        %swap3A_666 = vector.shape_cast %mul3A_661 : vector<16xf32> to vector<1x16xf32>
        tpu.vector_store %arg13[%swap3A_662, %swap3A_663], %swap3A_666 {strides = array<i32>} : memref<128x128xf32, #tpu.memory_space<vmem>>, vector<1x16xf32>,
        %get3A_667 = arith.index_cast %add3A_602 : i32 to index
        %get3A_668 = arith.constant 96 : index
        %get3A_669 = tpu.vector_load %arg13[%get3A_667, %get3A_668] {strides = array<i32>} : memref<128x128xf32, #tpu.memory_space<vmem>>, vector<1x16xf32>,
        %get3A_670 = vector.shape_cast %get3A_669 : vector<1x16xf32> to vector<16xf32>
        %mul3A_671 = arith.mulf %get3A_670, %gather3A_606 : vector<16xf32>
        %swap3A_672 = arith.index_cast %add3A_602 : i32 to index
        %swap3A_673 = arith.constant 96 : index
        %swap3A_674 = tpu.vector_load %arg13[%swap3A_672, %swap3A_673] {strides = array<i32>} : memref<128x128xf32, #tpu.memory_space<vmem>>, vector<1x16xf32>,
        %swap3A_675 = vector.shape_cast %swap3A_674 : vector<1x16xf32> to vector<16xf32>
        %swap3A_676 = vector.shape_cast %mul3A_671 : vector<16xf32> to vector<1x16xf32>
        tpu.vector_store %arg13[%swap3A_672, %swap3A_673], %swap3A_676 {strides = array<i32>} : memref<128x128xf32, #tpu.memory_space<vmem>>, vector<1x16xf32>,
        %get3A_677 = arith.index_cast %add3A_602 : i32 to index
        %get3A_678 = arith.constant 112 : index
        %get3A_679 = tpu.vector_load %arg13[%get3A_677, %get3A_678] {strides = array<i32>} : memref<128x128xf32, #tpu.memory_space<vmem>>, vector<1x16xf32>,
        %get3A_680 = vector.shape_cast %get3A_679 : vector<1x16xf32> to vector<16xf32>
        %mul3A_681 = arith.mulf %get3A_680, %gather3A_606 : vector<16xf32>
        %swap3A_682 = arith.index_cast %add3A_602 : i32 to index
        %swap3A_683 = arith.constant 112 : index
        %swap3A_684 = tpu.vector_load %arg13[%swap3A_682, %swap3A_683] {strides = array<i32>} : memref<128x128xf32, #tpu.memory_space<vmem>>, vector<1x16xf32>,
        %swap3A_685 = vector.shape_cast %swap3A_684 : vector<1x16xf32> to vector<16xf32>
        %swap3A_686 = vector.shape_cast %mul3A_681 : vector<16xf32> to vector<1x16xf32>
        tpu.vector_store %arg13[%swap3A_682, %swap3A_683], %swap3A_686 {strides = array<i32>} : memref<128x128xf32, #tpu.memory_space<vmem>>, vector<1x16xf32>,
        %mul3A_687 = arith.constant 16 : i32
        %mul3A_688 = arith.muli %scan3A_156, %mul3A_687 : i32
        %add3A_689 = arith.constant 6 : i32
        %add3A_690 = arith.addi %mul3A_688, %add3A_689 : i32
        %broadcast_in_dim3A_691 = arith.constant 6 : i32
        %broadcast_in_dim3A_692 = vector.broadcast %broadcast_in_dim3A_691 : i32 to vector<16x1xi32>
        %gather3A_693 = vector.shape_cast %broadcast_in_dim3A_692 : vector<16x1xi32> to vector<16xi32>
        %gather3A_694 = tpu.dynamic_gather %get3A_160[%gather3A_693] in [0] : vector<16xf32>, vector<16xi32> -> vector<16xf32>
        %get3A_695 = arith.index_cast %add3A_690 : i32 to index
        %get3A_696 = arith.constant 0 : index
        %get3A_697 = tpu.vector_load %arg13[%get3A_695, %get3A_696] {strides = array<i32>} : memref<128x128xf32, #tpu.memory_space<vmem>>, vector<1x16xf32>,
        %get3A_698 = vector.shape_cast %get3A_697 : vector<1x16xf32> to vector<16xf32>
        %mul3A_699 = arith.mulf %get3A_698, %gather3A_694 : vector<16xf32>
        %swap3A_700 = arith.index_cast %add3A_690 : i32 to index
        %swap3A_701 = arith.constant 0 : index
        %swap3A_702 = tpu.vector_load %arg13[%swap3A_700, %swap3A_701] {strides = array<i32>} : memref<128x128xf32, #tpu.memory_space<vmem>>, vector<1x16xf32>,
        %swap3A_703 = vector.shape_cast %swap3A_702 : vector<1x16xf32> to vector<16xf32>
        %swap3A_704 = vector.shape_cast %mul3A_699 : vector<16xf32> to vector<1x16xf32>
        tpu.vector_store %arg13[%swap3A_700, %swap3A_701], %swap3A_704 {strides = array<i32>} : memref<128x128xf32, #tpu.memory_space<vmem>>, vector<1x16xf32>,
        %get3A_705 = arith.index_cast %add3A_690 : i32 to index
        %get3A_706 = arith.constant 16 : index
        %get3A_707 = tpu.vector_load %arg13[%get3A_705, %get3A_706] {strides = array<i32>} : memref<128x128xf32, #tpu.memory_space<vmem>>, vector<1x16xf32>,
        %get3A_708 = vector.shape_cast %get3A_707 : vector<1x16xf32> to vector<16xf32>
        %mul3A_709 = arith.mulf %get3A_708, %gather3A_694 : vector<16xf32>
        %swap3A_710 = arith.index_cast %add3A_690 : i32 to index
        %swap3A_711 = arith.constant 16 : index
        %swap3A_712 = tpu.vector_load %arg13[%swap3A_710, %swap3A_711] {strides = array<i32>} : memref<128x128xf32, #tpu.memory_space<vmem>>, vector<1x16xf32>,
        %swap3A_713 = vector.shape_cast %swap3A_712 : vector<1x16xf32> to vector<16xf32>
        %swap3A_714 = vector.shape_cast %mul3A_709 : vector<16xf32> to vector<1x16xf32>
        tpu.vector_store %arg13[%swap3A_710, %swap3A_711], %swap3A_714 {strides = array<i32>} : memref<128x128xf32, #tpu.memory_space<vmem>>, vector<1x16xf32>,
        %get3A_715 = arith.index_cast %add3A_690 : i32 to index
        %get3A_716 = arith.constant 32 : index
        %get3A_717 = tpu.vector_load %arg13[%get3A_715, %get3A_716] {strides = array<i32>} : memref<128x128xf32, #tpu.memory_space<vmem>>, vector<1x16xf32>,
        %get3A_718 = vector.shape_cast %get3A_717 : vector<1x16xf32> to vector<16xf32>
        %mul3A_719 = arith.mulf %get3A_718, %gather3A_694 : vector<16xf32>
        %swap3A_720 = arith.index_cast %add3A_690 : i32 to index
        %swap3A_721 = arith.constant 32 : index
        %swap3A_722 = tpu.vector_load %arg13[%swap3A_720, %swap3A_721] {strides = array<i32>} : memref<128x128xf32, #tpu.memory_space<vmem>>, vector<1x16xf32>,
        %swap3A_723 = vector.shape_cast %swap3A_722 : vector<1x16xf32> to vector<16xf32>
        %swap3A_724 = vector.shape_cast %mul3A_719 : vector<16xf32> to vector<1x16xf32>
        tpu.vector_store %arg13[%swap3A_720, %swap3A_721], %swap3A_724 {strides = array<i32>} : memref<128x128xf32, #tpu.memory_space<vmem>>, vector<1x16xf32>,
        %get3A_725 = arith.index_cast %add3A_690 : i32 to index
        %get3A_726 = arith.constant 48 : index
        %get3A_727 = tpu.vector_load %arg13[%get3A_725, %get3A_726] {strides = array<i32>} : memref<128x128xf32, #tpu.memory_space<vmem>>, vector<1x16xf32>,
        %get3A_728 = vector.shape_cast %get3A_727 : vector<1x16xf32> to vector<16xf32>
        %mul3A_729 = arith.mulf %get3A_728, %gather3A_694 : vector<16xf32>
        %swap3A_730 = arith.index_cast %add3A_690 : i32 to index
        %swap3A_731 = arith.constant 48 : index
        %swap3A_732 = tpu.vector_load %arg13[%swap3A_730, %swap3A_731] {strides = array<i32>} : memref<128x128xf32, #tpu.memory_space<vmem>>, vector<1x16xf32>,
        %swap3A_733 = vector.shape_cast %swap3A_732 : vector<1x16xf32> to vector<16xf32>
        %swap3A_734 = vector.shape_cast %mul3A_729 : vector<16xf32> to vector<1x16xf32>
        tpu.vector_store %arg13[%swap3A_730, %swap3A_731], %swap3A_734 {strides = array<i32>} : memref<128x128xf32, #tpu.memory_space<vmem>>, vector<1x16xf32>,
        %get3A_735 = arith.index_cast %add3A_690 : i32 to index
        %get3A_736 = arith.constant 64 : index
        %get3A_737 = tpu.vector_load %arg13[%get3A_735, %get3A_736] {strides = array<i32>} : memref<128x128xf32, #tpu.memory_space<vmem>>, vector<1x16xf32>,
        %get3A_738 = vector.shape_cast %get3A_737 : vector<1x16xf32> to vector<16xf32>
        %mul3A_739 = arith.mulf %get3A_738, %gather3A_694 : vector<16xf32>
        %swap3A_740 = arith.index_cast %add3A_690 : i32 to index
        %swap3A_741 = arith.constant 64 : index
        %swap3A_742 = tpu.vector_load %arg13[%swap3A_740, %swap3A_741] {strides = array<i32>} : memref<128x128xf32, #tpu.memory_space<vmem>>, vector<1x16xf32>,
        %swap3A_743 = vector.shape_cast %swap3A_742 : vector<1x16xf32> to vector<16xf32>
        %swap3A_744 = vector.shape_cast %mul3A_739 : vector<16xf32> to vector<1x16xf32>
        tpu.vector_store %arg13[%swap3A_740, %swap3A_741], %swap3A_744 {strides = array<i32>} : memref<128x128xf32, #tpu.memory_space<vmem>>, vector<1x16xf32>,
        %get3A_745 = arith.index_cast %add3A_690 : i32 to index
        %get3A_746 = arith.constant 80 : index
        %get3A_747 = tpu.vector_load %arg13[%get3A_745, %get3A_746] {strides = array<i32>} : memref<128x128xf32, #tpu.memory_space<vmem>>, vector<1x16xf32>,
        %get3A_748 = vector.shape_cast %get3A_747 : vector<1x16xf32> to vector<16xf32>
        %mul3A_749 = arith.mulf %get3A_748, %gather3A_694 : vector<16xf32>
        %swap3A_750 = arith.index_cast %add3A_690 : i32 to index
        %swap3A_751 = arith.constant 80 : index
        %swap3A_752 = tpu.vector_load %arg13[%swap3A_750, %swap3A_751] {strides = array<i32>} : memref<128x128xf32, #tpu.memory_space<vmem>>, vector<1x16xf32>,
        %swap3A_753 = vector.shape_cast %swap3A_752 : vector<1x16xf32> to vector<16xf32>
        %swap3A_754 = vector.shape_cast %mul3A_749 : vector<16xf32> to vector<1x16xf32>
        tpu.vector_store %arg13[%swap3A_750, %swap3A_751], %swap3A_754 {strides = array<i32>} : memref<128x128xf32, #tpu.memory_space<vmem>>, vector<1x16xf32>,
        %get3A_755 = arith.index_cast %add3A_690 : i32 to index
        %get3A_756 = arith.constant 96 : index
        %get3A_757 = tpu.vector_load %arg13[%get3A_755, %get3A_756] {strides = array<i32>} : memref<128x128xf32, #tpu.memory_space<vmem>>, vector<1x16xf32>,
        %get3A_758 = vector.shape_cast %get3A_757 : vector<1x16xf32> to vector<16xf32>
        %mul3A_759 = arith.mulf %get3A_758, %gather3A_694 : vector<16xf32>
        %swap3A_760 = arith.index_cast %add3A_690 : i32 to index
        %swap3A_761 = arith.constant 96 : index
        %swap3A_762 = tpu.vector_load %arg13[%swap3A_760, %swap3A_761] {strides = array<i32>} : memref<128x128xf32, #tpu.memory_space<vmem>>, vector<1x16xf32>,
        %swap3A_763 = vector.shape_cast %swap3A_762 : vector<1x16xf32> to vector<16xf32>
        %swap3A_764 = vector.shape_cast %mul3A_759 : vector<16xf32> to vector<1x16xf32>
        tpu.vector_store %arg13[%swap3A_760, %swap3A_761], %swap3A_764 {strides = array<i32>} : memref<128x128xf32, #tpu.memory_space<vmem>>, vector<1x16xf32>,
        %get3A_765 = arith.index_cast %add3A_690 : i32 to index
        %get3A_766 = arith.constant 112 : index
        %get3A_767 = tpu.vector_load %arg13[%get3A_765, %get3A_766] {strides = array<i32>} : memref<128x128xf32, #tpu.memory_space<vmem>>, vector<1x16xf32>,
        %get3A_768 = vector.shape_cast %get3A_767 : vector<1x16xf32> to vector<16xf32>
        %mul3A_769 = arith.mulf %get3A_768, %gather3A_694 : vector<16xf32>
        %swap3A_770 = arith.index_cast %add3A_690 : i32 to index
        %swap3A_771 = arith.constant 112 : index
        %swap3A_772 = tpu.vector_load %arg13[%swap3A_770, %swap3A_771] {strides = array<i32>} : memref<128x128xf32, #tpu.memory_space<vmem>>, vector<1x16xf32>,
        %swap3A_773 = vector.shape_cast %swap3A_772 : vector<1x16xf32> to vector<16xf32>
        %swap3A_774 = vector.shape_cast %mul3A_769 : vector<16xf32> to vector<1x16xf32>
        tpu.vector_store %arg13[%swap3A_770, %swap3A_771], %swap3A_774 {strides = array<i32>} : memref<128x128xf32, #tpu.memory_space<vmem>>, vector<1x16xf32>,
        %mul3A_775 = arith.constant 16 : i32
        %mul3A_776 = arith.muli %scan3A_156, %mul3A_775 : i32
        %add3A_777 = arith.constant 7 : i32
        %add3A_778 = arith.addi %mul3A_776, %add3A_777 : i32
        %broadcast_in_dim3A_779 = arith.constant 7 : i32
        %broadcast_in_dim3A_780 = vector.broadcast %broadcast_in_dim3A_779 : i32 to vector<16x1xi32>
        %gather3A_781 = vector.shape_cast %broadcast_in_dim3A_780 : vector<16x1xi32> to vector<16xi32>
        %gather3A_782 = tpu.dynamic_gather %get3A_160[%gather3A_781] in [0] : vector<16xf32>, vector<16xi32> -> vector<16xf32>
        %get3A_783 = arith.index_cast %add3A_778 : i32 to index
        %get3A_784 = arith.constant 0 : index
        %get3A_785 = tpu.vector_load %arg13[%get3A_783, %get3A_784] {strides = array<i32>} : memref<128x128xf32, #tpu.memory_space<vmem>>, vector<1x16xf32>,
        %get3A_786 = vector.shape_cast %get3A_785 : vector<1x16xf32> to vector<16xf32>
        %mul3A_787 = arith.mulf %get3A_786, %gather3A_782 : vector<16xf32>
        %swap3A_788 = arith.index_cast %add3A_778 : i32 to index
        %swap3A_789 = arith.constant 0 : index
        %swap3A_790 = tpu.vector_load %arg13[%swap3A_788, %swap3A_789] {strides = array<i32>} : memref<128x128xf32, #tpu.memory_space<vmem>>, vector<1x16xf32>,
        %swap3A_791 = vector.shape_cast %swap3A_790 : vector<1x16xf32> to vector<16xf32>
        %swap3A_792 = vector.shape_cast %mul3A_787 : vector<16xf32> to vector<1x16xf32>
        tpu.vector_store %arg13[%swap3A_788, %swap3A_789], %swap3A_792 {strides = array<i32>} : memref<128x128xf32, #tpu.memory_space<vmem>>, vector<1x16xf32>,
        %get3A_793 = arith.index_cast %add3A_778 : i32 to index
        %get3A_794 = arith.constant 16 : index
        %get3A_795 = tpu.vector_load %arg13[%get3A_793, %get3A_794] {strides = array<i32>} : memref<128x128xf32, #tpu.memory_space<vmem>>, vector<1x16xf32>,
        %get3A_796 = vector.shape_cast %get3A_795 : vector<1x16xf32> to vector<16xf32>
        %mul3A_797 = arith.mulf %get3A_796, %gather3A_782 : vector<16xf32>
        %swap3A_798 = arith.index_cast %add3A_778 : i32 to index
        %swap3A_799 = arith.constant 16 : index
        %swap3A_800 = tpu.vector_load %arg13[%swap3A_798, %swap3A_799] {strides = array<i32>} : memref<128x128xf32, #tpu.memory_space<vmem>>, vector<1x16xf32>,
        %swap3A_801 = vector.shape_cast %swap3A_800 : vector<1x16xf32> to vector<16xf32>
        %swap3A_802 = vector.shape_cast %mul3A_797 : vector<16xf32> to vector<1x16xf32>
        tpu.vector_store %arg13[%swap3A_798, %swap3A_799], %swap3A_802 {strides = array<i32>} : memref<128x128xf32, #tpu.memory_space<vmem>>, vector<1x16xf32>,
        %get3A_803 = arith.index_cast %add3A_778 : i32 to index
        %get3A_804 = arith.constant 32 : index
        %get3A_805 = tpu.vector_load %arg13[%get3A_803, %get3A_804] {strides = array<i32>} : memref<128x128xf32, #tpu.memory_space<vmem>>, vector<1x16xf32>,
        %get3A_806 = vector.shape_cast %get3A_805 : vector<1x16xf32> to vector<16xf32>
        %mul3A_807 = arith.mulf %get3A_806, %gather3A_782 : vector<16xf32>
        %swap3A_808 = arith.index_cast %add3A_778 : i32 to index
        %swap3A_809 = arith.constant 32 : index
        %swap3A_810 = tpu.vector_load %arg13[%swap3A_808, %swap3A_809] {strides = array<i32>} : memref<128x128xf32, #tpu.memory_space<vmem>>, vector<1x16xf32>,
        %swap3A_811 = vector.shape_cast %swap3A_810 : vector<1x16xf32> to vector<16xf32>
        %swap3A_812 = vector.shape_cast %mul3A_807 : vector<16xf32> to vector<1x16xf32>
        tpu.vector_store %arg13[%swap3A_808, %swap3A_809], %swap3A_812 {strides = array<i32>} : memref<128x128xf32, #tpu.memory_space<vmem>>, vector<1x16xf32>,
        %get3A_813 = arith.index_cast %add3A_778 : i32 to index
        %get3A_814 = arith.constant 48 : index
        %get3A_815 = tpu.vector_load %arg13[%get3A_813, %get3A_814] {strides = array<i32>} : memref<128x128xf32, #tpu.memory_space<vmem>>, vector<1x16xf32>,
        %get3A_816 = vector.shape_cast %get3A_815 : vector<1x16xf32> to vector<16xf32>
        %mul3A_817 = arith.mulf %get3A_816, %gather3A_782 : vector<16xf32>
        %swap3A_818 = arith.index_cast %add3A_778 : i32 to index
        %swap3A_819 = arith.constant 48 : index
        %swap3A_820 = tpu.vector_load %arg13[%swap3A_818, %swap3A_819] {strides = array<i32>} : memref<128x128xf32, #tpu.memory_space<vmem>>, vector<1x16xf32>,
        %swap3A_821 = vector.shape_cast %swap3A_820 : vector<1x16xf32> to vector<16xf32>
        %swap3A_822 = vector.shape_cast %mul3A_817 : vector<16xf32> to vector<1x16xf32>
        tpu.vector_store %arg13[%swap3A_818, %swap3A_819], %swap3A_822 {strides = array<i32>} : memref<128x128xf32, #tpu.memory_space<vmem>>, vector<1x16xf32>,
        %get3A_823 = arith.index_cast %add3A_778 : i32 to index
        %get3A_824 = arith.constant 64 : index
        %get3A_825 = tpu.vector_load %arg13[%get3A_823, %get3A_824] {strides = array<i32>} : memref<128x128xf32, #tpu.memory_space<vmem>>, vector<1x16xf32>,
        %get3A_826 = vector.shape_cast %get3A_825 : vector<1x16xf32> to vector<16xf32>
        %mul3A_827 = arith.mulf %get3A_826, %gather3A_782 : vector<16xf32>
        %swap3A_828 = arith.index_cast %add3A_778 : i32 to index
        %swap3A_829 = arith.constant 64 : index
        %swap3A_830 = tpu.vector_load %arg13[%swap3A_828, %swap3A_829] {strides = array<i32>} : memref<128x128xf32, #tpu.memory_space<vmem>>, vector<1x16xf32>,
        %swap3A_831 = vector.shape_cast %swap3A_830 : vector<1x16xf32> to vector<16xf32>
        %swap3A_832 = vector.shape_cast %mul3A_827 : vector<16xf32> to vector<1x16xf32>
        tpu.vector_store %arg13[%swap3A_828, %swap3A_829], %swap3A_832 {strides = array<i32>} : memref<128x128xf32, #tpu.memory_space<vmem>>, vector<1x16xf32>,
        %get3A_833 = arith.index_cast %add3A_778 : i32 to index
        %get3A_834 = arith.constant 80 : index
        %get3A_835 = tpu.vector_load %arg13[%get3A_833, %get3A_834] {strides = array<i32>} : memref<128x128xf32, #tpu.memory_space<vmem>>, vector<1x16xf32>,
        %get3A_836 = vector.shape_cast %get3A_835 : vector<1x16xf32> to vector<16xf32>
        %mul3A_837 = arith.mulf %get3A_836, %gather3A_782 : vector<16xf32>
        %swap3A_838 = arith.index_cast %add3A_778 : i32 to index
        %swap3A_839 = arith.constant 80 : index
        %swap3A_840 = tpu.vector_load %arg13[%swap3A_838, %swap3A_839] {strides = array<i32>} : memref<128x128xf32, #tpu.memory_space<vmem>>, vector<1x16xf32>,
        %swap3A_841 = vector.shape_cast %swap3A_840 : vector<1x16xf32> to vector<16xf32>
        %swap3A_842 = vector.shape_cast %mul3A_837 : vector<16xf32> to vector<1x16xf32>
        tpu.vector_store %arg13[%swap3A_838, %swap3A_839], %swap3A_842 {strides = array<i32>} : memref<128x128xf32, #tpu.memory_space<vmem>>, vector<1x16xf32>,
        %get3A_843 = arith.index_cast %add3A_778 : i32 to index
        %get3A_844 = arith.constant 96 : index
        %get3A_845 = tpu.vector_load %arg13[%get3A_843, %get3A_844] {strides = array<i32>} : memref<128x128xf32, #tpu.memory_space<vmem>>, vector<1x16xf32>,
        %get3A_846 = vector.shape_cast %get3A_845 : vector<1x16xf32> to vector<16xf32>
        %mul3A_847 = arith.mulf %get3A_846, %gather3A_782 : vector<16xf32>
        %swap3A_848 = arith.index_cast %add3A_778 : i32 to index
        %swap3A_849 = arith.constant 96 : index
        %swap3A_850 = tpu.vector_load %arg13[%swap3A_848, %swap3A_849] {strides = array<i32>} : memref<128x128xf32, #tpu.memory_space<vmem>>, vector<1x16xf32>,
        %swap3A_851 = vector.shape_cast %swap3A_850 : vector<1x16xf32> to vector<16xf32>
        %swap3A_852 = vector.shape_cast %mul3A_847 : vector<16xf32> to vector<1x16xf32>
        tpu.vector_store %arg13[%swap3A_848, %swap3A_849], %swap3A_852 {strides = array<i32>} : memref<128x128xf32, #tpu.memory_space<vmem>>, vector<1x16xf32>,
        %get3A_853 = arith.index_cast %add3A_778 : i32 to index
        %get3A_854 = arith.constant 112 : index
        %get3A_855 = tpu.vector_load %arg13[%get3A_853, %get3A_854] {strides = array<i32>} : memref<128x128xf32, #tpu.memory_space<vmem>>, vector<1x16xf32>,
        %get3A_856 = vector.shape_cast %get3A_855 : vector<1x16xf32> to vector<16xf32>
        %mul3A_857 = arith.mulf %get3A_856, %gather3A_782 : vector<16xf32>
        %swap3A_858 = arith.index_cast %add3A_778 : i32 to index
        %swap3A_859 = arith.constant 112 : index
        %swap3A_860 = tpu.vector_load %arg13[%swap3A_858, %swap3A_859] {strides = array<i32>} : memref<128x128xf32, #tpu.memory_space<vmem>>, vector<1x16xf32>,
        %swap3A_861 = vector.shape_cast %swap3A_860 : vector<1x16xf32> to vector<16xf32>
        %swap3A_862 = vector.shape_cast %mul3A_857 : vector<16xf32> to vector<1x16xf32>
        tpu.vector_store %arg13[%swap3A_858, %swap3A_859], %swap3A_862 {strides = array<i32>} : memref<128x128xf32, #tpu.memory_space<vmem>>, vector<1x16xf32>,
        %mul3A_863 = arith.constant 16 : i32
        %mul3A_864 = arith.muli %scan3A_156, %mul3A_863 : i32
        %add3A_865 = arith.constant 8 : i32
        %add3A_866 = arith.addi %mul3A_864, %add3A_865 : i32
        %broadcast_in_dim3A_867 = arith.constant 8 : i32
        %broadcast_in_dim3A_868 = vector.broadcast %broadcast_in_dim3A_867 : i32 to vector<16x1xi32>
        %gather3A_869 = vector.shape_cast %broadcast_in_dim3A_868 : vector<16x1xi32> to vector<16xi32>
        %gather3A_870 = tpu.dynamic_gather %get3A_160[%gather3A_869] in [0] : vector<16xf32>, vector<16xi32> -> vector<16xf32>
        %get3A_871 = arith.index_cast %add3A_866 : i32 to index
        %get3A_872 = arith.constant 0 : index
        %get3A_873 = tpu.vector_load %arg13[%get3A_871, %get3A_872] {strides = array<i32>} : memref<128x128xf32, #tpu.memory_space<vmem>>, vector<1x16xf32>,
        %get3A_874 = vector.shape_cast %get3A_873 : vector<1x16xf32> to vector<16xf32>
        %mul3A_875 = arith.mulf %get3A_874, %gather3A_870 : vector<16xf32>
        %swap3A_876 = arith.index_cast %add3A_866 : i32 to index
        %swap3A_877 = arith.constant 0 : index
        %swap3A_878 = tpu.vector_load %arg13[%swap3A_876, %swap3A_877] {strides = array<i32>} : memref<128x128xf32, #tpu.memory_space<vmem>>, vector<1x16xf32>,
        %swap3A_879 = vector.shape_cast %swap3A_878 : vector<1x16xf32> to vector<16xf32>
        %swap3A_880 = vector.shape_cast %mul3A_875 : vector<16xf32> to vector<1x16xf32>
        tpu.vector_store %arg13[%swap3A_876, %swap3A_877], %swap3A_880 {strides = array<i32>} : memref<128x128xf32, #tpu.memory_space<vmem>>, vector<1x16xf32>,
        %get3A_881 = arith.index_cast %add3A_866 : i32 to index
        %get3A_882 = arith.constant 16 : index
        %get3A_883 = tpu.vector_load %arg13[%get3A_881, %get3A_882] {strides = array<i32>} : memref<128x128xf32, #tpu.memory_space<vmem>>, vector<1x16xf32>,
        %get3A_884 = vector.shape_cast %get3A_883 : vector<1x16xf32> to vector<16xf32>
        %mul3A_885 = arith.mulf %get3A_884, %gather3A_870 : vector<16xf32>
        %swap3A_886 = arith.index_cast %add3A_866 : i32 to index
        %swap3A_887 = arith.constant 16 : index
        %swap3A_888 = tpu.vector_load %arg13[%swap3A_886, %swap3A_887] {strides = array<i32>} : memref<128x128xf32, #tpu.memory_space<vmem>>, vector<1x16xf32>,
        %swap3A_889 = vector.shape_cast %swap3A_888 : vector<1x16xf32> to vector<16xf32>
        %swap3A_890 = vector.shape_cast %mul3A_885 : vector<16xf32> to vector<1x16xf32>
        tpu.vector_store %arg13[%swap3A_886, %swap3A_887], %swap3A_890 {strides = array<i32>} : memref<128x128xf32, #tpu.memory_space<vmem>>, vector<1x16xf32>,
        %get3A_891 = arith.index_cast %add3A_866 : i32 to index
        %get3A_892 = arith.constant 32 : index
        %get3A_893 = tpu.vector_load %arg13[%get3A_891, %get3A_892] {strides = array<i32>} : memref<128x128xf32, #tpu.memory_space<vmem>>, vector<1x16xf32>,
        %get3A_894 = vector.shape_cast %get3A_893 : vector<1x16xf32> to vector<16xf32>
        %mul3A_895 = arith.mulf %get3A_894, %gather3A_870 : vector<16xf32>
        %swap3A_896 = arith.index_cast %add3A_866 : i32 to index
        %swap3A_897 = arith.constant 32 : index
        %swap3A_898 = tpu.vector_load %arg13[%swap3A_896, %swap3A_897] {strides = array<i32>} : memref<128x128xf32, #tpu.memory_space<vmem>>, vector<1x16xf32>,
        %swap3A_899 = vector.shape_cast %swap3A_898 : vector<1x16xf32> to vector<16xf32>
        %swap3A_900 = vector.shape_cast %mul3A_895 : vector<16xf32> to vector<1x16xf32>
        tpu.vector_store %arg13[%swap3A_896, %swap3A_897], %swap3A_900 {strides = array<i32>} : memref<128x128xf32, #tpu.memory_space<vmem>>, vector<1x16xf32>,
        %get3A_901 = arith.index_cast %add3A_866 : i32 to index
        %get3A_902 = arith.constant 48 : index
        %get3A_903 = tpu.vector_load %arg13[%get3A_901, %get3A_902] {strides = array<i32>} : memref<128x128xf32, #tpu.memory_space<vmem>>, vector<1x16xf32>,
        %get3A_904 = vector.shape_cast %get3A_903 : vector<1x16xf32> to vector<16xf32>
        %mul3A_905 = arith.mulf %get3A_904, %gather3A_870 : vector<16xf32>
        %swap3A_906 = arith.index_cast %add3A_866 : i32 to index
        %swap3A_907 = arith.constant 48 : index
        %swap3A_908 = tpu.vector_load %arg13[%swap3A_906, %swap3A_907] {strides = array<i32>} : memref<128x128xf32, #tpu.memory_space<vmem>>, vector<1x16xf32>,
        %swap3A_909 = vector.shape_cast %swap3A_908 : vector<1x16xf32> to vector<16xf32>
        %swap3A_910 = vector.shape_cast %mul3A_905 : vector<16xf32> to vector<1x16xf32>
        tpu.vector_store %arg13[%swap3A_906, %swap3A_907], %swap3A_910 {strides = array<i32>} : memref<128x128xf32, #tpu.memory_space<vmem>>, vector<1x16xf32>,
        %get3A_911 = arith.index_cast %add3A_866 : i32 to index
        %get3A_912 = arith.constant 64 : index
        %get3A_913 = tpu.vector_load %arg13[%get3A_911, %get3A_912] {strides = array<i32>} : memref<128x128xf32, #tpu.memory_space<vmem>>, vector<1x16xf32>,
        %get3A_914 = vector.shape_cast %get3A_913 : vector<1x16xf32> to vector<16xf32>
        %mul3A_915 = arith.mulf %get3A_914, %gather3A_870 : vector<16xf32>
        %swap3A_916 = arith.index_cast %add3A_866 : i32 to index
        %swap3A_917 = arith.constant 64 : index
        %swap3A_918 = tpu.vector_load %arg13[%swap3A_916, %swap3A_917] {strides = array<i32>} : memref<128x128xf32, #tpu.memory_space<vmem>>, vector<1x16xf32>,
        %swap3A_919 = vector.shape_cast %swap3A_918 : vector<1x16xf32> to vector<16xf32>
        %swap3A_920 = vector.shape_cast %mul3A_915 : vector<16xf32> to vector<1x16xf32>
        tpu.vector_store %arg13[%swap3A_916, %swap3A_917], %swap3A_920 {strides = array<i32>} : memref<128x128xf32, #tpu.memory_space<vmem>>, vector<1x16xf32>,
        %get3A_921 = arith.index_cast %add3A_866 : i32 to index
        %get3A_922 = arith.constant 80 : index
        %get3A_923 = tpu.vector_load %arg13[%get3A_921, %get3A_922] {strides = array<i32>} : memref<128x128xf32, #tpu.memory_space<vmem>>, vector<1x16xf32>,
        %get3A_924 = vector.shape_cast %get3A_923 : vector<1x16xf32> to vector<16xf32>
        %mul3A_925 = arith.mulf %get3A_924, %gather3A_870 : vector<16xf32>
        %swap3A_926 = arith.index_cast %add3A_866 : i32 to index
        %swap3A_927 = arith.constant 80 : index
        %swap3A_928 = tpu.vector_load %arg13[%swap3A_926, %swap3A_927] {strides = array<i32>} : memref<128x128xf32, #tpu.memory_space<vmem>>, vector<1x16xf32>,
        %swap3A_929 = vector.shape_cast %swap3A_928 : vector<1x16xf32> to vector<16xf32>
        %swap3A_930 = vector.shape_cast %mul3A_925 : vector<16xf32> to vector<1x16xf32>
        tpu.vector_store %arg13[%swap3A_926, %swap3A_927], %swap3A_930 {strides = array<i32>} : memref<128x128xf32, #tpu.memory_space<vmem>>, vector<1x16xf32>,
        %get3A_931 = arith.index_cast %add3A_866 : i32 to index
        %get3A_932 = arith.constant 96 : index
        %get3A_933 = tpu.vector_load %arg13[%get3A_931, %get3A_932] {strides = array<i32>} : memref<128x128xf32, #tpu.memory_space<vmem>>, vector<1x16xf32>,
        %get3A_934 = vector.shape_cast %get3A_933 : vector<1x16xf32> to vector<16xf32>
        %mul3A_935 = arith.mulf %get3A_934, %gather3A_870 : vector<16xf32>
        %swap3A_936 = arith.index_cast %add3A_866 : i32 to index
        %swap3A_937 = arith.constant 96 : index
        %swap3A_938 = tpu.vector_load %arg13[%swap3A_936, %swap3A_937] {strides = array<i32>} : memref<128x128xf32, #tpu.memory_space<vmem>>, vector<1x16xf32>,
        %swap3A_939 = vector.shape_cast %swap3A_938 : vector<1x16xf32> to vector<16xf32>
        %swap3A_940 = vector.shape_cast %mul3A_935 : vector<16xf32> to vector<1x16xf32>
        tpu.vector_store %arg13[%swap3A_936, %swap3A_937], %swap3A_940 {strides = array<i32>} : memref<128x128xf32, #tpu.memory_space<vmem>>, vector<1x16xf32>,
        %get3A_941 = arith.index_cast %add3A_866 : i32 to index
        %get3A_942 = arith.constant 112 : index
        %get3A_943 = tpu.vector_load %arg13[%get3A_941, %get3A_942] {strides = array<i32>} : memref<128x128xf32, #tpu.memory_space<vmem>>, vector<1x16xf32>,
        %get3A_944 = vector.shape_cast %get3A_943 : vector<1x16xf32> to vector<16xf32>
        %mul3A_945 = arith.mulf %get3A_944, %gather3A_870 : vector<16xf32>
        %swap3A_946 = arith.index_cast %add3A_866 : i32 to index
        %swap3A_947 = arith.constant 112 : index
        %swap3A_948 = tpu.vector_load %arg13[%swap3A_946, %swap3A_947] {strides = array<i32>} : memref<128x128xf32, #tpu.memory_space<vmem>>, vector<1x16xf32>,
        %swap3A_949 = vector.shape_cast %swap3A_948 : vector<1x16xf32> to vector<16xf32>
        %swap3A_950 = vector.shape_cast %mul3A_945 : vector<16xf32> to vector<1x16xf32>
        tpu.vector_store %arg13[%swap3A_946, %swap3A_947], %swap3A_950 {strides = array<i32>} : memref<128x128xf32, #tpu.memory_space<vmem>>, vector<1x16xf32>,
        %mul3A_951 = arith.constant 16 : i32
        %mul3A_952 = arith.muli %scan3A_156, %mul3A_951 : i32
        %add3A_953 = arith.constant 9 : i32
        %add3A_954 = arith.addi %mul3A_952, %add3A_953 : i32
        %broadcast_in_dim3A_955 = arith.constant 9 : i32
        %broadcast_in_dim3A_956 = vector.broadcast %broadcast_in_dim3A_955 : i32 to vector<16x1xi32>
        %gather3A_957 = vector.shape_cast %broadcast_in_dim3A_956 : vector<16x1xi32> to vector<16xi32>
        %gather3A_958 = tpu.dynamic_gather %get3A_160[%gather3A_957] in [0] : vector<16xf32>, vector<16xi32> -> vector<16xf32>
        %get3A_959 = arith.index_cast %add3A_954 : i32 to index
        %get3A_960 = arith.constant 0 : index
        %get3A_961 = tpu.vector_load %arg13[%get3A_959, %get3A_960] {strides = array<i32>} : memref<128x128xf32, #tpu.memory_space<vmem>>, vector<1x16xf32>,
        %get3A_962 = vector.shape_cast %get3A_961 : vector<1x16xf32> to vector<16xf32>
        %mul3A_963 = arith.mulf %get3A_962, %gather3A_958 : vector<16xf32>
        %swap3A_964 = arith.index_cast %add3A_954 : i32 to index
        %swap3A_965 = arith.constant 0 : index
        %swap3A_966 = tpu.vector_load %arg13[%swap3A_964, %swap3A_965] {strides = array<i32>} : memref<128x128xf32, #tpu.memory_space<vmem>>, vector<1x16xf32>,
        %swap3A_967 = vector.shape_cast %swap3A_966 : vector<1x16xf32> to vector<16xf32>
        %swap3A_968 = vector.shape_cast %mul3A_963 : vector<16xf32> to vector<1x16xf32>
        tpu.vector_store %arg13[%swap3A_964, %swap3A_965], %swap3A_968 {strides = array<i32>} : memref<128x128xf32, #tpu.memory_space<vmem>>, vector<1x16xf32>,
        %get3A_969 = arith.index_cast %add3A_954 : i32 to index
        %get3A_970 = arith.constant 16 : index
        %get3A_971 = tpu.vector_load %arg13[%get3A_969, %get3A_970] {strides = array<i32>} : memref<128x128xf32, #tpu.memory_space<vmem>>, vector<1x16xf32>,
        %get3A_972 = vector.shape_cast %get3A_971 : vector<1x16xf32> to vector<16xf32>
        %mul3A_973 = arith.mulf %get3A_972, %gather3A_958 : vector<16xf32>
        %swap3A_974 = arith.index_cast %add3A_954 : i32 to index
        %swap3A_975 = arith.constant 16 : index
        %swap3A_976 = tpu.vector_load %arg13[%swap3A_974, %swap3A_975] {strides = array<i32>} : memref<128x128xf32, #tpu.memory_space<vmem>>, vector<1x16xf32>,
        %swap3A_977 = vector.shape_cast %swap3A_976 : vector<1x16xf32> to vector<16xf32>
        %swap3A_978 = vector.shape_cast %mul3A_973 : vector<16xf32> to vector<1x16xf32>
        tpu.vector_store %arg13[%swap3A_974, %swap3A_975], %swap3A_978 {strides = array<i32>} : memref<128x128xf32, #tpu.memory_space<vmem>>, vector<1x16xf32>,
        %get3A_979 = arith.index_cast %add3A_954 : i32 to index
        %get3A_980 = arith.constant 32 : index
        %get3A_981 = tpu.vector_load %arg13[%get3A_979, %get3A_980] {strides = array<i32>} : memref<128x128xf32, #tpu.memory_space<vmem>>, vector<1x16xf32>,
        %get3A_982 = vector.shape_cast %get3A_981 : vector<1x16xf32> to vector<16xf32>
        %mul3A_983 = arith.mulf %get3A_982, %gather3A_958 : vector<16xf32>
        %swap3A_984 = arith.index_cast %add3A_954 : i32 to index
        %swap3A_985 = arith.constant 32 : index
        %swap3A_986 = tpu.vector_load %arg13[%swap3A_984, %swap3A_985] {strides = array<i32>} : memref<128x128xf32, #tpu.memory_space<vmem>>, vector<1x16xf32>,
        %swap3A_987 = vector.shape_cast %swap3A_986 : vector<1x16xf32> to vector<16xf32>
        %swap3A_988 = vector.shape_cast %mul3A_983 : vector<16xf32> to vector<1x16xf32>
        tpu.vector_store %arg13[%swap3A_984, %swap3A_985], %swap3A_988 {strides = array<i32>} : memref<128x128xf32, #tpu.memory_space<vmem>>, vector<1x16xf32>,
        %get3A_989 = arith.index_cast %add3A_954 : i32 to index
        %get3A_990 = arith.constant 48 : index
        %get3A_991 = tpu.vector_load %arg13[%get3A_989, %get3A_990] {strides = array<i32>} : memref<128x128xf32, #tpu.memory_space<vmem>>, vector<1x16xf32>,
        %get3A_992 = vector.shape_cast %get3A_991 : vector<1x16xf32> to vector<16xf32>
        %mul3A_993 = arith.mulf %get3A_992, %gather3A_958 : vector<16xf32>
        %swap3A_994 = arith.index_cast %add3A_954 : i32 to index
        %swap3A_995 = arith.constant 48 : index
        %swap3A_996 = tpu.vector_load %arg13[%swap3A_994, %swap3A_995] {strides = array<i32>} : memref<128x128xf32, #tpu.memory_space<vmem>>, vector<1x16xf32>,
        %swap3A_997 = vector.shape_cast %swap3A_996 : vector<1x16xf32> to vector<16xf32>
        %swap3A_998 = vector.shape_cast %mul3A_993 : vector<16xf32> to vector<1x16xf32>
        tpu.vector_store %arg13[%swap3A_994, %swap3A_995], %swap3A_998 {strides = array<i32>} : memref<128x128xf32, #tpu.memory_space<vmem>>, vector<1x16xf32>,
        %get3A_999 = arith.index_cast %add3A_954 : i32 to index
        %get3A_1000 = arith.constant 64 : index
        %get3A_1001 = tpu.vector_load %arg13[%get3A_999, %get3A_1000] {strides = array<i32>} : memref<128x128xf32, #tpu.memory_space<vmem>>, vector<1x16xf32>,
        %get3A_1002 = vector.shape_cast %get3A_1001 : vector<1x16xf32> to vector<16xf32>
        %mul3A_1003 = arith.mulf %get3A_1002, %gather3A_958 : vector<16xf32>
        %swap3A_1004 = arith.index_cast %add3A_954 : i32 to index
        %swap3A_1005 = arith.constant 64 : index
        %swap3A_1006 = tpu.vector_load %arg13[%swap3A_1004, %swap3A_1005] {strides = array<i32>} : memref<128x128xf32, #tpu.memory_space<vmem>>, vector<1x16xf32>,
        %swap3A_1007 = vector.shape_cast %swap3A_1006 : vector<1x16xf32> to vector<16xf32>
        %swap3A_1008 = vector.shape_cast %mul3A_1003 : vector<16xf32> to vector<1x16xf32>
        tpu.vector_store %arg13[%swap3A_1004, %swap3A_1005], %swap3A_1008 {strides = array<i32>} : memref<128x128xf32, #tpu.memory_space<vmem>>, vector<1x16xf32>,
        %get3A_1009 = arith.index_cast %add3A_954 : i32 to index
        %get3A_1010 = arith.constant 80 : index
        %get3A_1011 = tpu.vector_load %arg13[%get3A_1009, %get3A_1010] {strides = array<i32>} : memref<128x128xf32, #tpu.memory_space<vmem>>, vector<1x16xf32>,
        %get3A_1012 = vector.shape_cast %get3A_1011 : vector<1x16xf32> to vector<16xf32>
        %mul3A_1013 = arith.mulf %get3A_1012, %gather3A_958 : vector<16xf32>
        %swap3A_1014 = arith.index_cast %add3A_954 : i32 to index
        %swap3A_1015 = arith.constant 80 : index
        %swap3A_1016 = tpu.vector_load %arg13[%swap3A_1014, %swap3A_1015] {strides = array<i32>} : memref<128x128xf32, #tpu.memory_space<vmem>>, vector<1x16xf32>,
        %swap3A_1017 = vector.shape_cast %swap3A_1016 : vector<1x16xf32> to vector<16xf32>
        %swap3A_1018 = vector.shape_cast %mul3A_1013 : vector<16xf32> to vector<1x16xf32>
        tpu.vector_store %arg13[%swap3A_1014, %swap3A_1015], %swap3A_1018 {strides = array<i32>} : memref<128x128xf32, #tpu.memory_space<vmem>>, vector<1x16xf32>,
        %get3A_1019 = arith.index_cast %add3A_954 : i32 to index
        %get3A_1020 = arith.constant 96 : index
        %get3A_1021 = tpu.vector_load %arg13[%get3A_1019, %get3A_1020] {strides = array<i32>} : memref<128x128xf32, #tpu.memory_space<vmem>>, vector<1x16xf32>,
        %get3A_1022 = vector.shape_cast %get3A_1021 : vector<1x16xf32> to vector<16xf32>
        %mul3A_1023 = arith.mulf %get3A_1022, %gather3A_958 : vector<16xf32>
        %swap3A_1024 = arith.index_cast %add3A_954 : i32 to index
        %swap3A_1025 = arith.constant 96 : index
        %swap3A_1026 = tpu.vector_load %arg13[%swap3A_1024, %swap3A_1025] {strides = array<i32>} : memref<128x128xf32, #tpu.memory_space<vmem>>, vector<1x16xf32>,
        %swap3A_1027 = vector.shape_cast %swap3A_1026 : vector<1x16xf32> to vector<16xf32>
        %swap3A_1028 = vector.shape_cast %mul3A_1023 : vector<16xf32> to vector<1x16xf32>
        tpu.vector_store %arg13[%swap3A_1024, %swap3A_1025], %swap3A_1028 {strides = array<i32>} : memref<128x128xf32, #tpu.memory_space<vmem>>, vector<1x16xf32>,
        %get3A_1029 = arith.index_cast %add3A_954 : i32 to index
        %get3A_1030 = arith.constant 112 : index
        %get3A_1031 = tpu.vector_load %arg13[%get3A_1029, %get3A_1030] {strides = array<i32>} : memref<128x128xf32, #tpu.memory_space<vmem>>, vector<1x16xf32>,
        %get3A_1032 = vector.shape_cast %get3A_1031 : vector<1x16xf32> to vector<16xf32>
        %mul3A_1033 = arith.mulf %get3A_1032, %gather3A_958 : vector<16xf32>
        %swap3A_1034 = arith.index_cast %add3A_954 : i32 to index
        %swap3A_1035 = arith.constant 112 : index
        %swap3A_1036 = tpu.vector_load %arg13[%swap3A_1034, %swap3A_1035] {strides = array<i32>} : memref<128x128xf32, #tpu.memory_space<vmem>>, vector<1x16xf32>,
        %swap3A_1037 = vector.shape_cast %swap3A_1036 : vector<1x16xf32> to vector<16xf32>
        %swap3A_1038 = vector.shape_cast %mul3A_1033 : vector<16xf32> to vector<1x16xf32>
        tpu.vector_store %arg13[%swap3A_1034, %swap3A_1035], %swap3A_1038 {strides = array<i32>} : memref<128x128xf32, #tpu.memory_space<vmem>>, vector<1x16xf32>,
        %mul3A_1039 = arith.constant 16 : i32
        %mul3A_1040 = arith.muli %scan3A_156, %mul3A_1039 : i32
        %add3A_1041 = arith.constant 10 : i32
        %add3A_1042 = arith.addi %mul3A_1040, %add3A_1041 : i32
        %broadcast_in_dim3A_1043 = arith.constant 10 : i32
        %broadcast_in_dim3A_1044 = vector.broadcast %broadcast_in_dim3A_1043 : i32 to vector<16x1xi32>
        %gather3A_1045 = vector.shape_cast %broadcast_in_dim3A_1044 : vector<16x1xi32> to vector<16xi32>
        %gather3A_1046 = tpu.dynamic_gather %get3A_160[%gather3A_1045] in [0] : vector<16xf32>, vector<16xi32> -> vector<16xf32>
        %get3A_1047 = arith.index_cast %add3A_1042 : i32 to index
        %get3A_1048 = arith.constant 0 : index
        %get3A_1049 = tpu.vector_load %arg13[%get3A_1047, %get3A_1048] {strides = array<i32>} : memref<128x128xf32, #tpu.memory_space<vmem>>, vector<1x16xf32>,
        %get3A_1050 = vector.shape_cast %get3A_1049 : vector<1x16xf32> to vector<16xf32>
        %mul3A_1051 = arith.mulf %get3A_1050, %gather3A_1046 : vector<16xf32>
        %swap3A_1052 = arith.index_cast %add3A_1042 : i32 to index
        %swap3A_1053 = arith.constant 0 : index
        %swap3A_1054 = tpu.vector_load %arg13[%swap3A_1052, %swap3A_1053] {strides = array<i32>} : memref<128x128xf32, #tpu.memory_space<vmem>>, vector<1x16xf32>,
        %swap3A_1055 = vector.shape_cast %swap3A_1054 : vector<1x16xf32> to vector<16xf32>
        %swap3A_1056 = vector.shape_cast %mul3A_1051 : vector<16xf32> to vector<1x16xf32>
        tpu.vector_store %arg13[%swap3A_1052, %swap3A_1053], %swap3A_1056 {strides = array<i32>} : memref<128x128xf32, #tpu.memory_space<vmem>>, vector<1x16xf32>,
        %get3A_1057 = arith.index_cast %add3A_1042 : i32 to index
        %get3A_1058 = arith.constant 16 : index
        %get3A_1059 = tpu.vector_load %arg13[%get3A_1057, %get3A_1058] {strides = array<i32>} : memref<128x128xf32, #tpu.memory_space<vmem>>, vector<1x16xf32>,
        %get3A_1060 = vector.shape_cast %get3A_1059 : vector<1x16xf32> to vector<16xf32>
        %mul3A_1061 = arith.mulf %get3A_1060, %gather3A_1046 : vector<16xf32>
        %swap3A_1062 = arith.index_cast %add3A_1042 : i32 to index
        %swap3A_1063 = arith.constant 16 : index
        %swap3A_1064 = tpu.vector_load %arg13[%swap3A_1062, %swap3A_1063] {strides = array<i32>} : memref<128x128xf32, #tpu.memory_space<vmem>>, vector<1x16xf32>,
        %swap3A_1065 = vector.shape_cast %swap3A_1064 : vector<1x16xf32> to vector<16xf32>
        %swap3A_1066 = vector.shape_cast %mul3A_1061 : vector<16xf32> to vector<1x16xf32>
        tpu.vector_store %arg13[%swap3A_1062, %swap3A_1063], %swap3A_1066 {strides = array<i32>} : memref<128x128xf32, #tpu.memory_space<vmem>>, vector<1x16xf32>,
        %get3A_1067 = arith.index_cast %add3A_1042 : i32 to index
        %get3A_1068 = arith.constant 32 : index
        %get3A_1069 = tpu.vector_load %arg13[%get3A_1067, %get3A_1068] {strides = array<i32>} : memref<128x128xf32, #tpu.memory_space<vmem>>, vector<1x16xf32>,
        %get3A_1070 = vector.shape_cast %get3A_1069 : vector<1x16xf32> to vector<16xf32>
        %mul3A_1071 = arith.mulf %get3A_1070, %gather3A_1046 : vector<16xf32>
        %swap3A_1072 = arith.index_cast %add3A_1042 : i32 to index
        %swap3A_1073 = arith.constant 32 : index
        %swap3A_1074 = tpu.vector_load %arg13[%swap3A_1072, %swap3A_1073] {strides = array<i32>} : memref<128x128xf32, #tpu.memory_space<vmem>>, vector<1x16xf32>,
        %swap3A_1075 = vector.shape_cast %swap3A_1074 : vector<1x16xf32> to vector<16xf32>
        %swap3A_1076 = vector.shape_cast %mul3A_1071 : vector<16xf32> to vector<1x16xf32>
        tpu.vector_store %arg13[%swap3A_1072, %swap3A_1073], %swap3A_1076 {strides = array<i32>} : memref<128x128xf32, #tpu.memory_space<vmem>>, vector<1x16xf32>,
        %get3A_1077 = arith.index_cast %add3A_1042 : i32 to index
        %get3A_1078 = arith.constant 48 : index
        %get3A_1079 = tpu.vector_load %arg13[%get3A_1077, %get3A_1078] {strides = array<i32>} : memref<128x128xf32, #tpu.memory_space<vmem>>, vector<1x16xf32>,
        %get3A_1080 = vector.shape_cast %get3A_1079 : vector<1x16xf32> to vector<16xf32>
        %mul3A_1081 = arith.mulf %get3A_1080, %gather3A_1046 : vector<16xf32>
        %swap3A_1082 = arith.index_cast %add3A_1042 : i32 to index
        %swap3A_1083 = arith.constant 48 : index
        %swap3A_1084 = tpu.vector_load %arg13[%swap3A_1082, %swap3A_1083] {strides = array<i32>} : memref<128x128xf32, #tpu.memory_space<vmem>>, vector<1x16xf32>,
        %swap3A_1085 = vector.shape_cast %swap3A_1084 : vector<1x16xf32> to vector<16xf32>
        %swap3A_1086 = vector.shape_cast %mul3A_1081 : vector<16xf32> to vector<1x16xf32>
        tpu.vector_store %arg13[%swap3A_1082, %swap3A_1083], %swap3A_1086 {strides = array<i32>} : memref<128x128xf32, #tpu.memory_space<vmem>>, vector<1x16xf32>,
        %get3A_1087 = arith.index_cast %add3A_1042 : i32 to index
        %get3A_1088 = arith.constant 64 : index
        %get3A_1089 = tpu.vector_load %arg13[%get3A_1087, %get3A_1088] {strides = array<i32>} : memref<128x128xf32, #tpu.memory_space<vmem>>, vector<1x16xf32>,
        %get3A_1090 = vector.shape_cast %get3A_1089 : vector<1x16xf32> to vector<16xf32>
        %mul3A_1091 = arith.mulf %get3A_1090, %gather3A_1046 : vector<16xf32>
        %swap3A_1092 = arith.index_cast %add3A_1042 : i32 to index
        %swap3A_1093 = arith.constant 64 : index
        %swap3A_1094 = tpu.vector_load %arg13[%swap3A_1092, %swap3A_1093] {strides = array<i32>} : memref<128x128xf32, #tpu.memory_space<vmem>>, vector<1x16xf32>,
        %swap3A_1095 = vector.shape_cast %swap3A_1094 : vector<1x16xf32> to vector<16xf32>
        %swap3A_1096 = vector.shape_cast %mul3A_1091 : vector<16xf32> to vector<1x16xf32>
        tpu.vector_store %arg13[%swap3A_1092, %swap3A_1093], %swap3A_1096 {strides = array<i32>} : memref<128x128xf32, #tpu.memory_space<vmem>>, vector<1x16xf32>,
        %get3A_1097 = arith.index_cast %add3A_1042 : i32 to index
        %get3A_1098 = arith.constant 80 : index
        %get3A_1099 = tpu.vector_load %arg13[%get3A_1097, %get3A_1098] {strides = array<i32>} : memref<128x128xf32, #tpu.memory_space<vmem>>, vector<1x16xf32>,
        %get3A_1100 = vector.shape_cast %get3A_1099 : vector<1x16xf32> to vector<16xf32>
        %mul3A_1101 = arith.mulf %get3A_1100, %gather3A_1046 : vector<16xf32>
        %swap3A_1102 = arith.index_cast %add3A_1042 : i32 to index
        %swap3A_1103 = arith.constant 80 : index
        %swap3A_1104 = tpu.vector_load %arg13[%swap3A_1102, %swap3A_1103] {strides = array<i32>} : memref<128x128xf32, #tpu.memory_space<vmem>>, vector<1x16xf32>,
        %swap3A_1105 = vector.shape_cast %swap3A_1104 : vector<1x16xf32> to vector<16xf32>
        %swap3A_1106 = vector.shape_cast %mul3A_1101 : vector<16xf32> to vector<1x16xf32>
        tpu.vector_store %arg13[%swap3A_1102, %swap3A_1103], %swap3A_1106 {strides = array<i32>} : memref<128x128xf32, #tpu.memory_space<vmem>>, vector<1x16xf32>,
        %get3A_1107 = arith.index_cast %add3A_1042 : i32 to index
        %get3A_1108 = arith.constant 96 : index
        %get3A_1109 = tpu.vector_load %arg13[%get3A_1107, %get3A_1108] {strides = array<i32>} : memref<128x128xf32, #tpu.memory_space<vmem>>, vector<1x16xf32>,
        %get3A_1110 = vector.shape_cast %get3A_1109 : vector<1x16xf32> to vector<16xf32>
        %mul3A_1111 = arith.mulf %get3A_1110, %gather3A_1046 : vector<16xf32>
        %swap3A_1112 = arith.index_cast %add3A_1042 : i32 to index
        %swap3A_1113 = arith.constant 96 : index
        %swap3A_1114 = tpu.vector_load %arg13[%swap3A_1112, %swap3A_1113] {strides = array<i32>} : memref<128x128xf32, #tpu.memory_space<vmem>>, vector<1x16xf32>,
        %swap3A_1115 = vector.shape_cast %swap3A_1114 : vector<1x16xf32> to vector<16xf32>
        %swap3A_1116 = vector.shape_cast %mul3A_1111 : vector<16xf32> to vector<1x16xf32>
        tpu.vector_store %arg13[%swap3A_1112, %swap3A_1113], %swap3A_1116 {strides = array<i32>} : memref<128x128xf32, #tpu.memory_space<vmem>>, vector<1x16xf32>,
        %get3A_1117 = arith.index_cast %add3A_1042 : i32 to index
        %get3A_1118 = arith.constant 112 : index
        %get3A_1119 = tpu.vector_load %arg13[%get3A_1117, %get3A_1118] {strides = array<i32>} : memref<128x128xf32, #tpu.memory_space<vmem>>, vector<1x16xf32>,
        %get3A_1120 = vector.shape_cast %get3A_1119 : vector<1x16xf32> to vector<16xf32>
        %mul3A_1121 = arith.mulf %get3A_1120, %gather3A_1046 : vector<16xf32>
        %swap3A_1122 = arith.index_cast %add3A_1042 : i32 to index
        %swap3A_1123 = arith.constant 112 : index
        %swap3A_1124 = tpu.vector_load %arg13[%swap3A_1122, %swap3A_1123] {strides = array<i32>} : memref<128x128xf32, #tpu.memory_space<vmem>>, vector<1x16xf32>,
        %swap3A_1125 = vector.shape_cast %swap3A_1124 : vector<1x16xf32> to vector<16xf32>
        %swap3A_1126 = vector.shape_cast %mul3A_1121 : vector<16xf32> to vector<1x16xf32>
        tpu.vector_store %arg13[%swap3A_1122, %swap3A_1123], %swap3A_1126 {strides = array<i32>} : memref<128x128xf32, #tpu.memory_space<vmem>>, vector<1x16xf32>,
        %mul3A_1127 = arith.constant 16 : i32
        %mul3A_1128 = arith.muli %scan3A_156, %mul3A_1127 : i32
        %add3A_1129 = arith.constant 11 : i32
        %add3A_1130 = arith.addi %mul3A_1128, %add3A_1129 : i32
        %broadcast_in_dim3A_1131 = arith.constant 11 : i32
        %broadcast_in_dim3A_1132 = vector.broadcast %broadcast_in_dim3A_1131 : i32 to vector<16x1xi32>
        %gather3A_1133 = vector.shape_cast %broadcast_in_dim3A_1132 : vector<16x1xi32> to vector<16xi32>
        %gather3A_1134 = tpu.dynamic_gather %get3A_160[%gather3A_1133] in [0] : vector<16xf32>, vector<16xi32> -> vector<16xf32>
        %get3A_1135 = arith.index_cast %add3A_1130 : i32 to index
        %get3A_1136 = arith.constant 0 : index
        %get3A_1137 = tpu.vector_load %arg13[%get3A_1135, %get3A_1136] {strides = array<i32>} : memref<128x128xf32, #tpu.memory_space<vmem>>, vector<1x16xf32>,
        %get3A_1138 = vector.shape_cast %get3A_1137 : vector<1x16xf32> to vector<16xf32>
        %mul3A_1139 = arith.mulf %get3A_1138, %gather3A_1134 : vector<16xf32>
        %swap3A_1140 = arith.index_cast %add3A_1130 : i32 to index
        %swap3A_1141 = arith.constant 0 : index
        %swap3A_1142 = tpu.vector_load %arg13[%swap3A_1140, %swap3A_1141] {strides = array<i32>} : memref<128x128xf32, #tpu.memory_space<vmem>>, vector<1x16xf32>,
        %swap3A_1143 = vector.shape_cast %swap3A_1142 : vector<1x16xf32> to vector<16xf32>
        %swap3A_1144 = vector.shape_cast %mul3A_1139 : vector<16xf32> to vector<1x16xf32>
        tpu.vector_store %arg13[%swap3A_1140, %swap3A_1141], %swap3A_1144 {strides = array<i32>} : memref<128x128xf32, #tpu.memory_space<vmem>>, vector<1x16xf32>,
        %get3A_1145 = arith.index_cast %add3A_1130 : i32 to index
        %get3A_1146 = arith.constant 16 : index
        %get3A_1147 = tpu.vector_load %arg13[%get3A_1145, %get3A_1146] {strides = array<i32>} : memref<128x128xf32, #tpu.memory_space<vmem>>, vector<1x16xf32>,
        %get3A_1148 = vector.shape_cast %get3A_1147 : vector<1x16xf32> to vector<16xf32>
        %mul3A_1149 = arith.mulf %get3A_1148, %gather3A_1134 : vector<16xf32>
        %swap3A_1150 = arith.index_cast %add3A_1130 : i32 to index
        %swap3A_1151 = arith.constant 16 : index
        %swap3A_1152 = tpu.vector_load %arg13[%swap3A_1150, %swap3A_1151] {strides = array<i32>} : memref<128x128xf32, #tpu.memory_space<vmem>>, vector<1x16xf32>,
        %swap3A_1153 = vector.shape_cast %swap3A_1152 : vector<1x16xf32> to vector<16xf32>
        %swap3A_1154 = vector.shape_cast %mul3A_1149 : vector<16xf32> to vector<1x16xf32>
        tpu.vector_store %arg13[%swap3A_1150, %swap3A_1151], %swap3A_1154 {strides = array<i32>} : memref<128x128xf32, #tpu.memory_space<vmem>>, vector<1x16xf32>,
        %get3A_1155 = arith.index_cast %add3A_1130 : i32 to index
        %get3A_1156 = arith.constant 32 : index
        %get3A_1157 = tpu.vector_load %arg13[%get3A_1155, %get3A_1156] {strides = array<i32>} : memref<128x128xf32, #tpu.memory_space<vmem>>, vector<1x16xf32>,
        %get3A_1158 = vector.shape_cast %get3A_1157 : vector<1x16xf32> to vector<16xf32>
        %mul3A_1159 = arith.mulf %get3A_1158, %gather3A_1134 : vector<16xf32>
        %swap3A_1160 = arith.index_cast %add3A_1130 : i32 to index
        %swap3A_1161 = arith.constant 32 : index
        %swap3A_1162 = tpu.vector_load %arg13[%swap3A_1160, %swap3A_1161] {strides = array<i32>} : memref<128x128xf32, #tpu.memory_space<vmem>>, vector<1x16xf32>,
        %swap3A_1163 = vector.shape_cast %swap3A_1162 : vector<1x16xf32> to vector<16xf32>
        %swap3A_1164 = vector.shape_cast %mul3A_1159 : vector<16xf32> to vector<1x16xf32>
        tpu.vector_store %arg13[%swap3A_1160, %swap3A_1161], %swap3A_1164 {strides = array<i32>} : memref<128x128xf32, #tpu.memory_space<vmem>>, vector<1x16xf32>,
        %get3A_1165 = arith.index_cast %add3A_1130 : i32 to index
        %get3A_1166 = arith.constant 48 : index
        %get3A_1167 = tpu.vector_load %arg13[%get3A_1165, %get3A_1166] {strides = array<i32>} : memref<128x128xf32, #tpu.memory_space<vmem>>, vector<1x16xf32>,
        %get3A_1168 = vector.shape_cast %get3A_1167 : vector<1x16xf32> to vector<16xf32>
        %mul3A_1169 = arith.mulf %get3A_1168, %gather3A_1134 : vector<16xf32>
        %swap3A_1170 = arith.index_cast %add3A_1130 : i32 to index
        %swap3A_1171 = arith.constant 48 : index
        %swap3A_1172 = tpu.vector_load %arg13[%swap3A_1170, %swap3A_1171] {strides = array<i32>} : memref<128x128xf32, #tpu.memory_space<vmem>>, vector<1x16xf32>,
        %swap3A_1173 = vector.shape_cast %swap3A_1172 : vector<1x16xf32> to vector<16xf32>
        %swap3A_1174 = vector.shape_cast %mul3A_1169 : vector<16xf32> to vector<1x16xf32>
        tpu.vector_store %arg13[%swap3A_1170, %swap3A_1171], %swap3A_1174 {strides = array<i32>} : memref<128x128xf32, #tpu.memory_space<vmem>>, vector<1x16xf32>,
        %get3A_1175 = arith.index_cast %add3A_1130 : i32 to index
        %get3A_1176 = arith.constant 64 : index
        %get3A_1177 = tpu.vector_load %arg13[%get3A_1175, %get3A_1176] {strides = array<i32>} : memref<128x128xf32, #tpu.memory_space<vmem>>, vector<1x16xf32>,
        %get3A_1178 = vector.shape_cast %get3A_1177 : vector<1x16xf32> to vector<16xf32>
        %mul3A_1179 = arith.mulf %get3A_1178, %gather3A_1134 : vector<16xf32>
        %swap3A_1180 = arith.index_cast %add3A_1130 : i32 to index
        %swap3A_1181 = arith.constant 64 : index
        %swap3A_1182 = tpu.vector_load %arg13[%swap3A_1180, %swap3A_1181] {strides = array<i32>} : memref<128x128xf32, #tpu.memory_space<vmem>>, vector<1x16xf32>,
        %swap3A_1183 = vector.shape_cast %swap3A_1182 : vector<1x16xf32> to vector<16xf32>
        %swap3A_1184 = vector.shape_cast %mul3A_1179 : vector<16xf32> to vector<1x16xf32>
        tpu.vector_store %arg13[%swap3A_1180, %swap3A_1181], %swap3A_1184 {strides = array<i32>} : memref<128x128xf32, #tpu.memory_space<vmem>>, vector<1x16xf32>,
        %get3A_1185 = arith.index_cast %add3A_1130 : i32 to index
        %get3A_1186 = arith.constant 80 : index
        %get3A_1187 = tpu.vector_load %arg13[%get3A_1185, %get3A_1186] {strides = array<i32>} : memref<128x128xf32, #tpu.memory_space<vmem>>, vector<1x16xf32>,
        %get3A_1188 = vector.shape_cast %get3A_1187 : vector<1x16xf32> to vector<16xf32>
        %mul3A_1189 = arith.mulf %get3A_1188, %gather3A_1134 : vector<16xf32>
        %swap3A_1190 = arith.index_cast %add3A_1130 : i32 to index
        %swap3A_1191 = arith.constant 80 : index
        %swap3A_1192 = tpu.vector_load %arg13[%swap3A_1190, %swap3A_1191] {strides = array<i32>} : memref<128x128xf32, #tpu.memory_space<vmem>>, vector<1x16xf32>,
        %swap3A_1193 = vector.shape_cast %swap3A_1192 : vector<1x16xf32> to vector<16xf32>
        %swap3A_1194 = vector.shape_cast %mul3A_1189 : vector<16xf32> to vector<1x16xf32>
        tpu.vector_store %arg13[%swap3A_1190, %swap3A_1191], %swap3A_1194 {strides = array<i32>} : memref<128x128xf32, #tpu.memory_space<vmem>>, vector<1x16xf32>,
        %get3A_1195 = arith.index_cast %add3A_1130 : i32 to index
        %get3A_1196 = arith.constant 96 : index
        %get3A_1197 = tpu.vector_load %arg13[%get3A_1195, %get3A_1196] {strides = array<i32>} : memref<128x128xf32, #tpu.memory_space<vmem>>, vector<1x16xf32>,
        %get3A_1198 = vector.shape_cast %get3A_1197 : vector<1x16xf32> to vector<16xf32>
        %mul3A_1199 = arith.mulf %get3A_1198, %gather3A_1134 : vector<16xf32>
        %swap3A_1200 = arith.index_cast %add3A_1130 : i32 to index
        %swap3A_1201 = arith.constant 96 : index
        %swap3A_1202 = tpu.vector_load %arg13[%swap3A_1200, %swap3A_1201] {strides = array<i32>} : memref<128x128xf32, #tpu.memory_space<vmem>>, vector<1x16xf32>,
        %swap3A_1203 = vector.shape_cast %swap3A_1202 : vector<1x16xf32> to vector<16xf32>
        %swap3A_1204 = vector.shape_cast %mul3A_1199 : vector<16xf32> to vector<1x16xf32>
        tpu.vector_store %arg13[%swap3A_1200, %swap3A_1201], %swap3A_1204 {strides = array<i32>} : memref<128x128xf32, #tpu.memory_space<vmem>>, vector<1x16xf32>,
        %get3A_1205 = arith.index_cast %add3A_1130 : i32 to index
        %get3A_1206 = arith.constant 112 : index
        %get3A_1207 = tpu.vector_load %arg13[%get3A_1205, %get3A_1206] {strides = array<i32>} : memref<128x128xf32, #tpu.memory_space<vmem>>, vector<1x16xf32>,
        %get3A_1208 = vector.shape_cast %get3A_1207 : vector<1x16xf32> to vector<16xf32>
        %mul3A_1209 = arith.mulf %get3A_1208, %gather3A_1134 : vector<16xf32>
        %swap3A_1210 = arith.index_cast %add3A_1130 : i32 to index
        %swap3A_1211 = arith.constant 112 : index
        %swap3A_1212 = tpu.vector_load %arg13[%swap3A_1210, %swap3A_1211] {strides = array<i32>} : memref<128x128xf32, #tpu.memory_space<vmem>>, vector<1x16xf32>,
        %swap3A_1213 = vector.shape_cast %swap3A_1212 : vector<1x16xf32> to vector<16xf32>
        %swap3A_1214 = vector.shape_cast %mul3A_1209 : vector<16xf32> to vector<1x16xf32>
        tpu.vector_store %arg13[%swap3A_1210, %swap3A_1211], %swap3A_1214 {strides = array<i32>} : memref<128x128xf32, #tpu.memory_space<vmem>>, vector<1x16xf32>,
        %mul3A_1215 = arith.constant 16 : i32
        %mul3A_1216 = arith.muli %scan3A_156, %mul3A_1215 : i32
        %add3A_1217 = arith.constant 12 : i32
        %add3A_1218 = arith.addi %mul3A_1216, %add3A_1217 : i32
        %broadcast_in_dim3A_1219 = arith.constant 12 : i32
        %broadcast_in_dim3A_1220 = vector.broadcast %broadcast_in_dim3A_1219 : i32 to vector<16x1xi32>
        %gather3A_1221 = vector.shape_cast %broadcast_in_dim3A_1220 : vector<16x1xi32> to vector<16xi32>
        %gather3A_1222 = tpu.dynamic_gather %get3A_160[%gather3A_1221] in [0] : vector<16xf32>, vector<16xi32> -> vector<16xf32>
        %get3A_1223 = arith.index_cast %add3A_1218 : i32 to index
        %get3A_1224 = arith.constant 0 : index
        %get3A_1225 = tpu.vector_load %arg13[%get3A_1223, %get3A_1224] {strides = array<i32>} : memref<128x128xf32, #tpu.memory_space<vmem>>, vector<1x16xf32>,
        %get3A_1226 = vector.shape_cast %get3A_1225 : vector<1x16xf32> to vector<16xf32>
        %mul3A_1227 = arith.mulf %get3A_1226, %gather3A_1222 : vector<16xf32>
        %swap3A_1228 = arith.index_cast %add3A_1218 : i32 to index
        %swap3A_1229 = arith.constant 0 : index
        %swap3A_1230 = tpu.vector_load %arg13[%swap3A_1228, %swap3A_1229] {strides = array<i32>} : memref<128x128xf32, #tpu.memory_space<vmem>>, vector<1x16xf32>,
        %swap3A_1231 = vector.shape_cast %swap3A_1230 : vector<1x16xf32> to vector<16xf32>
        %swap3A_1232 = vector.shape_cast %mul3A_1227 : vector<16xf32> to vector<1x16xf32>
        tpu.vector_store %arg13[%swap3A_1228, %swap3A_1229], %swap3A_1232 {strides = array<i32>} : memref<128x128xf32, #tpu.memory_space<vmem>>, vector<1x16xf32>,
        %get3A_1233 = arith.index_cast %add3A_1218 : i32 to index
        %get3A_1234 = arith.constant 16 : index
        %get3A_1235 = tpu.vector_load %arg13[%get3A_1233, %get3A_1234] {strides = array<i32>} : memref<128x128xf32, #tpu.memory_space<vmem>>, vector<1x16xf32>,
        %get3A_1236 = vector.shape_cast %get3A_1235 : vector<1x16xf32> to vector<16xf32>
        %mul3A_1237 = arith.mulf %get3A_1236, %gather3A_1222 : vector<16xf32>
        %swap3A_1238 = arith.index_cast %add3A_1218 : i32 to index
        %swap3A_1239 = arith.constant 16 : index
        %swap3A_1240 = tpu.vector_load %arg13[%swap3A_1238, %swap3A_1239] {strides = array<i32>} : memref<128x128xf32, #tpu.memory_space<vmem>>, vector<1x16xf32>,
        %swap3A_1241 = vector.shape_cast %swap3A_1240 : vector<1x16xf32> to vector<16xf32>
        %swap3A_1242 = vector.shape_cast %mul3A_1237 : vector<16xf32> to vector<1x16xf32>
        tpu.vector_store %arg13[%swap3A_1238, %swap3A_1239], %swap3A_1242 {strides = array<i32>} : memref<128x128xf32, #tpu.memory_space<vmem>>, vector<1x16xf32>,
        %get3A_1243 = arith.index_cast %add3A_1218 : i32 to index
        %get3A_1244 = arith.constant 32 : index
        %get3A_1245 = tpu.vector_load %arg13[%get3A_1243, %get3A_1244] {strides = array<i32>} : memref<128x128xf32, #tpu.memory_space<vmem>>, vector<1x16xf32>,
        %get3A_1246 = vector.shape_cast %get3A_1245 : vector<1x16xf32> to vector<16xf32>
        %mul3A_1247 = arith.mulf %get3A_1246, %gather3A_1222 : vector<16xf32>
        %swap3A_1248 = arith.index_cast %add3A_1218 : i32 to index
        %swap3A_1249 = arith.constant 32 : index
        %swap3A_1250 = tpu.vector_load %arg13[%swap3A_1248, %swap3A_1249] {strides = array<i32>} : memref<128x128xf32, #tpu.memory_space<vmem>>, vector<1x16xf32>,
        %swap3A_1251 = vector.shape_cast %swap3A_1250 : vector<1x16xf32> to vector<16xf32>
        %swap3A_1252 = vector.shape_cast %mul3A_1247 : vector<16xf32> to vector<1x16xf32>
        tpu.vector_store %arg13[%swap3A_1248, %swap3A_1249], %swap3A_1252 {strides = array<i32>} : memref<128x128xf32, #tpu.memory_space<vmem>>, vector<1x16xf32>,
        %get3A_1253 = arith.index_cast %add3A_1218 : i32 to index
        %get3A_1254 = arith.constant 48 : index
        %get3A_1255 = tpu.vector_load %arg13[%get3A_1253, %get3A_1254] {strides = array<i32>} : memref<128x128xf32, #tpu.memory_space<vmem>>, vector<1x16xf32>,
        %get3A_1256 = vector.shape_cast %get3A_1255 : vector<1x16xf32> to vector<16xf32>
        %mul3A_1257 = arith.mulf %get3A_1256, %gather3A_1222 : vector<16xf32>
        %swap3A_1258 = arith.index_cast %add3A_1218 : i32 to index
        %swap3A_1259 = arith.constant 48 : index
        %swap3A_1260 = tpu.vector_load %arg13[%swap3A_1258, %swap3A_1259] {strides = array<i32>} : memref<128x128xf32, #tpu.memory_space<vmem>>, vector<1x16xf32>,
        %swap3A_1261 = vector.shape_cast %swap3A_1260 : vector<1x16xf32> to vector<16xf32>
        %swap3A_1262 = vector.shape_cast %mul3A_1257 : vector<16xf32> to vector<1x16xf32>
        tpu.vector_store %arg13[%swap3A_1258, %swap3A_1259], %swap3A_1262 {strides = array<i32>} : memref<128x128xf32, #tpu.memory_space<vmem>>, vector<1x16xf32>,
        %get3A_1263 = arith.index_cast %add3A_1218 : i32 to index
        %get3A_1264 = arith.constant 64 : index
        %get3A_1265 = tpu.vector_load %arg13[%get3A_1263, %get3A_1264] {strides = array<i32>} : memref<128x128xf32, #tpu.memory_space<vmem>>, vector<1x16xf32>,
        %get3A_1266 = vector.shape_cast %get3A_1265 : vector<1x16xf32> to vector<16xf32>
        %mul3A_1267 = arith.mulf %get3A_1266, %gather3A_1222 : vector<16xf32>
        %swap3A_1268 = arith.index_cast %add3A_1218 : i32 to index
        %swap3A_1269 = arith.constant 64 : index
        %swap3A_1270 = tpu.vector_load %arg13[%swap3A_1268, %swap3A_1269] {strides = array<i32>} : memref<128x128xf32, #tpu.memory_space<vmem>>, vector<1x16xf32>,
        %swap3A_1271 = vector.shape_cast %swap3A_1270 : vector<1x16xf32> to vector<16xf32>
        %swap3A_1272 = vector.shape_cast %mul3A_1267 : vector<16xf32> to vector<1x16xf32>
        tpu.vector_store %arg13[%swap3A_1268, %swap3A_1269], %swap3A_1272 {strides = array<i32>} : memref<128x128xf32, #tpu.memory_space<vmem>>, vector<1x16xf32>,
        %get3A_1273 = arith.index_cast %add3A_1218 : i32 to index
        %get3A_1274 = arith.constant 80 : index
        %get3A_1275 = tpu.vector_load %arg13[%get3A_1273, %get3A_1274] {strides = array<i32>} : memref<128x128xf32, #tpu.memory_space<vmem>>, vector<1x16xf32>,
        %get3A_1276 = vector.shape_cast %get3A_1275 : vector<1x16xf32> to vector<16xf32>
        %mul3A_1277 = arith.mulf %get3A_1276, %gather3A_1222 : vector<16xf32>
        %swap3A_1278 = arith.index_cast %add3A_1218 : i32 to index
        %swap3A_1279 = arith.constant 80 : index
        %swap3A_1280 = tpu.vector_load %arg13[%swap3A_1278, %swap3A_1279] {strides = array<i32>} : memref<128x128xf32, #tpu.memory_space<vmem>>, vector<1x16xf32>,
        %swap3A_1281 = vector.shape_cast %swap3A_1280 : vector<1x16xf32> to vector<16xf32>
        %swap3A_1282 = vector.shape_cast %mul3A_1277 : vector<16xf32> to vector<1x16xf32>
        tpu.vector_store %arg13[%swap3A_1278, %swap3A_1279], %swap3A_1282 {strides = array<i32>} : memref<128x128xf32, #tpu.memory_space<vmem>>, vector<1x16xf32>,
        %get3A_1283 = arith.index_cast %add3A_1218 : i32 to index
        %get3A_1284 = arith.constant 96 : index
        %get3A_1285 = tpu.vector_load %arg13[%get3A_1283, %get3A_1284] {strides = array<i32>} : memref<128x128xf32, #tpu.memory_space<vmem>>, vector<1x16xf32>,
        %get3A_1286 = vector.shape_cast %get3A_1285 : vector<1x16xf32> to vector<16xf32>
        %mul3A_1287 = arith.mulf %get3A_1286, %gather3A_1222 : vector<16xf32>
        %swap3A_1288 = arith.index_cast %add3A_1218 : i32 to index
        %swap3A_1289 = arith.constant 96 : index
        %swap3A_1290 = tpu.vector_load %arg13[%swap3A_1288, %swap3A_1289] {strides = array<i32>} : memref<128x128xf32, #tpu.memory_space<vmem>>, vector<1x16xf32>,
        %swap3A_1291 = vector.shape_cast %swap3A_1290 : vector<1x16xf32> to vector<16xf32>
        %swap3A_1292 = vector.shape_cast %mul3A_1287 : vector<16xf32> to vector<1x16xf32>
        tpu.vector_store %arg13[%swap3A_1288, %swap3A_1289], %swap3A_1292 {strides = array<i32>} : memref<128x128xf32, #tpu.memory_space<vmem>>, vector<1x16xf32>,
        %get3A_1293 = arith.index_cast %add3A_1218 : i32 to index
        %get3A_1294 = arith.constant 112 : index
        %get3A_1295 = tpu.vector_load %arg13[%get3A_1293, %get3A_1294] {strides = array<i32>} : memref<128x128xf32, #tpu.memory_space<vmem>>, vector<1x16xf32>,
        %get3A_1296 = vector.shape_cast %get3A_1295 : vector<1x16xf32> to vector<16xf32>
        %mul3A_1297 = arith.mulf %get3A_1296, %gather3A_1222 : vector<16xf32>
        %swap3A_1298 = arith.index_cast %add3A_1218 : i32 to index
        %swap3A_1299 = arith.constant 112 : index
        %swap3A_1300 = tpu.vector_load %arg13[%swap3A_1298, %swap3A_1299] {strides = array<i32>} : memref<128x128xf32, #tpu.memory_space<vmem>>, vector<1x16xf32>,
        %swap3A_1301 = vector.shape_cast %swap3A_1300 : vector<1x16xf32> to vector<16xf32>
        %swap3A_1302 = vector.shape_cast %mul3A_1297 : vector<16xf32> to vector<1x16xf32>
        tpu.vector_store %arg13[%swap3A_1298, %swap3A_1299], %swap3A_1302 {strides = array<i32>} : memref<128x128xf32, #tpu.memory_space<vmem>>, vector<1x16xf32>,
        %mul3A_1303 = arith.constant 16 : i32
        %mul3A_1304 = arith.muli %scan3A_156, %mul3A_1303 : i32
        %add3A_1305 = arith.constant 13 : i32
        %add3A_1306 = arith.addi %mul3A_1304, %add3A_1305 : i32
        %broadcast_in_dim3A_1307 = arith.constant 13 : i32
        %broadcast_in_dim3A_1308 = vector.broadcast %broadcast_in_dim3A_1307 : i32 to vector<16x1xi32>
        %gather3A_1309 = vector.shape_cast %broadcast_in_dim3A_1308 : vector<16x1xi32> to vector<16xi32>
        %gather3A_1310 = tpu.dynamic_gather %get3A_160[%gather3A_1309] in [0] : vector<16xf32>, vector<16xi32> -> vector<16xf32>
        %get3A_1311 = arith.index_cast %add3A_1306 : i32 to index
        %get3A_1312 = arith.constant 0 : index
        %get3A_1313 = tpu.vector_load %arg13[%get3A_1311, %get3A_1312] {strides = array<i32>} : memref<128x128xf32, #tpu.memory_space<vmem>>, vector<1x16xf32>,
        %get3A_1314 = vector.shape_cast %get3A_1313 : vector<1x16xf32> to vector<16xf32>
        %mul3A_1315 = arith.mulf %get3A_1314, %gather3A_1310 : vector<16xf32>
        %swap3A_1316 = arith.index_cast %add3A_1306 : i32 to index
        %swap3A_1317 = arith.constant 0 : index
        %swap3A_1318 = tpu.vector_load %arg13[%swap3A_1316, %swap3A_1317] {strides = array<i32>} : memref<128x128xf32, #tpu.memory_space<vmem>>, vector<1x16xf32>,
        %swap3A_1319 = vector.shape_cast %swap3A_1318 : vector<1x16xf32> to vector<16xf32>
        %swap3A_1320 = vector.shape_cast %mul3A_1315 : vector<16xf32> to vector<1x16xf32>
        tpu.vector_store %arg13[%swap3A_1316, %swap3A_1317], %swap3A_1320 {strides = array<i32>} : memref<128x128xf32, #tpu.memory_space<vmem>>, vector<1x16xf32>,
        %get3A_1321 = arith.index_cast %add3A_1306 : i32 to index
        %get3A_1322 = arith.constant 16 : index
        %get3A_1323 = tpu.vector_load %arg13[%get3A_1321, %get3A_1322] {strides = array<i32>} : memref<128x128xf32, #tpu.memory_space<vmem>>, vector<1x16xf32>,
        %get3A_1324 = vector.shape_cast %get3A_1323 : vector<1x16xf32> to vector<16xf32>
        %mul3A_1325 = arith.mulf %get3A_1324, %gather3A_1310 : vector<16xf32>
        %swap3A_1326 = arith.index_cast %add3A_1306 : i32 to index
        %swap3A_1327 = arith.constant 16 : index
        %swap3A_1328 = tpu.vector_load %arg13[%swap3A_1326, %swap3A_1327] {strides = array<i32>} : memref<128x128xf32, #tpu.memory_space<vmem>>, vector<1x16xf32>,
        %swap3A_1329 = vector.shape_cast %swap3A_1328 : vector<1x16xf32> to vector<16xf32>
        %swap3A_1330 = vector.shape_cast %mul3A_1325 : vector<16xf32> to vector<1x16xf32>
        tpu.vector_store %arg13[%swap3A_1326, %swap3A_1327], %swap3A_1330 {strides = array<i32>} : memref<128x128xf32, #tpu.memory_space<vmem>>, vector<1x16xf32>,
        %get3A_1331 = arith.index_cast %add3A_1306 : i32 to index
        %get3A_1332 = arith.constant 32 : index
        %get3A_1333 = tpu.vector_load %arg13[%get3A_1331, %get3A_1332] {strides = array<i32>} : memref<128x128xf32, #tpu.memory_space<vmem>>, vector<1x16xf32>,
        %get3A_1334 = vector.shape_cast %get3A_1333 : vector<1x16xf32> to vector<16xf32>
        %mul3A_1335 = arith.mulf %get3A_1334, %gather3A_1310 : vector<16xf32>
        %swap3A_1336 = arith.index_cast %add3A_1306 : i32 to index
        %swap3A_1337 = arith.constant 32 : index
        %swap3A_1338 = tpu.vector_load %arg13[%swap3A_1336, %swap3A_1337] {strides = array<i32>} : memref<128x128xf32, #tpu.memory_space<vmem>>, vector<1x16xf32>,
        %swap3A_1339 = vector.shape_cast %swap3A_1338 : vector<1x16xf32> to vector<16xf32>
        %swap3A_1340 = vector.shape_cast %mul3A_1335 : vector<16xf32> to vector<1x16xf32>
        tpu.vector_store %arg13[%swap3A_1336, %swap3A_1337], %swap3A_1340 {strides = array<i32>} : memref<128x128xf32, #tpu.memory_space<vmem>>, vector<1x16xf32>,
        %get3A_1341 = arith.index_cast %add3A_1306 : i32 to index
        %get3A_1342 = arith.constant 48 : index
        %get3A_1343 = tpu.vector_load %arg13[%get3A_1341, %get3A_1342] {strides = array<i32>} : memref<128x128xf32, #tpu.memory_space<vmem>>, vector<1x16xf32>,
        %get3A_1344 = vector.shape_cast %get3A_1343 : vector<1x16xf32> to vector<16xf32>
        %mul3A_1345 = arith.mulf %get3A_1344, %gather3A_1310 : vector<16xf32>
        %swap3A_1346 = arith.index_cast %add3A_1306 : i32 to index
        %swap3A_1347 = arith.constant 48 : index
        %swap3A_1348 = tpu.vector_load %arg13[%swap3A_1346, %swap3A_1347] {strides = array<i32>} : memref<128x128xf32, #tpu.memory_space<vmem>>, vector<1x16xf32>,
        %swap3A_1349 = vector.shape_cast %swap3A_1348 : vector<1x16xf32> to vector<16xf32>
        %swap3A_1350 = vector.shape_cast %mul3A_1345 : vector<16xf32> to vector<1x16xf32>
        tpu.vector_store %arg13[%swap3A_1346, %swap3A_1347], %swap3A_1350 {strides = array<i32>} : memref<128x128xf32, #tpu.memory_space<vmem>>, vector<1x16xf32>,
        %get3A_1351 = arith.index_cast %add3A_1306 : i32 to index
        %get3A_1352 = arith.constant 64 : index
        %get3A_1353 = tpu.vector_load %arg13[%get3A_1351, %get3A_1352] {strides = array<i32>} : memref<128x128xf32, #tpu.memory_space<vmem>>, vector<1x16xf32>,
        %get3A_1354 = vector.shape_cast %get3A_1353 : vector<1x16xf32> to vector<16xf32>
        %mul3A_1355 = arith.mulf %get3A_1354, %gather3A_1310 : vector<16xf32>
        %swap3A_1356 = arith.index_cast %add3A_1306 : i32 to index
        %swap3A_1357 = arith.constant 64 : index
        %swap3A_1358 = tpu.vector_load %arg13[%swap3A_1356, %swap3A_1357] {strides = array<i32>} : memref<128x128xf32, #tpu.memory_space<vmem>>, vector<1x16xf32>,
        %swap3A_1359 = vector.shape_cast %swap3A_1358 : vector<1x16xf32> to vector<16xf32>
        %swap3A_1360 = vector.shape_cast %mul3A_1355 : vector<16xf32> to vector<1x16xf32>
        tpu.vector_store %arg13[%swap3A_1356, %swap3A_1357], %swap3A_1360 {strides = array<i32>} : memref<128x128xf32, #tpu.memory_space<vmem>>, vector<1x16xf32>,
        %get3A_1361 = arith.index_cast %add3A_1306 : i32 to index
        %get3A_1362 = arith.constant 80 : index
        %get3A_1363 = tpu.vector_load %arg13[%get3A_1361, %get3A_1362] {strides = array<i32>} : memref<128x128xf32, #tpu.memory_space<vmem>>, vector<1x16xf32>,
        %get3A_1364 = vector.shape_cast %get3A_1363 : vector<1x16xf32> to vector<16xf32>
        %mul3A_1365 = arith.mulf %get3A_1364, %gather3A_1310 : vector<16xf32>
        %swap3A_1366 = arith.index_cast %add3A_1306 : i32 to index
        %swap3A_1367 = arith.constant 80 : index
        %swap3A_1368 = tpu.vector_load %arg13[%swap3A_1366, %swap3A_1367] {strides = array<i32>} : memref<128x128xf32, #tpu.memory_space<vmem>>, vector<1x16xf32>,
        %swap3A_1369 = vector.shape_cast %swap3A_1368 : vector<1x16xf32> to vector<16xf32>
        %swap3A_1370 = vector.shape_cast %mul3A_1365 : vector<16xf32> to vector<1x16xf32>
        tpu.vector_store %arg13[%swap3A_1366, %swap3A_1367], %swap3A_1370 {strides = array<i32>} : memref<128x128xf32, #tpu.memory_space<vmem>>, vector<1x16xf32>,
        %get3A_1371 = arith.index_cast %add3A_1306 : i32 to index
        %get3A_1372 = arith.constant 96 : index
        %get3A_1373 = tpu.vector_load %arg13[%get3A_1371, %get3A_1372] {strides = array<i32>} : memref<128x128xf32, #tpu.memory_space<vmem>>, vector<1x16xf32>,
        %get3A_1374 = vector.shape_cast %get3A_1373 : vector<1x16xf32> to vector<16xf32>
        %mul3A_1375 = arith.mulf %get3A_1374, %gather3A_1310 : vector<16xf32>
        %swap3A_1376 = arith.index_cast %add3A_1306 : i32 to index
        %swap3A_1377 = arith.constant 96 : index
        %swap3A_1378 = tpu.vector_load %arg13[%swap3A_1376, %swap3A_1377] {strides = array<i32>} : memref<128x128xf32, #tpu.memory_space<vmem>>, vector<1x16xf32>,
        %swap3A_1379 = vector.shape_cast %swap3A_1378 : vector<1x16xf32> to vector<16xf32>
        %swap3A_1380 = vector.shape_cast %mul3A_1375 : vector<16xf32> to vector<1x16xf32>
        tpu.vector_store %arg13[%swap3A_1376, %swap3A_1377], %swap3A_1380 {strides = array<i32>} : memref<128x128xf32, #tpu.memory_space<vmem>>, vector<1x16xf32>,
        %get3A_1381 = arith.index_cast %add3A_1306 : i32 to index
        %get3A_1382 = arith.constant 112 : index
        %get3A_1383 = tpu.vector_load %arg13[%get3A_1381, %get3A_1382] {strides = array<i32>} : memref<128x128xf32, #tpu.memory_space<vmem>>, vector<1x16xf32>,
        %get3A_1384 = vector.shape_cast %get3A_1383 : vector<1x16xf32> to vector<16xf32>
        %mul3A_1385 = arith.mulf %get3A_1384, %gather3A_1310 : vector<16xf32>
        %swap3A_1386 = arith.index_cast %add3A_1306 : i32 to index
        %swap3A_1387 = arith.constant 112 : index
        %swap3A_1388 = tpu.vector_load %arg13[%swap3A_1386, %swap3A_1387] {strides = array<i32>} : memref<128x128xf32, #tpu.memory_space<vmem>>, vector<1x16xf32>,
        %swap3A_1389 = vector.shape_cast %swap3A_1388 : vector<1x16xf32> to vector<16xf32>
        %swap3A_1390 = vector.shape_cast %mul3A_1385 : vector<16xf32> to vector<1x16xf32>
        tpu.vector_store %arg13[%swap3A_1386, %swap3A_1387], %swap3A_1390 {strides = array<i32>} : memref<128x128xf32, #tpu.memory_space<vmem>>, vector<1x16xf32>,
        %mul3A_1391 = arith.constant 16 : i32
        %mul3A_1392 = arith.muli %scan3A_156, %mul3A_1391 : i32
        %add3A_1393 = arith.constant 14 : i32
        %add3A_1394 = arith.addi %mul3A_1392, %add3A_1393 : i32
        %broadcast_in_dim3A_1395 = arith.constant 14 : i32
        %broadcast_in_dim3A_1396 = vector.broadcast %broadcast_in_dim3A_1395 : i32 to vector<16x1xi32>
        %gather3A_1397 = vector.shape_cast %broadcast_in_dim3A_1396 : vector<16x1xi32> to vector<16xi32>
        %gather3A_1398 = tpu.dynamic_gather %get3A_160[%gather3A_1397] in [0] : vector<16xf32>, vector<16xi32> -> vector<16xf32>
        %get3A_1399 = arith.index_cast %add3A_1394 : i32 to index
        %get3A_1400 = arith.constant 0 : index
        %get3A_1401 = tpu.vector_load %arg13[%get3A_1399, %get3A_1400] {strides = array<i32>} : memref<128x128xf32, #tpu.memory_space<vmem>>, vector<1x16xf32>,
        %get3A_1402 = vector.shape_cast %get3A_1401 : vector<1x16xf32> to vector<16xf32>
        %mul3A_1403 = arith.mulf %get3A_1402, %gather3A_1398 : vector<16xf32>
        %swap3A_1404 = arith.index_cast %add3A_1394 : i32 to index
        %swap3A_1405 = arith.constant 0 : index
        %swap3A_1406 = tpu.vector_load %arg13[%swap3A_1404, %swap3A_1405] {strides = array<i32>} : memref<128x128xf32, #tpu.memory_space<vmem>>, vector<1x16xf32>,
        %swap3A_1407 = vector.shape_cast %swap3A_1406 : vector<1x16xf32> to vector<16xf32>
        %swap3A_1408 = vector.shape_cast %mul3A_1403 : vector<16xf32> to vector<1x16xf32>
        tpu.vector_store %arg13[%swap3A_1404, %swap3A_1405], %swap3A_1408 {strides = array<i32>} : memref<128x128xf32, #tpu.memory_space<vmem>>, vector<1x16xf32>,
        %get3A_1409 = arith.index_cast %add3A_1394 : i32 to index
        %get3A_1410 = arith.constant 16 : index
        %get3A_1411 = tpu.vector_load %arg13[%get3A_1409, %get3A_1410] {strides = array<i32>} : memref<128x128xf32, #tpu.memory_space<vmem>>, vector<1x16xf32>,
        %get3A_1412 = vector.shape_cast %get3A_1411 : vector<1x16xf32> to vector<16xf32>
        %mul3A_1413 = arith.mulf %get3A_1412, %gather3A_1398 : vector<16xf32>
        %swap3A_1414 = arith.index_cast %add3A_1394 : i32 to index
        %swap3A_1415 = arith.constant 16 : index
        %swap3A_1416 = tpu.vector_load %arg13[%swap3A_1414, %swap3A_1415] {strides = array<i32>} : memref<128x128xf32, #tpu.memory_space<vmem>>, vector<1x16xf32>,
        %swap3A_1417 = vector.shape_cast %swap3A_1416 : vector<1x16xf32> to vector<16xf32>
        %swap3A_1418 = vector.shape_cast %mul3A_1413 : vector<16xf32> to vector<1x16xf32>
        tpu.vector_store %arg13[%swap3A_1414, %swap3A_1415], %swap3A_1418 {strides = array<i32>} : memref<128x128xf32, #tpu.memory_space<vmem>>, vector<1x16xf32>,
        %get3A_1419 = arith.index_cast %add3A_1394 : i32 to index
        %get3A_1420 = arith.constant 32 : index
        %get3A_1421 = tpu.vector_load %arg13[%get3A_1419, %get3A_1420] {strides = array<i32>} : memref<128x128xf32, #tpu.memory_space<vmem>>, vector<1x16xf32>,
        %get3A_1422 = vector.shape_cast %get3A_1421 : vector<1x16xf32> to vector<16xf32>
        %mul3A_1423 = arith.mulf %get3A_1422, %gather3A_1398 : vector<16xf32>
        %swap3A_1424 = arith.index_cast %add3A_1394 : i32 to index
        %swap3A_1425 = arith.constant 32 : index
        %swap3A_1426 = tpu.vector_load %arg13[%swap3A_1424, %swap3A_1425] {strides = array<i32>} : memref<128x128xf32, #tpu.memory_space<vmem>>, vector<1x16xf32>,
        %swap3A_1427 = vector.shape_cast %swap3A_1426 : vector<1x16xf32> to vector<16xf32>
        %swap3A_1428 = vector.shape_cast %mul3A_1423 : vector<16xf32> to vector<1x16xf32>
        tpu.vector_store %arg13[%swap3A_1424, %swap3A_1425], %swap3A_1428 {strides = array<i32>} : memref<128x128xf32, #tpu.memory_space<vmem>>, vector<1x16xf32>,
        %get3A_1429 = arith.index_cast %add3A_1394 : i32 to index
        %get3A_1430 = arith.constant 48 : index
        %get3A_1431 = tpu.vector_load %arg13[%get3A_1429, %get3A_1430] {strides = array<i32>} : memref<128x128xf32, #tpu.memory_space<vmem>>, vector<1x16xf32>,
        %get3A_1432 = vector.shape_cast %get3A_1431 : vector<1x16xf32> to vector<16xf32>
        %mul3A_1433 = arith.mulf %get3A_1432, %gather3A_1398 : vector<16xf32>
        %swap3A_1434 = arith.index_cast %add3A_1394 : i32 to index
        %swap3A_1435 = arith.constant 48 : index
        %swap3A_1436 = tpu.vector_load %arg13[%swap3A_1434, %swap3A_1435] {strides = array<i32>} : memref<128x128xf32, #tpu.memory_space<vmem>>, vector<1x16xf32>,
        %swap3A_1437 = vector.shape_cast %swap3A_1436 : vector<1x16xf32> to vector<16xf32>
        %swap3A_1438 = vector.shape_cast %mul3A_1433 : vector<16xf32> to vector<1x16xf32>
        tpu.vector_store %arg13[%swap3A_1434, %swap3A_1435], %swap3A_1438 {strides = array<i32>} : memref<128x128xf32, #tpu.memory_space<vmem>>, vector<1x16xf32>,
        %get3A_1439 = arith.index_cast %add3A_1394 : i32 to index
        %get3A_1440 = arith.constant 64 : index
        %get3A_1441 = tpu.vector_load %arg13[%get3A_1439, %get3A_1440] {strides = array<i32>} : memref<128x128xf32, #tpu.memory_space<vmem>>, vector<1x16xf32>,
        %get3A_1442 = vector.shape_cast %get3A_1441 : vector<1x16xf32> to vector<16xf32>
        %mul3A_1443 = arith.mulf %get3A_1442, %gather3A_1398 : vector<16xf32>
        %swap3A_1444 = arith.index_cast %add3A_1394 : i32 to index
        %swap3A_1445 = arith.constant 64 : index
        %swap3A_1446 = tpu.vector_load %arg13[%swap3A_1444, %swap3A_1445] {strides = array<i32>} : memref<128x128xf32, #tpu.memory_space<vmem>>, vector<1x16xf32>,
        %swap3A_1447 = vector.shape_cast %swap3A_1446 : vector<1x16xf32> to vector<16xf32>
        %swap3A_1448 = vector.shape_cast %mul3A_1443 : vector<16xf32> to vector<1x16xf32>
        tpu.vector_store %arg13[%swap3A_1444, %swap3A_1445], %swap3A_1448 {strides = array<i32>} : memref<128x128xf32, #tpu.memory_space<vmem>>, vector<1x16xf32>,
        %get3A_1449 = arith.index_cast %add3A_1394 : i32 to index
        %get3A_1450 = arith.constant 80 : index
        %get3A_1451 = tpu.vector_load %arg13[%get3A_1449, %get3A_1450] {strides = array<i32>} : memref<128x128xf32, #tpu.memory_space<vmem>>, vector<1x16xf32>,
        %get3A_1452 = vector.shape_cast %get3A_1451 : vector<1x16xf32> to vector<16xf32>
        %mul3A_1453 = arith.mulf %get3A_1452, %gather3A_1398 : vector<16xf32>
        %swap3A_1454 = arith.index_cast %add3A_1394 : i32 to index
        %swap3A_1455 = arith.constant 80 : index
        %swap3A_1456 = tpu.vector_load %arg13[%swap3A_1454, %swap3A_1455] {strides = array<i32>} : memref<128x128xf32, #tpu.memory_space<vmem>>, vector<1x16xf32>,
        %swap3A_1457 = vector.shape_cast %swap3A_1456 : vector<1x16xf32> to vector<16xf32>
        %swap3A_1458 = vector.shape_cast %mul3A_1453 : vector<16xf32> to vector<1x16xf32>
        tpu.vector_store %arg13[%swap3A_1454, %swap3A_1455], %swap3A_1458 {strides = array<i32>} : memref<128x128xf32, #tpu.memory_space<vmem>>, vector<1x16xf32>,
        %get3A_1459 = arith.index_cast %add3A_1394 : i32 to index
        %get3A_1460 = arith.constant 96 : index
        %get3A_1461 = tpu.vector_load %arg13[%get3A_1459, %get3A_1460] {strides = array<i32>} : memref<128x128xf32, #tpu.memory_space<vmem>>, vector<1x16xf32>,
        %get3A_1462 = vector.shape_cast %get3A_1461 : vector<1x16xf32> to vector<16xf32>
        %mul3A_1463 = arith.mulf %get3A_1462, %gather3A_1398 : vector<16xf32>
        %swap3A_1464 = arith.index_cast %add3A_1394 : i32 to index
        %swap3A_1465 = arith.constant 96 : index
        %swap3A_1466 = tpu.vector_load %arg13[%swap3A_1464, %swap3A_1465] {strides = array<i32>} : memref<128x128xf32, #tpu.memory_space<vmem>>, vector<1x16xf32>,
        %swap3A_1467 = vector.shape_cast %swap3A_1466 : vector<1x16xf32> to vector<16xf32>
        %swap3A_1468 = vector.shape_cast %mul3A_1463 : vector<16xf32> to vector<1x16xf32>
        tpu.vector_store %arg13[%swap3A_1464, %swap3A_1465], %swap3A_1468 {strides = array<i32>} : memref<128x128xf32, #tpu.memory_space<vmem>>, vector<1x16xf32>,
        %get3A_1469 = arith.index_cast %add3A_1394 : i32 to index
        %get3A_1470 = arith.constant 112 : index
        %get3A_1471 = tpu.vector_load %arg13[%get3A_1469, %get3A_1470] {strides = array<i32>} : memref<128x128xf32, #tpu.memory_space<vmem>>, vector<1x16xf32>,
        %get3A_1472 = vector.shape_cast %get3A_1471 : vector<1x16xf32> to vector<16xf32>
        %mul3A_1473 = arith.mulf %get3A_1472, %gather3A_1398 : vector<16xf32>
        %swap3A_1474 = arith.index_cast %add3A_1394 : i32 to index
        %swap3A_1475 = arith.constant 112 : index
        %swap3A_1476 = tpu.vector_load %arg13[%swap3A_1474, %swap3A_1475] {strides = array<i32>} : memref<128x128xf32, #tpu.memory_space<vmem>>, vector<1x16xf32>,
        %swap3A_1477 = vector.shape_cast %swap3A_1476 : vector<1x16xf32> to vector<16xf32>
        %swap3A_1478 = vector.shape_cast %mul3A_1473 : vector<16xf32> to vector<1x16xf32>
        tpu.vector_store %arg13[%swap3A_1474, %swap3A_1475], %swap3A_1478 {strides = array<i32>} : memref<128x128xf32, #tpu.memory_space<vmem>>, vector<1x16xf32>,
        %mul3A_1479 = arith.constant 16 : i32
        %mul3A_1480 = arith.muli %scan3A_156, %mul3A_1479 : i32
        %add3A_1481 = arith.constant 15 : i32
        %add3A_1482 = arith.addi %mul3A_1480, %add3A_1481 : i32
        %broadcast_in_dim3A_1483 = arith.constant 15 : i32
        %broadcast_in_dim3A_1484 = vector.broadcast %broadcast_in_dim3A_1483 : i32 to vector<16x1xi32>
        %gather3A_1485 = vector.shape_cast %broadcast_in_dim3A_1484 : vector<16x1xi32> to vector<16xi32>
        %gather3A_1486 = tpu.dynamic_gather %get3A_160[%gather3A_1485] in [0] : vector<16xf32>, vector<16xi32> -> vector<16xf32>
        %get3A_1487 = arith.index_cast %add3A_1482 : i32 to index
        %get3A_1488 = arith.constant 0 : index
        %get3A_1489 = tpu.vector_load %arg13[%get3A_1487, %get3A_1488] {strides = array<i32>} : memref<128x128xf32, #tpu.memory_space<vmem>>, vector<1x16xf32>,
        %get3A_1490 = vector.shape_cast %get3A_1489 : vector<1x16xf32> to vector<16xf32>
        %mul3A_1491 = arith.mulf %get3A_1490, %gather3A_1486 : vector<16xf32>
        %swap3A_1492 = arith.index_cast %add3A_1482 : i32 to index
        %swap3A_1493 = arith.constant 0 : index
        %swap3A_1494 = tpu.vector_load %arg13[%swap3A_1492, %swap3A_1493] {strides = array<i32>} : memref<128x128xf32, #tpu.memory_space<vmem>>, vector<1x16xf32>,
        %swap3A_1495 = vector.shape_cast %swap3A_1494 : vector<1x16xf32> to vector<16xf32>
        %swap3A_1496 = vector.shape_cast %mul3A_1491 : vector<16xf32> to vector<1x16xf32>
        tpu.vector_store %arg13[%swap3A_1492, %swap3A_1493], %swap3A_1496 {strides = array<i32>} : memref<128x128xf32, #tpu.memory_space<vmem>>, vector<1x16xf32>,
        %get3A_1497 = arith.index_cast %add3A_1482 : i32 to index
        %get3A_1498 = arith.constant 16 : index
        %get3A_1499 = tpu.vector_load %arg13[%get3A_1497, %get3A_1498] {strides = array<i32>} : memref<128x128xf32, #tpu.memory_space<vmem>>, vector<1x16xf32>,
        %get3A_1500 = vector.shape_cast %get3A_1499 : vector<1x16xf32> to vector<16xf32>
        %mul3A_1501 = arith.mulf %get3A_1500, %gather3A_1486 : vector<16xf32>
        %swap3A_1502 = arith.index_cast %add3A_1482 : i32 to index
        %swap3A_1503 = arith.constant 16 : index
        %swap3A_1504 = tpu.vector_load %arg13[%swap3A_1502, %swap3A_1503] {strides = array<i32>} : memref<128x128xf32, #tpu.memory_space<vmem>>, vector<1x16xf32>,
        %swap3A_1505 = vector.shape_cast %swap3A_1504 : vector<1x16xf32> to vector<16xf32>
        %swap3A_1506 = vector.shape_cast %mul3A_1501 : vector<16xf32> to vector<1x16xf32>
        tpu.vector_store %arg13[%swap3A_1502, %swap3A_1503], %swap3A_1506 {strides = array<i32>} : memref<128x128xf32, #tpu.memory_space<vmem>>, vector<1x16xf32>,
        %get3A_1507 = arith.index_cast %add3A_1482 : i32 to index
        %get3A_1508 = arith.constant 32 : index
        %get3A_1509 = tpu.vector_load %arg13[%get3A_1507, %get3A_1508] {strides = array<i32>} : memref<128x128xf32, #tpu.memory_space<vmem>>, vector<1x16xf32>,
        %get3A_1510 = vector.shape_cast %get3A_1509 : vector<1x16xf32> to vector<16xf32>
        %mul3A_1511 = arith.mulf %get3A_1510, %gather3A_1486 : vector<16xf32>
        %swap3A_1512 = arith.index_cast %add3A_1482 : i32 to index
        %swap3A_1513 = arith.constant 32 : index
        %swap3A_1514 = tpu.vector_load %arg13[%swap3A_1512, %swap3A_1513] {strides = array<i32>} : memref<128x128xf32, #tpu.memory_space<vmem>>, vector<1x16xf32>,
        %swap3A_1515 = vector.shape_cast %swap3A_1514 : vector<1x16xf32> to vector<16xf32>
        %swap3A_1516 = vector.shape_cast %mul3A_1511 : vector<16xf32> to vector<1x16xf32>
        tpu.vector_store %arg13[%swap3A_1512, %swap3A_1513], %swap3A_1516 {strides = array<i32>} : memref<128x128xf32, #tpu.memory_space<vmem>>, vector<1x16xf32>,
        %get3A_1517 = arith.index_cast %add3A_1482 : i32 to index
        %get3A_1518 = arith.constant 48 : index
        %get3A_1519 = tpu.vector_load %arg13[%get3A_1517, %get3A_1518] {strides = array<i32>} : memref<128x128xf32, #tpu.memory_space<vmem>>, vector<1x16xf32>,
        %get3A_1520 = vector.shape_cast %get3A_1519 : vector<1x16xf32> to vector<16xf32>
        %mul3A_1521 = arith.mulf %get3A_1520, %gather3A_1486 : vector<16xf32>
        %swap3A_1522 = arith.index_cast %add3A_1482 : i32 to index
        %swap3A_1523 = arith.constant 48 : index
        %swap3A_1524 = tpu.vector_load %arg13[%swap3A_1522, %swap3A_1523] {strides = array<i32>} : memref<128x128xf32, #tpu.memory_space<vmem>>, vector<1x16xf32>,
        %swap3A_1525 = vector.shape_cast %swap3A_1524 : vector<1x16xf32> to vector<16xf32>
        %swap3A_1526 = vector.shape_cast %mul3A_1521 : vector<16xf32> to vector<1x16xf32>
        tpu.vector_store %arg13[%swap3A_1522, %swap3A_1523], %swap3A_1526 {strides = array<i32>} : memref<128x128xf32, #tpu.memory_space<vmem>>, vector<1x16xf32>,
        %get3A_1527 = arith.index_cast %add3A_1482 : i32 to index
        %get3A_1528 = arith.constant 64 : index
        %get3A_1529 = tpu.vector_load %arg13[%get3A_1527, %get3A_1528] {strides = array<i32>} : memref<128x128xf32, #tpu.memory_space<vmem>>, vector<1x16xf32>,
        %get3A_1530 = vector.shape_cast %get3A_1529 : vector<1x16xf32> to vector<16xf32>
        %mul3A_1531 = arith.mulf %get3A_1530, %gather3A_1486 : vector<16xf32>
        %swap3A_1532 = arith.index_cast %add3A_1482 : i32 to index
        %swap3A_1533 = arith.constant 64 : index
        %swap3A_1534 = tpu.vector_load %arg13[%swap3A_1532, %swap3A_1533] {strides = array<i32>} : memref<128x128xf32, #tpu.memory_space<vmem>>, vector<1x16xf32>,
        %swap3A_1535 = vector.shape_cast %swap3A_1534 : vector<1x16xf32> to vector<16xf32>
        %swap3A_1536 = vector.shape_cast %mul3A_1531 : vector<16xf32> to vector<1x16xf32>
        tpu.vector_store %arg13[%swap3A_1532, %swap3A_1533], %swap3A_1536 {strides = array<i32>} : memref<128x128xf32, #tpu.memory_space<vmem>>, vector<1x16xf32>,
        %get3A_1537 = arith.index_cast %add3A_1482 : i32 to index
        %get3A_1538 = arith.constant 80 : index
        %get3A_1539 = tpu.vector_load %arg13[%get3A_1537, %get3A_1538] {strides = array<i32>} : memref<128x128xf32, #tpu.memory_space<vmem>>, vector<1x16xf32>,
        %get3A_1540 = vector.shape_cast %get3A_1539 : vector<1x16xf32> to vector<16xf32>
        %mul3A_1541 = arith.mulf %get3A_1540, %gather3A_1486 : vector<16xf32>
        %swap3A_1542 = arith.index_cast %add3A_1482 : i32 to index
        %swap3A_1543 = arith.constant 80 : index
        %swap3A_1544 = tpu.vector_load %arg13[%swap3A_1542, %swap3A_1543] {strides = array<i32>} : memref<128x128xf32, #tpu.memory_space<vmem>>, vector<1x16xf32>,
        %swap3A_1545 = vector.shape_cast %swap3A_1544 : vector<1x16xf32> to vector<16xf32>
        %swap3A_1546 = vector.shape_cast %mul3A_1541 : vector<16xf32> to vector<1x16xf32>
        tpu.vector_store %arg13[%swap3A_1542, %swap3A_1543], %swap3A_1546 {strides = array<i32>} : memref<128x128xf32, #tpu.memory_space<vmem>>, vector<1x16xf32>,
        %get3A_1547 = arith.index_cast %add3A_1482 : i32 to index
        %get3A_1548 = arith.constant 96 : index
        %get3A_1549 = tpu.vector_load %arg13[%get3A_1547, %get3A_1548] {strides = array<i32>} : memref<128x128xf32, #tpu.memory_space<vmem>>, vector<1x16xf32>,
        %get3A_1550 = vector.shape_cast %get3A_1549 : vector<1x16xf32> to vector<16xf32>
        %mul3A_1551 = arith.mulf %get3A_1550, %gather3A_1486 : vector<16xf32>
        %swap3A_1552 = arith.index_cast %add3A_1482 : i32 to index
        %swap3A_1553 = arith.constant 96 : index
        %swap3A_1554 = tpu.vector_load %arg13[%swap3A_1552, %swap3A_1553] {strides = array<i32>} : memref<128x128xf32, #tpu.memory_space<vmem>>, vector<1x16xf32>,
        %swap3A_1555 = vector.shape_cast %swap3A_1554 : vector<1x16xf32> to vector<16xf32>
        %swap3A_1556 = vector.shape_cast %mul3A_1551 : vector<16xf32> to vector<1x16xf32>
        tpu.vector_store %arg13[%swap3A_1552, %swap3A_1553], %swap3A_1556 {strides = array<i32>} : memref<128x128xf32, #tpu.memory_space<vmem>>, vector<1x16xf32>,
        %get3A_1557 = arith.index_cast %add3A_1482 : i32 to index
        %get3A_1558 = arith.constant 112 : index
        %get3A_1559 = tpu.vector_load %arg13[%get3A_1557, %get3A_1558] {strides = array<i32>} : memref<128x128xf32, #tpu.memory_space<vmem>>, vector<1x16xf32>,
        %get3A_1560 = vector.shape_cast %get3A_1559 : vector<1x16xf32> to vector<16xf32>
        %mul3A_1561 = arith.mulf %get3A_1560, %gather3A_1486 : vector<16xf32>
        %swap3A_1562 = arith.index_cast %add3A_1482 : i32 to index
        %swap3A_1563 = arith.constant 112 : index
        %swap3A_1564 = tpu.vector_load %arg13[%swap3A_1562, %swap3A_1563] {strides = array<i32>} : memref<128x128xf32, #tpu.memory_space<vmem>>, vector<1x16xf32>,
        %swap3A_1565 = vector.shape_cast %swap3A_1564 : vector<1x16xf32> to vector<16xf32>
        %swap3A_1566 = vector.shape_cast %mul3A_1561 : vector<16xf32> to vector<1x16xf32>
        tpu.vector_store %arg13[%swap3A_1562, %swap3A_1563], %swap3A_1566 {strides = array<i32>} : memref<128x128xf32, #tpu.memory_space<vmem>>, vector<1x16xf32>,
      }
      %scan3A_111 = arith.constant 8 : i32
      %dma_start3A_112 = arith.constant 0 : i32
      %dma_start3A_113 = arith.constant 0 : i32
      %dma_start3A_114 = tpu.memref_slice %arg15[%dma_start3A_112, %dma_start3A_113] : memref<10000x128xf32, #tpu.memory_space<vmem_shared>> -> memref<10000x128xf32, #tpu.memory_space<vmem_shared>>
      tpu.enqueue_indirect_dma source(%arg13 : memref<128x128xf32, #tpu.memory_space<vmem>>) target(%dma_start3A_114 : memref<10000x128xf32, #tpu.memory_space<vmem_shared>>) offsets(%arg8 : memref<128xi32, #tpu.memory_space<vmem>>) semaphore(%arg20 : memref<!tpu.dma_semaphore, #tpu.memory_space<semaphore_mem>>) {add = true}
      %dma_wait3A_115 = arith.constant 0 : i32
      %dma_wait3A_116 = arith.constant 0 : i32
      %dma_wait3A_117 = tpu.memref_slice %arg15[%dma_wait3A_115, %dma_wait3A_116] : memref<10000x128xf32, #tpu.memory_space<vmem_shared>> -> memref<10000x128xf32, #tpu.memory_space<vmem_shared>>
      tpu.wait_indirect_dma semaphore(%arg20 : memref<!tpu.dma_semaphore, #tpu.memory_space<semaphore_mem>>) src(%arg13 : memref<128x128xf32, #tpu.memory_space<vmem>>) dst(%dma_wait3A_117 : memref<10000x128xf32, #tpu.memory_space<vmem_shared>>)
      %add3A_118 = arith.constant 1 : i32
      %add3A_119 = arith.addi %mul3A_65, %add3A_118 : i32
      %mul3A_120 = arith.constant 128 : i32
      %mul3A_121 = arith.muli %add3A_119, %mul3A_120 : i32
      %dma_wait3A_122 = tpu.memref_slice %arg7[%mul3A_121] : memref<9984xi32, #tpu.memory_space<vmem>> -> memref<128xi32, #tpu.memory_space<vmem>>
      %dma_wait3A_123 = arith.constant 0 : i32
      %dma_wait3A_124 = arith.constant 0 : i32
      %dma_wait3A_125 = tpu.memref_slice %arg2[%dma_wait3A_123, %dma_wait3A_124] : memref<10000x128xf32, #tpu.memory_space<hbm>> -> memref<10000x128xf32, #tpu.memory_space<hbm>>
      tpu.wait_indirect_dma semaphore(%arg17 : memref<!tpu.dma_semaphore, #tpu.memory_space<semaphore_mem>>) src(%dma_wait3A_125 : memref<10000x128xf32, #tpu.memory_space<hbm>>) dst(%arg14 : memref<128x128xf32, #tpu.memory_space<vmem>>)
      %mul3A_126 = arith.constant 128 : i32
      %mul3A_127 = arith.muli %add3A_119, %mul3A_126 : i32
      %add3A_128 = arith.addi %mul3A_6, %mul3A_127 : i32
      %dma_wait3A_129 = arith.constant 0 : i32
      %dma_wait3A_130 = tpu.memref_slice %arg3[%dma_wait3A_129, %add3A_128] : memref<2x320000xi32, #tpu.memory_space<hbm>> -> memref<1x128xi32, #tpu.memory_space<hbm>>
      %dma_wait3A_131 = tpu.memref_squeeze %dma_wait3A_130 : memref<1x128xi32, #tpu.memory_space<hbm>> -> memref<128xi32, #tpu.memory_space<hbm>>
      %dma_wait3A_132 = tpu.memref_slice %arg3[%dma_wait3A_129, %add3A_128] : memref<2x320000xi32, #tpu.memory_space<hbm>> -> memref<1x128xi32, #tpu.memory_space<hbm>>
      %dma_wait3A_133 = tpu.memref_squeeze %dma_wait3A_132 : memref<1x128xi32, #tpu.memory_space<hbm>> -> memref<128xi32, #tpu.memory_space<hbm>>
      tpu.wait_dma2 semaphore(%arg19 : memref<!tpu.dma_semaphore, #tpu.memory_space<semaphore_mem>>) src(%dma_wait3A_133 : memref<128xi32, #tpu.memory_space<hbm>>) dst(%arg9 : memref<128xi32, #tpu.memory_space<vmem>>)
      %mul3A_134 = arith.constant 128 : i32
      %mul3A_135 = arith.muli %add3A_119, %mul3A_134 : i32
      %add3A_136 = arith.addi %mul3A_6, %mul3A_135 : i32
      %dma_wait3A_137 = tpu.memref_slice %arg5[%add3A_136] : memref<320000xf32, #tpu.memory_space<hbm>> -> memref<128xf32, #tpu.memory_space<hbm>>
      %dma_wait3A_138 = tpu.memref_slice %arg5[%add3A_136] : memref<320000xf32, #tpu.memory_space<hbm>> -> memref<128xf32, #tpu.memory_space<hbm>>
      tpu.wait_dma2 semaphore(%arg19 : memref<!tpu.dma_semaphore, #tpu.memory_space<semaphore_mem>>) src(%dma_wait3A_138 : memref<128xf32, #tpu.memory_space<hbm>>) dst(%arg12 : memref<128xf32, #tpu.memory_space<vmem>>)
      %lt3A_139 = arith.constant 38 : i32
      %lt3A_140 = arith.cmpi slt, %scan3A_63, %lt3A_139 : i32
      %convert_element_type3A_141 = arith.extui %lt3A_140 : i1 to i32
      %cond3A_142 = arith.constant 0 : i32
      %cond3A_143 = arith.cmpi ne, %convert_element_type3A_141, %cond3A_142 : i32
      scf.if %cond3A_143 {
        %add3A_156 = arith.constant 2 : i32
        %add3A_157 = arith.addi %mul3A_65, %add3A_156 : i32
        %mul3A_158 = arith.constant 128 : i32
        %mul3A_159 = arith.muli %add3A_157, %mul3A_158 : i32
        %dma_start3A_160 = tpu.memref_slice %arg7[%mul3A_159] : memref<9984xi32, #tpu.memory_space<vmem>> -> memref<128xi32, #tpu.memory_space<vmem>>
        %dma_start3A_161 = arith.constant 0 : i32
        %dma_start3A_162 = arith.constant 0 : i32
        %dma_start3A_163 = tpu.memref_slice %arg2[%dma_start3A_161, %dma_start3A_162] : memref<10000x128xf32, #tpu.memory_space<hbm>> -> memref<10000x128xf32, #tpu.memory_space<hbm>>
        tpu.enqueue_indirect_dma source(%dma_start3A_163 : memref<10000x128xf32, #tpu.memory_space<hbm>>) target(%arg13 : memref<128x128xf32, #tpu.memory_space<vmem>>) offsets(%dma_start3A_160 : memref<128xi32, #tpu.memory_space<vmem>>) semaphore(%arg16 : memref<!tpu.dma_semaphore, #tpu.memory_space<semaphore_mem>>)
        %mul3A_164 = arith.constant 128 : i32
        %mul3A_165 = arith.muli %add3A_157, %mul3A_164 : i32
        %add3A_166 = arith.addi %mul3A_6, %mul3A_165 : i32
        %dma_start3A_167 = arith.constant 0 : i32
        %dma_start3A_168 = tpu.memref_slice %arg3[%dma_start3A_167, %add3A_166] : memref<2x320000xi32, #tpu.memory_space<hbm>> -> memref<1x128xi32, #tpu.memory_space<hbm>>
        %dma_start3A_169 = tpu.memref_squeeze %dma_start3A_168 : memref<1x128xi32, #tpu.memory_space<hbm>> -> memref<128xi32, #tpu.memory_space<hbm>>
        %dma_start3A_170 = tpu.memref_slice %arg3[%dma_start3A_167, %add3A_166] : memref<2x320000xi32, #tpu.memory_space<hbm>> -> memref<1x128xi32, #tpu.memory_space<hbm>>
        %dma_start3A_171 = tpu.memref_squeeze %dma_start3A_170 : memref<1x128xi32, #tpu.memory_space<hbm>> -> memref<128xi32, #tpu.memory_space<hbm>>
        tpu.enqueue_dma source(%dma_start3A_171 : memref<128xi32, #tpu.memory_space<hbm>>) target(%arg8 : memref<128xi32, #tpu.memory_space<vmem>>) target_semaphore(%arg18 : memref<!tpu.dma_semaphore, #tpu.memory_space<semaphore_mem>>)
        %mul3A_172 = arith.constant 128 : i32
        %mul3A_173 = arith.muli %add3A_157, %mul3A_172 : i32
        %add3A_174 = arith.addi %mul3A_6, %mul3A_173 : i32
        %dma_start3A_175 = tpu.memref_slice %arg5[%add3A_174] : memref<320000xf32, #tpu.memory_space<hbm>> -> memref<128xf32, #tpu.memory_space<hbm>>
        %dma_start3A_176 = tpu.memref_slice %arg5[%add3A_174] : memref<320000xf32, #tpu.memory_space<hbm>> -> memref<128xf32, #tpu.memory_space<hbm>>
        tpu.enqueue_dma source(%dma_start3A_176 : memref<128xf32, #tpu.memory_space<hbm>>) target(%arg11 : memref<128xf32, #tpu.memory_space<vmem>>) target_semaphore(%arg18 : memref<!tpu.dma_semaphore, #tpu.memory_space<semaphore_mem>>)
      } else {
      }
      %scan3A_144 = arith.constant 0 : i32
      %scan3A_145 = arith.constant 0 : i32
      %scan3A_146 = arith.constant 8 : i32
      %scan3A_147 = arith.addi %scan3A_145, %scan3A_146 : i32
      %scan3A_148 = arith.constant 1 : i32
      scf.for %scan3A_156 = %scan3A_145 to %scan3A_147 step %scan3A_148  : i32 {
        %mul3A_157 = arith.constant 16 : i32
        %mul3A_158 = arith.muli %scan3A_156, %mul3A_157 : i32
        %get3A = arith.index_cast %mul3A_158 : i32 to index
        %get3A_159 = tpu.vector_load %arg12[%get3A] {strides = array<i32>} : memref<128xf32, #tpu.memory_space<vmem>>, vector<16xf32>,
        %get3A_160 = vector.shape_cast %get3A_159 : vector<16xf32> to vector<16xf32>
        %mul3A_161 = arith.constant 16 : i32
        %mul3A_162 = arith.muli %scan3A_156, %mul3A_161 : i32
        %add3A_163 = arith.constant 0 : i32
        %add3A_164 = arith.addi %mul3A_162, %add3A_163 : i32
        %broadcast_in_dim3A_165 = arith.constant 0 : i32
        %broadcast_in_dim3A_166 = vector.broadcast %broadcast_in_dim3A_165 : i32 to vector<16x1xi32>
        %gather3A = vector.shape_cast %broadcast_in_dim3A_166 : vector<16x1xi32> to vector<16xi32>
        %gather3A_167 = tpu.dynamic_gather %get3A_160[%gather3A] in [0] : vector<16xf32>, vector<16xi32> -> vector<16xf32>
        %get3A_168 = arith.index_cast %add3A_164 : i32 to index
        %get3A_169 = arith.constant 0 : index
        %get3A_170 = tpu.vector_load %arg14[%get3A_168, %get3A_169] {strides = array<i32>} : memref<128x128xf32, #tpu.memory_space<vmem>>, vector<1x16xf32>,
        %get3A_171 = vector.shape_cast %get3A_170 : vector<1x16xf32> to vector<16xf32>
        %mul3A_172 = arith.mulf %get3A_171, %gather3A_167 : vector<16xf32>
        %swap3A = arith.index_cast %add3A_164 : i32 to index
        %swap3A_173 = arith.constant 0 : index
        %swap3A_174 = tpu.vector_load %arg14[%swap3A, %swap3A_173] {strides = array<i32>} : memref<128x128xf32, #tpu.memory_space<vmem>>, vector<1x16xf32>,
        %swap3A_175 = vector.shape_cast %swap3A_174 : vector<1x16xf32> to vector<16xf32>
        %swap3A_176 = vector.shape_cast %mul3A_172 : vector<16xf32> to vector<1x16xf32>
        tpu.vector_store %arg14[%swap3A, %swap3A_173], %swap3A_176 {strides = array<i32>} : memref<128x128xf32, #tpu.memory_space<vmem>>, vector<1x16xf32>,
        %get3A_177 = arith.index_cast %add3A_164 : i32 to index
        %get3A_178 = arith.constant 16 : index
        %get3A_179 = tpu.vector_load %arg14[%get3A_177, %get3A_178] {strides = array<i32>} : memref<128x128xf32, #tpu.memory_space<vmem>>, vector<1x16xf32>,
        %get3A_180 = vector.shape_cast %get3A_179 : vector<1x16xf32> to vector<16xf32>
        %mul3A_181 = arith.mulf %get3A_180, %gather3A_167 : vector<16xf32>
        %swap3A_182 = arith.index_cast %add3A_164 : i32 to index
        %swap3A_183 = arith.constant 16 : index
        %swap3A_184 = tpu.vector_load %arg14[%swap3A_182, %swap3A_183] {strides = array<i32>} : memref<128x128xf32, #tpu.memory_space<vmem>>, vector<1x16xf32>,
        %swap3A_185 = vector.shape_cast %swap3A_184 : vector<1x16xf32> to vector<16xf32>
        %swap3A_186 = vector.shape_cast %mul3A_181 : vector<16xf32> to vector<1x16xf32>
        tpu.vector_store %arg14[%swap3A_182, %swap3A_183], %swap3A_186 {strides = array<i32>} : memref<128x128xf32, #tpu.memory_space<vmem>>, vector<1x16xf32>,
        %get3A_187 = arith.index_cast %add3A_164 : i32 to index
        %get3A_188 = arith.constant 32 : index
        %get3A_189 = tpu.vector_load %arg14[%get3A_187, %get3A_188] {strides = array<i32>} : memref<128x128xf32, #tpu.memory_space<vmem>>, vector<1x16xf32>,
        %get3A_190 = vector.shape_cast %get3A_189 : vector<1x16xf32> to vector<16xf32>
        %mul3A_191 = arith.mulf %get3A_190, %gather3A_167 : vector<16xf32>
        %swap3A_192 = arith.index_cast %add3A_164 : i32 to index
        %swap3A_193 = arith.constant 32 : index
        %swap3A_194 = tpu.vector_load %arg14[%swap3A_192, %swap3A_193] {strides = array<i32>} : memref<128x128xf32, #tpu.memory_space<vmem>>, vector<1x16xf32>,
        %swap3A_195 = vector.shape_cast %swap3A_194 : vector<1x16xf32> to vector<16xf32>
        %swap3A_196 = vector.shape_cast %mul3A_191 : vector<16xf32> to vector<1x16xf32>
        tpu.vector_store %arg14[%swap3A_192, %swap3A_193], %swap3A_196 {strides = array<i32>} : memref<128x128xf32, #tpu.memory_space<vmem>>, vector<1x16xf32>,
        %get3A_197 = arith.index_cast %add3A_164 : i32 to index
        %get3A_198 = arith.constant 48 : index
        %get3A_199 = tpu.vector_load %arg14[%get3A_197, %get3A_198] {strides = array<i32>} : memref<128x128xf32, #tpu.memory_space<vmem>>, vector<1x16xf32>,
        %get3A_200 = vector.shape_cast %get3A_199 : vector<1x16xf32> to vector<16xf32>
        %mul3A_201 = arith.mulf %get3A_200, %gather3A_167 : vector<16xf32>
        %swap3A_202 = arith.index_cast %add3A_164 : i32 to index
        %swap3A_203 = arith.constant 48 : index
        %swap3A_204 = tpu.vector_load %arg14[%swap3A_202, %swap3A_203] {strides = array<i32>} : memref<128x128xf32, #tpu.memory_space<vmem>>, vector<1x16xf32>,
        %swap3A_205 = vector.shape_cast %swap3A_204 : vector<1x16xf32> to vector<16xf32>
        %swap3A_206 = vector.shape_cast %mul3A_201 : vector<16xf32> to vector<1x16xf32>
        tpu.vector_store %arg14[%swap3A_202, %swap3A_203], %swap3A_206 {strides = array<i32>} : memref<128x128xf32, #tpu.memory_space<vmem>>, vector<1x16xf32>,
        %get3A_207 = arith.index_cast %add3A_164 : i32 to index
        %get3A_208 = arith.constant 64 : index
        %get3A_209 = tpu.vector_load %arg14[%get3A_207, %get3A_208] {strides = array<i32>} : memref<128x128xf32, #tpu.memory_space<vmem>>, vector<1x16xf32>,
        %get3A_210 = vector.shape_cast %get3A_209 : vector<1x16xf32> to vector<16xf32>
        %mul3A_211 = arith.mulf %get3A_210, %gather3A_167 : vector<16xf32>
        %swap3A_212 = arith.index_cast %add3A_164 : i32 to index
        %swap3A_213 = arith.constant 64 : index
        %swap3A_214 = tpu.vector_load %arg14[%swap3A_212, %swap3A_213] {strides = array<i32>} : memref<128x128xf32, #tpu.memory_space<vmem>>, vector<1x16xf32>,
        %swap3A_215 = vector.shape_cast %swap3A_214 : vector<1x16xf32> to vector<16xf32>
        %swap3A_216 = vector.shape_cast %mul3A_211 : vector<16xf32> to vector<1x16xf32>
        tpu.vector_store %arg14[%swap3A_212, %swap3A_213], %swap3A_216 {strides = array<i32>} : memref<128x128xf32, #tpu.memory_space<vmem>>, vector<1x16xf32>,
        %get3A_217 = arith.index_cast %add3A_164 : i32 to index
        %get3A_218 = arith.constant 80 : index
        %get3A_219 = tpu.vector_load %arg14[%get3A_217, %get3A_218] {strides = array<i32>} : memref<128x128xf32, #tpu.memory_space<vmem>>, vector<1x16xf32>,
        %get3A_220 = vector.shape_cast %get3A_219 : vector<1x16xf32> to vector<16xf32>
        %mul3A_221 = arith.mulf %get3A_220, %gather3A_167 : vector<16xf32>
        %swap3A_222 = arith.index_cast %add3A_164 : i32 to index
        %swap3A_223 = arith.constant 80 : index
        %swap3A_224 = tpu.vector_load %arg14[%swap3A_222, %swap3A_223] {strides = array<i32>} : memref<128x128xf32, #tpu.memory_space<vmem>>, vector<1x16xf32>,
        %swap3A_225 = vector.shape_cast %swap3A_224 : vector<1x16xf32> to vector<16xf32>
        %swap3A_226 = vector.shape_cast %mul3A_221 : vector<16xf32> to vector<1x16xf32>
        tpu.vector_store %arg14[%swap3A_222, %swap3A_223], %swap3A_226 {strides = array<i32>} : memref<128x128xf32, #tpu.memory_space<vmem>>, vector<1x16xf32>,
        %get3A_227 = arith.index_cast %add3A_164 : i32 to index
        %get3A_228 = arith.constant 96 : index
        %get3A_229 = tpu.vector_load %arg14[%get3A_227, %get3A_228] {strides = array<i32>} : memref<128x128xf32, #tpu.memory_space<vmem>>, vector<1x16xf32>,
        %get3A_230 = vector.shape_cast %get3A_229 : vector<1x16xf32> to vector<16xf32>
        %mul3A_231 = arith.mulf %get3A_230, %gather3A_167 : vector<16xf32>
        %swap3A_232 = arith.index_cast %add3A_164 : i32 to index
        %swap3A_233 = arith.constant 96 : index
        %swap3A_234 = tpu.vector_load %arg14[%swap3A_232, %swap3A_233] {strides = array<i32>} : memref<128x128xf32, #tpu.memory_space<vmem>>, vector<1x16xf32>,
        %swap3A_235 = vector.shape_cast %swap3A_234 : vector<1x16xf32> to vector<16xf32>
        %swap3A_236 = vector.shape_cast %mul3A_231 : vector<16xf32> to vector<1x16xf32>
        tpu.vector_store %arg14[%swap3A_232, %swap3A_233], %swap3A_236 {strides = array<i32>} : memref<128x128xf32, #tpu.memory_space<vmem>>, vector<1x16xf32>,
        %get3A_237 = arith.index_cast %add3A_164 : i32 to index
        %get3A_238 = arith.constant 112 : index
        %get3A_239 = tpu.vector_load %arg14[%get3A_237, %get3A_238] {strides = array<i32>} : memref<128x128xf32, #tpu.memory_space<vmem>>, vector<1x16xf32>,
        %get3A_240 = vector.shape_cast %get3A_239 : vector<1x16xf32> to vector<16xf32>
        %mul3A_241 = arith.mulf %get3A_240, %gather3A_167 : vector<16xf32>
        %swap3A_242 = arith.index_cast %add3A_164 : i32 to index
        %swap3A_243 = arith.constant 112 : index
        %swap3A_244 = tpu.vector_load %arg14[%swap3A_242, %swap3A_243] {strides = array<i32>} : memref<128x128xf32, #tpu.memory_space<vmem>>, vector<1x16xf32>,
        %swap3A_245 = vector.shape_cast %swap3A_244 : vector<1x16xf32> to vector<16xf32>
        %swap3A_246 = vector.shape_cast %mul3A_241 : vector<16xf32> to vector<1x16xf32>
        tpu.vector_store %arg14[%swap3A_242, %swap3A_243], %swap3A_246 {strides = array<i32>} : memref<128x128xf32, #tpu.memory_space<vmem>>, vector<1x16xf32>,
        %mul3A_247 = arith.constant 16 : i32
        %mul3A_248 = arith.muli %scan3A_156, %mul3A_247 : i32
        %add3A_249 = arith.constant 1 : i32
        %add3A_250 = arith.addi %mul3A_248, %add3A_249 : i32
        %broadcast_in_dim3A_251 = arith.constant 1 : i32
        %broadcast_in_dim3A_252 = vector.broadcast %broadcast_in_dim3A_251 : i32 to vector<16x1xi32>
        %gather3A_253 = vector.shape_cast %broadcast_in_dim3A_252 : vector<16x1xi32> to vector<16xi32>
        %gather3A_254 = tpu.dynamic_gather %get3A_160[%gather3A_253] in [0] : vector<16xf32>, vector<16xi32> -> vector<16xf32>
        %get3A_255 = arith.index_cast %add3A_250 : i32 to index
        %get3A_256 = arith.constant 0 : index
        %get3A_257 = tpu.vector_load %arg14[%get3A_255, %get3A_256] {strides = array<i32>} : memref<128x128xf32, #tpu.memory_space<vmem>>, vector<1x16xf32>,
        %get3A_258 = vector.shape_cast %get3A_257 : vector<1x16xf32> to vector<16xf32>
        %mul3A_259 = arith.mulf %get3A_258, %gather3A_254 : vector<16xf32>
        %swap3A_260 = arith.index_cast %add3A_250 : i32 to index
        %swap3A_261 = arith.constant 0 : index
        %swap3A_262 = tpu.vector_load %arg14[%swap3A_260, %swap3A_261] {strides = array<i32>} : memref<128x128xf32, #tpu.memory_space<vmem>>, vector<1x16xf32>,
        %swap3A_263 = vector.shape_cast %swap3A_262 : vector<1x16xf32> to vector<16xf32>
        %swap3A_264 = vector.shape_cast %mul3A_259 : vector<16xf32> to vector<1x16xf32>
        tpu.vector_store %arg14[%swap3A_260, %swap3A_261], %swap3A_264 {strides = array<i32>} : memref<128x128xf32, #tpu.memory_space<vmem>>, vector<1x16xf32>,
        %get3A_265 = arith.index_cast %add3A_250 : i32 to index
        %get3A_266 = arith.constant 16 : index
        %get3A_267 = tpu.vector_load %arg14[%get3A_265, %get3A_266] {strides = array<i32>} : memref<128x128xf32, #tpu.memory_space<vmem>>, vector<1x16xf32>,
        %get3A_268 = vector.shape_cast %get3A_267 : vector<1x16xf32> to vector<16xf32>
        %mul3A_269 = arith.mulf %get3A_268, %gather3A_254 : vector<16xf32>
        %swap3A_270 = arith.index_cast %add3A_250 : i32 to index
        %swap3A_271 = arith.constant 16 : index
        %swap3A_272 = tpu.vector_load %arg14[%swap3A_270, %swap3A_271] {strides = array<i32>} : memref<128x128xf32, #tpu.memory_space<vmem>>, vector<1x16xf32>,
        %swap3A_273 = vector.shape_cast %swap3A_272 : vector<1x16xf32> to vector<16xf32>
        %swap3A_274 = vector.shape_cast %mul3A_269 : vector<16xf32> to vector<1x16xf32>
        tpu.vector_store %arg14[%swap3A_270, %swap3A_271], %swap3A_274 {strides = array<i32>} : memref<128x128xf32, #tpu.memory_space<vmem>>, vector<1x16xf32>,
        %get3A_275 = arith.index_cast %add3A_250 : i32 to index
        %get3A_276 = arith.constant 32 : index
        %get3A_277 = tpu.vector_load %arg14[%get3A_275, %get3A_276] {strides = array<i32>} : memref<128x128xf32, #tpu.memory_space<vmem>>, vector<1x16xf32>,
        %get3A_278 = vector.shape_cast %get3A_277 : vector<1x16xf32> to vector<16xf32>
        %mul3A_279 = arith.mulf %get3A_278, %gather3A_254 : vector<16xf32>
        %swap3A_280 = arith.index_cast %add3A_250 : i32 to index
        %swap3A_281 = arith.constant 32 : index
        %swap3A_282 = tpu.vector_load %arg14[%swap3A_280, %swap3A_281] {strides = array<i32>} : memref<128x128xf32, #tpu.memory_space<vmem>>, vector<1x16xf32>,
        %swap3A_283 = vector.shape_cast %swap3A_282 : vector<1x16xf32> to vector<16xf32>
        %swap3A_284 = vector.shape_cast %mul3A_279 : vector<16xf32> to vector<1x16xf32>
        tpu.vector_store %arg14[%swap3A_280, %swap3A_281], %swap3A_284 {strides = array<i32>} : memref<128x128xf32, #tpu.memory_space<vmem>>, vector<1x16xf32>,
        %get3A_285 = arith.index_cast %add3A_250 : i32 to index
        %get3A_286 = arith.constant 48 : index
        %get3A_287 = tpu.vector_load %arg14[%get3A_285, %get3A_286] {strides = array<i32>} : memref<128x128xf32, #tpu.memory_space<vmem>>, vector<1x16xf32>,
        %get3A_288 = vector.shape_cast %get3A_287 : vector<1x16xf32> to vector<16xf32>
        %mul3A_289 = arith.mulf %get3A_288, %gather3A_254 : vector<16xf32>
        %swap3A_290 = arith.index_cast %add3A_250 : i32 to index
        %swap3A_291 = arith.constant 48 : index
        %swap3A_292 = tpu.vector_load %arg14[%swap3A_290, %swap3A_291] {strides = array<i32>} : memref<128x128xf32, #tpu.memory_space<vmem>>, vector<1x16xf32>,
        %swap3A_293 = vector.shape_cast %swap3A_292 : vector<1x16xf32> to vector<16xf32>
        %swap3A_294 = vector.shape_cast %mul3A_289 : vector<16xf32> to vector<1x16xf32>
        tpu.vector_store %arg14[%swap3A_290, %swap3A_291], %swap3A_294 {strides = array<i32>} : memref<128x128xf32, #tpu.memory_space<vmem>>, vector<1x16xf32>,
        %get3A_295 = arith.index_cast %add3A_250 : i32 to index
        %get3A_296 = arith.constant 64 : index
        %get3A_297 = tpu.vector_load %arg14[%get3A_295, %get3A_296] {strides = array<i32>} : memref<128x128xf32, #tpu.memory_space<vmem>>, vector<1x16xf32>,
        %get3A_298 = vector.shape_cast %get3A_297 : vector<1x16xf32> to vector<16xf32>
        %mul3A_299 = arith.mulf %get3A_298, %gather3A_254 : vector<16xf32>
        %swap3A_300 = arith.index_cast %add3A_250 : i32 to index
        %swap3A_301 = arith.constant 64 : index
        %swap3A_302 = tpu.vector_load %arg14[%swap3A_300, %swap3A_301] {strides = array<i32>} : memref<128x128xf32, #tpu.memory_space<vmem>>, vector<1x16xf32>,
        %swap3A_303 = vector.shape_cast %swap3A_302 : vector<1x16xf32> to vector<16xf32>
        %swap3A_304 = vector.shape_cast %mul3A_299 : vector<16xf32> to vector<1x16xf32>
        tpu.vector_store %arg14[%swap3A_300, %swap3A_301], %swap3A_304 {strides = array<i32>} : memref<128x128xf32, #tpu.memory_space<vmem>>, vector<1x16xf32>,
        %get3A_305 = arith.index_cast %add3A_250 : i32 to index
        %get3A_306 = arith.constant 80 : index
        %get3A_307 = tpu.vector_load %arg14[%get3A_305, %get3A_306] {strides = array<i32>} : memref<128x128xf32, #tpu.memory_space<vmem>>, vector<1x16xf32>,
        %get3A_308 = vector.shape_cast %get3A_307 : vector<1x16xf32> to vector<16xf32>
        %mul3A_309 = arith.mulf %get3A_308, %gather3A_254 : vector<16xf32>
        %swap3A_310 = arith.index_cast %add3A_250 : i32 to index
        %swap3A_311 = arith.constant 80 : index
        %swap3A_312 = tpu.vector_load %arg14[%swap3A_310, %swap3A_311] {strides = array<i32>} : memref<128x128xf32, #tpu.memory_space<vmem>>, vector<1x16xf32>,
        %swap3A_313 = vector.shape_cast %swap3A_312 : vector<1x16xf32> to vector<16xf32>
        %swap3A_314 = vector.shape_cast %mul3A_309 : vector<16xf32> to vector<1x16xf32>
        tpu.vector_store %arg14[%swap3A_310, %swap3A_311], %swap3A_314 {strides = array<i32>} : memref<128x128xf32, #tpu.memory_space<vmem>>, vector<1x16xf32>,
        %get3A_315 = arith.index_cast %add3A_250 : i32 to index
        %get3A_316 = arith.constant 96 : index
        %get3A_317 = tpu.vector_load %arg14[%get3A_315, %get3A_316] {strides = array<i32>} : memref<128x128xf32, #tpu.memory_space<vmem>>, vector<1x16xf32>,
        %get3A_318 = vector.shape_cast %get3A_317 : vector<1x16xf32> to vector<16xf32>
        %mul3A_319 = arith.mulf %get3A_318, %gather3A_254 : vector<16xf32>
        %swap3A_320 = arith.index_cast %add3A_250 : i32 to index
        %swap3A_321 = arith.constant 96 : index
        %swap3A_322 = tpu.vector_load %arg14[%swap3A_320, %swap3A_321] {strides = array<i32>} : memref<128x128xf32, #tpu.memory_space<vmem>>, vector<1x16xf32>,
        %swap3A_323 = vector.shape_cast %swap3A_322 : vector<1x16xf32> to vector<16xf32>
        %swap3A_324 = vector.shape_cast %mul3A_319 : vector<16xf32> to vector<1x16xf32>
        tpu.vector_store %arg14[%swap3A_320, %swap3A_321], %swap3A_324 {strides = array<i32>} : memref<128x128xf32, #tpu.memory_space<vmem>>, vector<1x16xf32>,
        %get3A_325 = arith.index_cast %add3A_250 : i32 to index
        %get3A_326 = arith.constant 112 : index
        %get3A_327 = tpu.vector_load %arg14[%get3A_325, %get3A_326] {strides = array<i32>} : memref<128x128xf32, #tpu.memory_space<vmem>>, vector<1x16xf32>,
        %get3A_328 = vector.shape_cast %get3A_327 : vector<1x16xf32> to vector<16xf32>
        %mul3A_329 = arith.mulf %get3A_328, %gather3A_254 : vector<16xf32>
        %swap3A_330 = arith.index_cast %add3A_250 : i32 to index
        %swap3A_331 = arith.constant 112 : index
        %swap3A_332 = tpu.vector_load %arg14[%swap3A_330, %swap3A_331] {strides = array<i32>} : memref<128x128xf32, #tpu.memory_space<vmem>>, vector<1x16xf32>,
        %swap3A_333 = vector.shape_cast %swap3A_332 : vector<1x16xf32> to vector<16xf32>
        %swap3A_334 = vector.shape_cast %mul3A_329 : vector<16xf32> to vector<1x16xf32>
        tpu.vector_store %arg14[%swap3A_330, %swap3A_331], %swap3A_334 {strides = array<i32>} : memref<128x128xf32, #tpu.memory_space<vmem>>, vector<1x16xf32>,
        %mul3A_335 = arith.constant 16 : i32
        %mul3A_336 = arith.muli %scan3A_156, %mul3A_335 : i32
        %add3A_337 = arith.constant 2 : i32
        %add3A_338 = arith.addi %mul3A_336, %add3A_337 : i32
        %broadcast_in_dim3A_339 = arith.constant 2 : i32
        %broadcast_in_dim3A_340 = vector.broadcast %broadcast_in_dim3A_339 : i32 to vector<16x1xi32>
        %gather3A_341 = vector.shape_cast %broadcast_in_dim3A_340 : vector<16x1xi32> to vector<16xi32>
        %gather3A_342 = tpu.dynamic_gather %get3A_160[%gather3A_341] in [0] : vector<16xf32>, vector<16xi32> -> vector<16xf32>
        %get3A_343 = arith.index_cast %add3A_338 : i32 to index
        %get3A_344 = arith.constant 0 : index
        %get3A_345 = tpu.vector_load %arg14[%get3A_343, %get3A_344] {strides = array<i32>} : memref<128x128xf32, #tpu.memory_space<vmem>>, vector<1x16xf32>,
        %get3A_346 = vector.shape_cast %get3A_345 : vector<1x16xf32> to vector<16xf32>
        %mul3A_347 = arith.mulf %get3A_346, %gather3A_342 : vector<16xf32>
        %swap3A_348 = arith.index_cast %add3A_338 : i32 to index
        %swap3A_349 = arith.constant 0 : index
        %swap3A_350 = tpu.vector_load %arg14[%swap3A_348, %swap3A_349] {strides = array<i32>} : memref<128x128xf32, #tpu.memory_space<vmem>>, vector<1x16xf32>,
        %swap3A_351 = vector.shape_cast %swap3A_350 : vector<1x16xf32> to vector<16xf32>
        %swap3A_352 = vector.shape_cast %mul3A_347 : vector<16xf32> to vector<1x16xf32>
        tpu.vector_store %arg14[%swap3A_348, %swap3A_349], %swap3A_352 {strides = array<i32>} : memref<128x128xf32, #tpu.memory_space<vmem>>, vector<1x16xf32>,
        %get3A_353 = arith.index_cast %add3A_338 : i32 to index
        %get3A_354 = arith.constant 16 : index
        %get3A_355 = tpu.vector_load %arg14[%get3A_353, %get3A_354] {strides = array<i32>} : memref<128x128xf32, #tpu.memory_space<vmem>>, vector<1x16xf32>,
        %get3A_356 = vector.shape_cast %get3A_355 : vector<1x16xf32> to vector<16xf32>
        %mul3A_357 = arith.mulf %get3A_356, %gather3A_342 : vector<16xf32>
        %swap3A_358 = arith.index_cast %add3A_338 : i32 to index
        %swap3A_359 = arith.constant 16 : index
        %swap3A_360 = tpu.vector_load %arg14[%swap3A_358, %swap3A_359] {strides = array<i32>} : memref<128x128xf32, #tpu.memory_space<vmem>>, vector<1x16xf32>,
        %swap3A_361 = vector.shape_cast %swap3A_360 : vector<1x16xf32> to vector<16xf32>
        %swap3A_362 = vector.shape_cast %mul3A_357 : vector<16xf32> to vector<1x16xf32>
        tpu.vector_store %arg14[%swap3A_358, %swap3A_359], %swap3A_362 {strides = array<i32>} : memref<128x128xf32, #tpu.memory_space<vmem>>, vector<1x16xf32>,
        %get3A_363 = arith.index_cast %add3A_338 : i32 to index
        %get3A_364 = arith.constant 32 : index
        %get3A_365 = tpu.vector_load %arg14[%get3A_363, %get3A_364] {strides = array<i32>} : memref<128x128xf32, #tpu.memory_space<vmem>>, vector<1x16xf32>,
        %get3A_366 = vector.shape_cast %get3A_365 : vector<1x16xf32> to vector<16xf32>
        %mul3A_367 = arith.mulf %get3A_366, %gather3A_342 : vector<16xf32>
        %swap3A_368 = arith.index_cast %add3A_338 : i32 to index
        %swap3A_369 = arith.constant 32 : index
        %swap3A_370 = tpu.vector_load %arg14[%swap3A_368, %swap3A_369] {strides = array<i32>} : memref<128x128xf32, #tpu.memory_space<vmem>>, vector<1x16xf32>,
        %swap3A_371 = vector.shape_cast %swap3A_370 : vector<1x16xf32> to vector<16xf32>
        %swap3A_372 = vector.shape_cast %mul3A_367 : vector<16xf32> to vector<1x16xf32>
        tpu.vector_store %arg14[%swap3A_368, %swap3A_369], %swap3A_372 {strides = array<i32>} : memref<128x128xf32, #tpu.memory_space<vmem>>, vector<1x16xf32>,
        %get3A_373 = arith.index_cast %add3A_338 : i32 to index
        %get3A_374 = arith.constant 48 : index
        %get3A_375 = tpu.vector_load %arg14[%get3A_373, %get3A_374] {strides = array<i32>} : memref<128x128xf32, #tpu.memory_space<vmem>>, vector<1x16xf32>,
        %get3A_376 = vector.shape_cast %get3A_375 : vector<1x16xf32> to vector<16xf32>
        %mul3A_377 = arith.mulf %get3A_376, %gather3A_342 : vector<16xf32>
        %swap3A_378 = arith.index_cast %add3A_338 : i32 to index
        %swap3A_379 = arith.constant 48 : index
        %swap3A_380 = tpu.vector_load %arg14[%swap3A_378, %swap3A_379] {strides = array<i32>} : memref<128x128xf32, #tpu.memory_space<vmem>>, vector<1x16xf32>,
        %swap3A_381 = vector.shape_cast %swap3A_380 : vector<1x16xf32> to vector<16xf32>
        %swap3A_382 = vector.shape_cast %mul3A_377 : vector<16xf32> to vector<1x16xf32>
        tpu.vector_store %arg14[%swap3A_378, %swap3A_379], %swap3A_382 {strides = array<i32>} : memref<128x128xf32, #tpu.memory_space<vmem>>, vector<1x16xf32>,
        %get3A_383 = arith.index_cast %add3A_338 : i32 to index
        %get3A_384 = arith.constant 64 : index
        %get3A_385 = tpu.vector_load %arg14[%get3A_383, %get3A_384] {strides = array<i32>} : memref<128x128xf32, #tpu.memory_space<vmem>>, vector<1x16xf32>,
        %get3A_386 = vector.shape_cast %get3A_385 : vector<1x16xf32> to vector<16xf32>
        %mul3A_387 = arith.mulf %get3A_386, %gather3A_342 : vector<16xf32>
        %swap3A_388 = arith.index_cast %add3A_338 : i32 to index
        %swap3A_389 = arith.constant 64 : index
        %swap3A_390 = tpu.vector_load %arg14[%swap3A_388, %swap3A_389] {strides = array<i32>} : memref<128x128xf32, #tpu.memory_space<vmem>>, vector<1x16xf32>,
        %swap3A_391 = vector.shape_cast %swap3A_390 : vector<1x16xf32> to vector<16xf32>
        %swap3A_392 = vector.shape_cast %mul3A_387 : vector<16xf32> to vector<1x16xf32>
        tpu.vector_store %arg14[%swap3A_388, %swap3A_389], %swap3A_392 {strides = array<i32>} : memref<128x128xf32, #tpu.memory_space<vmem>>, vector<1x16xf32>,
        %get3A_393 = arith.index_cast %add3A_338 : i32 to index
        %get3A_394 = arith.constant 80 : index
        %get3A_395 = tpu.vector_load %arg14[%get3A_393, %get3A_394] {strides = array<i32>} : memref<128x128xf32, #tpu.memory_space<vmem>>, vector<1x16xf32>,
        %get3A_396 = vector.shape_cast %get3A_395 : vector<1x16xf32> to vector<16xf32>
        %mul3A_397 = arith.mulf %get3A_396, %gather3A_342 : vector<16xf32>
        %swap3A_398 = arith.index_cast %add3A_338 : i32 to index
        %swap3A_399 = arith.constant 80 : index
        %swap3A_400 = tpu.vector_load %arg14[%swap3A_398, %swap3A_399] {strides = array<i32>} : memref<128x128xf32, #tpu.memory_space<vmem>>, vector<1x16xf32>,
        %swap3A_401 = vector.shape_cast %swap3A_400 : vector<1x16xf32> to vector<16xf32>
        %swap3A_402 = vector.shape_cast %mul3A_397 : vector<16xf32> to vector<1x16xf32>
        tpu.vector_store %arg14[%swap3A_398, %swap3A_399], %swap3A_402 {strides = array<i32>} : memref<128x128xf32, #tpu.memory_space<vmem>>, vector<1x16xf32>,
        %get3A_403 = arith.index_cast %add3A_338 : i32 to index
        %get3A_404 = arith.constant 96 : index
        %get3A_405 = tpu.vector_load %arg14[%get3A_403, %get3A_404] {strides = array<i32>} : memref<128x128xf32, #tpu.memory_space<vmem>>, vector<1x16xf32>,
        %get3A_406 = vector.shape_cast %get3A_405 : vector<1x16xf32> to vector<16xf32>
        %mul3A_407 = arith.mulf %get3A_406, %gather3A_342 : vector<16xf32>
        %swap3A_408 = arith.index_cast %add3A_338 : i32 to index
        %swap3A_409 = arith.constant 96 : index
        %swap3A_410 = tpu.vector_load %arg14[%swap3A_408, %swap3A_409] {strides = array<i32>} : memref<128x128xf32, #tpu.memory_space<vmem>>, vector<1x16xf32>,
        %swap3A_411 = vector.shape_cast %swap3A_410 : vector<1x16xf32> to vector<16xf32>
        %swap3A_412 = vector.shape_cast %mul3A_407 : vector<16xf32> to vector<1x16xf32>
        tpu.vector_store %arg14[%swap3A_408, %swap3A_409], %swap3A_412 {strides = array<i32>} : memref<128x128xf32, #tpu.memory_space<vmem>>, vector<1x16xf32>,
        %get3A_413 = arith.index_cast %add3A_338 : i32 to index
        %get3A_414 = arith.constant 112 : index
        %get3A_415 = tpu.vector_load %arg14[%get3A_413, %get3A_414] {strides = array<i32>} : memref<128x128xf32, #tpu.memory_space<vmem>>, vector<1x16xf32>,
        %get3A_416 = vector.shape_cast %get3A_415 : vector<1x16xf32> to vector<16xf32>
        %mul3A_417 = arith.mulf %get3A_416, %gather3A_342 : vector<16xf32>
        %swap3A_418 = arith.index_cast %add3A_338 : i32 to index
        %swap3A_419 = arith.constant 112 : index
        %swap3A_420 = tpu.vector_load %arg14[%swap3A_418, %swap3A_419] {strides = array<i32>} : memref<128x128xf32, #tpu.memory_space<vmem>>, vector<1x16xf32>,
        %swap3A_421 = vector.shape_cast %swap3A_420 : vector<1x16xf32> to vector<16xf32>
        %swap3A_422 = vector.shape_cast %mul3A_417 : vector<16xf32> to vector<1x16xf32>
        tpu.vector_store %arg14[%swap3A_418, %swap3A_419], %swap3A_422 {strides = array<i32>} : memref<128x128xf32, #tpu.memory_space<vmem>>, vector<1x16xf32>,
        %mul3A_423 = arith.constant 16 : i32
        %mul3A_424 = arith.muli %scan3A_156, %mul3A_423 : i32
        %add3A_425 = arith.constant 3 : i32
        %add3A_426 = arith.addi %mul3A_424, %add3A_425 : i32
        %broadcast_in_dim3A_427 = arith.constant 3 : i32
        %broadcast_in_dim3A_428 = vector.broadcast %broadcast_in_dim3A_427 : i32 to vector<16x1xi32>
        %gather3A_429 = vector.shape_cast %broadcast_in_dim3A_428 : vector<16x1xi32> to vector<16xi32>
        %gather3A_430 = tpu.dynamic_gather %get3A_160[%gather3A_429] in [0] : vector<16xf32>, vector<16xi32> -> vector<16xf32>
        %get3A_431 = arith.index_cast %add3A_426 : i32 to index
        %get3A_432 = arith.constant 0 : index
        %get3A_433 = tpu.vector_load %arg14[%get3A_431, %get3A_432] {strides = array<i32>} : memref<128x128xf32, #tpu.memory_space<vmem>>, vector<1x16xf32>,
        %get3A_434 = vector.shape_cast %get3A_433 : vector<1x16xf32> to vector<16xf32>
        %mul3A_435 = arith.mulf %get3A_434, %gather3A_430 : vector<16xf32>
        %swap3A_436 = arith.index_cast %add3A_426 : i32 to index
        %swap3A_437 = arith.constant 0 : index
        %swap3A_438 = tpu.vector_load %arg14[%swap3A_436, %swap3A_437] {strides = array<i32>} : memref<128x128xf32, #tpu.memory_space<vmem>>, vector<1x16xf32>,
        %swap3A_439 = vector.shape_cast %swap3A_438 : vector<1x16xf32> to vector<16xf32>
        %swap3A_440 = vector.shape_cast %mul3A_435 : vector<16xf32> to vector<1x16xf32>
        tpu.vector_store %arg14[%swap3A_436, %swap3A_437], %swap3A_440 {strides = array<i32>} : memref<128x128xf32, #tpu.memory_space<vmem>>, vector<1x16xf32>,
        %get3A_441 = arith.index_cast %add3A_426 : i32 to index
        %get3A_442 = arith.constant 16 : index
        %get3A_443 = tpu.vector_load %arg14[%get3A_441, %get3A_442] {strides = array<i32>} : memref<128x128xf32, #tpu.memory_space<vmem>>, vector<1x16xf32>,
        %get3A_444 = vector.shape_cast %get3A_443 : vector<1x16xf32> to vector<16xf32>
        %mul3A_445 = arith.mulf %get3A_444, %gather3A_430 : vector<16xf32>
        %swap3A_446 = arith.index_cast %add3A_426 : i32 to index
        %swap3A_447 = arith.constant 16 : index
        %swap3A_448 = tpu.vector_load %arg14[%swap3A_446, %swap3A_447] {strides = array<i32>} : memref<128x128xf32, #tpu.memory_space<vmem>>, vector<1x16xf32>,
        %swap3A_449 = vector.shape_cast %swap3A_448 : vector<1x16xf32> to vector<16xf32>
        %swap3A_450 = vector.shape_cast %mul3A_445 : vector<16xf32> to vector<1x16xf32>
        tpu.vector_store %arg14[%swap3A_446, %swap3A_447], %swap3A_450 {strides = array<i32>} : memref<128x128xf32, #tpu.memory_space<vmem>>, vector<1x16xf32>,
        %get3A_451 = arith.index_cast %add3A_426 : i32 to index
        %get3A_452 = arith.constant 32 : index
        %get3A_453 = tpu.vector_load %arg14[%get3A_451, %get3A_452] {strides = array<i32>} : memref<128x128xf32, #tpu.memory_space<vmem>>, vector<1x16xf32>,
        %get3A_454 = vector.shape_cast %get3A_453 : vector<1x16xf32> to vector<16xf32>
        %mul3A_455 = arith.mulf %get3A_454, %gather3A_430 : vector<16xf32>
        %swap3A_456 = arith.index_cast %add3A_426 : i32 to index
        %swap3A_457 = arith.constant 32 : index
        %swap3A_458 = tpu.vector_load %arg14[%swap3A_456, %swap3A_457] {strides = array<i32>} : memref<128x128xf32, #tpu.memory_space<vmem>>, vector<1x16xf32>,
        %swap3A_459 = vector.shape_cast %swap3A_458 : vector<1x16xf32> to vector<16xf32>
        %swap3A_460 = vector.shape_cast %mul3A_455 : vector<16xf32> to vector<1x16xf32>
        tpu.vector_store %arg14[%swap3A_456, %swap3A_457], %swap3A_460 {strides = array<i32>} : memref<128x128xf32, #tpu.memory_space<vmem>>, vector<1x16xf32>,
        %get3A_461 = arith.index_cast %add3A_426 : i32 to index
        %get3A_462 = arith.constant 48 : index
        %get3A_463 = tpu.vector_load %arg14[%get3A_461, %get3A_462] {strides = array<i32>} : memref<128x128xf32, #tpu.memory_space<vmem>>, vector<1x16xf32>,
        %get3A_464 = vector.shape_cast %get3A_463 : vector<1x16xf32> to vector<16xf32>
        %mul3A_465 = arith.mulf %get3A_464, %gather3A_430 : vector<16xf32>
        %swap3A_466 = arith.index_cast %add3A_426 : i32 to index
        %swap3A_467 = arith.constant 48 : index
        %swap3A_468 = tpu.vector_load %arg14[%swap3A_466, %swap3A_467] {strides = array<i32>} : memref<128x128xf32, #tpu.memory_space<vmem>>, vector<1x16xf32>,
        %swap3A_469 = vector.shape_cast %swap3A_468 : vector<1x16xf32> to vector<16xf32>
        %swap3A_470 = vector.shape_cast %mul3A_465 : vector<16xf32> to vector<1x16xf32>
        tpu.vector_store %arg14[%swap3A_466, %swap3A_467], %swap3A_470 {strides = array<i32>} : memref<128x128xf32, #tpu.memory_space<vmem>>, vector<1x16xf32>,
        %get3A_471 = arith.index_cast %add3A_426 : i32 to index
        %get3A_472 = arith.constant 64 : index
        %get3A_473 = tpu.vector_load %arg14[%get3A_471, %get3A_472] {strides = array<i32>} : memref<128x128xf32, #tpu.memory_space<vmem>>, vector<1x16xf32>,
        %get3A_474 = vector.shape_cast %get3A_473 : vector<1x16xf32> to vector<16xf32>
        %mul3A_475 = arith.mulf %get3A_474, %gather3A_430 : vector<16xf32>
        %swap3A_476 = arith.index_cast %add3A_426 : i32 to index
        %swap3A_477 = arith.constant 64 : index
        %swap3A_478 = tpu.vector_load %arg14[%swap3A_476, %swap3A_477] {strides = array<i32>} : memref<128x128xf32, #tpu.memory_space<vmem>>, vector<1x16xf32>,
        %swap3A_479 = vector.shape_cast %swap3A_478 : vector<1x16xf32> to vector<16xf32>
        %swap3A_480 = vector.shape_cast %mul3A_475 : vector<16xf32> to vector<1x16xf32>
        tpu.vector_store %arg14[%swap3A_476, %swap3A_477], %swap3A_480 {strides = array<i32>} : memref<128x128xf32, #tpu.memory_space<vmem>>, vector<1x16xf32>,
        %get3A_481 = arith.index_cast %add3A_426 : i32 to index
        %get3A_482 = arith.constant 80 : index
        %get3A_483 = tpu.vector_load %arg14[%get3A_481, %get3A_482] {strides = array<i32>} : memref<128x128xf32, #tpu.memory_space<vmem>>, vector<1x16xf32>,
        %get3A_484 = vector.shape_cast %get3A_483 : vector<1x16xf32> to vector<16xf32>
        %mul3A_485 = arith.mulf %get3A_484, %gather3A_430 : vector<16xf32>
        %swap3A_486 = arith.index_cast %add3A_426 : i32 to index
        %swap3A_487 = arith.constant 80 : index
        %swap3A_488 = tpu.vector_load %arg14[%swap3A_486, %swap3A_487] {strides = array<i32>} : memref<128x128xf32, #tpu.memory_space<vmem>>, vector<1x16xf32>,
        %swap3A_489 = vector.shape_cast %swap3A_488 : vector<1x16xf32> to vector<16xf32>
        %swap3A_490 = vector.shape_cast %mul3A_485 : vector<16xf32> to vector<1x16xf32>
        tpu.vector_store %arg14[%swap3A_486, %swap3A_487], %swap3A_490 {strides = array<i32>} : memref<128x128xf32, #tpu.memory_space<vmem>>, vector<1x16xf32>,
        %get3A_491 = arith.index_cast %add3A_426 : i32 to index
        %get3A_492 = arith.constant 96 : index
        %get3A_493 = tpu.vector_load %arg14[%get3A_491, %get3A_492] {strides = array<i32>} : memref<128x128xf32, #tpu.memory_space<vmem>>, vector<1x16xf32>,
        %get3A_494 = vector.shape_cast %get3A_493 : vector<1x16xf32> to vector<16xf32>
        %mul3A_495 = arith.mulf %get3A_494, %gather3A_430 : vector<16xf32>
        %swap3A_496 = arith.index_cast %add3A_426 : i32 to index
        %swap3A_497 = arith.constant 96 : index
        %swap3A_498 = tpu.vector_load %arg14[%swap3A_496, %swap3A_497] {strides = array<i32>} : memref<128x128xf32, #tpu.memory_space<vmem>>, vector<1x16xf32>,
        %swap3A_499 = vector.shape_cast %swap3A_498 : vector<1x16xf32> to vector<16xf32>
        %swap3A_500 = vector.shape_cast %mul3A_495 : vector<16xf32> to vector<1x16xf32>
        tpu.vector_store %arg14[%swap3A_496, %swap3A_497], %swap3A_500 {strides = array<i32>} : memref<128x128xf32, #tpu.memory_space<vmem>>, vector<1x16xf32>,
        %get3A_501 = arith.index_cast %add3A_426 : i32 to index
        %get3A_502 = arith.constant 112 : index
        %get3A_503 = tpu.vector_load %arg14[%get3A_501, %get3A_502] {strides = array<i32>} : memref<128x128xf32, #tpu.memory_space<vmem>>, vector<1x16xf32>,
        %get3A_504 = vector.shape_cast %get3A_503 : vector<1x16xf32> to vector<16xf32>
        %mul3A_505 = arith.mulf %get3A_504, %gather3A_430 : vector<16xf32>
        %swap3A_506 = arith.index_cast %add3A_426 : i32 to index
        %swap3A_507 = arith.constant 112 : index
        %swap3A_508 = tpu.vector_load %arg14[%swap3A_506, %swap3A_507] {strides = array<i32>} : memref<128x128xf32, #tpu.memory_space<vmem>>, vector<1x16xf32>,
        %swap3A_509 = vector.shape_cast %swap3A_508 : vector<1x16xf32> to vector<16xf32>
        %swap3A_510 = vector.shape_cast %mul3A_505 : vector<16xf32> to vector<1x16xf32>
        tpu.vector_store %arg14[%swap3A_506, %swap3A_507], %swap3A_510 {strides = array<i32>} : memref<128x128xf32, #tpu.memory_space<vmem>>, vector<1x16xf32>,
        %mul3A_511 = arith.constant 16 : i32
        %mul3A_512 = arith.muli %scan3A_156, %mul3A_511 : i32
        %add3A_513 = arith.constant 4 : i32
        %add3A_514 = arith.addi %mul3A_512, %add3A_513 : i32
        %broadcast_in_dim3A_515 = arith.constant 4 : i32
        %broadcast_in_dim3A_516 = vector.broadcast %broadcast_in_dim3A_515 : i32 to vector<16x1xi32>
        %gather3A_517 = vector.shape_cast %broadcast_in_dim3A_516 : vector<16x1xi32> to vector<16xi32>
        %gather3A_518 = tpu.dynamic_gather %get3A_160[%gather3A_517] in [0] : vector<16xf32>, vector<16xi32> -> vector<16xf32>
        %get3A_519 = arith.index_cast %add3A_514 : i32 to index
        %get3A_520 = arith.constant 0 : index
        %get3A_521 = tpu.vector_load %arg14[%get3A_519, %get3A_520] {strides = array<i32>} : memref<128x128xf32, #tpu.memory_space<vmem>>, vector<1x16xf32>,
        %get3A_522 = vector.shape_cast %get3A_521 : vector<1x16xf32> to vector<16xf32>
        %mul3A_523 = arith.mulf %get3A_522, %gather3A_518 : vector<16xf32>
        %swap3A_524 = arith.index_cast %add3A_514 : i32 to index
        %swap3A_525 = arith.constant 0 : index
        %swap3A_526 = tpu.vector_load %arg14[%swap3A_524, %swap3A_525] {strides = array<i32>} : memref<128x128xf32, #tpu.memory_space<vmem>>, vector<1x16xf32>,
        %swap3A_527 = vector.shape_cast %swap3A_526 : vector<1x16xf32> to vector<16xf32>
        %swap3A_528 = vector.shape_cast %mul3A_523 : vector<16xf32> to vector<1x16xf32>
        tpu.vector_store %arg14[%swap3A_524, %swap3A_525], %swap3A_528 {strides = array<i32>} : memref<128x128xf32, #tpu.memory_space<vmem>>, vector<1x16xf32>,
        %get3A_529 = arith.index_cast %add3A_514 : i32 to index
        %get3A_530 = arith.constant 16 : index
        %get3A_531 = tpu.vector_load %arg14[%get3A_529, %get3A_530] {strides = array<i32>} : memref<128x128xf32, #tpu.memory_space<vmem>>, vector<1x16xf32>,
        %get3A_532 = vector.shape_cast %get3A_531 : vector<1x16xf32> to vector<16xf32>
        %mul3A_533 = arith.mulf %get3A_532, %gather3A_518 : vector<16xf32>
        %swap3A_534 = arith.index_cast %add3A_514 : i32 to index
        %swap3A_535 = arith.constant 16 : index
        %swap3A_536 = tpu.vector_load %arg14[%swap3A_534, %swap3A_535] {strides = array<i32>} : memref<128x128xf32, #tpu.memory_space<vmem>>, vector<1x16xf32>,
        %swap3A_537 = vector.shape_cast %swap3A_536 : vector<1x16xf32> to vector<16xf32>
        %swap3A_538 = vector.shape_cast %mul3A_533 : vector<16xf32> to vector<1x16xf32>
        tpu.vector_store %arg14[%swap3A_534, %swap3A_535], %swap3A_538 {strides = array<i32>} : memref<128x128xf32, #tpu.memory_space<vmem>>, vector<1x16xf32>,
        %get3A_539 = arith.index_cast %add3A_514 : i32 to index
        %get3A_540 = arith.constant 32 : index
        %get3A_541 = tpu.vector_load %arg14[%get3A_539, %get3A_540] {strides = array<i32>} : memref<128x128xf32, #tpu.memory_space<vmem>>, vector<1x16xf32>,
        %get3A_542 = vector.shape_cast %get3A_541 : vector<1x16xf32> to vector<16xf32>
        %mul3A_543 = arith.mulf %get3A_542, %gather3A_518 : vector<16xf32>
        %swap3A_544 = arith.index_cast %add3A_514 : i32 to index
        %swap3A_545 = arith.constant 32 : index
        %swap3A_546 = tpu.vector_load %arg14[%swap3A_544, %swap3A_545] {strides = array<i32>} : memref<128x128xf32, #tpu.memory_space<vmem>>, vector<1x16xf32>,
        %swap3A_547 = vector.shape_cast %swap3A_546 : vector<1x16xf32> to vector<16xf32>
        %swap3A_548 = vector.shape_cast %mul3A_543 : vector<16xf32> to vector<1x16xf32>
        tpu.vector_store %arg14[%swap3A_544, %swap3A_545], %swap3A_548 {strides = array<i32>} : memref<128x128xf32, #tpu.memory_space<vmem>>, vector<1x16xf32>,
        %get3A_549 = arith.index_cast %add3A_514 : i32 to index
        %get3A_550 = arith.constant 48 : index
        %get3A_551 = tpu.vector_load %arg14[%get3A_549, %get3A_550] {strides = array<i32>} : memref<128x128xf32, #tpu.memory_space<vmem>>, vector<1x16xf32>,
        %get3A_552 = vector.shape_cast %get3A_551 : vector<1x16xf32> to vector<16xf32>
        %mul3A_553 = arith.mulf %get3A_552, %gather3A_518 : vector<16xf32>
        %swap3A_554 = arith.index_cast %add3A_514 : i32 to index
        %swap3A_555 = arith.constant 48 : index
        %swap3A_556 = tpu.vector_load %arg14[%swap3A_554, %swap3A_555] {strides = array<i32>} : memref<128x128xf32, #tpu.memory_space<vmem>>, vector<1x16xf32>,
        %swap3A_557 = vector.shape_cast %swap3A_556 : vector<1x16xf32> to vector<16xf32>
        %swap3A_558 = vector.shape_cast %mul3A_553 : vector<16xf32> to vector<1x16xf32>
        tpu.vector_store %arg14[%swap3A_554, %swap3A_555], %swap3A_558 {strides = array<i32>} : memref<128x128xf32, #tpu.memory_space<vmem>>, vector<1x16xf32>,
        %get3A_559 = arith.index_cast %add3A_514 : i32 to index
        %get3A_560 = arith.constant 64 : index
        %get3A_561 = tpu.vector_load %arg14[%get3A_559, %get3A_560] {strides = array<i32>} : memref<128x128xf32, #tpu.memory_space<vmem>>, vector<1x16xf32>,
        %get3A_562 = vector.shape_cast %get3A_561 : vector<1x16xf32> to vector<16xf32>
        %mul3A_563 = arith.mulf %get3A_562, %gather3A_518 : vector<16xf32>
        %swap3A_564 = arith.index_cast %add3A_514 : i32 to index
        %swap3A_565 = arith.constant 64 : index
        %swap3A_566 = tpu.vector_load %arg14[%swap3A_564, %swap3A_565] {strides = array<i32>} : memref<128x128xf32, #tpu.memory_space<vmem>>, vector<1x16xf32>,
        %swap3A_567 = vector.shape_cast %swap3A_566 : vector<1x16xf32> to vector<16xf32>
        %swap3A_568 = vector.shape_cast %mul3A_563 : vector<16xf32> to vector<1x16xf32>
        tpu.vector_store %arg14[%swap3A_564, %swap3A_565], %swap3A_568 {strides = array<i32>} : memref<128x128xf32, #tpu.memory_space<vmem>>, vector<1x16xf32>,
        %get3A_569 = arith.index_cast %add3A_514 : i32 to index
        %get3A_570 = arith.constant 80 : index
        %get3A_571 = tpu.vector_load %arg14[%get3A_569, %get3A_570] {strides = array<i32>} : memref<128x128xf32, #tpu.memory_space<vmem>>, vector<1x16xf32>,
        %get3A_572 = vector.shape_cast %get3A_571 : vector<1x16xf32> to vector<16xf32>
        %mul3A_573 = arith.mulf %get3A_572, %gather3A_518 : vector<16xf32>
        %swap3A_574 = arith.index_cast %add3A_514 : i32 to index
        %swap3A_575 = arith.constant 80 : index
        %swap3A_576 = tpu.vector_load %arg14[%swap3A_574, %swap3A_575] {strides = array<i32>} : memref<128x128xf32, #tpu.memory_space<vmem>>, vector<1x16xf32>,
        %swap3A_577 = vector.shape_cast %swap3A_576 : vector<1x16xf32> to vector<16xf32>
        %swap3A_578 = vector.shape_cast %mul3A_573 : vector<16xf32> to vector<1x16xf32>
        tpu.vector_store %arg14[%swap3A_574, %swap3A_575], %swap3A_578 {strides = array<i32>} : memref<128x128xf32, #tpu.memory_space<vmem>>, vector<1x16xf32>,
        %get3A_579 = arith.index_cast %add3A_514 : i32 to index
        %get3A_580 = arith.constant 96 : index
        %get3A_581 = tpu.vector_load %arg14[%get3A_579, %get3A_580] {strides = array<i32>} : memref<128x128xf32, #tpu.memory_space<vmem>>, vector<1x16xf32>,
        %get3A_582 = vector.shape_cast %get3A_581 : vector<1x16xf32> to vector<16xf32>
        %mul3A_583 = arith.mulf %get3A_582, %gather3A_518 : vector<16xf32>
        %swap3A_584 = arith.index_cast %add3A_514 : i32 to index
        %swap3A_585 = arith.constant 96 : index
        %swap3A_586 = tpu.vector_load %arg14[%swap3A_584, %swap3A_585] {strides = array<i32>} : memref<128x128xf32, #tpu.memory_space<vmem>>, vector<1x16xf32>,
        %swap3A_587 = vector.shape_cast %swap3A_586 : vector<1x16xf32> to vector<16xf32>
        %swap3A_588 = vector.shape_cast %mul3A_583 : vector<16xf32> to vector<1x16xf32>
        tpu.vector_store %arg14[%swap3A_584, %swap3A_585], %swap3A_588 {strides = array<i32>} : memref<128x128xf32, #tpu.memory_space<vmem>>, vector<1x16xf32>,
        %get3A_589 = arith.index_cast %add3A_514 : i32 to index
        %get3A_590 = arith.constant 112 : index
        %get3A_591 = tpu.vector_load %arg14[%get3A_589, %get3A_590] {strides = array<i32>} : memref<128x128xf32, #tpu.memory_space<vmem>>, vector<1x16xf32>,
        %get3A_592 = vector.shape_cast %get3A_591 : vector<1x16xf32> to vector<16xf32>
        %mul3A_593 = arith.mulf %get3A_592, %gather3A_518 : vector<16xf32>
        %swap3A_594 = arith.index_cast %add3A_514 : i32 to index
        %swap3A_595 = arith.constant 112 : index
        %swap3A_596 = tpu.vector_load %arg14[%swap3A_594, %swap3A_595] {strides = array<i32>} : memref<128x128xf32, #tpu.memory_space<vmem>>, vector<1x16xf32>,
        %swap3A_597 = vector.shape_cast %swap3A_596 : vector<1x16xf32> to vector<16xf32>
        %swap3A_598 = vector.shape_cast %mul3A_593 : vector<16xf32> to vector<1x16xf32>
        tpu.vector_store %arg14[%swap3A_594, %swap3A_595], %swap3A_598 {strides = array<i32>} : memref<128x128xf32, #tpu.memory_space<vmem>>, vector<1x16xf32>,
        %mul3A_599 = arith.constant 16 : i32
        %mul3A_600 = arith.muli %scan3A_156, %mul3A_599 : i32
        %add3A_601 = arith.constant 5 : i32
        %add3A_602 = arith.addi %mul3A_600, %add3A_601 : i32
        %broadcast_in_dim3A_603 = arith.constant 5 : i32
        %broadcast_in_dim3A_604 = vector.broadcast %broadcast_in_dim3A_603 : i32 to vector<16x1xi32>
        %gather3A_605 = vector.shape_cast %broadcast_in_dim3A_604 : vector<16x1xi32> to vector<16xi32>
        %gather3A_606 = tpu.dynamic_gather %get3A_160[%gather3A_605] in [0] : vector<16xf32>, vector<16xi32> -> vector<16xf32>
        %get3A_607 = arith.index_cast %add3A_602 : i32 to index
        %get3A_608 = arith.constant 0 : index
        %get3A_609 = tpu.vector_load %arg14[%get3A_607, %get3A_608] {strides = array<i32>} : memref<128x128xf32, #tpu.memory_space<vmem>>, vector<1x16xf32>,
        %get3A_610 = vector.shape_cast %get3A_609 : vector<1x16xf32> to vector<16xf32>
        %mul3A_611 = arith.mulf %get3A_610, %gather3A_606 : vector<16xf32>
        %swap3A_612 = arith.index_cast %add3A_602 : i32 to index
        %swap3A_613 = arith.constant 0 : index
        %swap3A_614 = tpu.vector_load %arg14[%swap3A_612, %swap3A_613] {strides = array<i32>} : memref<128x128xf32, #tpu.memory_space<vmem>>, vector<1x16xf32>,
        %swap3A_615 = vector.shape_cast %swap3A_614 : vector<1x16xf32> to vector<16xf32>
        %swap3A_616 = vector.shape_cast %mul3A_611 : vector<16xf32> to vector<1x16xf32>
        tpu.vector_store %arg14[%swap3A_612, %swap3A_613], %swap3A_616 {strides = array<i32>} : memref<128x128xf32, #tpu.memory_space<vmem>>, vector<1x16xf32>,
        %get3A_617 = arith.index_cast %add3A_602 : i32 to index
        %get3A_618 = arith.constant 16 : index
        %get3A_619 = tpu.vector_load %arg14[%get3A_617, %get3A_618] {strides = array<i32>} : memref<128x128xf32, #tpu.memory_space<vmem>>, vector<1x16xf32>,
        %get3A_620 = vector.shape_cast %get3A_619 : vector<1x16xf32> to vector<16xf32>
        %mul3A_621 = arith.mulf %get3A_620, %gather3A_606 : vector<16xf32>
        %swap3A_622 = arith.index_cast %add3A_602 : i32 to index
        %swap3A_623 = arith.constant 16 : index
        %swap3A_624 = tpu.vector_load %arg14[%swap3A_622, %swap3A_623] {strides = array<i32>} : memref<128x128xf32, #tpu.memory_space<vmem>>, vector<1x16xf32>,
        %swap3A_625 = vector.shape_cast %swap3A_624 : vector<1x16xf32> to vector<16xf32>
        %swap3A_626 = vector.shape_cast %mul3A_621 : vector<16xf32> to vector<1x16xf32>
        tpu.vector_store %arg14[%swap3A_622, %swap3A_623], %swap3A_626 {strides = array<i32>} : memref<128x128xf32, #tpu.memory_space<vmem>>, vector<1x16xf32>,
        %get3A_627 = arith.index_cast %add3A_602 : i32 to index
        %get3A_628 = arith.constant 32 : index
        %get3A_629 = tpu.vector_load %arg14[%get3A_627, %get3A_628] {strides = array<i32>} : memref<128x128xf32, #tpu.memory_space<vmem>>, vector<1x16xf32>,
        %get3A_630 = vector.shape_cast %get3A_629 : vector<1x16xf32> to vector<16xf32>
        %mul3A_631 = arith.mulf %get3A_630, %gather3A_606 : vector<16xf32>
        %swap3A_632 = arith.index_cast %add3A_602 : i32 to index
        %swap3A_633 = arith.constant 32 : index
        %swap3A_634 = tpu.vector_load %arg14[%swap3A_632, %swap3A_633] {strides = array<i32>} : memref<128x128xf32, #tpu.memory_space<vmem>>, vector<1x16xf32>,
        %swap3A_635 = vector.shape_cast %swap3A_634 : vector<1x16xf32> to vector<16xf32>
        %swap3A_636 = vector.shape_cast %mul3A_631 : vector<16xf32> to vector<1x16xf32>
        tpu.vector_store %arg14[%swap3A_632, %swap3A_633], %swap3A_636 {strides = array<i32>} : memref<128x128xf32, #tpu.memory_space<vmem>>, vector<1x16xf32>,
        %get3A_637 = arith.index_cast %add3A_602 : i32 to index
        %get3A_638 = arith.constant 48 : index
        %get3A_639 = tpu.vector_load %arg14[%get3A_637, %get3A_638] {strides = array<i32>} : memref<128x128xf32, #tpu.memory_space<vmem>>, vector<1x16xf32>,
        %get3A_640 = vector.shape_cast %get3A_639 : vector<1x16xf32> to vector<16xf32>
        %mul3A_641 = arith.mulf %get3A_640, %gather3A_606 : vector<16xf32>
        %swap3A_642 = arith.index_cast %add3A_602 : i32 to index
        %swap3A_643 = arith.constant 48 : index
        %swap3A_644 = tpu.vector_load %arg14[%swap3A_642, %swap3A_643] {strides = array<i32>} : memref<128x128xf32, #tpu.memory_space<vmem>>, vector<1x16xf32>,
        %swap3A_645 = vector.shape_cast %swap3A_644 : vector<1x16xf32> to vector<16xf32>
        %swap3A_646 = vector.shape_cast %mul3A_641 : vector<16xf32> to vector<1x16xf32>
        tpu.vector_store %arg14[%swap3A_642, %swap3A_643], %swap3A_646 {strides = array<i32>} : memref<128x128xf32, #tpu.memory_space<vmem>>, vector<1x16xf32>,
        %get3A_647 = arith.index_cast %add3A_602 : i32 to index
        %get3A_648 = arith.constant 64 : index
        %get3A_649 = tpu.vector_load %arg14[%get3A_647, %get3A_648] {strides = array<i32>} : memref<128x128xf32, #tpu.memory_space<vmem>>, vector<1x16xf32>,
        %get3A_650 = vector.shape_cast %get3A_649 : vector<1x16xf32> to vector<16xf32>
        %mul3A_651 = arith.mulf %get3A_650, %gather3A_606 : vector<16xf32>
        %swap3A_652 = arith.index_cast %add3A_602 : i32 to index
        %swap3A_653 = arith.constant 64 : index
        %swap3A_654 = tpu.vector_load %arg14[%swap3A_652, %swap3A_653] {strides = array<i32>} : memref<128x128xf32, #tpu.memory_space<vmem>>, vector<1x16xf32>,
        %swap3A_655 = vector.shape_cast %swap3A_654 : vector<1x16xf32> to vector<16xf32>
        %swap3A_656 = vector.shape_cast %mul3A_651 : vector<16xf32> to vector<1x16xf32>
        tpu.vector_store %arg14[%swap3A_652, %swap3A_653], %swap3A_656 {strides = array<i32>} : memref<128x128xf32, #tpu.memory_space<vmem>>, vector<1x16xf32>,
        %get3A_657 = arith.index_cast %add3A_602 : i32 to index
        %get3A_658 = arith.constant 80 : index
        %get3A_659 = tpu.vector_load %arg14[%get3A_657, %get3A_658] {strides = array<i32>} : memref<128x128xf32, #tpu.memory_space<vmem>>, vector<1x16xf32>,
        %get3A_660 = vector.shape_cast %get3A_659 : vector<1x16xf32> to vector<16xf32>
        %mul3A_661 = arith.mulf %get3A_660, %gather3A_606 : vector<16xf32>
        %swap3A_662 = arith.index_cast %add3A_602 : i32 to index
        %swap3A_663 = arith.constant 80 : index
        %swap3A_664 = tpu.vector_load %arg14[%swap3A_662, %swap3A_663] {strides = array<i32>} : memref<128x128xf32, #tpu.memory_space<vmem>>, vector<1x16xf32>,
        %swap3A_665 = vector.shape_cast %swap3A_664 : vector<1x16xf32> to vector<16xf32>
        %swap3A_666 = vector.shape_cast %mul3A_661 : vector<16xf32> to vector<1x16xf32>
        tpu.vector_store %arg14[%swap3A_662, %swap3A_663], %swap3A_666 {strides = array<i32>} : memref<128x128xf32, #tpu.memory_space<vmem>>, vector<1x16xf32>,
        %get3A_667 = arith.index_cast %add3A_602 : i32 to index
        %get3A_668 = arith.constant 96 : index
        %get3A_669 = tpu.vector_load %arg14[%get3A_667, %get3A_668] {strides = array<i32>} : memref<128x128xf32, #tpu.memory_space<vmem>>, vector<1x16xf32>,
        %get3A_670 = vector.shape_cast %get3A_669 : vector<1x16xf32> to vector<16xf32>
        %mul3A_671 = arith.mulf %get3A_670, %gather3A_606 : vector<16xf32>
        %swap3A_672 = arith.index_cast %add3A_602 : i32 to index
        %swap3A_673 = arith.constant 96 : index
        %swap3A_674 = tpu.vector_load %arg14[%swap3A_672, %swap3A_673] {strides = array<i32>} : memref<128x128xf32, #tpu.memory_space<vmem>>, vector<1x16xf32>,
        %swap3A_675 = vector.shape_cast %swap3A_674 : vector<1x16xf32> to vector<16xf32>
        %swap3A_676 = vector.shape_cast %mul3A_671 : vector<16xf32> to vector<1x16xf32>
        tpu.vector_store %arg14[%swap3A_672, %swap3A_673], %swap3A_676 {strides = array<i32>} : memref<128x128xf32, #tpu.memory_space<vmem>>, vector<1x16xf32>,
        %get3A_677 = arith.index_cast %add3A_602 : i32 to index
        %get3A_678 = arith.constant 112 : index
        %get3A_679 = tpu.vector_load %arg14[%get3A_677, %get3A_678] {strides = array<i32>} : memref<128x128xf32, #tpu.memory_space<vmem>>, vector<1x16xf32>,
        %get3A_680 = vector.shape_cast %get3A_679 : vector<1x16xf32> to vector<16xf32>
        %mul3A_681 = arith.mulf %get3A_680, %gather3A_606 : vector<16xf32>
        %swap3A_682 = arith.index_cast %add3A_602 : i32 to index
        %swap3A_683 = arith.constant 112 : index
        %swap3A_684 = tpu.vector_load %arg14[%swap3A_682, %swap3A_683] {strides = array<i32>} : memref<128x128xf32, #tpu.memory_space<vmem>>, vector<1x16xf32>,
        %swap3A_685 = vector.shape_cast %swap3A_684 : vector<1x16xf32> to vector<16xf32>
        %swap3A_686 = vector.shape_cast %mul3A_681 : vector<16xf32> to vector<1x16xf32>
        tpu.vector_store %arg14[%swap3A_682, %swap3A_683], %swap3A_686 {strides = array<i32>} : memref<128x128xf32, #tpu.memory_space<vmem>>, vector<1x16xf32>,
        %mul3A_687 = arith.constant 16 : i32
        %mul3A_688 = arith.muli %scan3A_156, %mul3A_687 : i32
        %add3A_689 = arith.constant 6 : i32
        %add3A_690 = arith.addi %mul3A_688, %add3A_689 : i32
        %broadcast_in_dim3A_691 = arith.constant 6 : i32
        %broadcast_in_dim3A_692 = vector.broadcast %broadcast_in_dim3A_691 : i32 to vector<16x1xi32>
        %gather3A_693 = vector.shape_cast %broadcast_in_dim3A_692 : vector<16x1xi32> to vector<16xi32>
        %gather3A_694 = tpu.dynamic_gather %get3A_160[%gather3A_693] in [0] : vector<16xf32>, vector<16xi32> -> vector<16xf32>
        %get3A_695 = arith.index_cast %add3A_690 : i32 to index
        %get3A_696 = arith.constant 0 : index
        %get3A_697 = tpu.vector_load %arg14[%get3A_695, %get3A_696] {strides = array<i32>} : memref<128x128xf32, #tpu.memory_space<vmem>>, vector<1x16xf32>,
        %get3A_698 = vector.shape_cast %get3A_697 : vector<1x16xf32> to vector<16xf32>
        %mul3A_699 = arith.mulf %get3A_698, %gather3A_694 : vector<16xf32>
        %swap3A_700 = arith.index_cast %add3A_690 : i32 to index
        %swap3A_701 = arith.constant 0 : index
        %swap3A_702 = tpu.vector_load %arg14[%swap3A_700, %swap3A_701] {strides = array<i32>} : memref<128x128xf32, #tpu.memory_space<vmem>>, vector<1x16xf32>,
        %swap3A_703 = vector.shape_cast %swap3A_702 : vector<1x16xf32> to vector<16xf32>
        %swap3A_704 = vector.shape_cast %mul3A_699 : vector<16xf32> to vector<1x16xf32>
        tpu.vector_store %arg14[%swap3A_700, %swap3A_701], %swap3A_704 {strides = array<i32>} : memref<128x128xf32, #tpu.memory_space<vmem>>, vector<1x16xf32>,
        %get3A_705 = arith.index_cast %add3A_690 : i32 to index
        %get3A_706 = arith.constant 16 : index
        %get3A_707 = tpu.vector_load %arg14[%get3A_705, %get3A_706] {strides = array<i32>} : memref<128x128xf32, #tpu.memory_space<vmem>>, vector<1x16xf32>,
        %get3A_708 = vector.shape_cast %get3A_707 : vector<1x16xf32> to vector<16xf32>
        %mul3A_709 = arith.mulf %get3A_708, %gather3A_694 : vector<16xf32>
        %swap3A_710 = arith.index_cast %add3A_690 : i32 to index
        %swap3A_711 = arith.constant 16 : index
        %swap3A_712 = tpu.vector_load %arg14[%swap3A_710, %swap3A_711] {strides = array<i32>} : memref<128x128xf32, #tpu.memory_space<vmem>>, vector<1x16xf32>,
        %swap3A_713 = vector.shape_cast %swap3A_712 : vector<1x16xf32> to vector<16xf32>
        %swap3A_714 = vector.shape_cast %mul3A_709 : vector<16xf32> to vector<1x16xf32>
        tpu.vector_store %arg14[%swap3A_710, %swap3A_711], %swap3A_714 {strides = array<i32>} : memref<128x128xf32, #tpu.memory_space<vmem>>, vector<1x16xf32>,
        %get3A_715 = arith.index_cast %add3A_690 : i32 to index
        %get3A_716 = arith.constant 32 : index
        %get3A_717 = tpu.vector_load %arg14[%get3A_715, %get3A_716] {strides = array<i32>} : memref<128x128xf32, #tpu.memory_space<vmem>>, vector<1x16xf32>,
        %get3A_718 = vector.shape_cast %get3A_717 : vector<1x16xf32> to vector<16xf32>
        %mul3A_719 = arith.mulf %get3A_718, %gather3A_694 : vector<16xf32>
        %swap3A_720 = arith.index_cast %add3A_690 : i32 to index
        %swap3A_721 = arith.constant 32 : index
        %swap3A_722 = tpu.vector_load %arg14[%swap3A_720, %swap3A_721] {strides = array<i32>} : memref<128x128xf32, #tpu.memory_space<vmem>>, vector<1x16xf32>,
        %swap3A_723 = vector.shape_cast %swap3A_722 : vector<1x16xf32> to vector<16xf32>
        %swap3A_724 = vector.shape_cast %mul3A_719 : vector<16xf32> to vector<1x16xf32>
        tpu.vector_store %arg14[%swap3A_720, %swap3A_721], %swap3A_724 {strides = array<i32>} : memref<128x128xf32, #tpu.memory_space<vmem>>, vector<1x16xf32>,
        %get3A_725 = arith.index_cast %add3A_690 : i32 to index
        %get3A_726 = arith.constant 48 : index
        %get3A_727 = tpu.vector_load %arg14[%get3A_725, %get3A_726] {strides = array<i32>} : memref<128x128xf32, #tpu.memory_space<vmem>>, vector<1x16xf32>,
        %get3A_728 = vector.shape_cast %get3A_727 : vector<1x16xf32> to vector<16xf32>
        %mul3A_729 = arith.mulf %get3A_728, %gather3A_694 : vector<16xf32>
        %swap3A_730 = arith.index_cast %add3A_690 : i32 to index
        %swap3A_731 = arith.constant 48 : index
        %swap3A_732 = tpu.vector_load %arg14[%swap3A_730, %swap3A_731] {strides = array<i32>} : memref<128x128xf32, #tpu.memory_space<vmem>>, vector<1x16xf32>,
        %swap3A_733 = vector.shape_cast %swap3A_732 : vector<1x16xf32> to vector<16xf32>
        %swap3A_734 = vector.shape_cast %mul3A_729 : vector<16xf32> to vector<1x16xf32>
        tpu.vector_store %arg14[%swap3A_730, %swap3A_731], %swap3A_734 {strides = array<i32>} : memref<128x128xf32, #tpu.memory_space<vmem>>, vector<1x16xf32>,
        %get3A_735 = arith.index_cast %add3A_690 : i32 to index
        %get3A_736 = arith.constant 64 : index
        %get3A_737 = tpu.vector_load %arg14[%get3A_735, %get3A_736] {strides = array<i32>} : memref<128x128xf32, #tpu.memory_space<vmem>>, vector<1x16xf32>,
        %get3A_738 = vector.shape_cast %get3A_737 : vector<1x16xf32> to vector<16xf32>
        %mul3A_739 = arith.mulf %get3A_738, %gather3A_694 : vector<16xf32>
        %swap3A_740 = arith.index_cast %add3A_690 : i32 to index
        %swap3A_741 = arith.constant 64 : index
        %swap3A_742 = tpu.vector_load %arg14[%swap3A_740, %swap3A_741] {strides = array<i32>} : memref<128x128xf32, #tpu.memory_space<vmem>>, vector<1x16xf32>,
        %swap3A_743 = vector.shape_cast %swap3A_742 : vector<1x16xf32> to vector<16xf32>
        %swap3A_744 = vector.shape_cast %mul3A_739 : vector<16xf32> to vector<1x16xf32>
        tpu.vector_store %arg14[%swap3A_740, %swap3A_741], %swap3A_744 {strides = array<i32>} : memref<128x128xf32, #tpu.memory_space<vmem>>, vector<1x16xf32>,
        %get3A_745 = arith.index_cast %add3A_690 : i32 to index
        %get3A_746 = arith.constant 80 : index
        %get3A_747 = tpu.vector_load %arg14[%get3A_745, %get3A_746] {strides = array<i32>} : memref<128x128xf32, #tpu.memory_space<vmem>>, vector<1x16xf32>,
        %get3A_748 = vector.shape_cast %get3A_747 : vector<1x16xf32> to vector<16xf32>
        %mul3A_749 = arith.mulf %get3A_748, %gather3A_694 : vector<16xf32>
        %swap3A_750 = arith.index_cast %add3A_690 : i32 to index
        %swap3A_751 = arith.constant 80 : index
        %swap3A_752 = tpu.vector_load %arg14[%swap3A_750, %swap3A_751] {strides = array<i32>} : memref<128x128xf32, #tpu.memory_space<vmem>>, vector<1x16xf32>,
        %swap3A_753 = vector.shape_cast %swap3A_752 : vector<1x16xf32> to vector<16xf32>
        %swap3A_754 = vector.shape_cast %mul3A_749 : vector<16xf32> to vector<1x16xf32>
        tpu.vector_store %arg14[%swap3A_750, %swap3A_751], %swap3A_754 {strides = array<i32>} : memref<128x128xf32, #tpu.memory_space<vmem>>, vector<1x16xf32>,
        %get3A_755 = arith.index_cast %add3A_690 : i32 to index
        %get3A_756 = arith.constant 96 : index
        %get3A_757 = tpu.vector_load %arg14[%get3A_755, %get3A_756] {strides = array<i32>} : memref<128x128xf32, #tpu.memory_space<vmem>>, vector<1x16xf32>,
        %get3A_758 = vector.shape_cast %get3A_757 : vector<1x16xf32> to vector<16xf32>
        %mul3A_759 = arith.mulf %get3A_758, %gather3A_694 : vector<16xf32>
        %swap3A_760 = arith.index_cast %add3A_690 : i32 to index
        %swap3A_761 = arith.constant 96 : index
        %swap3A_762 = tpu.vector_load %arg14[%swap3A_760, %swap3A_761] {strides = array<i32>} : memref<128x128xf32, #tpu.memory_space<vmem>>, vector<1x16xf32>,
        %swap3A_763 = vector.shape_cast %swap3A_762 : vector<1x16xf32> to vector<16xf32>
        %swap3A_764 = vector.shape_cast %mul3A_759 : vector<16xf32> to vector<1x16xf32>
        tpu.vector_store %arg14[%swap3A_760, %swap3A_761], %swap3A_764 {strides = array<i32>} : memref<128x128xf32, #tpu.memory_space<vmem>>, vector<1x16xf32>,
        %get3A_765 = arith.index_cast %add3A_690 : i32 to index
        %get3A_766 = arith.constant 112 : index
        %get3A_767 = tpu.vector_load %arg14[%get3A_765, %get3A_766] {strides = array<i32>} : memref<128x128xf32, #tpu.memory_space<vmem>>, vector<1x16xf32>,
        %get3A_768 = vector.shape_cast %get3A_767 : vector<1x16xf32> to vector<16xf32>
        %mul3A_769 = arith.mulf %get3A_768, %gather3A_694 : vector<16xf32>
        %swap3A_770 = arith.index_cast %add3A_690 : i32 to index
        %swap3A_771 = arith.constant 112 : index
        %swap3A_772 = tpu.vector_load %arg14[%swap3A_770, %swap3A_771] {strides = array<i32>} : memref<128x128xf32, #tpu.memory_space<vmem>>, vector<1x16xf32>,
        %swap3A_773 = vector.shape_cast %swap3A_772 : vector<1x16xf32> to vector<16xf32>
        %swap3A_774 = vector.shape_cast %mul3A_769 : vector<16xf32> to vector<1x16xf32>
        tpu.vector_store %arg14[%swap3A_770, %swap3A_771], %swap3A_774 {strides = array<i32>} : memref<128x128xf32, #tpu.memory_space<vmem>>, vector<1x16xf32>,
        %mul3A_775 = arith.constant 16 : i32
        %mul3A_776 = arith.muli %scan3A_156, %mul3A_775 : i32
        %add3A_777 = arith.constant 7 : i32
        %add3A_778 = arith.addi %mul3A_776, %add3A_777 : i32
        %broadcast_in_dim3A_779 = arith.constant 7 : i32
        %broadcast_in_dim3A_780 = vector.broadcast %broadcast_in_dim3A_779 : i32 to vector<16x1xi32>
        %gather3A_781 = vector.shape_cast %broadcast_in_dim3A_780 : vector<16x1xi32> to vector<16xi32>
        %gather3A_782 = tpu.dynamic_gather %get3A_160[%gather3A_781] in [0] : vector<16xf32>, vector<16xi32> -> vector<16xf32>
        %get3A_783 = arith.index_cast %add3A_778 : i32 to index
        %get3A_784 = arith.constant 0 : index
        %get3A_785 = tpu.vector_load %arg14[%get3A_783, %get3A_784] {strides = array<i32>} : memref<128x128xf32, #tpu.memory_space<vmem>>, vector<1x16xf32>,
        %get3A_786 = vector.shape_cast %get3A_785 : vector<1x16xf32> to vector<16xf32>
        %mul3A_787 = arith.mulf %get3A_786, %gather3A_782 : vector<16xf32>
        %swap3A_788 = arith.index_cast %add3A_778 : i32 to index
        %swap3A_789 = arith.constant 0 : index
        %swap3A_790 = tpu.vector_load %arg14[%swap3A_788, %swap3A_789] {strides = array<i32>} : memref<128x128xf32, #tpu.memory_space<vmem>>, vector<1x16xf32>,
        %swap3A_791 = vector.shape_cast %swap3A_790 : vector<1x16xf32> to vector<16xf32>
        %swap3A_792 = vector.shape_cast %mul3A_787 : vector<16xf32> to vector<1x16xf32>
        tpu.vector_store %arg14[%swap3A_788, %swap3A_789], %swap3A_792 {strides = array<i32>} : memref<128x128xf32, #tpu.memory_space<vmem>>, vector<1x16xf32>,
        %get3A_793 = arith.index_cast %add3A_778 : i32 to index
        %get3A_794 = arith.constant 16 : index
        %get3A_795 = tpu.vector_load %arg14[%get3A_793, %get3A_794] {strides = array<i32>} : memref<128x128xf32, #tpu.memory_space<vmem>>, vector<1x16xf32>,
        %get3A_796 = vector.shape_cast %get3A_795 : vector<1x16xf32> to vector<16xf32>
        %mul3A_797 = arith.mulf %get3A_796, %gather3A_782 : vector<16xf32>
        %swap3A_798 = arith.index_cast %add3A_778 : i32 to index
        %swap3A_799 = arith.constant 16 : index
        %swap3A_800 = tpu.vector_load %arg14[%swap3A_798, %swap3A_799] {strides = array<i32>} : memref<128x128xf32, #tpu.memory_space<vmem>>, vector<1x16xf32>,
        %swap3A_801 = vector.shape_cast %swap3A_800 : vector<1x16xf32> to vector<16xf32>
        %swap3A_802 = vector.shape_cast %mul3A_797 : vector<16xf32> to vector<1x16xf32>
        tpu.vector_store %arg14[%swap3A_798, %swap3A_799], %swap3A_802 {strides = array<i32>} : memref<128x128xf32, #tpu.memory_space<vmem>>, vector<1x16xf32>,
        %get3A_803 = arith.index_cast %add3A_778 : i32 to index
        %get3A_804 = arith.constant 32 : index
        %get3A_805 = tpu.vector_load %arg14[%get3A_803, %get3A_804] {strides = array<i32>} : memref<128x128xf32, #tpu.memory_space<vmem>>, vector<1x16xf32>,
        %get3A_806 = vector.shape_cast %get3A_805 : vector<1x16xf32> to vector<16xf32>
        %mul3A_807 = arith.mulf %get3A_806, %gather3A_782 : vector<16xf32>
        %swap3A_808 = arith.index_cast %add3A_778 : i32 to index
        %swap3A_809 = arith.constant 32 : index
        %swap3A_810 = tpu.vector_load %arg14[%swap3A_808, %swap3A_809] {strides = array<i32>} : memref<128x128xf32, #tpu.memory_space<vmem>>, vector<1x16xf32>,
        %swap3A_811 = vector.shape_cast %swap3A_810 : vector<1x16xf32> to vector<16xf32>
        %swap3A_812 = vector.shape_cast %mul3A_807 : vector<16xf32> to vector<1x16xf32>
        tpu.vector_store %arg14[%swap3A_808, %swap3A_809], %swap3A_812 {strides = array<i32>} : memref<128x128xf32, #tpu.memory_space<vmem>>, vector<1x16xf32>,
        %get3A_813 = arith.index_cast %add3A_778 : i32 to index
        %get3A_814 = arith.constant 48 : index
        %get3A_815 = tpu.vector_load %arg14[%get3A_813, %get3A_814] {strides = array<i32>} : memref<128x128xf32, #tpu.memory_space<vmem>>, vector<1x16xf32>,
        %get3A_816 = vector.shape_cast %get3A_815 : vector<1x16xf32> to vector<16xf32>
        %mul3A_817 = arith.mulf %get3A_816, %gather3A_782 : vector<16xf32>
        %swap3A_818 = arith.index_cast %add3A_778 : i32 to index
        %swap3A_819 = arith.constant 48 : index
        %swap3A_820 = tpu.vector_load %arg14[%swap3A_818, %swap3A_819] {strides = array<i32>} : memref<128x128xf32, #tpu.memory_space<vmem>>, vector<1x16xf32>,
        %swap3A_821 = vector.shape_cast %swap3A_820 : vector<1x16xf32> to vector<16xf32>
        %swap3A_822 = vector.shape_cast %mul3A_817 : vector<16xf32> to vector<1x16xf32>
        tpu.vector_store %arg14[%swap3A_818, %swap3A_819], %swap3A_822 {strides = array<i32>} : memref<128x128xf32, #tpu.memory_space<vmem>>, vector<1x16xf32>,
        %get3A_823 = arith.index_cast %add3A_778 : i32 to index
        %get3A_824 = arith.constant 64 : index
        %get3A_825 = tpu.vector_load %arg14[%get3A_823, %get3A_824] {strides = array<i32>} : memref<128x128xf32, #tpu.memory_space<vmem>>, vector<1x16xf32>,
        %get3A_826 = vector.shape_cast %get3A_825 : vector<1x16xf32> to vector<16xf32>
        %mul3A_827 = arith.mulf %get3A_826, %gather3A_782 : vector<16xf32>
        %swap3A_828 = arith.index_cast %add3A_778 : i32 to index
        %swap3A_829 = arith.constant 64 : index
        %swap3A_830 = tpu.vector_load %arg14[%swap3A_828, %swap3A_829] {strides = array<i32>} : memref<128x128xf32, #tpu.memory_space<vmem>>, vector<1x16xf32>,
        %swap3A_831 = vector.shape_cast %swap3A_830 : vector<1x16xf32> to vector<16xf32>
        %swap3A_832 = vector.shape_cast %mul3A_827 : vector<16xf32> to vector<1x16xf32>
        tpu.vector_store %arg14[%swap3A_828, %swap3A_829], %swap3A_832 {strides = array<i32>} : memref<128x128xf32, #tpu.memory_space<vmem>>, vector<1x16xf32>,
        %get3A_833 = arith.index_cast %add3A_778 : i32 to index
        %get3A_834 = arith.constant 80 : index
        %get3A_835 = tpu.vector_load %arg14[%get3A_833, %get3A_834] {strides = array<i32>} : memref<128x128xf32, #tpu.memory_space<vmem>>, vector<1x16xf32>,
        %get3A_836 = vector.shape_cast %get3A_835 : vector<1x16xf32> to vector<16xf32>
        %mul3A_837 = arith.mulf %get3A_836, %gather3A_782 : vector<16xf32>
        %swap3A_838 = arith.index_cast %add3A_778 : i32 to index
        %swap3A_839 = arith.constant 80 : index
        %swap3A_840 = tpu.vector_load %arg14[%swap3A_838, %swap3A_839] {strides = array<i32>} : memref<128x128xf32, #tpu.memory_space<vmem>>, vector<1x16xf32>,
        %swap3A_841 = vector.shape_cast %swap3A_840 : vector<1x16xf32> to vector<16xf32>
        %swap3A_842 = vector.shape_cast %mul3A_837 : vector<16xf32> to vector<1x16xf32>
        tpu.vector_store %arg14[%swap3A_838, %swap3A_839], %swap3A_842 {strides = array<i32>} : memref<128x128xf32, #tpu.memory_space<vmem>>, vector<1x16xf32>,
        %get3A_843 = arith.index_cast %add3A_778 : i32 to index
        %get3A_844 = arith.constant 96 : index
        %get3A_845 = tpu.vector_load %arg14[%get3A_843, %get3A_844] {strides = array<i32>} : memref<128x128xf32, #tpu.memory_space<vmem>>, vector<1x16xf32>,
        %get3A_846 = vector.shape_cast %get3A_845 : vector<1x16xf32> to vector<16xf32>
        %mul3A_847 = arith.mulf %get3A_846, %gather3A_782 : vector<16xf32>
        %swap3A_848 = arith.index_cast %add3A_778 : i32 to index
        %swap3A_849 = arith.constant 96 : index
        %swap3A_850 = tpu.vector_load %arg14[%swap3A_848, %swap3A_849] {strides = array<i32>} : memref<128x128xf32, #tpu.memory_space<vmem>>, vector<1x16xf32>,
        %swap3A_851 = vector.shape_cast %swap3A_850 : vector<1x16xf32> to vector<16xf32>
        %swap3A_852 = vector.shape_cast %mul3A_847 : vector<16xf32> to vector<1x16xf32>
        tpu.vector_store %arg14[%swap3A_848, %swap3A_849], %swap3A_852 {strides = array<i32>} : memref<128x128xf32, #tpu.memory_space<vmem>>, vector<1x16xf32>,
        %get3A_853 = arith.index_cast %add3A_778 : i32 to index
        %get3A_854 = arith.constant 112 : index
        %get3A_855 = tpu.vector_load %arg14[%get3A_853, %get3A_854] {strides = array<i32>} : memref<128x128xf32, #tpu.memory_space<vmem>>, vector<1x16xf32>,
        %get3A_856 = vector.shape_cast %get3A_855 : vector<1x16xf32> to vector<16xf32>
        %mul3A_857 = arith.mulf %get3A_856, %gather3A_782 : vector<16xf32>
        %swap3A_858 = arith.index_cast %add3A_778 : i32 to index
        %swap3A_859 = arith.constant 112 : index
        %swap3A_860 = tpu.vector_load %arg14[%swap3A_858, %swap3A_859] {strides = array<i32>} : memref<128x128xf32, #tpu.memory_space<vmem>>, vector<1x16xf32>,
        %swap3A_861 = vector.shape_cast %swap3A_860 : vector<1x16xf32> to vector<16xf32>
        %swap3A_862 = vector.shape_cast %mul3A_857 : vector<16xf32> to vector<1x16xf32>
        tpu.vector_store %arg14[%swap3A_858, %swap3A_859], %swap3A_862 {strides = array<i32>} : memref<128x128xf32, #tpu.memory_space<vmem>>, vector<1x16xf32>,
        %mul3A_863 = arith.constant 16 : i32
        %mul3A_864 = arith.muli %scan3A_156, %mul3A_863 : i32
        %add3A_865 = arith.constant 8 : i32
        %add3A_866 = arith.addi %mul3A_864, %add3A_865 : i32
        %broadcast_in_dim3A_867 = arith.constant 8 : i32
        %broadcast_in_dim3A_868 = vector.broadcast %broadcast_in_dim3A_867 : i32 to vector<16x1xi32>
        %gather3A_869 = vector.shape_cast %broadcast_in_dim3A_868 : vector<16x1xi32> to vector<16xi32>
        %gather3A_870 = tpu.dynamic_gather %get3A_160[%gather3A_869] in [0] : vector<16xf32>, vector<16xi32> -> vector<16xf32>
        %get3A_871 = arith.index_cast %add3A_866 : i32 to index
        %get3A_872 = arith.constant 0 : index
        %get3A_873 = tpu.vector_load %arg14[%get3A_871, %get3A_872] {strides = array<i32>} : memref<128x128xf32, #tpu.memory_space<vmem>>, vector<1x16xf32>,
        %get3A_874 = vector.shape_cast %get3A_873 : vector<1x16xf32> to vector<16xf32>
        %mul3A_875 = arith.mulf %get3A_874, %gather3A_870 : vector<16xf32>
        %swap3A_876 = arith.index_cast %add3A_866 : i32 to index
        %swap3A_877 = arith.constant 0 : index
        %swap3A_878 = tpu.vector_load %arg14[%swap3A_876, %swap3A_877] {strides = array<i32>} : memref<128x128xf32, #tpu.memory_space<vmem>>, vector<1x16xf32>,
        %swap3A_879 = vector.shape_cast %swap3A_878 : vector<1x16xf32> to vector<16xf32>
        %swap3A_880 = vector.shape_cast %mul3A_875 : vector<16xf32> to vector<1x16xf32>
        tpu.vector_store %arg14[%swap3A_876, %swap3A_877], %swap3A_880 {strides = array<i32>} : memref<128x128xf32, #tpu.memory_space<vmem>>, vector<1x16xf32>,
        %get3A_881 = arith.index_cast %add3A_866 : i32 to index
        %get3A_882 = arith.constant 16 : index
        %get3A_883 = tpu.vector_load %arg14[%get3A_881, %get3A_882] {strides = array<i32>} : memref<128x128xf32, #tpu.memory_space<vmem>>, vector<1x16xf32>,
        %get3A_884 = vector.shape_cast %get3A_883 : vector<1x16xf32> to vector<16xf32>
        %mul3A_885 = arith.mulf %get3A_884, %gather3A_870 : vector<16xf32>
        %swap3A_886 = arith.index_cast %add3A_866 : i32 to index
        %swap3A_887 = arith.constant 16 : index
        %swap3A_888 = tpu.vector_load %arg14[%swap3A_886, %swap3A_887] {strides = array<i32>} : memref<128x128xf32, #tpu.memory_space<vmem>>, vector<1x16xf32>,
        %swap3A_889 = vector.shape_cast %swap3A_888 : vector<1x16xf32> to vector<16xf32>
        %swap3A_890 = vector.shape_cast %mul3A_885 : vector<16xf32> to vector<1x16xf32>
        tpu.vector_store %arg14[%swap3A_886, %swap3A_887], %swap3A_890 {strides = array<i32>} : memref<128x128xf32, #tpu.memory_space<vmem>>, vector<1x16xf32>,
        %get3A_891 = arith.index_cast %add3A_866 : i32 to index
        %get3A_892 = arith.constant 32 : index
        %get3A_893 = tpu.vector_load %arg14[%get3A_891, %get3A_892] {strides = array<i32>} : memref<128x128xf32, #tpu.memory_space<vmem>>, vector<1x16xf32>,
        %get3A_894 = vector.shape_cast %get3A_893 : vector<1x16xf32> to vector<16xf32>
        %mul3A_895 = arith.mulf %get3A_894, %gather3A_870 : vector<16xf32>
        %swap3A_896 = arith.index_cast %add3A_866 : i32 to index
        %swap3A_897 = arith.constant 32 : index
        %swap3A_898 = tpu.vector_load %arg14[%swap3A_896, %swap3A_897] {strides = array<i32>} : memref<128x128xf32, #tpu.memory_space<vmem>>, vector<1x16xf32>,
        %swap3A_899 = vector.shape_cast %swap3A_898 : vector<1x16xf32> to vector<16xf32>
        %swap3A_900 = vector.shape_cast %mul3A_895 : vector<16xf32> to vector<1x16xf32>
        tpu.vector_store %arg14[%swap3A_896, %swap3A_897], %swap3A_900 {strides = array<i32>} : memref<128x128xf32, #tpu.memory_space<vmem>>, vector<1x16xf32>,
        %get3A_901 = arith.index_cast %add3A_866 : i32 to index
        %get3A_902 = arith.constant 48 : index
        %get3A_903 = tpu.vector_load %arg14[%get3A_901, %get3A_902] {strides = array<i32>} : memref<128x128xf32, #tpu.memory_space<vmem>>, vector<1x16xf32>,
        %get3A_904 = vector.shape_cast %get3A_903 : vector<1x16xf32> to vector<16xf32>
        %mul3A_905 = arith.mulf %get3A_904, %gather3A_870 : vector<16xf32>
        %swap3A_906 = arith.index_cast %add3A_866 : i32 to index
        %swap3A_907 = arith.constant 48 : index
        %swap3A_908 = tpu.vector_load %arg14[%swap3A_906, %swap3A_907] {strides = array<i32>} : memref<128x128xf32, #tpu.memory_space<vmem>>, vector<1x16xf32>,
        %swap3A_909 = vector.shape_cast %swap3A_908 : vector<1x16xf32> to vector<16xf32>
        %swap3A_910 = vector.shape_cast %mul3A_905 : vector<16xf32> to vector<1x16xf32>
        tpu.vector_store %arg14[%swap3A_906, %swap3A_907], %swap3A_910 {strides = array<i32>} : memref<128x128xf32, #tpu.memory_space<vmem>>, vector<1x16xf32>,
        %get3A_911 = arith.index_cast %add3A_866 : i32 to index
        %get3A_912 = arith.constant 64 : index
        %get3A_913 = tpu.vector_load %arg14[%get3A_911, %get3A_912] {strides = array<i32>} : memref<128x128xf32, #tpu.memory_space<vmem>>, vector<1x16xf32>,
        %get3A_914 = vector.shape_cast %get3A_913 : vector<1x16xf32> to vector<16xf32>
        %mul3A_915 = arith.mulf %get3A_914, %gather3A_870 : vector<16xf32>
        %swap3A_916 = arith.index_cast %add3A_866 : i32 to index
        %swap3A_917 = arith.constant 64 : index
        %swap3A_918 = tpu.vector_load %arg14[%swap3A_916, %swap3A_917] {strides = array<i32>} : memref<128x128xf32, #tpu.memory_space<vmem>>, vector<1x16xf32>,
        %swap3A_919 = vector.shape_cast %swap3A_918 : vector<1x16xf32> to vector<16xf32>
        %swap3A_920 = vector.shape_cast %mul3A_915 : vector<16xf32> to vector<1x16xf32>
        tpu.vector_store %arg14[%swap3A_916, %swap3A_917], %swap3A_920 {strides = array<i32>} : memref<128x128xf32, #tpu.memory_space<vmem>>, vector<1x16xf32>,
        %get3A_921 = arith.index_cast %add3A_866 : i32 to index
        %get3A_922 = arith.constant 80 : index
        %get3A_923 = tpu.vector_load %arg14[%get3A_921, %get3A_922] {strides = array<i32>} : memref<128x128xf32, #tpu.memory_space<vmem>>, vector<1x16xf32>,
        %get3A_924 = vector.shape_cast %get3A_923 : vector<1x16xf32> to vector<16xf32>
        %mul3A_925 = arith.mulf %get3A_924, %gather3A_870 : vector<16xf32>
        %swap3A_926 = arith.index_cast %add3A_866 : i32 to index
        %swap3A_927 = arith.constant 80 : index
        %swap3A_928 = tpu.vector_load %arg14[%swap3A_926, %swap3A_927] {strides = array<i32>} : memref<128x128xf32, #tpu.memory_space<vmem>>, vector<1x16xf32>,
        %swap3A_929 = vector.shape_cast %swap3A_928 : vector<1x16xf32> to vector<16xf32>
        %swap3A_930 = vector.shape_cast %mul3A_925 : vector<16xf32> to vector<1x16xf32>
        tpu.vector_store %arg14[%swap3A_926, %swap3A_927], %swap3A_930 {strides = array<i32>} : memref<128x128xf32, #tpu.memory_space<vmem>>, vector<1x16xf32>,
        %get3A_931 = arith.index_cast %add3A_866 : i32 to index
        %get3A_932 = arith.constant 96 : index
        %get3A_933 = tpu.vector_load %arg14[%get3A_931, %get3A_932] {strides = array<i32>} : memref<128x128xf32, #tpu.memory_space<vmem>>, vector<1x16xf32>,
        %get3A_934 = vector.shape_cast %get3A_933 : vector<1x16xf32> to vector<16xf32>
        %mul3A_935 = arith.mulf %get3A_934, %gather3A_870 : vector<16xf32>
        %swap3A_936 = arith.index_cast %add3A_866 : i32 to index
        %swap3A_937 = arith.constant 96 : index
        %swap3A_938 = tpu.vector_load %arg14[%swap3A_936, %swap3A_937] {strides = array<i32>} : memref<128x128xf32, #tpu.memory_space<vmem>>, vector<1x16xf32>,
        %swap3A_939 = vector.shape_cast %swap3A_938 : vector<1x16xf32> to vector<16xf32>
        %swap3A_940 = vector.shape_cast %mul3A_935 : vector<16xf32> to vector<1x16xf32>
        tpu.vector_store %arg14[%swap3A_936, %swap3A_937], %swap3A_940 {strides = array<i32>} : memref<128x128xf32, #tpu.memory_space<vmem>>, vector<1x16xf32>,
        %get3A_941 = arith.index_cast %add3A_866 : i32 to index
        %get3A_942 = arith.constant 112 : index
        %get3A_943 = tpu.vector_load %arg14[%get3A_941, %get3A_942] {strides = array<i32>} : memref<128x128xf32, #tpu.memory_space<vmem>>, vector<1x16xf32>,
        %get3A_944 = vector.shape_cast %get3A_943 : vector<1x16xf32> to vector<16xf32>
        %mul3A_945 = arith.mulf %get3A_944, %gather3A_870 : vector<16xf32>
        %swap3A_946 = arith.index_cast %add3A_866 : i32 to index
        %swap3A_947 = arith.constant 112 : index
        %swap3A_948 = tpu.vector_load %arg14[%swap3A_946, %swap3A_947] {strides = array<i32>} : memref<128x128xf32, #tpu.memory_space<vmem>>, vector<1x16xf32>,
        %swap3A_949 = vector.shape_cast %swap3A_948 : vector<1x16xf32> to vector<16xf32>
        %swap3A_950 = vector.shape_cast %mul3A_945 : vector<16xf32> to vector<1x16xf32>
        tpu.vector_store %arg14[%swap3A_946, %swap3A_947], %swap3A_950 {strides = array<i32>} : memref<128x128xf32, #tpu.memory_space<vmem>>, vector<1x16xf32>,
        %mul3A_951 = arith.constant 16 : i32
        %mul3A_952 = arith.muli %scan3A_156, %mul3A_951 : i32
        %add3A_953 = arith.constant 9 : i32
        %add3A_954 = arith.addi %mul3A_952, %add3A_953 : i32
        %broadcast_in_dim3A_955 = arith.constant 9 : i32
        %broadcast_in_dim3A_956 = vector.broadcast %broadcast_in_dim3A_955 : i32 to vector<16x1xi32>
        %gather3A_957 = vector.shape_cast %broadcast_in_dim3A_956 : vector<16x1xi32> to vector<16xi32>
        %gather3A_958 = tpu.dynamic_gather %get3A_160[%gather3A_957] in [0] : vector<16xf32>, vector<16xi32> -> vector<16xf32>
        %get3A_959 = arith.index_cast %add3A_954 : i32 to index
        %get3A_960 = arith.constant 0 : index
        %get3A_961 = tpu.vector_load %arg14[%get3A_959, %get3A_960] {strides = array<i32>} : memref<128x128xf32, #tpu.memory_space<vmem>>, vector<1x16xf32>,
        %get3A_962 = vector.shape_cast %get3A_961 : vector<1x16xf32> to vector<16xf32>
        %mul3A_963 = arith.mulf %get3A_962, %gather3A_958 : vector<16xf32>
        %swap3A_964 = arith.index_cast %add3A_954 : i32 to index
        %swap3A_965 = arith.constant 0 : index
        %swap3A_966 = tpu.vector_load %arg14[%swap3A_964, %swap3A_965] {strides = array<i32>} : memref<128x128xf32, #tpu.memory_space<vmem>>, vector<1x16xf32>,
        %swap3A_967 = vector.shape_cast %swap3A_966 : vector<1x16xf32> to vector<16xf32>
        %swap3A_968 = vector.shape_cast %mul3A_963 : vector<16xf32> to vector<1x16xf32>
        tpu.vector_store %arg14[%swap3A_964, %swap3A_965], %swap3A_968 {strides = array<i32>} : memref<128x128xf32, #tpu.memory_space<vmem>>, vector<1x16xf32>,
        %get3A_969 = arith.index_cast %add3A_954 : i32 to index
        %get3A_970 = arith.constant 16 : index
        %get3A_971 = tpu.vector_load %arg14[%get3A_969, %get3A_970] {strides = array<i32>} : memref<128x128xf32, #tpu.memory_space<vmem>>, vector<1x16xf32>,
        %get3A_972 = vector.shape_cast %get3A_971 : vector<1x16xf32> to vector<16xf32>
        %mul3A_973 = arith.mulf %get3A_972, %gather3A_958 : vector<16xf32>
        %swap3A_974 = arith.index_cast %add3A_954 : i32 to index
        %swap3A_975 = arith.constant 16 : index
        %swap3A_976 = tpu.vector_load %arg14[%swap3A_974, %swap3A_975] {strides = array<i32>} : memref<128x128xf32, #tpu.memory_space<vmem>>, vector<1x16xf32>,
        %swap3A_977 = vector.shape_cast %swap3A_976 : vector<1x16xf32> to vector<16xf32>
        %swap3A_978 = vector.shape_cast %mul3A_973 : vector<16xf32> to vector<1x16xf32>
        tpu.vector_store %arg14[%swap3A_974, %swap3A_975], %swap3A_978 {strides = array<i32>} : memref<128x128xf32, #tpu.memory_space<vmem>>, vector<1x16xf32>,
        %get3A_979 = arith.index_cast %add3A_954 : i32 to index
        %get3A_980 = arith.constant 32 : index
        %get3A_981 = tpu.vector_load %arg14[%get3A_979, %get3A_980] {strides = array<i32>} : memref<128x128xf32, #tpu.memory_space<vmem>>, vector<1x16xf32>,
        %get3A_982 = vector.shape_cast %get3A_981 : vector<1x16xf32> to vector<16xf32>
        %mul3A_983 = arith.mulf %get3A_982, %gather3A_958 : vector<16xf32>
        %swap3A_984 = arith.index_cast %add3A_954 : i32 to index
        %swap3A_985 = arith.constant 32 : index
        %swap3A_986 = tpu.vector_load %arg14[%swap3A_984, %swap3A_985] {strides = array<i32>} : memref<128x128xf32, #tpu.memory_space<vmem>>, vector<1x16xf32>,
        %swap3A_987 = vector.shape_cast %swap3A_986 : vector<1x16xf32> to vector<16xf32>
        %swap3A_988 = vector.shape_cast %mul3A_983 : vector<16xf32> to vector<1x16xf32>
        tpu.vector_store %arg14[%swap3A_984, %swap3A_985], %swap3A_988 {strides = array<i32>} : memref<128x128xf32, #tpu.memory_space<vmem>>, vector<1x16xf32>,
        %get3A_989 = arith.index_cast %add3A_954 : i32 to index
        %get3A_990 = arith.constant 48 : index
        %get3A_991 = tpu.vector_load %arg14[%get3A_989, %get3A_990] {strides = array<i32>} : memref<128x128xf32, #tpu.memory_space<vmem>>, vector<1x16xf32>,
        %get3A_992 = vector.shape_cast %get3A_991 : vector<1x16xf32> to vector<16xf32>
        %mul3A_993 = arith.mulf %get3A_992, %gather3A_958 : vector<16xf32>
        %swap3A_994 = arith.index_cast %add3A_954 : i32 to index
        %swap3A_995 = arith.constant 48 : index
        %swap3A_996 = tpu.vector_load %arg14[%swap3A_994, %swap3A_995] {strides = array<i32>} : memref<128x128xf32, #tpu.memory_space<vmem>>, vector<1x16xf32>,
        %swap3A_997 = vector.shape_cast %swap3A_996 : vector<1x16xf32> to vector<16xf32>
        %swap3A_998 = vector.shape_cast %mul3A_993 : vector<16xf32> to vector<1x16xf32>
        tpu.vector_store %arg14[%swap3A_994, %swap3A_995], %swap3A_998 {strides = array<i32>} : memref<128x128xf32, #tpu.memory_space<vmem>>, vector<1x16xf32>,
        %get3A_999 = arith.index_cast %add3A_954 : i32 to index
        %get3A_1000 = arith.constant 64 : index
        %get3A_1001 = tpu.vector_load %arg14[%get3A_999, %get3A_1000] {strides = array<i32>} : memref<128x128xf32, #tpu.memory_space<vmem>>, vector<1x16xf32>,
        %get3A_1002 = vector.shape_cast %get3A_1001 : vector<1x16xf32> to vector<16xf32>
        %mul3A_1003 = arith.mulf %get3A_1002, %gather3A_958 : vector<16xf32>
        %swap3A_1004 = arith.index_cast %add3A_954 : i32 to index
        %swap3A_1005 = arith.constant 64 : index
        %swap3A_1006 = tpu.vector_load %arg14[%swap3A_1004, %swap3A_1005] {strides = array<i32>} : memref<128x128xf32, #tpu.memory_space<vmem>>, vector<1x16xf32>,
        %swap3A_1007 = vector.shape_cast %swap3A_1006 : vector<1x16xf32> to vector<16xf32>
        %swap3A_1008 = vector.shape_cast %mul3A_1003 : vector<16xf32> to vector<1x16xf32>
        tpu.vector_store %arg14[%swap3A_1004, %swap3A_1005], %swap3A_1008 {strides = array<i32>} : memref<128x128xf32, #tpu.memory_space<vmem>>, vector<1x16xf32>,
        %get3A_1009 = arith.index_cast %add3A_954 : i32 to index
        %get3A_1010 = arith.constant 80 : index
        %get3A_1011 = tpu.vector_load %arg14[%get3A_1009, %get3A_1010] {strides = array<i32>} : memref<128x128xf32, #tpu.memory_space<vmem>>, vector<1x16xf32>,
        %get3A_1012 = vector.shape_cast %get3A_1011 : vector<1x16xf32> to vector<16xf32>
        %mul3A_1013 = arith.mulf %get3A_1012, %gather3A_958 : vector<16xf32>
        %swap3A_1014 = arith.index_cast %add3A_954 : i32 to index
        %swap3A_1015 = arith.constant 80 : index
        %swap3A_1016 = tpu.vector_load %arg14[%swap3A_1014, %swap3A_1015] {strides = array<i32>} : memref<128x128xf32, #tpu.memory_space<vmem>>, vector<1x16xf32>,
        %swap3A_1017 = vector.shape_cast %swap3A_1016 : vector<1x16xf32> to vector<16xf32>
        %swap3A_1018 = vector.shape_cast %mul3A_1013 : vector<16xf32> to vector<1x16xf32>
        tpu.vector_store %arg14[%swap3A_1014, %swap3A_1015], %swap3A_1018 {strides = array<i32>} : memref<128x128xf32, #tpu.memory_space<vmem>>, vector<1x16xf32>,
        %get3A_1019 = arith.index_cast %add3A_954 : i32 to index
        %get3A_1020 = arith.constant 96 : index
        %get3A_1021 = tpu.vector_load %arg14[%get3A_1019, %get3A_1020] {strides = array<i32>} : memref<128x128xf32, #tpu.memory_space<vmem>>, vector<1x16xf32>,
        %get3A_1022 = vector.shape_cast %get3A_1021 : vector<1x16xf32> to vector<16xf32>
        %mul3A_1023 = arith.mulf %get3A_1022, %gather3A_958 : vector<16xf32>
        %swap3A_1024 = arith.index_cast %add3A_954 : i32 to index
        %swap3A_1025 = arith.constant 96 : index
        %swap3A_1026 = tpu.vector_load %arg14[%swap3A_1024, %swap3A_1025] {strides = array<i32>} : memref<128x128xf32, #tpu.memory_space<vmem>>, vector<1x16xf32>,
        %swap3A_1027 = vector.shape_cast %swap3A_1026 : vector<1x16xf32> to vector<16xf32>
        %swap3A_1028 = vector.shape_cast %mul3A_1023 : vector<16xf32> to vector<1x16xf32>
        tpu.vector_store %arg14[%swap3A_1024, %swap3A_1025], %swap3A_1028 {strides = array<i32>} : memref<128x128xf32, #tpu.memory_space<vmem>>, vector<1x16xf32>,
        %get3A_1029 = arith.index_cast %add3A_954 : i32 to index
        %get3A_1030 = arith.constant 112 : index
        %get3A_1031 = tpu.vector_load %arg14[%get3A_1029, %get3A_1030] {strides = array<i32>} : memref<128x128xf32, #tpu.memory_space<vmem>>, vector<1x16xf32>,
        %get3A_1032 = vector.shape_cast %get3A_1031 : vector<1x16xf32> to vector<16xf32>
        %mul3A_1033 = arith.mulf %get3A_1032, %gather3A_958 : vector<16xf32>
        %swap3A_1034 = arith.index_cast %add3A_954 : i32 to index
        %swap3A_1035 = arith.constant 112 : index
        %swap3A_1036 = tpu.vector_load %arg14[%swap3A_1034, %swap3A_1035] {strides = array<i32>} : memref<128x128xf32, #tpu.memory_space<vmem>>, vector<1x16xf32>,
        %swap3A_1037 = vector.shape_cast %swap3A_1036 : vector<1x16xf32> to vector<16xf32>
        %swap3A_1038 = vector.shape_cast %mul3A_1033 : vector<16xf32> to vector<1x16xf32>
        tpu.vector_store %arg14[%swap3A_1034, %swap3A_1035], %swap3A_1038 {strides = array<i32>} : memref<128x128xf32, #tpu.memory_space<vmem>>, vector<1x16xf32>,
        %mul3A_1039 = arith.constant 16 : i32
        %mul3A_1040 = arith.muli %scan3A_156, %mul3A_1039 : i32
        %add3A_1041 = arith.constant 10 : i32
        %add3A_1042 = arith.addi %mul3A_1040, %add3A_1041 : i32
        %broadcast_in_dim3A_1043 = arith.constant 10 : i32
        %broadcast_in_dim3A_1044 = vector.broadcast %broadcast_in_dim3A_1043 : i32 to vector<16x1xi32>
        %gather3A_1045 = vector.shape_cast %broadcast_in_dim3A_1044 : vector<16x1xi32> to vector<16xi32>
        %gather3A_1046 = tpu.dynamic_gather %get3A_160[%gather3A_1045] in [0] : vector<16xf32>, vector<16xi32> -> vector<16xf32>
        %get3A_1047 = arith.index_cast %add3A_1042 : i32 to index
        %get3A_1048 = arith.constant 0 : index
        %get3A_1049 = tpu.vector_load %arg14[%get3A_1047, %get3A_1048] {strides = array<i32>} : memref<128x128xf32, #tpu.memory_space<vmem>>, vector<1x16xf32>,
        %get3A_1050 = vector.shape_cast %get3A_1049 : vector<1x16xf32> to vector<16xf32>
        %mul3A_1051 = arith.mulf %get3A_1050, %gather3A_1046 : vector<16xf32>
        %swap3A_1052 = arith.index_cast %add3A_1042 : i32 to index
        %swap3A_1053 = arith.constant 0 : index
        %swap3A_1054 = tpu.vector_load %arg14[%swap3A_1052, %swap3A_1053] {strides = array<i32>} : memref<128x128xf32, #tpu.memory_space<vmem>>, vector<1x16xf32>,
        %swap3A_1055 = vector.shape_cast %swap3A_1054 : vector<1x16xf32> to vector<16xf32>
        %swap3A_1056 = vector.shape_cast %mul3A_1051 : vector<16xf32> to vector<1x16xf32>
        tpu.vector_store %arg14[%swap3A_1052, %swap3A_1053], %swap3A_1056 {strides = array<i32>} : memref<128x128xf32, #tpu.memory_space<vmem>>, vector<1x16xf32>,
        %get3A_1057 = arith.index_cast %add3A_1042 : i32 to index
        %get3A_1058 = arith.constant 16 : index
        %get3A_1059 = tpu.vector_load %arg14[%get3A_1057, %get3A_1058] {strides = array<i32>} : memref<128x128xf32, #tpu.memory_space<vmem>>, vector<1x16xf32>,
        %get3A_1060 = vector.shape_cast %get3A_1059 : vector<1x16xf32> to vector<16xf32>
        %mul3A_1061 = arith.mulf %get3A_1060, %gather3A_1046 : vector<16xf32>
        %swap3A_1062 = arith.index_cast %add3A_1042 : i32 to index
        %swap3A_1063 = arith.constant 16 : index
        %swap3A_1064 = tpu.vector_load %arg14[%swap3A_1062, %swap3A_1063] {strides = array<i32>} : memref<128x128xf32, #tpu.memory_space<vmem>>, vector<1x16xf32>,
        %swap3A_1065 = vector.shape_cast %swap3A_1064 : vector<1x16xf32> to vector<16xf32>
        %swap3A_1066 = vector.shape_cast %mul3A_1061 : vector<16xf32> to vector<1x16xf32>
        tpu.vector_store %arg14[%swap3A_1062, %swap3A_1063], %swap3A_1066 {strides = array<i32>} : memref<128x128xf32, #tpu.memory_space<vmem>>, vector<1x16xf32>,
        %get3A_1067 = arith.index_cast %add3A_1042 : i32 to index
        %get3A_1068 = arith.constant 32 : index
        %get3A_1069 = tpu.vector_load %arg14[%get3A_1067, %get3A_1068] {strides = array<i32>} : memref<128x128xf32, #tpu.memory_space<vmem>>, vector<1x16xf32>,
        %get3A_1070 = vector.shape_cast %get3A_1069 : vector<1x16xf32> to vector<16xf32>
        %mul3A_1071 = arith.mulf %get3A_1070, %gather3A_1046 : vector<16xf32>
        %swap3A_1072 = arith.index_cast %add3A_1042 : i32 to index
        %swap3A_1073 = arith.constant 32 : index
        %swap3A_1074 = tpu.vector_load %arg14[%swap3A_1072, %swap3A_1073] {strides = array<i32>} : memref<128x128xf32, #tpu.memory_space<vmem>>, vector<1x16xf32>,
        %swap3A_1075 = vector.shape_cast %swap3A_1074 : vector<1x16xf32> to vector<16xf32>
        %swap3A_1076 = vector.shape_cast %mul3A_1071 : vector<16xf32> to vector<1x16xf32>
        tpu.vector_store %arg14[%swap3A_1072, %swap3A_1073], %swap3A_1076 {strides = array<i32>} : memref<128x128xf32, #tpu.memory_space<vmem>>, vector<1x16xf32>,
        %get3A_1077 = arith.index_cast %add3A_1042 : i32 to index
        %get3A_1078 = arith.constant 48 : index
        %get3A_1079 = tpu.vector_load %arg14[%get3A_1077, %get3A_1078] {strides = array<i32>} : memref<128x128xf32, #tpu.memory_space<vmem>>, vector<1x16xf32>,
        %get3A_1080 = vector.shape_cast %get3A_1079 : vector<1x16xf32> to vector<16xf32>
        %mul3A_1081 = arith.mulf %get3A_1080, %gather3A_1046 : vector<16xf32>
        %swap3A_1082 = arith.index_cast %add3A_1042 : i32 to index
        %swap3A_1083 = arith.constant 48 : index
        %swap3A_1084 = tpu.vector_load %arg14[%swap3A_1082, %swap3A_1083] {strides = array<i32>} : memref<128x128xf32, #tpu.memory_space<vmem>>, vector<1x16xf32>,
        %swap3A_1085 = vector.shape_cast %swap3A_1084 : vector<1x16xf32> to vector<16xf32>
        %swap3A_1086 = vector.shape_cast %mul3A_1081 : vector<16xf32> to vector<1x16xf32>
        tpu.vector_store %arg14[%swap3A_1082, %swap3A_1083], %swap3A_1086 {strides = array<i32>} : memref<128x128xf32, #tpu.memory_space<vmem>>, vector<1x16xf32>,
        %get3A_1087 = arith.index_cast %add3A_1042 : i32 to index
        %get3A_1088 = arith.constant 64 : index
        %get3A_1089 = tpu.vector_load %arg14[%get3A_1087, %get3A_1088] {strides = array<i32>} : memref<128x128xf32, #tpu.memory_space<vmem>>, vector<1x16xf32>,
        %get3A_1090 = vector.shape_cast %get3A_1089 : vector<1x16xf32> to vector<16xf32>
        %mul3A_1091 = arith.mulf %get3A_1090, %gather3A_1046 : vector<16xf32>
        %swap3A_1092 = arith.index_cast %add3A_1042 : i32 to index
        %swap3A_1093 = arith.constant 64 : index
        %swap3A_1094 = tpu.vector_load %arg14[%swap3A_1092, %swap3A_1093] {strides = array<i32>} : memref<128x128xf32, #tpu.memory_space<vmem>>, vector<1x16xf32>,
        %swap3A_1095 = vector.shape_cast %swap3A_1094 : vector<1x16xf32> to vector<16xf32>
        %swap3A_1096 = vector.shape_cast %mul3A_1091 : vector<16xf32> to vector<1x16xf32>
        tpu.vector_store %arg14[%swap3A_1092, %swap3A_1093], %swap3A_1096 {strides = array<i32>} : memref<128x128xf32, #tpu.memory_space<vmem>>, vector<1x16xf32>,
        %get3A_1097 = arith.index_cast %add3A_1042 : i32 to index
        %get3A_1098 = arith.constant 80 : index
        %get3A_1099 = tpu.vector_load %arg14[%get3A_1097, %get3A_1098] {strides = array<i32>} : memref<128x128xf32, #tpu.memory_space<vmem>>, vector<1x16xf32>,
        %get3A_1100 = vector.shape_cast %get3A_1099 : vector<1x16xf32> to vector<16xf32>
        %mul3A_1101 = arith.mulf %get3A_1100, %gather3A_1046 : vector<16xf32>
        %swap3A_1102 = arith.index_cast %add3A_1042 : i32 to index
        %swap3A_1103 = arith.constant 80 : index
        %swap3A_1104 = tpu.vector_load %arg14[%swap3A_1102, %swap3A_1103] {strides = array<i32>} : memref<128x128xf32, #tpu.memory_space<vmem>>, vector<1x16xf32>,
        %swap3A_1105 = vector.shape_cast %swap3A_1104 : vector<1x16xf32> to vector<16xf32>
        %swap3A_1106 = vector.shape_cast %mul3A_1101 : vector<16xf32> to vector<1x16xf32>
        tpu.vector_store %arg14[%swap3A_1102, %swap3A_1103], %swap3A_1106 {strides = array<i32>} : memref<128x128xf32, #tpu.memory_space<vmem>>, vector<1x16xf32>,
        %get3A_1107 = arith.index_cast %add3A_1042 : i32 to index
        %get3A_1108 = arith.constant 96 : index
        %get3A_1109 = tpu.vector_load %arg14[%get3A_1107, %get3A_1108] {strides = array<i32>} : memref<128x128xf32, #tpu.memory_space<vmem>>, vector<1x16xf32>,
        %get3A_1110 = vector.shape_cast %get3A_1109 : vector<1x16xf32> to vector<16xf32>
        %mul3A_1111 = arith.mulf %get3A_1110, %gather3A_1046 : vector<16xf32>
        %swap3A_1112 = arith.index_cast %add3A_1042 : i32 to index
        %swap3A_1113 = arith.constant 96 : index
        %swap3A_1114 = tpu.vector_load %arg14[%swap3A_1112, %swap3A_1113] {strides = array<i32>} : memref<128x128xf32, #tpu.memory_space<vmem>>, vector<1x16xf32>,
        %swap3A_1115 = vector.shape_cast %swap3A_1114 : vector<1x16xf32> to vector<16xf32>
        %swap3A_1116 = vector.shape_cast %mul3A_1111 : vector<16xf32> to vector<1x16xf32>
        tpu.vector_store %arg14[%swap3A_1112, %swap3A_1113], %swap3A_1116 {strides = array<i32>} : memref<128x128xf32, #tpu.memory_space<vmem>>, vector<1x16xf32>,
        %get3A_1117 = arith.index_cast %add3A_1042 : i32 to index
        %get3A_1118 = arith.constant 112 : index
        %get3A_1119 = tpu.vector_load %arg14[%get3A_1117, %get3A_1118] {strides = array<i32>} : memref<128x128xf32, #tpu.memory_space<vmem>>, vector<1x16xf32>,
        %get3A_1120 = vector.shape_cast %get3A_1119 : vector<1x16xf32> to vector<16xf32>
        %mul3A_1121 = arith.mulf %get3A_1120, %gather3A_1046 : vector<16xf32>
        %swap3A_1122 = arith.index_cast %add3A_1042 : i32 to index
        %swap3A_1123 = arith.constant 112 : index
        %swap3A_1124 = tpu.vector_load %arg14[%swap3A_1122, %swap3A_1123] {strides = array<i32>} : memref<128x128xf32, #tpu.memory_space<vmem>>, vector<1x16xf32>,
        %swap3A_1125 = vector.shape_cast %swap3A_1124 : vector<1x16xf32> to vector<16xf32>
        %swap3A_1126 = vector.shape_cast %mul3A_1121 : vector<16xf32> to vector<1x16xf32>
        tpu.vector_store %arg14[%swap3A_1122, %swap3A_1123], %swap3A_1126 {strides = array<i32>} : memref<128x128xf32, #tpu.memory_space<vmem>>, vector<1x16xf32>,
        %mul3A_1127 = arith.constant 16 : i32
        %mul3A_1128 = arith.muli %scan3A_156, %mul3A_1127 : i32
        %add3A_1129 = arith.constant 11 : i32
        %add3A_1130 = arith.addi %mul3A_1128, %add3A_1129 : i32
        %broadcast_in_dim3A_1131 = arith.constant 11 : i32
        %broadcast_in_dim3A_1132 = vector.broadcast %broadcast_in_dim3A_1131 : i32 to vector<16x1xi32>
        %gather3A_1133 = vector.shape_cast %broadcast_in_dim3A_1132 : vector<16x1xi32> to vector<16xi32>
        %gather3A_1134 = tpu.dynamic_gather %get3A_160[%gather3A_1133] in [0] : vector<16xf32>, vector<16xi32> -> vector<16xf32>
        %get3A_1135 = arith.index_cast %add3A_1130 : i32 to index
        %get3A_1136 = arith.constant 0 : index
        %get3A_1137 = tpu.vector_load %arg14[%get3A_1135, %get3A_1136] {strides = array<i32>} : memref<128x128xf32, #tpu.memory_space<vmem>>, vector<1x16xf32>,
        %get3A_1138 = vector.shape_cast %get3A_1137 : vector<1x16xf32> to vector<16xf32>
        %mul3A_1139 = arith.mulf %get3A_1138, %gather3A_1134 : vector<16xf32>
        %swap3A_1140 = arith.index_cast %add3A_1130 : i32 to index
        %swap3A_1141 = arith.constant 0 : index
        %swap3A_1142 = tpu.vector_load %arg14[%swap3A_1140, %swap3A_1141] {strides = array<i32>} : memref<128x128xf32, #tpu.memory_space<vmem>>, vector<1x16xf32>,
        %swap3A_1143 = vector.shape_cast %swap3A_1142 : vector<1x16xf32> to vector<16xf32>
        %swap3A_1144 = vector.shape_cast %mul3A_1139 : vector<16xf32> to vector<1x16xf32>
        tpu.vector_store %arg14[%swap3A_1140, %swap3A_1141], %swap3A_1144 {strides = array<i32>} : memref<128x128xf32, #tpu.memory_space<vmem>>, vector<1x16xf32>,
        %get3A_1145 = arith.index_cast %add3A_1130 : i32 to index
        %get3A_1146 = arith.constant 16 : index
        %get3A_1147 = tpu.vector_load %arg14[%get3A_1145, %get3A_1146] {strides = array<i32>} : memref<128x128xf32, #tpu.memory_space<vmem>>, vector<1x16xf32>,
        %get3A_1148 = vector.shape_cast %get3A_1147 : vector<1x16xf32> to vector<16xf32>
        %mul3A_1149 = arith.mulf %get3A_1148, %gather3A_1134 : vector<16xf32>
        %swap3A_1150 = arith.index_cast %add3A_1130 : i32 to index
        %swap3A_1151 = arith.constant 16 : index
        %swap3A_1152 = tpu.vector_load %arg14[%swap3A_1150, %swap3A_1151] {strides = array<i32>} : memref<128x128xf32, #tpu.memory_space<vmem>>, vector<1x16xf32>,
        %swap3A_1153 = vector.shape_cast %swap3A_1152 : vector<1x16xf32> to vector<16xf32>
        %swap3A_1154 = vector.shape_cast %mul3A_1149 : vector<16xf32> to vector<1x16xf32>
        tpu.vector_store %arg14[%swap3A_1150, %swap3A_1151], %swap3A_1154 {strides = array<i32>} : memref<128x128xf32, #tpu.memory_space<vmem>>, vector<1x16xf32>,
        %get3A_1155 = arith.index_cast %add3A_1130 : i32 to index
        %get3A_1156 = arith.constant 32 : index
        %get3A_1157 = tpu.vector_load %arg14[%get3A_1155, %get3A_1156] {strides = array<i32>} : memref<128x128xf32, #tpu.memory_space<vmem>>, vector<1x16xf32>,
        %get3A_1158 = vector.shape_cast %get3A_1157 : vector<1x16xf32> to vector<16xf32>
        %mul3A_1159 = arith.mulf %get3A_1158, %gather3A_1134 : vector<16xf32>
        %swap3A_1160 = arith.index_cast %add3A_1130 : i32 to index
        %swap3A_1161 = arith.constant 32 : index
        %swap3A_1162 = tpu.vector_load %arg14[%swap3A_1160, %swap3A_1161] {strides = array<i32>} : memref<128x128xf32, #tpu.memory_space<vmem>>, vector<1x16xf32>,
        %swap3A_1163 = vector.shape_cast %swap3A_1162 : vector<1x16xf32> to vector<16xf32>
        %swap3A_1164 = vector.shape_cast %mul3A_1159 : vector<16xf32> to vector<1x16xf32>
        tpu.vector_store %arg14[%swap3A_1160, %swap3A_1161], %swap3A_1164 {strides = array<i32>} : memref<128x128xf32, #tpu.memory_space<vmem>>, vector<1x16xf32>,
        %get3A_1165 = arith.index_cast %add3A_1130 : i32 to index
        %get3A_1166 = arith.constant 48 : index
        %get3A_1167 = tpu.vector_load %arg14[%get3A_1165, %get3A_1166] {strides = array<i32>} : memref<128x128xf32, #tpu.memory_space<vmem>>, vector<1x16xf32>,
        %get3A_1168 = vector.shape_cast %get3A_1167 : vector<1x16xf32> to vector<16xf32>
        %mul3A_1169 = arith.mulf %get3A_1168, %gather3A_1134 : vector<16xf32>
        %swap3A_1170 = arith.index_cast %add3A_1130 : i32 to index
        %swap3A_1171 = arith.constant 48 : index
        %swap3A_1172 = tpu.vector_load %arg14[%swap3A_1170, %swap3A_1171] {strides = array<i32>} : memref<128x128xf32, #tpu.memory_space<vmem>>, vector<1x16xf32>,
        %swap3A_1173 = vector.shape_cast %swap3A_1172 : vector<1x16xf32> to vector<16xf32>
        %swap3A_1174 = vector.shape_cast %mul3A_1169 : vector<16xf32> to vector<1x16xf32>
        tpu.vector_store %arg14[%swap3A_1170, %swap3A_1171], %swap3A_1174 {strides = array<i32>} : memref<128x128xf32, #tpu.memory_space<vmem>>, vector<1x16xf32>,
        %get3A_1175 = arith.index_cast %add3A_1130 : i32 to index
        %get3A_1176 = arith.constant 64 : index
        %get3A_1177 = tpu.vector_load %arg14[%get3A_1175, %get3A_1176] {strides = array<i32>} : memref<128x128xf32, #tpu.memory_space<vmem>>, vector<1x16xf32>,
        %get3A_1178 = vector.shape_cast %get3A_1177 : vector<1x16xf32> to vector<16xf32>
        %mul3A_1179 = arith.mulf %get3A_1178, %gather3A_1134 : vector<16xf32>
        %swap3A_1180 = arith.index_cast %add3A_1130 : i32 to index
        %swap3A_1181 = arith.constant 64 : index
        %swap3A_1182 = tpu.vector_load %arg14[%swap3A_1180, %swap3A_1181] {strides = array<i32>} : memref<128x128xf32, #tpu.memory_space<vmem>>, vector<1x16xf32>,
        %swap3A_1183 = vector.shape_cast %swap3A_1182 : vector<1x16xf32> to vector<16xf32>
        %swap3A_1184 = vector.shape_cast %mul3A_1179 : vector<16xf32> to vector<1x16xf32>
        tpu.vector_store %arg14[%swap3A_1180, %swap3A_1181], %swap3A_1184 {strides = array<i32>} : memref<128x128xf32, #tpu.memory_space<vmem>>, vector<1x16xf32>,
        %get3A_1185 = arith.index_cast %add3A_1130 : i32 to index
        %get3A_1186 = arith.constant 80 : index
        %get3A_1187 = tpu.vector_load %arg14[%get3A_1185, %get3A_1186] {strides = array<i32>} : memref<128x128xf32, #tpu.memory_space<vmem>>, vector<1x16xf32>,
        %get3A_1188 = vector.shape_cast %get3A_1187 : vector<1x16xf32> to vector<16xf32>
        %mul3A_1189 = arith.mulf %get3A_1188, %gather3A_1134 : vector<16xf32>
        %swap3A_1190 = arith.index_cast %add3A_1130 : i32 to index
        %swap3A_1191 = arith.constant 80 : index
        %swap3A_1192 = tpu.vector_load %arg14[%swap3A_1190, %swap3A_1191] {strides = array<i32>} : memref<128x128xf32, #tpu.memory_space<vmem>>, vector<1x16xf32>,
        %swap3A_1193 = vector.shape_cast %swap3A_1192 : vector<1x16xf32> to vector<16xf32>
        %swap3A_1194 = vector.shape_cast %mul3A_1189 : vector<16xf32> to vector<1x16xf32>
        tpu.vector_store %arg14[%swap3A_1190, %swap3A_1191], %swap3A_1194 {strides = array<i32>} : memref<128x128xf32, #tpu.memory_space<vmem>>, vector<1x16xf32>,
        %get3A_1195 = arith.index_cast %add3A_1130 : i32 to index
        %get3A_1196 = arith.constant 96 : index
        %get3A_1197 = tpu.vector_load %arg14[%get3A_1195, %get3A_1196] {strides = array<i32>} : memref<128x128xf32, #tpu.memory_space<vmem>>, vector<1x16xf32>,
        %get3A_1198 = vector.shape_cast %get3A_1197 : vector<1x16xf32> to vector<16xf32>
        %mul3A_1199 = arith.mulf %get3A_1198, %gather3A_1134 : vector<16xf32>
        %swap3A_1200 = arith.index_cast %add3A_1130 : i32 to index
        %swap3A_1201 = arith.constant 96 : index
        %swap3A_1202 = tpu.vector_load %arg14[%swap3A_1200, %swap3A_1201] {strides = array<i32>} : memref<128x128xf32, #tpu.memory_space<vmem>>, vector<1x16xf32>,
        %swap3A_1203 = vector.shape_cast %swap3A_1202 : vector<1x16xf32> to vector<16xf32>
        %swap3A_1204 = vector.shape_cast %mul3A_1199 : vector<16xf32> to vector<1x16xf32>
        tpu.vector_store %arg14[%swap3A_1200, %swap3A_1201], %swap3A_1204 {strides = array<i32>} : memref<128x128xf32, #tpu.memory_space<vmem>>, vector<1x16xf32>,
        %get3A_1205 = arith.index_cast %add3A_1130 : i32 to index
        %get3A_1206 = arith.constant 112 : index
        %get3A_1207 = tpu.vector_load %arg14[%get3A_1205, %get3A_1206] {strides = array<i32>} : memref<128x128xf32, #tpu.memory_space<vmem>>, vector<1x16xf32>,
        %get3A_1208 = vector.shape_cast %get3A_1207 : vector<1x16xf32> to vector<16xf32>
        %mul3A_1209 = arith.mulf %get3A_1208, %gather3A_1134 : vector<16xf32>
        %swap3A_1210 = arith.index_cast %add3A_1130 : i32 to index
        %swap3A_1211 = arith.constant 112 : index
        %swap3A_1212 = tpu.vector_load %arg14[%swap3A_1210, %swap3A_1211] {strides = array<i32>} : memref<128x128xf32, #tpu.memory_space<vmem>>, vector<1x16xf32>,
        %swap3A_1213 = vector.shape_cast %swap3A_1212 : vector<1x16xf32> to vector<16xf32>
        %swap3A_1214 = vector.shape_cast %mul3A_1209 : vector<16xf32> to vector<1x16xf32>
        tpu.vector_store %arg14[%swap3A_1210, %swap3A_1211], %swap3A_1214 {strides = array<i32>} : memref<128x128xf32, #tpu.memory_space<vmem>>, vector<1x16xf32>,
        %mul3A_1215 = arith.constant 16 : i32
        %mul3A_1216 = arith.muli %scan3A_156, %mul3A_1215 : i32
        %add3A_1217 = arith.constant 12 : i32
        %add3A_1218 = arith.addi %mul3A_1216, %add3A_1217 : i32
        %broadcast_in_dim3A_1219 = arith.constant 12 : i32
        %broadcast_in_dim3A_1220 = vector.broadcast %broadcast_in_dim3A_1219 : i32 to vector<16x1xi32>
        %gather3A_1221 = vector.shape_cast %broadcast_in_dim3A_1220 : vector<16x1xi32> to vector<16xi32>
        %gather3A_1222 = tpu.dynamic_gather %get3A_160[%gather3A_1221] in [0] : vector<16xf32>, vector<16xi32> -> vector<16xf32>
        %get3A_1223 = arith.index_cast %add3A_1218 : i32 to index
        %get3A_1224 = arith.constant 0 : index
        %get3A_1225 = tpu.vector_load %arg14[%get3A_1223, %get3A_1224] {strides = array<i32>} : memref<128x128xf32, #tpu.memory_space<vmem>>, vector<1x16xf32>,
        %get3A_1226 = vector.shape_cast %get3A_1225 : vector<1x16xf32> to vector<16xf32>
        %mul3A_1227 = arith.mulf %get3A_1226, %gather3A_1222 : vector<16xf32>
        %swap3A_1228 = arith.index_cast %add3A_1218 : i32 to index
        %swap3A_1229 = arith.constant 0 : index
        %swap3A_1230 = tpu.vector_load %arg14[%swap3A_1228, %swap3A_1229] {strides = array<i32>} : memref<128x128xf32, #tpu.memory_space<vmem>>, vector<1x16xf32>,
        %swap3A_1231 = vector.shape_cast %swap3A_1230 : vector<1x16xf32> to vector<16xf32>
        %swap3A_1232 = vector.shape_cast %mul3A_1227 : vector<16xf32> to vector<1x16xf32>
        tpu.vector_store %arg14[%swap3A_1228, %swap3A_1229], %swap3A_1232 {strides = array<i32>} : memref<128x128xf32, #tpu.memory_space<vmem>>, vector<1x16xf32>,
        %get3A_1233 = arith.index_cast %add3A_1218 : i32 to index
        %get3A_1234 = arith.constant 16 : index
        %get3A_1235 = tpu.vector_load %arg14[%get3A_1233, %get3A_1234] {strides = array<i32>} : memref<128x128xf32, #tpu.memory_space<vmem>>, vector<1x16xf32>,
        %get3A_1236 = vector.shape_cast %get3A_1235 : vector<1x16xf32> to vector<16xf32>
        %mul3A_1237 = arith.mulf %get3A_1236, %gather3A_1222 : vector<16xf32>
        %swap3A_1238 = arith.index_cast %add3A_1218 : i32 to index
        %swap3A_1239 = arith.constant 16 : index
        %swap3A_1240 = tpu.vector_load %arg14[%swap3A_1238, %swap3A_1239] {strides = array<i32>} : memref<128x128xf32, #tpu.memory_space<vmem>>, vector<1x16xf32>,
        %swap3A_1241 = vector.shape_cast %swap3A_1240 : vector<1x16xf32> to vector<16xf32>
        %swap3A_1242 = vector.shape_cast %mul3A_1237 : vector<16xf32> to vector<1x16xf32>
        tpu.vector_store %arg14[%swap3A_1238, %swap3A_1239], %swap3A_1242 {strides = array<i32>} : memref<128x128xf32, #tpu.memory_space<vmem>>, vector<1x16xf32>,
        %get3A_1243 = arith.index_cast %add3A_1218 : i32 to index
        %get3A_1244 = arith.constant 32 : index
        %get3A_1245 = tpu.vector_load %arg14[%get3A_1243, %get3A_1244] {strides = array<i32>} : memref<128x128xf32, #tpu.memory_space<vmem>>, vector<1x16xf32>,
        %get3A_1246 = vector.shape_cast %get3A_1245 : vector<1x16xf32> to vector<16xf32>
        %mul3A_1247 = arith.mulf %get3A_1246, %gather3A_1222 : vector<16xf32>
        %swap3A_1248 = arith.index_cast %add3A_1218 : i32 to index
        %swap3A_1249 = arith.constant 32 : index
        %swap3A_1250 = tpu.vector_load %arg14[%swap3A_1248, %swap3A_1249] {strides = array<i32>} : memref<128x128xf32, #tpu.memory_space<vmem>>, vector<1x16xf32>,
        %swap3A_1251 = vector.shape_cast %swap3A_1250 : vector<1x16xf32> to vector<16xf32>
        %swap3A_1252 = vector.shape_cast %mul3A_1247 : vector<16xf32> to vector<1x16xf32>
        tpu.vector_store %arg14[%swap3A_1248, %swap3A_1249], %swap3A_1252 {strides = array<i32>} : memref<128x128xf32, #tpu.memory_space<vmem>>, vector<1x16xf32>,
        %get3A_1253 = arith.index_cast %add3A_1218 : i32 to index
        %get3A_1254 = arith.constant 48 : index
        %get3A_1255 = tpu.vector_load %arg14[%get3A_1253, %get3A_1254] {strides = array<i32>} : memref<128x128xf32, #tpu.memory_space<vmem>>, vector<1x16xf32>,
        %get3A_1256 = vector.shape_cast %get3A_1255 : vector<1x16xf32> to vector<16xf32>
        %mul3A_1257 = arith.mulf %get3A_1256, %gather3A_1222 : vector<16xf32>
        %swap3A_1258 = arith.index_cast %add3A_1218 : i32 to index
        %swap3A_1259 = arith.constant 48 : index
        %swap3A_1260 = tpu.vector_load %arg14[%swap3A_1258, %swap3A_1259] {strides = array<i32>} : memref<128x128xf32, #tpu.memory_space<vmem>>, vector<1x16xf32>,
        %swap3A_1261 = vector.shape_cast %swap3A_1260 : vector<1x16xf32> to vector<16xf32>
        %swap3A_1262 = vector.shape_cast %mul3A_1257 : vector<16xf32> to vector<1x16xf32>
        tpu.vector_store %arg14[%swap3A_1258, %swap3A_1259], %swap3A_1262 {strides = array<i32>} : memref<128x128xf32, #tpu.memory_space<vmem>>, vector<1x16xf32>,
        %get3A_1263 = arith.index_cast %add3A_1218 : i32 to index
        %get3A_1264 = arith.constant 64 : index
        %get3A_1265 = tpu.vector_load %arg14[%get3A_1263, %get3A_1264] {strides = array<i32>} : memref<128x128xf32, #tpu.memory_space<vmem>>, vector<1x16xf32>,
        %get3A_1266 = vector.shape_cast %get3A_1265 : vector<1x16xf32> to vector<16xf32>
        %mul3A_1267 = arith.mulf %get3A_1266, %gather3A_1222 : vector<16xf32>
        %swap3A_1268 = arith.index_cast %add3A_1218 : i32 to index
        %swap3A_1269 = arith.constant 64 : index
        %swap3A_1270 = tpu.vector_load %arg14[%swap3A_1268, %swap3A_1269] {strides = array<i32>} : memref<128x128xf32, #tpu.memory_space<vmem>>, vector<1x16xf32>,
        %swap3A_1271 = vector.shape_cast %swap3A_1270 : vector<1x16xf32> to vector<16xf32>
        %swap3A_1272 = vector.shape_cast %mul3A_1267 : vector<16xf32> to vector<1x16xf32>
        tpu.vector_store %arg14[%swap3A_1268, %swap3A_1269], %swap3A_1272 {strides = array<i32>} : memref<128x128xf32, #tpu.memory_space<vmem>>, vector<1x16xf32>,
        %get3A_1273 = arith.index_cast %add3A_1218 : i32 to index
        %get3A_1274 = arith.constant 80 : index
        %get3A_1275 = tpu.vector_load %arg14[%get3A_1273, %get3A_1274] {strides = array<i32>} : memref<128x128xf32, #tpu.memory_space<vmem>>, vector<1x16xf32>,
        %get3A_1276 = vector.shape_cast %get3A_1275 : vector<1x16xf32> to vector<16xf32>
        %mul3A_1277 = arith.mulf %get3A_1276, %gather3A_1222 : vector<16xf32>
        %swap3A_1278 = arith.index_cast %add3A_1218 : i32 to index
        %swap3A_1279 = arith.constant 80 : index
        %swap3A_1280 = tpu.vector_load %arg14[%swap3A_1278, %swap3A_1279] {strides = array<i32>} : memref<128x128xf32, #tpu.memory_space<vmem>>, vector<1x16xf32>,
        %swap3A_1281 = vector.shape_cast %swap3A_1280 : vector<1x16xf32> to vector<16xf32>
        %swap3A_1282 = vector.shape_cast %mul3A_1277 : vector<16xf32> to vector<1x16xf32>
        tpu.vector_store %arg14[%swap3A_1278, %swap3A_1279], %swap3A_1282 {strides = array<i32>} : memref<128x128xf32, #tpu.memory_space<vmem>>, vector<1x16xf32>,
        %get3A_1283 = arith.index_cast %add3A_1218 : i32 to index
        %get3A_1284 = arith.constant 96 : index
        %get3A_1285 = tpu.vector_load %arg14[%get3A_1283, %get3A_1284] {strides = array<i32>} : memref<128x128xf32, #tpu.memory_space<vmem>>, vector<1x16xf32>,
        %get3A_1286 = vector.shape_cast %get3A_1285 : vector<1x16xf32> to vector<16xf32>
        %mul3A_1287 = arith.mulf %get3A_1286, %gather3A_1222 : vector<16xf32>
        %swap3A_1288 = arith.index_cast %add3A_1218 : i32 to index
        %swap3A_1289 = arith.constant 96 : index
        %swap3A_1290 = tpu.vector_load %arg14[%swap3A_1288, %swap3A_1289] {strides = array<i32>} : memref<128x128xf32, #tpu.memory_space<vmem>>, vector<1x16xf32>,
        %swap3A_1291 = vector.shape_cast %swap3A_1290 : vector<1x16xf32> to vector<16xf32>
        %swap3A_1292 = vector.shape_cast %mul3A_1287 : vector<16xf32> to vector<1x16xf32>
        tpu.vector_store %arg14[%swap3A_1288, %swap3A_1289], %swap3A_1292 {strides = array<i32>} : memref<128x128xf32, #tpu.memory_space<vmem>>, vector<1x16xf32>,
        %get3A_1293 = arith.index_cast %add3A_1218 : i32 to index
        %get3A_1294 = arith.constant 112 : index
        %get3A_1295 = tpu.vector_load %arg14[%get3A_1293, %get3A_1294] {strides = array<i32>} : memref<128x128xf32, #tpu.memory_space<vmem>>, vector<1x16xf32>,
        %get3A_1296 = vector.shape_cast %get3A_1295 : vector<1x16xf32> to vector<16xf32>
        %mul3A_1297 = arith.mulf %get3A_1296, %gather3A_1222 : vector<16xf32>
        %swap3A_1298 = arith.index_cast %add3A_1218 : i32 to index
        %swap3A_1299 = arith.constant 112 : index
        %swap3A_1300 = tpu.vector_load %arg14[%swap3A_1298, %swap3A_1299] {strides = array<i32>} : memref<128x128xf32, #tpu.memory_space<vmem>>, vector<1x16xf32>,
        %swap3A_1301 = vector.shape_cast %swap3A_1300 : vector<1x16xf32> to vector<16xf32>
        %swap3A_1302 = vector.shape_cast %mul3A_1297 : vector<16xf32> to vector<1x16xf32>
        tpu.vector_store %arg14[%swap3A_1298, %swap3A_1299], %swap3A_1302 {strides = array<i32>} : memref<128x128xf32, #tpu.memory_space<vmem>>, vector<1x16xf32>,
        %mul3A_1303 = arith.constant 16 : i32
        %mul3A_1304 = arith.muli %scan3A_156, %mul3A_1303 : i32
        %add3A_1305 = arith.constant 13 : i32
        %add3A_1306 = arith.addi %mul3A_1304, %add3A_1305 : i32
        %broadcast_in_dim3A_1307 = arith.constant 13 : i32
        %broadcast_in_dim3A_1308 = vector.broadcast %broadcast_in_dim3A_1307 : i32 to vector<16x1xi32>
        %gather3A_1309 = vector.shape_cast %broadcast_in_dim3A_1308 : vector<16x1xi32> to vector<16xi32>
        %gather3A_1310 = tpu.dynamic_gather %get3A_160[%gather3A_1309] in [0] : vector<16xf32>, vector<16xi32> -> vector<16xf32>
        %get3A_1311 = arith.index_cast %add3A_1306 : i32 to index
        %get3A_1312 = arith.constant 0 : index
        %get3A_1313 = tpu.vector_load %arg14[%get3A_1311, %get3A_1312] {strides = array<i32>} : memref<128x128xf32, #tpu.memory_space<vmem>>, vector<1x16xf32>,
        %get3A_1314 = vector.shape_cast %get3A_1313 : vector<1x16xf32> to vector<16xf32>
        %mul3A_1315 = arith.mulf %get3A_1314, %gather3A_1310 : vector<16xf32>
        %swap3A_1316 = arith.index_cast %add3A_1306 : i32 to index
        %swap3A_1317 = arith.constant 0 : index
        %swap3A_1318 = tpu.vector_load %arg14[%swap3A_1316, %swap3A_1317] {strides = array<i32>} : memref<128x128xf32, #tpu.memory_space<vmem>>, vector<1x16xf32>,
        %swap3A_1319 = vector.shape_cast %swap3A_1318 : vector<1x16xf32> to vector<16xf32>
        %swap3A_1320 = vector.shape_cast %mul3A_1315 : vector<16xf32> to vector<1x16xf32>
        tpu.vector_store %arg14[%swap3A_1316, %swap3A_1317], %swap3A_1320 {strides = array<i32>} : memref<128x128xf32, #tpu.memory_space<vmem>>, vector<1x16xf32>,
        %get3A_1321 = arith.index_cast %add3A_1306 : i32 to index
        %get3A_1322 = arith.constant 16 : index
        %get3A_1323 = tpu.vector_load %arg14[%get3A_1321, %get3A_1322] {strides = array<i32>} : memref<128x128xf32, #tpu.memory_space<vmem>>, vector<1x16xf32>,
        %get3A_1324 = vector.shape_cast %get3A_1323 : vector<1x16xf32> to vector<16xf32>
        %mul3A_1325 = arith.mulf %get3A_1324, %gather3A_1310 : vector<16xf32>
        %swap3A_1326 = arith.index_cast %add3A_1306 : i32 to index
        %swap3A_1327 = arith.constant 16 : index
        %swap3A_1328 = tpu.vector_load %arg14[%swap3A_1326, %swap3A_1327] {strides = array<i32>} : memref<128x128xf32, #tpu.memory_space<vmem>>, vector<1x16xf32>,
        %swap3A_1329 = vector.shape_cast %swap3A_1328 : vector<1x16xf32> to vector<16xf32>
        %swap3A_1330 = vector.shape_cast %mul3A_1325 : vector<16xf32> to vector<1x16xf32>
        tpu.vector_store %arg14[%swap3A_1326, %swap3A_1327], %swap3A_1330 {strides = array<i32>} : memref<128x128xf32, #tpu.memory_space<vmem>>, vector<1x16xf32>,
        %get3A_1331 = arith.index_cast %add3A_1306 : i32 to index
        %get3A_1332 = arith.constant 32 : index
        %get3A_1333 = tpu.vector_load %arg14[%get3A_1331, %get3A_1332] {strides = array<i32>} : memref<128x128xf32, #tpu.memory_space<vmem>>, vector<1x16xf32>,
        %get3A_1334 = vector.shape_cast %get3A_1333 : vector<1x16xf32> to vector<16xf32>
        %mul3A_1335 = arith.mulf %get3A_1334, %gather3A_1310 : vector<16xf32>
        %swap3A_1336 = arith.index_cast %add3A_1306 : i32 to index
        %swap3A_1337 = arith.constant 32 : index
        %swap3A_1338 = tpu.vector_load %arg14[%swap3A_1336, %swap3A_1337] {strides = array<i32>} : memref<128x128xf32, #tpu.memory_space<vmem>>, vector<1x16xf32>,
        %swap3A_1339 = vector.shape_cast %swap3A_1338 : vector<1x16xf32> to vector<16xf32>
        %swap3A_1340 = vector.shape_cast %mul3A_1335 : vector<16xf32> to vector<1x16xf32>
        tpu.vector_store %arg14[%swap3A_1336, %swap3A_1337], %swap3A_1340 {strides = array<i32>} : memref<128x128xf32, #tpu.memory_space<vmem>>, vector<1x16xf32>,
        %get3A_1341 = arith.index_cast %add3A_1306 : i32 to index
        %get3A_1342 = arith.constant 48 : index
        %get3A_1343 = tpu.vector_load %arg14[%get3A_1341, %get3A_1342] {strides = array<i32>} : memref<128x128xf32, #tpu.memory_space<vmem>>, vector<1x16xf32>,
        %get3A_1344 = vector.shape_cast %get3A_1343 : vector<1x16xf32> to vector<16xf32>
        %mul3A_1345 = arith.mulf %get3A_1344, %gather3A_1310 : vector<16xf32>
        %swap3A_1346 = arith.index_cast %add3A_1306 : i32 to index
        %swap3A_1347 = arith.constant 48 : index
        %swap3A_1348 = tpu.vector_load %arg14[%swap3A_1346, %swap3A_1347] {strides = array<i32>} : memref<128x128xf32, #tpu.memory_space<vmem>>, vector<1x16xf32>,
        %swap3A_1349 = vector.shape_cast %swap3A_1348 : vector<1x16xf32> to vector<16xf32>
        %swap3A_1350 = vector.shape_cast %mul3A_1345 : vector<16xf32> to vector<1x16xf32>
        tpu.vector_store %arg14[%swap3A_1346, %swap3A_1347], %swap3A_1350 {strides = array<i32>} : memref<128x128xf32, #tpu.memory_space<vmem>>, vector<1x16xf32>,
        %get3A_1351 = arith.index_cast %add3A_1306 : i32 to index
        %get3A_1352 = arith.constant 64 : index
        %get3A_1353 = tpu.vector_load %arg14[%get3A_1351, %get3A_1352] {strides = array<i32>} : memref<128x128xf32, #tpu.memory_space<vmem>>, vector<1x16xf32>,
        %get3A_1354 = vector.shape_cast %get3A_1353 : vector<1x16xf32> to vector<16xf32>
        %mul3A_1355 = arith.mulf %get3A_1354, %gather3A_1310 : vector<16xf32>
        %swap3A_1356 = arith.index_cast %add3A_1306 : i32 to index
        %swap3A_1357 = arith.constant 64 : index
        %swap3A_1358 = tpu.vector_load %arg14[%swap3A_1356, %swap3A_1357] {strides = array<i32>} : memref<128x128xf32, #tpu.memory_space<vmem>>, vector<1x16xf32>,
        %swap3A_1359 = vector.shape_cast %swap3A_1358 : vector<1x16xf32> to vector<16xf32>
        %swap3A_1360 = vector.shape_cast %mul3A_1355 : vector<16xf32> to vector<1x16xf32>
        tpu.vector_store %arg14[%swap3A_1356, %swap3A_1357], %swap3A_1360 {strides = array<i32>} : memref<128x128xf32, #tpu.memory_space<vmem>>, vector<1x16xf32>,
        %get3A_1361 = arith.index_cast %add3A_1306 : i32 to index
        %get3A_1362 = arith.constant 80 : index
        %get3A_1363 = tpu.vector_load %arg14[%get3A_1361, %get3A_1362] {strides = array<i32>} : memref<128x128xf32, #tpu.memory_space<vmem>>, vector<1x16xf32>,
        %get3A_1364 = vector.shape_cast %get3A_1363 : vector<1x16xf32> to vector<16xf32>
        %mul3A_1365 = arith.mulf %get3A_1364, %gather3A_1310 : vector<16xf32>
        %swap3A_1366 = arith.index_cast %add3A_1306 : i32 to index
        %swap3A_1367 = arith.constant 80 : index
        %swap3A_1368 = tpu.vector_load %arg14[%swap3A_1366, %swap3A_1367] {strides = array<i32>} : memref<128x128xf32, #tpu.memory_space<vmem>>, vector<1x16xf32>,
        %swap3A_1369 = vector.shape_cast %swap3A_1368 : vector<1x16xf32> to vector<16xf32>
        %swap3A_1370 = vector.shape_cast %mul3A_1365 : vector<16xf32> to vector<1x16xf32>
        tpu.vector_store %arg14[%swap3A_1366, %swap3A_1367], %swap3A_1370 {strides = array<i32>} : memref<128x128xf32, #tpu.memory_space<vmem>>, vector<1x16xf32>,
        %get3A_1371 = arith.index_cast %add3A_1306 : i32 to index
        %get3A_1372 = arith.constant 96 : index
        %get3A_1373 = tpu.vector_load %arg14[%get3A_1371, %get3A_1372] {strides = array<i32>} : memref<128x128xf32, #tpu.memory_space<vmem>>, vector<1x16xf32>,
        %get3A_1374 = vector.shape_cast %get3A_1373 : vector<1x16xf32> to vector<16xf32>
        %mul3A_1375 = arith.mulf %get3A_1374, %gather3A_1310 : vector<16xf32>
        %swap3A_1376 = arith.index_cast %add3A_1306 : i32 to index
        %swap3A_1377 = arith.constant 96 : index
        %swap3A_1378 = tpu.vector_load %arg14[%swap3A_1376, %swap3A_1377] {strides = array<i32>} : memref<128x128xf32, #tpu.memory_space<vmem>>, vector<1x16xf32>,
        %swap3A_1379 = vector.shape_cast %swap3A_1378 : vector<1x16xf32> to vector<16xf32>
        %swap3A_1380 = vector.shape_cast %mul3A_1375 : vector<16xf32> to vector<1x16xf32>
        tpu.vector_store %arg14[%swap3A_1376, %swap3A_1377], %swap3A_1380 {strides = array<i32>} : memref<128x128xf32, #tpu.memory_space<vmem>>, vector<1x16xf32>,
        %get3A_1381 = arith.index_cast %add3A_1306 : i32 to index
        %get3A_1382 = arith.constant 112 : index
        %get3A_1383 = tpu.vector_load %arg14[%get3A_1381, %get3A_1382] {strides = array<i32>} : memref<128x128xf32, #tpu.memory_space<vmem>>, vector<1x16xf32>,
        %get3A_1384 = vector.shape_cast %get3A_1383 : vector<1x16xf32> to vector<16xf32>
        %mul3A_1385 = arith.mulf %get3A_1384, %gather3A_1310 : vector<16xf32>
        %swap3A_1386 = arith.index_cast %add3A_1306 : i32 to index
        %swap3A_1387 = arith.constant 112 : index
        %swap3A_1388 = tpu.vector_load %arg14[%swap3A_1386, %swap3A_1387] {strides = array<i32>} : memref<128x128xf32, #tpu.memory_space<vmem>>, vector<1x16xf32>,
        %swap3A_1389 = vector.shape_cast %swap3A_1388 : vector<1x16xf32> to vector<16xf32>
        %swap3A_1390 = vector.shape_cast %mul3A_1385 : vector<16xf32> to vector<1x16xf32>
        tpu.vector_store %arg14[%swap3A_1386, %swap3A_1387], %swap3A_1390 {strides = array<i32>} : memref<128x128xf32, #tpu.memory_space<vmem>>, vector<1x16xf32>,
        %mul3A_1391 = arith.constant 16 : i32
        %mul3A_1392 = arith.muli %scan3A_156, %mul3A_1391 : i32
        %add3A_1393 = arith.constant 14 : i32
        %add3A_1394 = arith.addi %mul3A_1392, %add3A_1393 : i32
        %broadcast_in_dim3A_1395 = arith.constant 14 : i32
        %broadcast_in_dim3A_1396 = vector.broadcast %broadcast_in_dim3A_1395 : i32 to vector<16x1xi32>
        %gather3A_1397 = vector.shape_cast %broadcast_in_dim3A_1396 : vector<16x1xi32> to vector<16xi32>
        %gather3A_1398 = tpu.dynamic_gather %get3A_160[%gather3A_1397] in [0] : vector<16xf32>, vector<16xi32> -> vector<16xf32>
        %get3A_1399 = arith.index_cast %add3A_1394 : i32 to index
        %get3A_1400 = arith.constant 0 : index
        %get3A_1401 = tpu.vector_load %arg14[%get3A_1399, %get3A_1400] {strides = array<i32>} : memref<128x128xf32, #tpu.memory_space<vmem>>, vector<1x16xf32>,
        %get3A_1402 = vector.shape_cast %get3A_1401 : vector<1x16xf32> to vector<16xf32>
        %mul3A_1403 = arith.mulf %get3A_1402, %gather3A_1398 : vector<16xf32>
        %swap3A_1404 = arith.index_cast %add3A_1394 : i32 to index
        %swap3A_1405 = arith.constant 0 : index
        %swap3A_1406 = tpu.vector_load %arg14[%swap3A_1404, %swap3A_1405] {strides = array<i32>} : memref<128x128xf32, #tpu.memory_space<vmem>>, vector<1x16xf32>,
        %swap3A_1407 = vector.shape_cast %swap3A_1406 : vector<1x16xf32> to vector<16xf32>
        %swap3A_1408 = vector.shape_cast %mul3A_1403 : vector<16xf32> to vector<1x16xf32>
        tpu.vector_store %arg14[%swap3A_1404, %swap3A_1405], %swap3A_1408 {strides = array<i32>} : memref<128x128xf32, #tpu.memory_space<vmem>>, vector<1x16xf32>,
        %get3A_1409 = arith.index_cast %add3A_1394 : i32 to index
        %get3A_1410 = arith.constant 16 : index
        %get3A_1411 = tpu.vector_load %arg14[%get3A_1409, %get3A_1410] {strides = array<i32>} : memref<128x128xf32, #tpu.memory_space<vmem>>, vector<1x16xf32>,
        %get3A_1412 = vector.shape_cast %get3A_1411 : vector<1x16xf32> to vector<16xf32>
        %mul3A_1413 = arith.mulf %get3A_1412, %gather3A_1398 : vector<16xf32>
        %swap3A_1414 = arith.index_cast %add3A_1394 : i32 to index
        %swap3A_1415 = arith.constant 16 : index
        %swap3A_1416 = tpu.vector_load %arg14[%swap3A_1414, %swap3A_1415] {strides = array<i32>} : memref<128x128xf32, #tpu.memory_space<vmem>>, vector<1x16xf32>,
        %swap3A_1417 = vector.shape_cast %swap3A_1416 : vector<1x16xf32> to vector<16xf32>
        %swap3A_1418 = vector.shape_cast %mul3A_1413 : vector<16xf32> to vector<1x16xf32>
        tpu.vector_store %arg14[%swap3A_1414, %swap3A_1415], %swap3A_1418 {strides = array<i32>} : memref<128x128xf32, #tpu.memory_space<vmem>>, vector<1x16xf32>,
        %get3A_1419 = arith.index_cast %add3A_1394 : i32 to index
        %get3A_1420 = arith.constant 32 : index
        %get3A_1421 = tpu.vector_load %arg14[%get3A_1419, %get3A_1420] {strides = array<i32>} : memref<128x128xf32, #tpu.memory_space<vmem>>, vector<1x16xf32>,
        %get3A_1422 = vector.shape_cast %get3A_1421 : vector<1x16xf32> to vector<16xf32>
        %mul3A_1423 = arith.mulf %get3A_1422, %gather3A_1398 : vector<16xf32>
        %swap3A_1424 = arith.index_cast %add3A_1394 : i32 to index
        %swap3A_1425 = arith.constant 32 : index
        %swap3A_1426 = tpu.vector_load %arg14[%swap3A_1424, %swap3A_1425] {strides = array<i32>} : memref<128x128xf32, #tpu.memory_space<vmem>>, vector<1x16xf32>,
        %swap3A_1427 = vector.shape_cast %swap3A_1426 : vector<1x16xf32> to vector<16xf32>
        %swap3A_1428 = vector.shape_cast %mul3A_1423 : vector<16xf32> to vector<1x16xf32>
        tpu.vector_store %arg14[%swap3A_1424, %swap3A_1425], %swap3A_1428 {strides = array<i32>} : memref<128x128xf32, #tpu.memory_space<vmem>>, vector<1x16xf32>,
        %get3A_1429 = arith.index_cast %add3A_1394 : i32 to index
        %get3A_1430 = arith.constant 48 : index
        %get3A_1431 = tpu.vector_load %arg14[%get3A_1429, %get3A_1430] {strides = array<i32>} : memref<128x128xf32, #tpu.memory_space<vmem>>, vector<1x16xf32>,
        %get3A_1432 = vector.shape_cast %get3A_1431 : vector<1x16xf32> to vector<16xf32>
        %mul3A_1433 = arith.mulf %get3A_1432, %gather3A_1398 : vector<16xf32>
        %swap3A_1434 = arith.index_cast %add3A_1394 : i32 to index
        %swap3A_1435 = arith.constant 48 : index
        %swap3A_1436 = tpu.vector_load %arg14[%swap3A_1434, %swap3A_1435] {strides = array<i32>} : memref<128x128xf32, #tpu.memory_space<vmem>>, vector<1x16xf32>,
        %swap3A_1437 = vector.shape_cast %swap3A_1436 : vector<1x16xf32> to vector<16xf32>
        %swap3A_1438 = vector.shape_cast %mul3A_1433 : vector<16xf32> to vector<1x16xf32>
        tpu.vector_store %arg14[%swap3A_1434, %swap3A_1435], %swap3A_1438 {strides = array<i32>} : memref<128x128xf32, #tpu.memory_space<vmem>>, vector<1x16xf32>,
        %get3A_1439 = arith.index_cast %add3A_1394 : i32 to index
        %get3A_1440 = arith.constant 64 : index
        %get3A_1441 = tpu.vector_load %arg14[%get3A_1439, %get3A_1440] {strides = array<i32>} : memref<128x128xf32, #tpu.memory_space<vmem>>, vector<1x16xf32>,
        %get3A_1442 = vector.shape_cast %get3A_1441 : vector<1x16xf32> to vector<16xf32>
        %mul3A_1443 = arith.mulf %get3A_1442, %gather3A_1398 : vector<16xf32>
        %swap3A_1444 = arith.index_cast %add3A_1394 : i32 to index
        %swap3A_1445 = arith.constant 64 : index
        %swap3A_1446 = tpu.vector_load %arg14[%swap3A_1444, %swap3A_1445] {strides = array<i32>} : memref<128x128xf32, #tpu.memory_space<vmem>>, vector<1x16xf32>,
        %swap3A_1447 = vector.shape_cast %swap3A_1446 : vector<1x16xf32> to vector<16xf32>
        %swap3A_1448 = vector.shape_cast %mul3A_1443 : vector<16xf32> to vector<1x16xf32>
        tpu.vector_store %arg14[%swap3A_1444, %swap3A_1445], %swap3A_1448 {strides = array<i32>} : memref<128x128xf32, #tpu.memory_space<vmem>>, vector<1x16xf32>,
        %get3A_1449 = arith.index_cast %add3A_1394 : i32 to index
        %get3A_1450 = arith.constant 80 : index
        %get3A_1451 = tpu.vector_load %arg14[%get3A_1449, %get3A_1450] {strides = array<i32>} : memref<128x128xf32, #tpu.memory_space<vmem>>, vector<1x16xf32>,
        %get3A_1452 = vector.shape_cast %get3A_1451 : vector<1x16xf32> to vector<16xf32>
        %mul3A_1453 = arith.mulf %get3A_1452, %gather3A_1398 : vector<16xf32>
        %swap3A_1454 = arith.index_cast %add3A_1394 : i32 to index
        %swap3A_1455 = arith.constant 80 : index
        %swap3A_1456 = tpu.vector_load %arg14[%swap3A_1454, %swap3A_1455] {strides = array<i32>} : memref<128x128xf32, #tpu.memory_space<vmem>>, vector<1x16xf32>,
        %swap3A_1457 = vector.shape_cast %swap3A_1456 : vector<1x16xf32> to vector<16xf32>
        %swap3A_1458 = vector.shape_cast %mul3A_1453 : vector<16xf32> to vector<1x16xf32>
        tpu.vector_store %arg14[%swap3A_1454, %swap3A_1455], %swap3A_1458 {strides = array<i32>} : memref<128x128xf32, #tpu.memory_space<vmem>>, vector<1x16xf32>,
        %get3A_1459 = arith.index_cast %add3A_1394 : i32 to index
        %get3A_1460 = arith.constant 96 : index
        %get3A_1461 = tpu.vector_load %arg14[%get3A_1459, %get3A_1460] {strides = array<i32>} : memref<128x128xf32, #tpu.memory_space<vmem>>, vector<1x16xf32>,
        %get3A_1462 = vector.shape_cast %get3A_1461 : vector<1x16xf32> to vector<16xf32>
        %mul3A_1463 = arith.mulf %get3A_1462, %gather3A_1398 : vector<16xf32>
        %swap3A_1464 = arith.index_cast %add3A_1394 : i32 to index
        %swap3A_1465 = arith.constant 96 : index
        %swap3A_1466 = tpu.vector_load %arg14[%swap3A_1464, %swap3A_1465] {strides = array<i32>} : memref<128x128xf32, #tpu.memory_space<vmem>>, vector<1x16xf32>,
        %swap3A_1467 = vector.shape_cast %swap3A_1466 : vector<1x16xf32> to vector<16xf32>
        %swap3A_1468 = vector.shape_cast %mul3A_1463 : vector<16xf32> to vector<1x16xf32>
        tpu.vector_store %arg14[%swap3A_1464, %swap3A_1465], %swap3A_1468 {strides = array<i32>} : memref<128x128xf32, #tpu.memory_space<vmem>>, vector<1x16xf32>,
        %get3A_1469 = arith.index_cast %add3A_1394 : i32 to index
        %get3A_1470 = arith.constant 112 : index
        %get3A_1471 = tpu.vector_load %arg14[%get3A_1469, %get3A_1470] {strides = array<i32>} : memref<128x128xf32, #tpu.memory_space<vmem>>, vector<1x16xf32>,
        %get3A_1472 = vector.shape_cast %get3A_1471 : vector<1x16xf32> to vector<16xf32>
        %mul3A_1473 = arith.mulf %get3A_1472, %gather3A_1398 : vector<16xf32>
        %swap3A_1474 = arith.index_cast %add3A_1394 : i32 to index
        %swap3A_1475 = arith.constant 112 : index
        %swap3A_1476 = tpu.vector_load %arg14[%swap3A_1474, %swap3A_1475] {strides = array<i32>} : memref<128x128xf32, #tpu.memory_space<vmem>>, vector<1x16xf32>,
        %swap3A_1477 = vector.shape_cast %swap3A_1476 : vector<1x16xf32> to vector<16xf32>
        %swap3A_1478 = vector.shape_cast %mul3A_1473 : vector<16xf32> to vector<1x16xf32>
        tpu.vector_store %arg14[%swap3A_1474, %swap3A_1475], %swap3A_1478 {strides = array<i32>} : memref<128x128xf32, #tpu.memory_space<vmem>>, vector<1x16xf32>,
        %mul3A_1479 = arith.constant 16 : i32
        %mul3A_1480 = arith.muli %scan3A_156, %mul3A_1479 : i32
        %add3A_1481 = arith.constant 15 : i32
        %add3A_1482 = arith.addi %mul3A_1480, %add3A_1481 : i32
        %broadcast_in_dim3A_1483 = arith.constant 15 : i32
        %broadcast_in_dim3A_1484 = vector.broadcast %broadcast_in_dim3A_1483 : i32 to vector<16x1xi32>
        %gather3A_1485 = vector.shape_cast %broadcast_in_dim3A_1484 : vector<16x1xi32> to vector<16xi32>
        %gather3A_1486 = tpu.dynamic_gather %get3A_160[%gather3A_1485] in [0] : vector<16xf32>, vector<16xi32> -> vector<16xf32>
        %get3A_1487 = arith.index_cast %add3A_1482 : i32 to index
        %get3A_1488 = arith.constant 0 : index
        %get3A_1489 = tpu.vector_load %arg14[%get3A_1487, %get3A_1488] {strides = array<i32>} : memref<128x128xf32, #tpu.memory_space<vmem>>, vector<1x16xf32>,
        %get3A_1490 = vector.shape_cast %get3A_1489 : vector<1x16xf32> to vector<16xf32>
        %mul3A_1491 = arith.mulf %get3A_1490, %gather3A_1486 : vector<16xf32>
        %swap3A_1492 = arith.index_cast %add3A_1482 : i32 to index
        %swap3A_1493 = arith.constant 0 : index
        %swap3A_1494 = tpu.vector_load %arg14[%swap3A_1492, %swap3A_1493] {strides = array<i32>} : memref<128x128xf32, #tpu.memory_space<vmem>>, vector<1x16xf32>,
        %swap3A_1495 = vector.shape_cast %swap3A_1494 : vector<1x16xf32> to vector<16xf32>
        %swap3A_1496 = vector.shape_cast %mul3A_1491 : vector<16xf32> to vector<1x16xf32>
        tpu.vector_store %arg14[%swap3A_1492, %swap3A_1493], %swap3A_1496 {strides = array<i32>} : memref<128x128xf32, #tpu.memory_space<vmem>>, vector<1x16xf32>,
        %get3A_1497 = arith.index_cast %add3A_1482 : i32 to index
        %get3A_1498 = arith.constant 16 : index
        %get3A_1499 = tpu.vector_load %arg14[%get3A_1497, %get3A_1498] {strides = array<i32>} : memref<128x128xf32, #tpu.memory_space<vmem>>, vector<1x16xf32>,
        %get3A_1500 = vector.shape_cast %get3A_1499 : vector<1x16xf32> to vector<16xf32>
        %mul3A_1501 = arith.mulf %get3A_1500, %gather3A_1486 : vector<16xf32>
        %swap3A_1502 = arith.index_cast %add3A_1482 : i32 to index
        %swap3A_1503 = arith.constant 16 : index
        %swap3A_1504 = tpu.vector_load %arg14[%swap3A_1502, %swap3A_1503] {strides = array<i32>} : memref<128x128xf32, #tpu.memory_space<vmem>>, vector<1x16xf32>,
        %swap3A_1505 = vector.shape_cast %swap3A_1504 : vector<1x16xf32> to vector<16xf32>
        %swap3A_1506 = vector.shape_cast %mul3A_1501 : vector<16xf32> to vector<1x16xf32>
        tpu.vector_store %arg14[%swap3A_1502, %swap3A_1503], %swap3A_1506 {strides = array<i32>} : memref<128x128xf32, #tpu.memory_space<vmem>>, vector<1x16xf32>,
        %get3A_1507 = arith.index_cast %add3A_1482 : i32 to index
        %get3A_1508 = arith.constant 32 : index
        %get3A_1509 = tpu.vector_load %arg14[%get3A_1507, %get3A_1508] {strides = array<i32>} : memref<128x128xf32, #tpu.memory_space<vmem>>, vector<1x16xf32>,
        %get3A_1510 = vector.shape_cast %get3A_1509 : vector<1x16xf32> to vector<16xf32>
        %mul3A_1511 = arith.mulf %get3A_1510, %gather3A_1486 : vector<16xf32>
        %swap3A_1512 = arith.index_cast %add3A_1482 : i32 to index
        %swap3A_1513 = arith.constant 32 : index
        %swap3A_1514 = tpu.vector_load %arg14[%swap3A_1512, %swap3A_1513] {strides = array<i32>} : memref<128x128xf32, #tpu.memory_space<vmem>>, vector<1x16xf32>,
        %swap3A_1515 = vector.shape_cast %swap3A_1514 : vector<1x16xf32> to vector<16xf32>
        %swap3A_1516 = vector.shape_cast %mul3A_1511 : vector<16xf32> to vector<1x16xf32>
        tpu.vector_store %arg14[%swap3A_1512, %swap3A_1513], %swap3A_1516 {strides = array<i32>} : memref<128x128xf32, #tpu.memory_space<vmem>>, vector<1x16xf32>,
        %get3A_1517 = arith.index_cast %add3A_1482 : i32 to index
        %get3A_1518 = arith.constant 48 : index
        %get3A_1519 = tpu.vector_load %arg14[%get3A_1517, %get3A_1518] {strides = array<i32>} : memref<128x128xf32, #tpu.memory_space<vmem>>, vector<1x16xf32>,
        %get3A_1520 = vector.shape_cast %get3A_1519 : vector<1x16xf32> to vector<16xf32>
        %mul3A_1521 = arith.mulf %get3A_1520, %gather3A_1486 : vector<16xf32>
        %swap3A_1522 = arith.index_cast %add3A_1482 : i32 to index
        %swap3A_1523 = arith.constant 48 : index
        %swap3A_1524 = tpu.vector_load %arg14[%swap3A_1522, %swap3A_1523] {strides = array<i32>} : memref<128x128xf32, #tpu.memory_space<vmem>>, vector<1x16xf32>,
        %swap3A_1525 = vector.shape_cast %swap3A_1524 : vector<1x16xf32> to vector<16xf32>
        %swap3A_1526 = vector.shape_cast %mul3A_1521 : vector<16xf32> to vector<1x16xf32>
        tpu.vector_store %arg14[%swap3A_1522, %swap3A_1523], %swap3A_1526 {strides = array<i32>} : memref<128x128xf32, #tpu.memory_space<vmem>>, vector<1x16xf32>,
        %get3A_1527 = arith.index_cast %add3A_1482 : i32 to index
        %get3A_1528 = arith.constant 64 : index
        %get3A_1529 = tpu.vector_load %arg14[%get3A_1527, %get3A_1528] {strides = array<i32>} : memref<128x128xf32, #tpu.memory_space<vmem>>, vector<1x16xf32>,
        %get3A_1530 = vector.shape_cast %get3A_1529 : vector<1x16xf32> to vector<16xf32>
        %mul3A_1531 = arith.mulf %get3A_1530, %gather3A_1486 : vector<16xf32>
        %swap3A_1532 = arith.index_cast %add3A_1482 : i32 to index
        %swap3A_1533 = arith.constant 64 : index
        %swap3A_1534 = tpu.vector_load %arg14[%swap3A_1532, %swap3A_1533] {strides = array<i32>} : memref<128x128xf32, #tpu.memory_space<vmem>>, vector<1x16xf32>,
        %swap3A_1535 = vector.shape_cast %swap3A_1534 : vector<1x16xf32> to vector<16xf32>
        %swap3A_1536 = vector.shape_cast %mul3A_1531 : vector<16xf32> to vector<1x16xf32>
        tpu.vector_store %arg14[%swap3A_1532, %swap3A_1533], %swap3A_1536 {strides = array<i32>} : memref<128x128xf32, #tpu.memory_space<vmem>>, vector<1x16xf32>,
        %get3A_1537 = arith.index_cast %add3A_1482 : i32 to index
        %get3A_1538 = arith.constant 80 : index
        %get3A_1539 = tpu.vector_load %arg14[%get3A_1537, %get3A_1538] {strides = array<i32>} : memref<128x128xf32, #tpu.memory_space<vmem>>, vector<1x16xf32>,
        %get3A_1540 = vector.shape_cast %get3A_1539 : vector<1x16xf32> to vector<16xf32>
        %mul3A_1541 = arith.mulf %get3A_1540, %gather3A_1486 : vector<16xf32>
        %swap3A_1542 = arith.index_cast %add3A_1482 : i32 to index
        %swap3A_1543 = arith.constant 80 : index
        %swap3A_1544 = tpu.vector_load %arg14[%swap3A_1542, %swap3A_1543] {strides = array<i32>} : memref<128x128xf32, #tpu.memory_space<vmem>>, vector<1x16xf32>,
        %swap3A_1545 = vector.shape_cast %swap3A_1544 : vector<1x16xf32> to vector<16xf32>
        %swap3A_1546 = vector.shape_cast %mul3A_1541 : vector<16xf32> to vector<1x16xf32>
        tpu.vector_store %arg14[%swap3A_1542, %swap3A_1543], %swap3A_1546 {strides = array<i32>} : memref<128x128xf32, #tpu.memory_space<vmem>>, vector<1x16xf32>,
        %get3A_1547 = arith.index_cast %add3A_1482 : i32 to index
        %get3A_1548 = arith.constant 96 : index
        %get3A_1549 = tpu.vector_load %arg14[%get3A_1547, %get3A_1548] {strides = array<i32>} : memref<128x128xf32, #tpu.memory_space<vmem>>, vector<1x16xf32>,
        %get3A_1550 = vector.shape_cast %get3A_1549 : vector<1x16xf32> to vector<16xf32>
        %mul3A_1551 = arith.mulf %get3A_1550, %gather3A_1486 : vector<16xf32>
        %swap3A_1552 = arith.index_cast %add3A_1482 : i32 to index
        %swap3A_1553 = arith.constant 96 : index
        %swap3A_1554 = tpu.vector_load %arg14[%swap3A_1552, %swap3A_1553] {strides = array<i32>} : memref<128x128xf32, #tpu.memory_space<vmem>>, vector<1x16xf32>,
        %swap3A_1555 = vector.shape_cast %swap3A_1554 : vector<1x16xf32> to vector<16xf32>
        %swap3A_1556 = vector.shape_cast %mul3A_1551 : vector<16xf32> to vector<1x16xf32>
        tpu.vector_store %arg14[%swap3A_1552, %swap3A_1553], %swap3A_1556 {strides = array<i32>} : memref<128x128xf32, #tpu.memory_space<vmem>>, vector<1x16xf32>,
        %get3A_1557 = arith.index_cast %add3A_1482 : i32 to index
        %get3A_1558 = arith.constant 112 : index
        %get3A_1559 = tpu.vector_load %arg14[%get3A_1557, %get3A_1558] {strides = array<i32>} : memref<128x128xf32, #tpu.memory_space<vmem>>, vector<1x16xf32>,
        %get3A_1560 = vector.shape_cast %get3A_1559 : vector<1x16xf32> to vector<16xf32>
        %mul3A_1561 = arith.mulf %get3A_1560, %gather3A_1486 : vector<16xf32>
        %swap3A_1562 = arith.index_cast %add3A_1482 : i32 to index
        %swap3A_1563 = arith.constant 112 : index
        %swap3A_1564 = tpu.vector_load %arg14[%swap3A_1562, %swap3A_1563] {strides = array<i32>} : memref<128x128xf32, #tpu.memory_space<vmem>>, vector<1x16xf32>,
        %swap3A_1565 = vector.shape_cast %swap3A_1564 : vector<1x16xf32> to vector<16xf32>
        %swap3A_1566 = vector.shape_cast %mul3A_1561 : vector<16xf32> to vector<1x16xf32>
        tpu.vector_store %arg14[%swap3A_1562, %swap3A_1563], %swap3A_1566 {strides = array<i32>} : memref<128x128xf32, #tpu.memory_space<vmem>>, vector<1x16xf32>,
      }
      %scan3A_149 = arith.constant 8 : i32
      %dma_start3A_150 = arith.constant 0 : i32
      %dma_start3A_151 = arith.constant 0 : i32
      %dma_start3A_152 = tpu.memref_slice %arg15[%dma_start3A_150, %dma_start3A_151] : memref<10000x128xf32, #tpu.memory_space<vmem_shared>> -> memref<10000x128xf32, #tpu.memory_space<vmem_shared>>
      tpu.enqueue_indirect_dma source(%arg14 : memref<128x128xf32, #tpu.memory_space<vmem>>) target(%dma_start3A_152 : memref<10000x128xf32, #tpu.memory_space<vmem_shared>>) offsets(%arg9 : memref<128xi32, #tpu.memory_space<vmem>>) semaphore(%arg20 : memref<!tpu.dma_semaphore, #tpu.memory_space<semaphore_mem>>) {add = true}
      %dma_wait3A_153 = arith.constant 0 : i32
      %dma_wait3A_154 = arith.constant 0 : i32
      %dma_wait3A_155 = tpu.memref_slice %arg15[%dma_wait3A_153, %dma_wait3A_154] : memref<10000x128xf32, #tpu.memory_space<vmem_shared>> -> memref<10000x128xf32, #tpu.memory_space<vmem_shared>>
      tpu.wait_indirect_dma semaphore(%arg20 : memref<!tpu.dma_semaphore, #tpu.memory_space<semaphore_mem>>) src(%arg14 : memref<128x128xf32, #tpu.memory_space<vmem>>) dst(%dma_wait3A_155 : memref<10000x128xf32, #tpu.memory_space<vmem_shared>>)
    }
    %scan3A_49 = arith.constant 39 : i32
    %lt3A = arith.constant 4 : i32
    %lt3A_50 = arith.cmpi slt, %add3A, %lt3A : i32
    %convert_element_type3A = arith.extui %lt3A_50 : i1 to i32
    %cond3A = arith.constant 0 : i32
    %cond3A_51 = arith.cmpi ne, %convert_element_type3A, %cond3A : i32
    scf.if %cond3A_51 {
      %add3A_63 = arith.constant 9984 : i32
      %add3A_64 = arith.addi %mul3A_6, %add3A_63 : i32
      "tpu.region"() ({
        %run_scoped3A = tpu.sem_alloc : memref<!tpu.dma_semaphore, #tpu.memory_space<semaphore_mem>>
        %dma_start3A_101 = arith.constant 0 : i32
        %dma_start3A_102 = tpu.memref_slice %arg3[%dma_start3A_101, %add3A_64] : memref<2x320000xi32, #tpu.memory_space<hbm>> -> memref<2x128xi32, #tpu.memory_space<hbm>>
        %dma_start3A_103 = arith.constant 0 : i32
        %dma_start3A_104 = tpu.memref_slice %arg3[%dma_start3A_103, %add3A_64] : memref<2x320000xi32, #tpu.memory_space<hbm>> -> memref<2x128xi32, #tpu.memory_space<hbm>>
        tpu.enqueue_dma source(%dma_start3A_104 : memref<2x128xi32, #tpu.memory_space<hbm>>) target(%arg10 : memref<2x128xi32, #tpu.memory_space<vmem>>) target_semaphore(%run_scoped3A : memref<!tpu.dma_semaphore, #tpu.memory_space<semaphore_mem>>)
        %dma_wait3A_105 = arith.constant 0 : i32
        %dma_wait3A_106 = tpu.memref_slice %arg3[%dma_wait3A_105, %add3A_64] : memref<2x320000xi32, #tpu.memory_space<hbm>> -> memref<2x128xi32, #tpu.memory_space<hbm>>
        %dma_wait3A_107 = arith.constant 0 : i32
        %dma_wait3A_108 = tpu.memref_slice %arg3[%dma_wait3A_107, %add3A_64] : memref<2x320000xi32, #tpu.memory_space<hbm>> -> memref<2x128xi32, #tpu.memory_space<hbm>>
        tpu.wait_dma2 semaphore(%run_scoped3A : memref<!tpu.dma_semaphore, #tpu.memory_space<semaphore_mem>>) src(%dma_wait3A_108 : memref<2x128xi32, #tpu.memory_space<hbm>>) dst(%arg10 : memref<2x128xi32, #tpu.memory_space<vmem>>)
        tpu.yield
      }) : () -> ()
      %add3A_65 = arith.constant 9984 : i32
      %add3A_66 = arith.addi %mul3A_6, %add3A_65 : i32
      "tpu.region"() ({
        %run_scoped3A = tpu.sem_alloc : memref<!tpu.dma_semaphore, #tpu.memory_space<semaphore_mem>>
        %dma_start3A_101 = tpu.memref_slice %arg5[%add3A_66] : memref<320000xf32, #tpu.memory_space<hbm>> -> memref<128xf32, #tpu.memory_space<hbm>>
        %dma_start3A_102 = tpu.memref_slice %arg5[%add3A_66] : memref<320000xf32, #tpu.memory_space<hbm>> -> memref<128xf32, #tpu.memory_space<hbm>>
        tpu.enqueue_dma source(%dma_start3A_102 : memref<128xf32, #tpu.memory_space<hbm>>) target(%arg11 : memref<128xf32, #tpu.memory_space<vmem>>) target_semaphore(%run_scoped3A : memref<!tpu.dma_semaphore, #tpu.memory_space<semaphore_mem>>)
        %dma_wait3A_103 = tpu.memref_slice %arg5[%add3A_66] : memref<320000xf32, #tpu.memory_space<hbm>> -> memref<128xf32, #tpu.memory_space<hbm>>
        %dma_wait3A_104 = tpu.memref_slice %arg5[%add3A_66] : memref<320000xf32, #tpu.memory_space<hbm>> -> memref<128xf32, #tpu.memory_space<hbm>>
        tpu.wait_dma2 semaphore(%run_scoped3A : memref<!tpu.dma_semaphore, #tpu.memory_space<semaphore_mem>>) src(%dma_wait3A_104 : memref<128xf32, #tpu.memory_space<hbm>>) dst(%arg11 : memref<128xf32, #tpu.memory_space<vmem>>)
        tpu.yield
      }) : () -> ()
      %dma_start3A_67 = arith.constant 1 : i32
      %dma_start3A_68 = arith.constant 0 : i32
      %dma_start3A_69 = tpu.memref_slice %arg10[%dma_start3A_67, %dma_start3A_68] : memref<2x128xi32, #tpu.memory_space<vmem>> -> memref<1x128xi32, #tpu.memory_space<vmem>>
      %dma_start3A_70 = tpu.memref_squeeze %dma_start3A_69 : memref<1x128xi32, #tpu.memory_space<vmem>> -> memref<128xi32, #tpu.memory_space<vmem>>
      %dma_start3A_71 = arith.constant 0 : i32
      %dma_start3A_72 = arith.constant 0 : i32
      %dma_start3A_73 = tpu.memref_slice %arg2[%dma_start3A_71, %dma_start3A_72] : memref<10000x128xf32, #tpu.memory_space<hbm>> -> memref<10000x128xf32, #tpu.memory_space<hbm>>
      tpu.enqueue_indirect_dma source(%dma_start3A_73 : memref<10000x128xf32, #tpu.memory_space<hbm>>) target(%arg13 : memref<128x128xf32, #tpu.memory_space<vmem>>) offsets(%dma_start3A_70 : memref<128xi32, #tpu.memory_space<vmem>>) semaphore(%arg16 : memref<!tpu.dma_semaphore, #tpu.memory_space<semaphore_mem>>)
      %dma_wait3A_74 = arith.constant 1 : i32
      %dma_wait3A_75 = arith.constant 0 : i32
      %dma_wait3A_76 = tpu.memref_slice %arg10[%dma_wait3A_74, %dma_wait3A_75] : memref<2x128xi32, #tpu.memory_space<vmem>> -> memref<1x128xi32, #tpu.memory_space<vmem>>
      %dma_wait3A_77 = tpu.memref_squeeze %dma_wait3A_76 : memref<1x128xi32, #tpu.memory_space<vmem>> -> memref<128xi32, #tpu.memory_space<vmem>>
      %dma_wait3A_78 = arith.constant 0 : i32
      %dma_wait3A_79 = arith.constant 0 : i32
      %dma_wait3A_80 = tpu.memref_slice %arg2[%dma_wait3A_78, %dma_wait3A_79] : memref<10000x128xf32, #tpu.memory_space<hbm>> -> memref<10000x128xf32, #tpu.memory_space<hbm>>
      tpu.wait_indirect_dma semaphore(%arg16 : memref<!tpu.dma_semaphore, #tpu.memory_space<semaphore_mem>>) src(%dma_wait3A_80 : memref<10000x128xf32, #tpu.memory_space<hbm>>) dst(%arg13 : memref<128x128xf32, #tpu.memory_space<vmem>>)
      %scan3A_81 = arith.constant 0 : i32
      %scan3A_82 = arith.constant 0 : i32
      %scan3A_83 = arith.constant 8 : i32
      %scan3A_84 = arith.addi %scan3A_82, %scan3A_83 : i32
      %scan3A_85 = arith.constant 1 : i32
      scf.for %scan3A_101 = %scan3A_82 to %scan3A_84 step %scan3A_85  : i32 {
        %mul3A_102 = arith.constant 16 : i32
        %mul3A_103 = arith.muli %scan3A_101, %mul3A_102 : i32
        %get3A = arith.index_cast %mul3A_103 : i32 to index
        %get3A_104 = tpu.vector_load %arg11[%get3A] {strides = array<i32>} : memref<128xf32, #tpu.memory_space<vmem>>, vector<16xf32>,
        %get3A_105 = vector.shape_cast %get3A_104 : vector<16xf32> to vector<16xf32>
        %mul3A_106 = arith.constant 16 : i32
        %mul3A_107 = arith.muli %scan3A_101, %mul3A_106 : i32
        %add3A_108 = arith.constant 0 : i32
        %add3A_109 = arith.addi %mul3A_107, %add3A_108 : i32
        %broadcast_in_dim3A_110 = arith.constant 0 : i32
        %broadcast_in_dim3A_111 = vector.broadcast %broadcast_in_dim3A_110 : i32 to vector<16x1xi32>
        %gather3A = vector.shape_cast %broadcast_in_dim3A_111 : vector<16x1xi32> to vector<16xi32>
        %gather3A_112 = tpu.dynamic_gather %get3A_105[%gather3A] in [0] : vector<16xf32>, vector<16xi32> -> vector<16xf32>
        %get3A_113 = arith.index_cast %add3A_109 : i32 to index
        %get3A_114 = arith.constant 0 : index
        %get3A_115 = tpu.vector_load %arg13[%get3A_113, %get3A_114] {strides = array<i32>} : memref<128x128xf32, #tpu.memory_space<vmem>>, vector<1x16xf32>,
        %get3A_116 = vector.shape_cast %get3A_115 : vector<1x16xf32> to vector<16xf32>
        %mul3A_117 = arith.mulf %get3A_116, %gather3A_112 : vector<16xf32>
        %swap3A = arith.index_cast %add3A_109 : i32 to index
        %swap3A_118 = arith.constant 0 : index
        %swap3A_119 = tpu.vector_load %arg13[%swap3A, %swap3A_118] {strides = array<i32>} : memref<128x128xf32, #tpu.memory_space<vmem>>, vector<1x16xf32>,
        %swap3A_120 = vector.shape_cast %swap3A_119 : vector<1x16xf32> to vector<16xf32>
        %swap3A_121 = vector.shape_cast %mul3A_117 : vector<16xf32> to vector<1x16xf32>
        tpu.vector_store %arg13[%swap3A, %swap3A_118], %swap3A_121 {strides = array<i32>} : memref<128x128xf32, #tpu.memory_space<vmem>>, vector<1x16xf32>,
        %get3A_122 = arith.index_cast %add3A_109 : i32 to index
        %get3A_123 = arith.constant 16 : index
        %get3A_124 = tpu.vector_load %arg13[%get3A_122, %get3A_123] {strides = array<i32>} : memref<128x128xf32, #tpu.memory_space<vmem>>, vector<1x16xf32>,
        %get3A_125 = vector.shape_cast %get3A_124 : vector<1x16xf32> to vector<16xf32>
        %mul3A_126 = arith.mulf %get3A_125, %gather3A_112 : vector<16xf32>
        %swap3A_127 = arith.index_cast %add3A_109 : i32 to index
        %swap3A_128 = arith.constant 16 : index
        %swap3A_129 = tpu.vector_load %arg13[%swap3A_127, %swap3A_128] {strides = array<i32>} : memref<128x128xf32, #tpu.memory_space<vmem>>, vector<1x16xf32>,
        %swap3A_130 = vector.shape_cast %swap3A_129 : vector<1x16xf32> to vector<16xf32>
        %swap3A_131 = vector.shape_cast %mul3A_126 : vector<16xf32> to vector<1x16xf32>
        tpu.vector_store %arg13[%swap3A_127, %swap3A_128], %swap3A_131 {strides = array<i32>} : memref<128x128xf32, #tpu.memory_space<vmem>>, vector<1x16xf32>,
        %get3A_132 = arith.index_cast %add3A_109 : i32 to index
        %get3A_133 = arith.constant 32 : index
        %get3A_134 = tpu.vector_load %arg13[%get3A_132, %get3A_133] {strides = array<i32>} : memref<128x128xf32, #tpu.memory_space<vmem>>, vector<1x16xf32>,
        %get3A_135 = vector.shape_cast %get3A_134 : vector<1x16xf32> to vector<16xf32>
        %mul3A_136 = arith.mulf %get3A_135, %gather3A_112 : vector<16xf32>
        %swap3A_137 = arith.index_cast %add3A_109 : i32 to index
        %swap3A_138 = arith.constant 32 : index
        %swap3A_139 = tpu.vector_load %arg13[%swap3A_137, %swap3A_138] {strides = array<i32>} : memref<128x128xf32, #tpu.memory_space<vmem>>, vector<1x16xf32>,
        %swap3A_140 = vector.shape_cast %swap3A_139 : vector<1x16xf32> to vector<16xf32>
        %swap3A_141 = vector.shape_cast %mul3A_136 : vector<16xf32> to vector<1x16xf32>
        tpu.vector_store %arg13[%swap3A_137, %swap3A_138], %swap3A_141 {strides = array<i32>} : memref<128x128xf32, #tpu.memory_space<vmem>>, vector<1x16xf32>,
        %get3A_142 = arith.index_cast %add3A_109 : i32 to index
        %get3A_143 = arith.constant 48 : index
        %get3A_144 = tpu.vector_load %arg13[%get3A_142, %get3A_143] {strides = array<i32>} : memref<128x128xf32, #tpu.memory_space<vmem>>, vector<1x16xf32>,
        %get3A_145 = vector.shape_cast %get3A_144 : vector<1x16xf32> to vector<16xf32>
        %mul3A_146 = arith.mulf %get3A_145, %gather3A_112 : vector<16xf32>
        %swap3A_147 = arith.index_cast %add3A_109 : i32 to index
        %swap3A_148 = arith.constant 48 : index
        %swap3A_149 = tpu.vector_load %arg13[%swap3A_147, %swap3A_148] {strides = array<i32>} : memref<128x128xf32, #tpu.memory_space<vmem>>, vector<1x16xf32>,
        %swap3A_150 = vector.shape_cast %swap3A_149 : vector<1x16xf32> to vector<16xf32>
        %swap3A_151 = vector.shape_cast %mul3A_146 : vector<16xf32> to vector<1x16xf32>
        tpu.vector_store %arg13[%swap3A_147, %swap3A_148], %swap3A_151 {strides = array<i32>} : memref<128x128xf32, #tpu.memory_space<vmem>>, vector<1x16xf32>,
        %get3A_152 = arith.index_cast %add3A_109 : i32 to index
        %get3A_153 = arith.constant 64 : index
        %get3A_154 = tpu.vector_load %arg13[%get3A_152, %get3A_153] {strides = array<i32>} : memref<128x128xf32, #tpu.memory_space<vmem>>, vector<1x16xf32>,
        %get3A_155 = vector.shape_cast %get3A_154 : vector<1x16xf32> to vector<16xf32>
        %mul3A_156 = arith.mulf %get3A_155, %gather3A_112 : vector<16xf32>
        %swap3A_157 = arith.index_cast %add3A_109 : i32 to index
        %swap3A_158 = arith.constant 64 : index
        %swap3A_159 = tpu.vector_load %arg13[%swap3A_157, %swap3A_158] {strides = array<i32>} : memref<128x128xf32, #tpu.memory_space<vmem>>, vector<1x16xf32>,
        %swap3A_160 = vector.shape_cast %swap3A_159 : vector<1x16xf32> to vector<16xf32>
        %swap3A_161 = vector.shape_cast %mul3A_156 : vector<16xf32> to vector<1x16xf32>
        tpu.vector_store %arg13[%swap3A_157, %swap3A_158], %swap3A_161 {strides = array<i32>} : memref<128x128xf32, #tpu.memory_space<vmem>>, vector<1x16xf32>,
        %get3A_162 = arith.index_cast %add3A_109 : i32 to index
        %get3A_163 = arith.constant 80 : index
        %get3A_164 = tpu.vector_load %arg13[%get3A_162, %get3A_163] {strides = array<i32>} : memref<128x128xf32, #tpu.memory_space<vmem>>, vector<1x16xf32>,
        %get3A_165 = vector.shape_cast %get3A_164 : vector<1x16xf32> to vector<16xf32>
        %mul3A_166 = arith.mulf %get3A_165, %gather3A_112 : vector<16xf32>
        %swap3A_167 = arith.index_cast %add3A_109 : i32 to index
        %swap3A_168 = arith.constant 80 : index
        %swap3A_169 = tpu.vector_load %arg13[%swap3A_167, %swap3A_168] {strides = array<i32>} : memref<128x128xf32, #tpu.memory_space<vmem>>, vector<1x16xf32>,
        %swap3A_170 = vector.shape_cast %swap3A_169 : vector<1x16xf32> to vector<16xf32>
        %swap3A_171 = vector.shape_cast %mul3A_166 : vector<16xf32> to vector<1x16xf32>
        tpu.vector_store %arg13[%swap3A_167, %swap3A_168], %swap3A_171 {strides = array<i32>} : memref<128x128xf32, #tpu.memory_space<vmem>>, vector<1x16xf32>,
        %get3A_172 = arith.index_cast %add3A_109 : i32 to index
        %get3A_173 = arith.constant 96 : index
        %get3A_174 = tpu.vector_load %arg13[%get3A_172, %get3A_173] {strides = array<i32>} : memref<128x128xf32, #tpu.memory_space<vmem>>, vector<1x16xf32>,
        %get3A_175 = vector.shape_cast %get3A_174 : vector<1x16xf32> to vector<16xf32>
        %mul3A_176 = arith.mulf %get3A_175, %gather3A_112 : vector<16xf32>
        %swap3A_177 = arith.index_cast %add3A_109 : i32 to index
        %swap3A_178 = arith.constant 96 : index
        %swap3A_179 = tpu.vector_load %arg13[%swap3A_177, %swap3A_178] {strides = array<i32>} : memref<128x128xf32, #tpu.memory_space<vmem>>, vector<1x16xf32>,
        %swap3A_180 = vector.shape_cast %swap3A_179 : vector<1x16xf32> to vector<16xf32>
        %swap3A_181 = vector.shape_cast %mul3A_176 : vector<16xf32> to vector<1x16xf32>
        tpu.vector_store %arg13[%swap3A_177, %swap3A_178], %swap3A_181 {strides = array<i32>} : memref<128x128xf32, #tpu.memory_space<vmem>>, vector<1x16xf32>,
        %get3A_182 = arith.index_cast %add3A_109 : i32 to index
        %get3A_183 = arith.constant 112 : index
        %get3A_184 = tpu.vector_load %arg13[%get3A_182, %get3A_183] {strides = array<i32>} : memref<128x128xf32, #tpu.memory_space<vmem>>, vector<1x16xf32>,
        %get3A_185 = vector.shape_cast %get3A_184 : vector<1x16xf32> to vector<16xf32>
        %mul3A_186 = arith.mulf %get3A_185, %gather3A_112 : vector<16xf32>
        %swap3A_187 = arith.index_cast %add3A_109 : i32 to index
        %swap3A_188 = arith.constant 112 : index
        %swap3A_189 = tpu.vector_load %arg13[%swap3A_187, %swap3A_188] {strides = array<i32>} : memref<128x128xf32, #tpu.memory_space<vmem>>, vector<1x16xf32>,
        %swap3A_190 = vector.shape_cast %swap3A_189 : vector<1x16xf32> to vector<16xf32>
        %swap3A_191 = vector.shape_cast %mul3A_186 : vector<16xf32> to vector<1x16xf32>
        tpu.vector_store %arg13[%swap3A_187, %swap3A_188], %swap3A_191 {strides = array<i32>} : memref<128x128xf32, #tpu.memory_space<vmem>>, vector<1x16xf32>,
        %mul3A_192 = arith.constant 16 : i32
        %mul3A_193 = arith.muli %scan3A_101, %mul3A_192 : i32
        %add3A_194 = arith.constant 1 : i32
        %add3A_195 = arith.addi %mul3A_193, %add3A_194 : i32
        %broadcast_in_dim3A_196 = arith.constant 1 : i32
        %broadcast_in_dim3A_197 = vector.broadcast %broadcast_in_dim3A_196 : i32 to vector<16x1xi32>
        %gather3A_198 = vector.shape_cast %broadcast_in_dim3A_197 : vector<16x1xi32> to vector<16xi32>
        %gather3A_199 = tpu.dynamic_gather %get3A_105[%gather3A_198] in [0] : vector<16xf32>, vector<16xi32> -> vector<16xf32>
        %get3A_200 = arith.index_cast %add3A_195 : i32 to index
        %get3A_201 = arith.constant 0 : index
        %get3A_202 = tpu.vector_load %arg13[%get3A_200, %get3A_201] {strides = array<i32>} : memref<128x128xf32, #tpu.memory_space<vmem>>, vector<1x16xf32>,
        %get3A_203 = vector.shape_cast %get3A_202 : vector<1x16xf32> to vector<16xf32>
        %mul3A_204 = arith.mulf %get3A_203, %gather3A_199 : vector<16xf32>
        %swap3A_205 = arith.index_cast %add3A_195 : i32 to index
        %swap3A_206 = arith.constant 0 : index
        %swap3A_207 = tpu.vector_load %arg13[%swap3A_205, %swap3A_206] {strides = array<i32>} : memref<128x128xf32, #tpu.memory_space<vmem>>, vector<1x16xf32>,
        %swap3A_208 = vector.shape_cast %swap3A_207 : vector<1x16xf32> to vector<16xf32>
        %swap3A_209 = vector.shape_cast %mul3A_204 : vector<16xf32> to vector<1x16xf32>
        tpu.vector_store %arg13[%swap3A_205, %swap3A_206], %swap3A_209 {strides = array<i32>} : memref<128x128xf32, #tpu.memory_space<vmem>>, vector<1x16xf32>,
        %get3A_210 = arith.index_cast %add3A_195 : i32 to index
        %get3A_211 = arith.constant 16 : index
        %get3A_212 = tpu.vector_load %arg13[%get3A_210, %get3A_211] {strides = array<i32>} : memref<128x128xf32, #tpu.memory_space<vmem>>, vector<1x16xf32>,
        %get3A_213 = vector.shape_cast %get3A_212 : vector<1x16xf32> to vector<16xf32>
        %mul3A_214 = arith.mulf %get3A_213, %gather3A_199 : vector<16xf32>
        %swap3A_215 = arith.index_cast %add3A_195 : i32 to index
        %swap3A_216 = arith.constant 16 : index
        %swap3A_217 = tpu.vector_load %arg13[%swap3A_215, %swap3A_216] {strides = array<i32>} : memref<128x128xf32, #tpu.memory_space<vmem>>, vector<1x16xf32>,
        %swap3A_218 = vector.shape_cast %swap3A_217 : vector<1x16xf32> to vector<16xf32>
        %swap3A_219 = vector.shape_cast %mul3A_214 : vector<16xf32> to vector<1x16xf32>
        tpu.vector_store %arg13[%swap3A_215, %swap3A_216], %swap3A_219 {strides = array<i32>} : memref<128x128xf32, #tpu.memory_space<vmem>>, vector<1x16xf32>,
        %get3A_220 = arith.index_cast %add3A_195 : i32 to index
        %get3A_221 = arith.constant 32 : index
        %get3A_222 = tpu.vector_load %arg13[%get3A_220, %get3A_221] {strides = array<i32>} : memref<128x128xf32, #tpu.memory_space<vmem>>, vector<1x16xf32>,
        %get3A_223 = vector.shape_cast %get3A_222 : vector<1x16xf32> to vector<16xf32>
        %mul3A_224 = arith.mulf %get3A_223, %gather3A_199 : vector<16xf32>
        %swap3A_225 = arith.index_cast %add3A_195 : i32 to index
        %swap3A_226 = arith.constant 32 : index
        %swap3A_227 = tpu.vector_load %arg13[%swap3A_225, %swap3A_226] {strides = array<i32>} : memref<128x128xf32, #tpu.memory_space<vmem>>, vector<1x16xf32>,
        %swap3A_228 = vector.shape_cast %swap3A_227 : vector<1x16xf32> to vector<16xf32>
        %swap3A_229 = vector.shape_cast %mul3A_224 : vector<16xf32> to vector<1x16xf32>
        tpu.vector_store %arg13[%swap3A_225, %swap3A_226], %swap3A_229 {strides = array<i32>} : memref<128x128xf32, #tpu.memory_space<vmem>>, vector<1x16xf32>,
        %get3A_230 = arith.index_cast %add3A_195 : i32 to index
        %get3A_231 = arith.constant 48 : index
        %get3A_232 = tpu.vector_load %arg13[%get3A_230, %get3A_231] {strides = array<i32>} : memref<128x128xf32, #tpu.memory_space<vmem>>, vector<1x16xf32>,
        %get3A_233 = vector.shape_cast %get3A_232 : vector<1x16xf32> to vector<16xf32>
        %mul3A_234 = arith.mulf %get3A_233, %gather3A_199 : vector<16xf32>
        %swap3A_235 = arith.index_cast %add3A_195 : i32 to index
        %swap3A_236 = arith.constant 48 : index
        %swap3A_237 = tpu.vector_load %arg13[%swap3A_235, %swap3A_236] {strides = array<i32>} : memref<128x128xf32, #tpu.memory_space<vmem>>, vector<1x16xf32>,
        %swap3A_238 = vector.shape_cast %swap3A_237 : vector<1x16xf32> to vector<16xf32>
        %swap3A_239 = vector.shape_cast %mul3A_234 : vector<16xf32> to vector<1x16xf32>
        tpu.vector_store %arg13[%swap3A_235, %swap3A_236], %swap3A_239 {strides = array<i32>} : memref<128x128xf32, #tpu.memory_space<vmem>>, vector<1x16xf32>,
        %get3A_240 = arith.index_cast %add3A_195 : i32 to index
        %get3A_241 = arith.constant 64 : index
        %get3A_242 = tpu.vector_load %arg13[%get3A_240, %get3A_241] {strides = array<i32>} : memref<128x128xf32, #tpu.memory_space<vmem>>, vector<1x16xf32>,
        %get3A_243 = vector.shape_cast %get3A_242 : vector<1x16xf32> to vector<16xf32>
        %mul3A_244 = arith.mulf %get3A_243, %gather3A_199 : vector<16xf32>
        %swap3A_245 = arith.index_cast %add3A_195 : i32 to index
        %swap3A_246 = arith.constant 64 : index
        %swap3A_247 = tpu.vector_load %arg13[%swap3A_245, %swap3A_246] {strides = array<i32>} : memref<128x128xf32, #tpu.memory_space<vmem>>, vector<1x16xf32>,
        %swap3A_248 = vector.shape_cast %swap3A_247 : vector<1x16xf32> to vector<16xf32>
        %swap3A_249 = vector.shape_cast %mul3A_244 : vector<16xf32> to vector<1x16xf32>
        tpu.vector_store %arg13[%swap3A_245, %swap3A_246], %swap3A_249 {strides = array<i32>} : memref<128x128xf32, #tpu.memory_space<vmem>>, vector<1x16xf32>,
        %get3A_250 = arith.index_cast %add3A_195 : i32 to index
        %get3A_251 = arith.constant 80 : index
        %get3A_252 = tpu.vector_load %arg13[%get3A_250, %get3A_251] {strides = array<i32>} : memref<128x128xf32, #tpu.memory_space<vmem>>, vector<1x16xf32>,
        %get3A_253 = vector.shape_cast %get3A_252 : vector<1x16xf32> to vector<16xf32>
        %mul3A_254 = arith.mulf %get3A_253, %gather3A_199 : vector<16xf32>
        %swap3A_255 = arith.index_cast %add3A_195 : i32 to index
        %swap3A_256 = arith.constant 80 : index
        %swap3A_257 = tpu.vector_load %arg13[%swap3A_255, %swap3A_256] {strides = array<i32>} : memref<128x128xf32, #tpu.memory_space<vmem>>, vector<1x16xf32>,
        %swap3A_258 = vector.shape_cast %swap3A_257 : vector<1x16xf32> to vector<16xf32>
        %swap3A_259 = vector.shape_cast %mul3A_254 : vector<16xf32> to vector<1x16xf32>
        tpu.vector_store %arg13[%swap3A_255, %swap3A_256], %swap3A_259 {strides = array<i32>} : memref<128x128xf32, #tpu.memory_space<vmem>>, vector<1x16xf32>,
        %get3A_260 = arith.index_cast %add3A_195 : i32 to index
        %get3A_261 = arith.constant 96 : index
        %get3A_262 = tpu.vector_load %arg13[%get3A_260, %get3A_261] {strides = array<i32>} : memref<128x128xf32, #tpu.memory_space<vmem>>, vector<1x16xf32>,
        %get3A_263 = vector.shape_cast %get3A_262 : vector<1x16xf32> to vector<16xf32>
        %mul3A_264 = arith.mulf %get3A_263, %gather3A_199 : vector<16xf32>
        %swap3A_265 = arith.index_cast %add3A_195 : i32 to index
        %swap3A_266 = arith.constant 96 : index
        %swap3A_267 = tpu.vector_load %arg13[%swap3A_265, %swap3A_266] {strides = array<i32>} : memref<128x128xf32, #tpu.memory_space<vmem>>, vector<1x16xf32>,
        %swap3A_268 = vector.shape_cast %swap3A_267 : vector<1x16xf32> to vector<16xf32>
        %swap3A_269 = vector.shape_cast %mul3A_264 : vector<16xf32> to vector<1x16xf32>
        tpu.vector_store %arg13[%swap3A_265, %swap3A_266], %swap3A_269 {strides = array<i32>} : memref<128x128xf32, #tpu.memory_space<vmem>>, vector<1x16xf32>,
        %get3A_270 = arith.index_cast %add3A_195 : i32 to index
        %get3A_271 = arith.constant 112 : index
        %get3A_272 = tpu.vector_load %arg13[%get3A_270, %get3A_271] {strides = array<i32>} : memref<128x128xf32, #tpu.memory_space<vmem>>, vector<1x16xf32>,
        %get3A_273 = vector.shape_cast %get3A_272 : vector<1x16xf32> to vector<16xf32>
        %mul3A_274 = arith.mulf %get3A_273, %gather3A_199 : vector<16xf32>
        %swap3A_275 = arith.index_cast %add3A_195 : i32 to index
        %swap3A_276 = arith.constant 112 : index
        %swap3A_277 = tpu.vector_load %arg13[%swap3A_275, %swap3A_276] {strides = array<i32>} : memref<128x128xf32, #tpu.memory_space<vmem>>, vector<1x16xf32>,
        %swap3A_278 = vector.shape_cast %swap3A_277 : vector<1x16xf32> to vector<16xf32>
        %swap3A_279 = vector.shape_cast %mul3A_274 : vector<16xf32> to vector<1x16xf32>
        tpu.vector_store %arg13[%swap3A_275, %swap3A_276], %swap3A_279 {strides = array<i32>} : memref<128x128xf32, #tpu.memory_space<vmem>>, vector<1x16xf32>,
        %mul3A_280 = arith.constant 16 : i32
        %mul3A_281 = arith.muli %scan3A_101, %mul3A_280 : i32
        %add3A_282 = arith.constant 2 : i32
        %add3A_283 = arith.addi %mul3A_281, %add3A_282 : i32
        %broadcast_in_dim3A_284 = arith.constant 2 : i32
        %broadcast_in_dim3A_285 = vector.broadcast %broadcast_in_dim3A_284 : i32 to vector<16x1xi32>
        %gather3A_286 = vector.shape_cast %broadcast_in_dim3A_285 : vector<16x1xi32> to vector<16xi32>
        %gather3A_287 = tpu.dynamic_gather %get3A_105[%gather3A_286] in [0] : vector<16xf32>, vector<16xi32> -> vector<16xf32>
        %get3A_288 = arith.index_cast %add3A_283 : i32 to index
        %get3A_289 = arith.constant 0 : index
        %get3A_290 = tpu.vector_load %arg13[%get3A_288, %get3A_289] {strides = array<i32>} : memref<128x128xf32, #tpu.memory_space<vmem>>, vector<1x16xf32>,
        %get3A_291 = vector.shape_cast %get3A_290 : vector<1x16xf32> to vector<16xf32>
        %mul3A_292 = arith.mulf %get3A_291, %gather3A_287 : vector<16xf32>
        %swap3A_293 = arith.index_cast %add3A_283 : i32 to index
        %swap3A_294 = arith.constant 0 : index
        %swap3A_295 = tpu.vector_load %arg13[%swap3A_293, %swap3A_294] {strides = array<i32>} : memref<128x128xf32, #tpu.memory_space<vmem>>, vector<1x16xf32>,
        %swap3A_296 = vector.shape_cast %swap3A_295 : vector<1x16xf32> to vector<16xf32>
        %swap3A_297 = vector.shape_cast %mul3A_292 : vector<16xf32> to vector<1x16xf32>
        tpu.vector_store %arg13[%swap3A_293, %swap3A_294], %swap3A_297 {strides = array<i32>} : memref<128x128xf32, #tpu.memory_space<vmem>>, vector<1x16xf32>,
        %get3A_298 = arith.index_cast %add3A_283 : i32 to index
        %get3A_299 = arith.constant 16 : index
        %get3A_300 = tpu.vector_load %arg13[%get3A_298, %get3A_299] {strides = array<i32>} : memref<128x128xf32, #tpu.memory_space<vmem>>, vector<1x16xf32>,
        %get3A_301 = vector.shape_cast %get3A_300 : vector<1x16xf32> to vector<16xf32>
        %mul3A_302 = arith.mulf %get3A_301, %gather3A_287 : vector<16xf32>
        %swap3A_303 = arith.index_cast %add3A_283 : i32 to index
        %swap3A_304 = arith.constant 16 : index
        %swap3A_305 = tpu.vector_load %arg13[%swap3A_303, %swap3A_304] {strides = array<i32>} : memref<128x128xf32, #tpu.memory_space<vmem>>, vector<1x16xf32>,
        %swap3A_306 = vector.shape_cast %swap3A_305 : vector<1x16xf32> to vector<16xf32>
        %swap3A_307 = vector.shape_cast %mul3A_302 : vector<16xf32> to vector<1x16xf32>
        tpu.vector_store %arg13[%swap3A_303, %swap3A_304], %swap3A_307 {strides = array<i32>} : memref<128x128xf32, #tpu.memory_space<vmem>>, vector<1x16xf32>,
        %get3A_308 = arith.index_cast %add3A_283 : i32 to index
        %get3A_309 = arith.constant 32 : index
        %get3A_310 = tpu.vector_load %arg13[%get3A_308, %get3A_309] {strides = array<i32>} : memref<128x128xf32, #tpu.memory_space<vmem>>, vector<1x16xf32>,
        %get3A_311 = vector.shape_cast %get3A_310 : vector<1x16xf32> to vector<16xf32>
        %mul3A_312 = arith.mulf %get3A_311, %gather3A_287 : vector<16xf32>
        %swap3A_313 = arith.index_cast %add3A_283 : i32 to index
        %swap3A_314 = arith.constant 32 : index
        %swap3A_315 = tpu.vector_load %arg13[%swap3A_313, %swap3A_314] {strides = array<i32>} : memref<128x128xf32, #tpu.memory_space<vmem>>, vector<1x16xf32>,
        %swap3A_316 = vector.shape_cast %swap3A_315 : vector<1x16xf32> to vector<16xf32>
        %swap3A_317 = vector.shape_cast %mul3A_312 : vector<16xf32> to vector<1x16xf32>
        tpu.vector_store %arg13[%swap3A_313, %swap3A_314], %swap3A_317 {strides = array<i32>} : memref<128x128xf32, #tpu.memory_space<vmem>>, vector<1x16xf32>,
        %get3A_318 = arith.index_cast %add3A_283 : i32 to index
        %get3A_319 = arith.constant 48 : index
        %get3A_320 = tpu.vector_load %arg13[%get3A_318, %get3A_319] {strides = array<i32>} : memref<128x128xf32, #tpu.memory_space<vmem>>, vector<1x16xf32>,
        %get3A_321 = vector.shape_cast %get3A_320 : vector<1x16xf32> to vector<16xf32>
        %mul3A_322 = arith.mulf %get3A_321, %gather3A_287 : vector<16xf32>
        %swap3A_323 = arith.index_cast %add3A_283 : i32 to index
        %swap3A_324 = arith.constant 48 : index
        %swap3A_325 = tpu.vector_load %arg13[%swap3A_323, %swap3A_324] {strides = array<i32>} : memref<128x128xf32, #tpu.memory_space<vmem>>, vector<1x16xf32>,
        %swap3A_326 = vector.shape_cast %swap3A_325 : vector<1x16xf32> to vector<16xf32>
        %swap3A_327 = vector.shape_cast %mul3A_322 : vector<16xf32> to vector<1x16xf32>
        tpu.vector_store %arg13[%swap3A_323, %swap3A_324], %swap3A_327 {strides = array<i32>} : memref<128x128xf32, #tpu.memory_space<vmem>>, vector<1x16xf32>,
        %get3A_328 = arith.index_cast %add3A_283 : i32 to index
        %get3A_329 = arith.constant 64 : index
        %get3A_330 = tpu.vector_load %arg13[%get3A_328, %get3A_329] {strides = array<i32>} : memref<128x128xf32, #tpu.memory_space<vmem>>, vector<1x16xf32>,
        %get3A_331 = vector.shape_cast %get3A_330 : vector<1x16xf32> to vector<16xf32>
        %mul3A_332 = arith.mulf %get3A_331, %gather3A_287 : vector<16xf32>
        %swap3A_333 = arith.index_cast %add3A_283 : i32 to index
        %swap3A_334 = arith.constant 64 : index
        %swap3A_335 = tpu.vector_load %arg13[%swap3A_333, %swap3A_334] {strides = array<i32>} : memref<128x128xf32, #tpu.memory_space<vmem>>, vector<1x16xf32>,
        %swap3A_336 = vector.shape_cast %swap3A_335 : vector<1x16xf32> to vector<16xf32>
        %swap3A_337 = vector.shape_cast %mul3A_332 : vector<16xf32> to vector<1x16xf32>
        tpu.vector_store %arg13[%swap3A_333, %swap3A_334], %swap3A_337 {strides = array<i32>} : memref<128x128xf32, #tpu.memory_space<vmem>>, vector<1x16xf32>,
        %get3A_338 = arith.index_cast %add3A_283 : i32 to index
        %get3A_339 = arith.constant 80 : index
        %get3A_340 = tpu.vector_load %arg13[%get3A_338, %get3A_339] {strides = array<i32>} : memref<128x128xf32, #tpu.memory_space<vmem>>, vector<1x16xf32>,
        %get3A_341 = vector.shape_cast %get3A_340 : vector<1x16xf32> to vector<16xf32>
        %mul3A_342 = arith.mulf %get3A_341, %gather3A_287 : vector<16xf32>
        %swap3A_343 = arith.index_cast %add3A_283 : i32 to index
        %swap3A_344 = arith.constant 80 : index
        %swap3A_345 = tpu.vector_load %arg13[%swap3A_343, %swap3A_344] {strides = array<i32>} : memref<128x128xf32, #tpu.memory_space<vmem>>, vector<1x16xf32>,
        %swap3A_346 = vector.shape_cast %swap3A_345 : vector<1x16xf32> to vector<16xf32>
        %swap3A_347 = vector.shape_cast %mul3A_342 : vector<16xf32> to vector<1x16xf32>
        tpu.vector_store %arg13[%swap3A_343, %swap3A_344], %swap3A_347 {strides = array<i32>} : memref<128x128xf32, #tpu.memory_space<vmem>>, vector<1x16xf32>,
        %get3A_348 = arith.index_cast %add3A_283 : i32 to index
        %get3A_349 = arith.constant 96 : index
        %get3A_350 = tpu.vector_load %arg13[%get3A_348, %get3A_349] {strides = array<i32>} : memref<128x128xf32, #tpu.memory_space<vmem>>, vector<1x16xf32>,
        %get3A_351 = vector.shape_cast %get3A_350 : vector<1x16xf32> to vector<16xf32>
        %mul3A_352 = arith.mulf %get3A_351, %gather3A_287 : vector<16xf32>
        %swap3A_353 = arith.index_cast %add3A_283 : i32 to index
        %swap3A_354 = arith.constant 96 : index
        %swap3A_355 = tpu.vector_load %arg13[%swap3A_353, %swap3A_354] {strides = array<i32>} : memref<128x128xf32, #tpu.memory_space<vmem>>, vector<1x16xf32>,
        %swap3A_356 = vector.shape_cast %swap3A_355 : vector<1x16xf32> to vector<16xf32>
        %swap3A_357 = vector.shape_cast %mul3A_352 : vector<16xf32> to vector<1x16xf32>
        tpu.vector_store %arg13[%swap3A_353, %swap3A_354], %swap3A_357 {strides = array<i32>} : memref<128x128xf32, #tpu.memory_space<vmem>>, vector<1x16xf32>,
        %get3A_358 = arith.index_cast %add3A_283 : i32 to index
        %get3A_359 = arith.constant 112 : index
        %get3A_360 = tpu.vector_load %arg13[%get3A_358, %get3A_359] {strides = array<i32>} : memref<128x128xf32, #tpu.memory_space<vmem>>, vector<1x16xf32>,
        %get3A_361 = vector.shape_cast %get3A_360 : vector<1x16xf32> to vector<16xf32>
        %mul3A_362 = arith.mulf %get3A_361, %gather3A_287 : vector<16xf32>
        %swap3A_363 = arith.index_cast %add3A_283 : i32 to index
        %swap3A_364 = arith.constant 112 : index
        %swap3A_365 = tpu.vector_load %arg13[%swap3A_363, %swap3A_364] {strides = array<i32>} : memref<128x128xf32, #tpu.memory_space<vmem>>, vector<1x16xf32>,
        %swap3A_366 = vector.shape_cast %swap3A_365 : vector<1x16xf32> to vector<16xf32>
        %swap3A_367 = vector.shape_cast %mul3A_362 : vector<16xf32> to vector<1x16xf32>
        tpu.vector_store %arg13[%swap3A_363, %swap3A_364], %swap3A_367 {strides = array<i32>} : memref<128x128xf32, #tpu.memory_space<vmem>>, vector<1x16xf32>,
        %mul3A_368 = arith.constant 16 : i32
        %mul3A_369 = arith.muli %scan3A_101, %mul3A_368 : i32
        %add3A_370 = arith.constant 3 : i32
        %add3A_371 = arith.addi %mul3A_369, %add3A_370 : i32
        %broadcast_in_dim3A_372 = arith.constant 3 : i32
        %broadcast_in_dim3A_373 = vector.broadcast %broadcast_in_dim3A_372 : i32 to vector<16x1xi32>
        %gather3A_374 = vector.shape_cast %broadcast_in_dim3A_373 : vector<16x1xi32> to vector<16xi32>
        %gather3A_375 = tpu.dynamic_gather %get3A_105[%gather3A_374] in [0] : vector<16xf32>, vector<16xi32> -> vector<16xf32>
        %get3A_376 = arith.index_cast %add3A_371 : i32 to index
        %get3A_377 = arith.constant 0 : index
        %get3A_378 = tpu.vector_load %arg13[%get3A_376, %get3A_377] {strides = array<i32>} : memref<128x128xf32, #tpu.memory_space<vmem>>, vector<1x16xf32>,
        %get3A_379 = vector.shape_cast %get3A_378 : vector<1x16xf32> to vector<16xf32>
        %mul3A_380 = arith.mulf %get3A_379, %gather3A_375 : vector<16xf32>
        %swap3A_381 = arith.index_cast %add3A_371 : i32 to index
        %swap3A_382 = arith.constant 0 : index
        %swap3A_383 = tpu.vector_load %arg13[%swap3A_381, %swap3A_382] {strides = array<i32>} : memref<128x128xf32, #tpu.memory_space<vmem>>, vector<1x16xf32>,
        %swap3A_384 = vector.shape_cast %swap3A_383 : vector<1x16xf32> to vector<16xf32>
        %swap3A_385 = vector.shape_cast %mul3A_380 : vector<16xf32> to vector<1x16xf32>
        tpu.vector_store %arg13[%swap3A_381, %swap3A_382], %swap3A_385 {strides = array<i32>} : memref<128x128xf32, #tpu.memory_space<vmem>>, vector<1x16xf32>,
        %get3A_386 = arith.index_cast %add3A_371 : i32 to index
        %get3A_387 = arith.constant 16 : index
        %get3A_388 = tpu.vector_load %arg13[%get3A_386, %get3A_387] {strides = array<i32>} : memref<128x128xf32, #tpu.memory_space<vmem>>, vector<1x16xf32>,
        %get3A_389 = vector.shape_cast %get3A_388 : vector<1x16xf32> to vector<16xf32>
        %mul3A_390 = arith.mulf %get3A_389, %gather3A_375 : vector<16xf32>
        %swap3A_391 = arith.index_cast %add3A_371 : i32 to index
        %swap3A_392 = arith.constant 16 : index
        %swap3A_393 = tpu.vector_load %arg13[%swap3A_391, %swap3A_392] {strides = array<i32>} : memref<128x128xf32, #tpu.memory_space<vmem>>, vector<1x16xf32>,
        %swap3A_394 = vector.shape_cast %swap3A_393 : vector<1x16xf32> to vector<16xf32>
        %swap3A_395 = vector.shape_cast %mul3A_390 : vector<16xf32> to vector<1x16xf32>
        tpu.vector_store %arg13[%swap3A_391, %swap3A_392], %swap3A_395 {strides = array<i32>} : memref<128x128xf32, #tpu.memory_space<vmem>>, vector<1x16xf32>,
        %get3A_396 = arith.index_cast %add3A_371 : i32 to index
        %get3A_397 = arith.constant 32 : index
        %get3A_398 = tpu.vector_load %arg13[%get3A_396, %get3A_397] {strides = array<i32>} : memref<128x128xf32, #tpu.memory_space<vmem>>, vector<1x16xf32>,
        %get3A_399 = vector.shape_cast %get3A_398 : vector<1x16xf32> to vector<16xf32>
        %mul3A_400 = arith.mulf %get3A_399, %gather3A_375 : vector<16xf32>
        %swap3A_401 = arith.index_cast %add3A_371 : i32 to index
        %swap3A_402 = arith.constant 32 : index
        %swap3A_403 = tpu.vector_load %arg13[%swap3A_401, %swap3A_402] {strides = array<i32>} : memref<128x128xf32, #tpu.memory_space<vmem>>, vector<1x16xf32>,
        %swap3A_404 = vector.shape_cast %swap3A_403 : vector<1x16xf32> to vector<16xf32>
        %swap3A_405 = vector.shape_cast %mul3A_400 : vector<16xf32> to vector<1x16xf32>
        tpu.vector_store %arg13[%swap3A_401, %swap3A_402], %swap3A_405 {strides = array<i32>} : memref<128x128xf32, #tpu.memory_space<vmem>>, vector<1x16xf32>,
        %get3A_406 = arith.index_cast %add3A_371 : i32 to index
        %get3A_407 = arith.constant 48 : index
        %get3A_408 = tpu.vector_load %arg13[%get3A_406, %get3A_407] {strides = array<i32>} : memref<128x128xf32, #tpu.memory_space<vmem>>, vector<1x16xf32>,
        %get3A_409 = vector.shape_cast %get3A_408 : vector<1x16xf32> to vector<16xf32>
        %mul3A_410 = arith.mulf %get3A_409, %gather3A_375 : vector<16xf32>
        %swap3A_411 = arith.index_cast %add3A_371 : i32 to index
        %swap3A_412 = arith.constant 48 : index
        %swap3A_413 = tpu.vector_load %arg13[%swap3A_411, %swap3A_412] {strides = array<i32>} : memref<128x128xf32, #tpu.memory_space<vmem>>, vector<1x16xf32>,
        %swap3A_414 = vector.shape_cast %swap3A_413 : vector<1x16xf32> to vector<16xf32>
        %swap3A_415 = vector.shape_cast %mul3A_410 : vector<16xf32> to vector<1x16xf32>
        tpu.vector_store %arg13[%swap3A_411, %swap3A_412], %swap3A_415 {strides = array<i32>} : memref<128x128xf32, #tpu.memory_space<vmem>>, vector<1x16xf32>,
        %get3A_416 = arith.index_cast %add3A_371 : i32 to index
        %get3A_417 = arith.constant 64 : index
        %get3A_418 = tpu.vector_load %arg13[%get3A_416, %get3A_417] {strides = array<i32>} : memref<128x128xf32, #tpu.memory_space<vmem>>, vector<1x16xf32>,
        %get3A_419 = vector.shape_cast %get3A_418 : vector<1x16xf32> to vector<16xf32>
        %mul3A_420 = arith.mulf %get3A_419, %gather3A_375 : vector<16xf32>
        %swap3A_421 = arith.index_cast %add3A_371 : i32 to index
        %swap3A_422 = arith.constant 64 : index
        %swap3A_423 = tpu.vector_load %arg13[%swap3A_421, %swap3A_422] {strides = array<i32>} : memref<128x128xf32, #tpu.memory_space<vmem>>, vector<1x16xf32>,
        %swap3A_424 = vector.shape_cast %swap3A_423 : vector<1x16xf32> to vector<16xf32>
        %swap3A_425 = vector.shape_cast %mul3A_420 : vector<16xf32> to vector<1x16xf32>
        tpu.vector_store %arg13[%swap3A_421, %swap3A_422], %swap3A_425 {strides = array<i32>} : memref<128x128xf32, #tpu.memory_space<vmem>>, vector<1x16xf32>,
        %get3A_426 = arith.index_cast %add3A_371 : i32 to index
        %get3A_427 = arith.constant 80 : index
        %get3A_428 = tpu.vector_load %arg13[%get3A_426, %get3A_427] {strides = array<i32>} : memref<128x128xf32, #tpu.memory_space<vmem>>, vector<1x16xf32>,
        %get3A_429 = vector.shape_cast %get3A_428 : vector<1x16xf32> to vector<16xf32>
        %mul3A_430 = arith.mulf %get3A_429, %gather3A_375 : vector<16xf32>
        %swap3A_431 = arith.index_cast %add3A_371 : i32 to index
        %swap3A_432 = arith.constant 80 : index
        %swap3A_433 = tpu.vector_load %arg13[%swap3A_431, %swap3A_432] {strides = array<i32>} : memref<128x128xf32, #tpu.memory_space<vmem>>, vector<1x16xf32>,
        %swap3A_434 = vector.shape_cast %swap3A_433 : vector<1x16xf32> to vector<16xf32>
        %swap3A_435 = vector.shape_cast %mul3A_430 : vector<16xf32> to vector<1x16xf32>
        tpu.vector_store %arg13[%swap3A_431, %swap3A_432], %swap3A_435 {strides = array<i32>} : memref<128x128xf32, #tpu.memory_space<vmem>>, vector<1x16xf32>,
        %get3A_436 = arith.index_cast %add3A_371 : i32 to index
        %get3A_437 = arith.constant 96 : index
        %get3A_438 = tpu.vector_load %arg13[%get3A_436, %get3A_437] {strides = array<i32>} : memref<128x128xf32, #tpu.memory_space<vmem>>, vector<1x16xf32>,
        %get3A_439 = vector.shape_cast %get3A_438 : vector<1x16xf32> to vector<16xf32>
        %mul3A_440 = arith.mulf %get3A_439, %gather3A_375 : vector<16xf32>
        %swap3A_441 = arith.index_cast %add3A_371 : i32 to index
        %swap3A_442 = arith.constant 96 : index
        %swap3A_443 = tpu.vector_load %arg13[%swap3A_441, %swap3A_442] {strides = array<i32>} : memref<128x128xf32, #tpu.memory_space<vmem>>, vector<1x16xf32>,
        %swap3A_444 = vector.shape_cast %swap3A_443 : vector<1x16xf32> to vector<16xf32>
        %swap3A_445 = vector.shape_cast %mul3A_440 : vector<16xf32> to vector<1x16xf32>
        tpu.vector_store %arg13[%swap3A_441, %swap3A_442], %swap3A_445 {strides = array<i32>} : memref<128x128xf32, #tpu.memory_space<vmem>>, vector<1x16xf32>,
        %get3A_446 = arith.index_cast %add3A_371 : i32 to index
        %get3A_447 = arith.constant 112 : index
        %get3A_448 = tpu.vector_load %arg13[%get3A_446, %get3A_447] {strides = array<i32>} : memref<128x128xf32, #tpu.memory_space<vmem>>, vector<1x16xf32>,
        %get3A_449 = vector.shape_cast %get3A_448 : vector<1x16xf32> to vector<16xf32>
        %mul3A_450 = arith.mulf %get3A_449, %gather3A_375 : vector<16xf32>
        %swap3A_451 = arith.index_cast %add3A_371 : i32 to index
        %swap3A_452 = arith.constant 112 : index
        %swap3A_453 = tpu.vector_load %arg13[%swap3A_451, %swap3A_452] {strides = array<i32>} : memref<128x128xf32, #tpu.memory_space<vmem>>, vector<1x16xf32>,
        %swap3A_454 = vector.shape_cast %swap3A_453 : vector<1x16xf32> to vector<16xf32>
        %swap3A_455 = vector.shape_cast %mul3A_450 : vector<16xf32> to vector<1x16xf32>
        tpu.vector_store %arg13[%swap3A_451, %swap3A_452], %swap3A_455 {strides = array<i32>} : memref<128x128xf32, #tpu.memory_space<vmem>>, vector<1x16xf32>,
        %mul3A_456 = arith.constant 16 : i32
        %mul3A_457 = arith.muli %scan3A_101, %mul3A_456 : i32
        %add3A_458 = arith.constant 4 : i32
        %add3A_459 = arith.addi %mul3A_457, %add3A_458 : i32
        %broadcast_in_dim3A_460 = arith.constant 4 : i32
        %broadcast_in_dim3A_461 = vector.broadcast %broadcast_in_dim3A_460 : i32 to vector<16x1xi32>
        %gather3A_462 = vector.shape_cast %broadcast_in_dim3A_461 : vector<16x1xi32> to vector<16xi32>
        %gather3A_463 = tpu.dynamic_gather %get3A_105[%gather3A_462] in [0] : vector<16xf32>, vector<16xi32> -> vector<16xf32>
        %get3A_464 = arith.index_cast %add3A_459 : i32 to index
        %get3A_465 = arith.constant 0 : index
        %get3A_466 = tpu.vector_load %arg13[%get3A_464, %get3A_465] {strides = array<i32>} : memref<128x128xf32, #tpu.memory_space<vmem>>, vector<1x16xf32>,
        %get3A_467 = vector.shape_cast %get3A_466 : vector<1x16xf32> to vector<16xf32>
        %mul3A_468 = arith.mulf %get3A_467, %gather3A_463 : vector<16xf32>
        %swap3A_469 = arith.index_cast %add3A_459 : i32 to index
        %swap3A_470 = arith.constant 0 : index
        %swap3A_471 = tpu.vector_load %arg13[%swap3A_469, %swap3A_470] {strides = array<i32>} : memref<128x128xf32, #tpu.memory_space<vmem>>, vector<1x16xf32>,
        %swap3A_472 = vector.shape_cast %swap3A_471 : vector<1x16xf32> to vector<16xf32>
        %swap3A_473 = vector.shape_cast %mul3A_468 : vector<16xf32> to vector<1x16xf32>
        tpu.vector_store %arg13[%swap3A_469, %swap3A_470], %swap3A_473 {strides = array<i32>} : memref<128x128xf32, #tpu.memory_space<vmem>>, vector<1x16xf32>,
        %get3A_474 = arith.index_cast %add3A_459 : i32 to index
        %get3A_475 = arith.constant 16 : index
        %get3A_476 = tpu.vector_load %arg13[%get3A_474, %get3A_475] {strides = array<i32>} : memref<128x128xf32, #tpu.memory_space<vmem>>, vector<1x16xf32>,
        %get3A_477 = vector.shape_cast %get3A_476 : vector<1x16xf32> to vector<16xf32>
        %mul3A_478 = arith.mulf %get3A_477, %gather3A_463 : vector<16xf32>
        %swap3A_479 = arith.index_cast %add3A_459 : i32 to index
        %swap3A_480 = arith.constant 16 : index
        %swap3A_481 = tpu.vector_load %arg13[%swap3A_479, %swap3A_480] {strides = array<i32>} : memref<128x128xf32, #tpu.memory_space<vmem>>, vector<1x16xf32>,
        %swap3A_482 = vector.shape_cast %swap3A_481 : vector<1x16xf32> to vector<16xf32>
        %swap3A_483 = vector.shape_cast %mul3A_478 : vector<16xf32> to vector<1x16xf32>
        tpu.vector_store %arg13[%swap3A_479, %swap3A_480], %swap3A_483 {strides = array<i32>} : memref<128x128xf32, #tpu.memory_space<vmem>>, vector<1x16xf32>,
        %get3A_484 = arith.index_cast %add3A_459 : i32 to index
        %get3A_485 = arith.constant 32 : index
        %get3A_486 = tpu.vector_load %arg13[%get3A_484, %get3A_485] {strides = array<i32>} : memref<128x128xf32, #tpu.memory_space<vmem>>, vector<1x16xf32>,
        %get3A_487 = vector.shape_cast %get3A_486 : vector<1x16xf32> to vector<16xf32>
        %mul3A_488 = arith.mulf %get3A_487, %gather3A_463 : vector<16xf32>
        %swap3A_489 = arith.index_cast %add3A_459 : i32 to index
        %swap3A_490 = arith.constant 32 : index
        %swap3A_491 = tpu.vector_load %arg13[%swap3A_489, %swap3A_490] {strides = array<i32>} : memref<128x128xf32, #tpu.memory_space<vmem>>, vector<1x16xf32>,
        %swap3A_492 = vector.shape_cast %swap3A_491 : vector<1x16xf32> to vector<16xf32>
        %swap3A_493 = vector.shape_cast %mul3A_488 : vector<16xf32> to vector<1x16xf32>
        tpu.vector_store %arg13[%swap3A_489, %swap3A_490], %swap3A_493 {strides = array<i32>} : memref<128x128xf32, #tpu.memory_space<vmem>>, vector<1x16xf32>,
        %get3A_494 = arith.index_cast %add3A_459 : i32 to index
        %get3A_495 = arith.constant 48 : index
        %get3A_496 = tpu.vector_load %arg13[%get3A_494, %get3A_495] {strides = array<i32>} : memref<128x128xf32, #tpu.memory_space<vmem>>, vector<1x16xf32>,
        %get3A_497 = vector.shape_cast %get3A_496 : vector<1x16xf32> to vector<16xf32>
        %mul3A_498 = arith.mulf %get3A_497, %gather3A_463 : vector<16xf32>
        %swap3A_499 = arith.index_cast %add3A_459 : i32 to index
        %swap3A_500 = arith.constant 48 : index
        %swap3A_501 = tpu.vector_load %arg13[%swap3A_499, %swap3A_500] {strides = array<i32>} : memref<128x128xf32, #tpu.memory_space<vmem>>, vector<1x16xf32>,
        %swap3A_502 = vector.shape_cast %swap3A_501 : vector<1x16xf32> to vector<16xf32>
        %swap3A_503 = vector.shape_cast %mul3A_498 : vector<16xf32> to vector<1x16xf32>
        tpu.vector_store %arg13[%swap3A_499, %swap3A_500], %swap3A_503 {strides = array<i32>} : memref<128x128xf32, #tpu.memory_space<vmem>>, vector<1x16xf32>,
        %get3A_504 = arith.index_cast %add3A_459 : i32 to index
        %get3A_505 = arith.constant 64 : index
        %get3A_506 = tpu.vector_load %arg13[%get3A_504, %get3A_505] {strides = array<i32>} : memref<128x128xf32, #tpu.memory_space<vmem>>, vector<1x16xf32>,
        %get3A_507 = vector.shape_cast %get3A_506 : vector<1x16xf32> to vector<16xf32>
        %mul3A_508 = arith.mulf %get3A_507, %gather3A_463 : vector<16xf32>
        %swap3A_509 = arith.index_cast %add3A_459 : i32 to index
        %swap3A_510 = arith.constant 64 : index
        %swap3A_511 = tpu.vector_load %arg13[%swap3A_509, %swap3A_510] {strides = array<i32>} : memref<128x128xf32, #tpu.memory_space<vmem>>, vector<1x16xf32>,
        %swap3A_512 = vector.shape_cast %swap3A_511 : vector<1x16xf32> to vector<16xf32>
        %swap3A_513 = vector.shape_cast %mul3A_508 : vector<16xf32> to vector<1x16xf32>
        tpu.vector_store %arg13[%swap3A_509, %swap3A_510], %swap3A_513 {strides = array<i32>} : memref<128x128xf32, #tpu.memory_space<vmem>>, vector<1x16xf32>,
        %get3A_514 = arith.index_cast %add3A_459 : i32 to index
        %get3A_515 = arith.constant 80 : index
        %get3A_516 = tpu.vector_load %arg13[%get3A_514, %get3A_515] {strides = array<i32>} : memref<128x128xf32, #tpu.memory_space<vmem>>, vector<1x16xf32>,
        %get3A_517 = vector.shape_cast %get3A_516 : vector<1x16xf32> to vector<16xf32>
        %mul3A_518 = arith.mulf %get3A_517, %gather3A_463 : vector<16xf32>
        %swap3A_519 = arith.index_cast %add3A_459 : i32 to index
        %swap3A_520 = arith.constant 80 : index
        %swap3A_521 = tpu.vector_load %arg13[%swap3A_519, %swap3A_520] {strides = array<i32>} : memref<128x128xf32, #tpu.memory_space<vmem>>, vector<1x16xf32>,
        %swap3A_522 = vector.shape_cast %swap3A_521 : vector<1x16xf32> to vector<16xf32>
        %swap3A_523 = vector.shape_cast %mul3A_518 : vector<16xf32> to vector<1x16xf32>
        tpu.vector_store %arg13[%swap3A_519, %swap3A_520], %swap3A_523 {strides = array<i32>} : memref<128x128xf32, #tpu.memory_space<vmem>>, vector<1x16xf32>,
        %get3A_524 = arith.index_cast %add3A_459 : i32 to index
        %get3A_525 = arith.constant 96 : index
        %get3A_526 = tpu.vector_load %arg13[%get3A_524, %get3A_525] {strides = array<i32>} : memref<128x128xf32, #tpu.memory_space<vmem>>, vector<1x16xf32>,
        %get3A_527 = vector.shape_cast %get3A_526 : vector<1x16xf32> to vector<16xf32>
        %mul3A_528 = arith.mulf %get3A_527, %gather3A_463 : vector<16xf32>
        %swap3A_529 = arith.index_cast %add3A_459 : i32 to index
        %swap3A_530 = arith.constant 96 : index
        %swap3A_531 = tpu.vector_load %arg13[%swap3A_529, %swap3A_530] {strides = array<i32>} : memref<128x128xf32, #tpu.memory_space<vmem>>, vector<1x16xf32>,
        %swap3A_532 = vector.shape_cast %swap3A_531 : vector<1x16xf32> to vector<16xf32>
        %swap3A_533 = vector.shape_cast %mul3A_528 : vector<16xf32> to vector<1x16xf32>
        tpu.vector_store %arg13[%swap3A_529, %swap3A_530], %swap3A_533 {strides = array<i32>} : memref<128x128xf32, #tpu.memory_space<vmem>>, vector<1x16xf32>,
        %get3A_534 = arith.index_cast %add3A_459 : i32 to index
        %get3A_535 = arith.constant 112 : index
        %get3A_536 = tpu.vector_load %arg13[%get3A_534, %get3A_535] {strides = array<i32>} : memref<128x128xf32, #tpu.memory_space<vmem>>, vector<1x16xf32>,
        %get3A_537 = vector.shape_cast %get3A_536 : vector<1x16xf32> to vector<16xf32>
        %mul3A_538 = arith.mulf %get3A_537, %gather3A_463 : vector<16xf32>
        %swap3A_539 = arith.index_cast %add3A_459 : i32 to index
        %swap3A_540 = arith.constant 112 : index
        %swap3A_541 = tpu.vector_load %arg13[%swap3A_539, %swap3A_540] {strides = array<i32>} : memref<128x128xf32, #tpu.memory_space<vmem>>, vector<1x16xf32>,
        %swap3A_542 = vector.shape_cast %swap3A_541 : vector<1x16xf32> to vector<16xf32>
        %swap3A_543 = vector.shape_cast %mul3A_538 : vector<16xf32> to vector<1x16xf32>
        tpu.vector_store %arg13[%swap3A_539, %swap3A_540], %swap3A_543 {strides = array<i32>} : memref<128x128xf32, #tpu.memory_space<vmem>>, vector<1x16xf32>,
        %mul3A_544 = arith.constant 16 : i32
        %mul3A_545 = arith.muli %scan3A_101, %mul3A_544 : i32
        %add3A_546 = arith.constant 5 : i32
        %add3A_547 = arith.addi %mul3A_545, %add3A_546 : i32
        %broadcast_in_dim3A_548 = arith.constant 5 : i32
        %broadcast_in_dim3A_549 = vector.broadcast %broadcast_in_dim3A_548 : i32 to vector<16x1xi32>
        %gather3A_550 = vector.shape_cast %broadcast_in_dim3A_549 : vector<16x1xi32> to vector<16xi32>
        %gather3A_551 = tpu.dynamic_gather %get3A_105[%gather3A_550] in [0] : vector<16xf32>, vector<16xi32> -> vector<16xf32>
        %get3A_552 = arith.index_cast %add3A_547 : i32 to index
        %get3A_553 = arith.constant 0 : index
        %get3A_554 = tpu.vector_load %arg13[%get3A_552, %get3A_553] {strides = array<i32>} : memref<128x128xf32, #tpu.memory_space<vmem>>, vector<1x16xf32>,
        %get3A_555 = vector.shape_cast %get3A_554 : vector<1x16xf32> to vector<16xf32>
        %mul3A_556 = arith.mulf %get3A_555, %gather3A_551 : vector<16xf32>
        %swap3A_557 = arith.index_cast %add3A_547 : i32 to index
        %swap3A_558 = arith.constant 0 : index
        %swap3A_559 = tpu.vector_load %arg13[%swap3A_557, %swap3A_558] {strides = array<i32>} : memref<128x128xf32, #tpu.memory_space<vmem>>, vector<1x16xf32>,
        %swap3A_560 = vector.shape_cast %swap3A_559 : vector<1x16xf32> to vector<16xf32>
        %swap3A_561 = vector.shape_cast %mul3A_556 : vector<16xf32> to vector<1x16xf32>
        tpu.vector_store %arg13[%swap3A_557, %swap3A_558], %swap3A_561 {strides = array<i32>} : memref<128x128xf32, #tpu.memory_space<vmem>>, vector<1x16xf32>,
        %get3A_562 = arith.index_cast %add3A_547 : i32 to index
        %get3A_563 = arith.constant 16 : index
        %get3A_564 = tpu.vector_load %arg13[%get3A_562, %get3A_563] {strides = array<i32>} : memref<128x128xf32, #tpu.memory_space<vmem>>, vector<1x16xf32>,
        %get3A_565 = vector.shape_cast %get3A_564 : vector<1x16xf32> to vector<16xf32>
        %mul3A_566 = arith.mulf %get3A_565, %gather3A_551 : vector<16xf32>
        %swap3A_567 = arith.index_cast %add3A_547 : i32 to index
        %swap3A_568 = arith.constant 16 : index
        %swap3A_569 = tpu.vector_load %arg13[%swap3A_567, %swap3A_568] {strides = array<i32>} : memref<128x128xf32, #tpu.memory_space<vmem>>, vector<1x16xf32>,
        %swap3A_570 = vector.shape_cast %swap3A_569 : vector<1x16xf32> to vector<16xf32>
        %swap3A_571 = vector.shape_cast %mul3A_566 : vector<16xf32> to vector<1x16xf32>
        tpu.vector_store %arg13[%swap3A_567, %swap3A_568], %swap3A_571 {strides = array<i32>} : memref<128x128xf32, #tpu.memory_space<vmem>>, vector<1x16xf32>,
        %get3A_572 = arith.index_cast %add3A_547 : i32 to index
        %get3A_573 = arith.constant 32 : index
        %get3A_574 = tpu.vector_load %arg13[%get3A_572, %get3A_573] {strides = array<i32>} : memref<128x128xf32, #tpu.memory_space<vmem>>, vector<1x16xf32>,
        %get3A_575 = vector.shape_cast %get3A_574 : vector<1x16xf32> to vector<16xf32>
        %mul3A_576 = arith.mulf %get3A_575, %gather3A_551 : vector<16xf32>
        %swap3A_577 = arith.index_cast %add3A_547 : i32 to index
        %swap3A_578 = arith.constant 32 : index
        %swap3A_579 = tpu.vector_load %arg13[%swap3A_577, %swap3A_578] {strides = array<i32>} : memref<128x128xf32, #tpu.memory_space<vmem>>, vector<1x16xf32>,
        %swap3A_580 = vector.shape_cast %swap3A_579 : vector<1x16xf32> to vector<16xf32>
        %swap3A_581 = vector.shape_cast %mul3A_576 : vector<16xf32> to vector<1x16xf32>
        tpu.vector_store %arg13[%swap3A_577, %swap3A_578], %swap3A_581 {strides = array<i32>} : memref<128x128xf32, #tpu.memory_space<vmem>>, vector<1x16xf32>,
        %get3A_582 = arith.index_cast %add3A_547 : i32 to index
        %get3A_583 = arith.constant 48 : index
        %get3A_584 = tpu.vector_load %arg13[%get3A_582, %get3A_583] {strides = array<i32>} : memref<128x128xf32, #tpu.memory_space<vmem>>, vector<1x16xf32>,
        %get3A_585 = vector.shape_cast %get3A_584 : vector<1x16xf32> to vector<16xf32>
        %mul3A_586 = arith.mulf %get3A_585, %gather3A_551 : vector<16xf32>
        %swap3A_587 = arith.index_cast %add3A_547 : i32 to index
        %swap3A_588 = arith.constant 48 : index
        %swap3A_589 = tpu.vector_load %arg13[%swap3A_587, %swap3A_588] {strides = array<i32>} : memref<128x128xf32, #tpu.memory_space<vmem>>, vector<1x16xf32>,
        %swap3A_590 = vector.shape_cast %swap3A_589 : vector<1x16xf32> to vector<16xf32>
        %swap3A_591 = vector.shape_cast %mul3A_586 : vector<16xf32> to vector<1x16xf32>
        tpu.vector_store %arg13[%swap3A_587, %swap3A_588], %swap3A_591 {strides = array<i32>} : memref<128x128xf32, #tpu.memory_space<vmem>>, vector<1x16xf32>,
        %get3A_592 = arith.index_cast %add3A_547 : i32 to index
        %get3A_593 = arith.constant 64 : index
        %get3A_594 = tpu.vector_load %arg13[%get3A_592, %get3A_593] {strides = array<i32>} : memref<128x128xf32, #tpu.memory_space<vmem>>, vector<1x16xf32>,
        %get3A_595 = vector.shape_cast %get3A_594 : vector<1x16xf32> to vector<16xf32>
        %mul3A_596 = arith.mulf %get3A_595, %gather3A_551 : vector<16xf32>
        %swap3A_597 = arith.index_cast %add3A_547 : i32 to index
        %swap3A_598 = arith.constant 64 : index
        %swap3A_599 = tpu.vector_load %arg13[%swap3A_597, %swap3A_598] {strides = array<i32>} : memref<128x128xf32, #tpu.memory_space<vmem>>, vector<1x16xf32>,
        %swap3A_600 = vector.shape_cast %swap3A_599 : vector<1x16xf32> to vector<16xf32>
        %swap3A_601 = vector.shape_cast %mul3A_596 : vector<16xf32> to vector<1x16xf32>
        tpu.vector_store %arg13[%swap3A_597, %swap3A_598], %swap3A_601 {strides = array<i32>} : memref<128x128xf32, #tpu.memory_space<vmem>>, vector<1x16xf32>,
        %get3A_602 = arith.index_cast %add3A_547 : i32 to index
        %get3A_603 = arith.constant 80 : index
        %get3A_604 = tpu.vector_load %arg13[%get3A_602, %get3A_603] {strides = array<i32>} : memref<128x128xf32, #tpu.memory_space<vmem>>, vector<1x16xf32>,
        %get3A_605 = vector.shape_cast %get3A_604 : vector<1x16xf32> to vector<16xf32>
        %mul3A_606 = arith.mulf %get3A_605, %gather3A_551 : vector<16xf32>
        %swap3A_607 = arith.index_cast %add3A_547 : i32 to index
        %swap3A_608 = arith.constant 80 : index
        %swap3A_609 = tpu.vector_load %arg13[%swap3A_607, %swap3A_608] {strides = array<i32>} : memref<128x128xf32, #tpu.memory_space<vmem>>, vector<1x16xf32>,
        %swap3A_610 = vector.shape_cast %swap3A_609 : vector<1x16xf32> to vector<16xf32>
        %swap3A_611 = vector.shape_cast %mul3A_606 : vector<16xf32> to vector<1x16xf32>
        tpu.vector_store %arg13[%swap3A_607, %swap3A_608], %swap3A_611 {strides = array<i32>} : memref<128x128xf32, #tpu.memory_space<vmem>>, vector<1x16xf32>,
        %get3A_612 = arith.index_cast %add3A_547 : i32 to index
        %get3A_613 = arith.constant 96 : index
        %get3A_614 = tpu.vector_load %arg13[%get3A_612, %get3A_613] {strides = array<i32>} : memref<128x128xf32, #tpu.memory_space<vmem>>, vector<1x16xf32>,
        %get3A_615 = vector.shape_cast %get3A_614 : vector<1x16xf32> to vector<16xf32>
        %mul3A_616 = arith.mulf %get3A_615, %gather3A_551 : vector<16xf32>
        %swap3A_617 = arith.index_cast %add3A_547 : i32 to index
        %swap3A_618 = arith.constant 96 : index
        %swap3A_619 = tpu.vector_load %arg13[%swap3A_617, %swap3A_618] {strides = array<i32>} : memref<128x128xf32, #tpu.memory_space<vmem>>, vector<1x16xf32>,
        %swap3A_620 = vector.shape_cast %swap3A_619 : vector<1x16xf32> to vector<16xf32>
        %swap3A_621 = vector.shape_cast %mul3A_616 : vector<16xf32> to vector<1x16xf32>
        tpu.vector_store %arg13[%swap3A_617, %swap3A_618], %swap3A_621 {strides = array<i32>} : memref<128x128xf32, #tpu.memory_space<vmem>>, vector<1x16xf32>,
        %get3A_622 = arith.index_cast %add3A_547 : i32 to index
        %get3A_623 = arith.constant 112 : index
        %get3A_624 = tpu.vector_load %arg13[%get3A_622, %get3A_623] {strides = array<i32>} : memref<128x128xf32, #tpu.memory_space<vmem>>, vector<1x16xf32>,
        %get3A_625 = vector.shape_cast %get3A_624 : vector<1x16xf32> to vector<16xf32>
        %mul3A_626 = arith.mulf %get3A_625, %gather3A_551 : vector<16xf32>
        %swap3A_627 = arith.index_cast %add3A_547 : i32 to index
        %swap3A_628 = arith.constant 112 : index
        %swap3A_629 = tpu.vector_load %arg13[%swap3A_627, %swap3A_628] {strides = array<i32>} : memref<128x128xf32, #tpu.memory_space<vmem>>, vector<1x16xf32>,
        %swap3A_630 = vector.shape_cast %swap3A_629 : vector<1x16xf32> to vector<16xf32>
        %swap3A_631 = vector.shape_cast %mul3A_626 : vector<16xf32> to vector<1x16xf32>
        tpu.vector_store %arg13[%swap3A_627, %swap3A_628], %swap3A_631 {strides = array<i32>} : memref<128x128xf32, #tpu.memory_space<vmem>>, vector<1x16xf32>,
        %mul3A_632 = arith.constant 16 : i32
        %mul3A_633 = arith.muli %scan3A_101, %mul3A_632 : i32
        %add3A_634 = arith.constant 6 : i32
        %add3A_635 = arith.addi %mul3A_633, %add3A_634 : i32
        %broadcast_in_dim3A_636 = arith.constant 6 : i32
        %broadcast_in_dim3A_637 = vector.broadcast %broadcast_in_dim3A_636 : i32 to vector<16x1xi32>
        %gather3A_638 = vector.shape_cast %broadcast_in_dim3A_637 : vector<16x1xi32> to vector<16xi32>
        %gather3A_639 = tpu.dynamic_gather %get3A_105[%gather3A_638] in [0] : vector<16xf32>, vector<16xi32> -> vector<16xf32>
        %get3A_640 = arith.index_cast %add3A_635 : i32 to index
        %get3A_641 = arith.constant 0 : index
        %get3A_642 = tpu.vector_load %arg13[%get3A_640, %get3A_641] {strides = array<i32>} : memref<128x128xf32, #tpu.memory_space<vmem>>, vector<1x16xf32>,
        %get3A_643 = vector.shape_cast %get3A_642 : vector<1x16xf32> to vector<16xf32>
        %mul3A_644 = arith.mulf %get3A_643, %gather3A_639 : vector<16xf32>
        %swap3A_645 = arith.index_cast %add3A_635 : i32 to index
        %swap3A_646 = arith.constant 0 : index
        %swap3A_647 = tpu.vector_load %arg13[%swap3A_645, %swap3A_646] {strides = array<i32>} : memref<128x128xf32, #tpu.memory_space<vmem>>, vector<1x16xf32>,
        %swap3A_648 = vector.shape_cast %swap3A_647 : vector<1x16xf32> to vector<16xf32>
        %swap3A_649 = vector.shape_cast %mul3A_644 : vector<16xf32> to vector<1x16xf32>
        tpu.vector_store %arg13[%swap3A_645, %swap3A_646], %swap3A_649 {strides = array<i32>} : memref<128x128xf32, #tpu.memory_space<vmem>>, vector<1x16xf32>,
        %get3A_650 = arith.index_cast %add3A_635 : i32 to index
        %get3A_651 = arith.constant 16 : index
        %get3A_652 = tpu.vector_load %arg13[%get3A_650, %get3A_651] {strides = array<i32>} : memref<128x128xf32, #tpu.memory_space<vmem>>, vector<1x16xf32>,
        %get3A_653 = vector.shape_cast %get3A_652 : vector<1x16xf32> to vector<16xf32>
        %mul3A_654 = arith.mulf %get3A_653, %gather3A_639 : vector<16xf32>
        %swap3A_655 = arith.index_cast %add3A_635 : i32 to index
        %swap3A_656 = arith.constant 16 : index
        %swap3A_657 = tpu.vector_load %arg13[%swap3A_655, %swap3A_656] {strides = array<i32>} : memref<128x128xf32, #tpu.memory_space<vmem>>, vector<1x16xf32>,
        %swap3A_658 = vector.shape_cast %swap3A_657 : vector<1x16xf32> to vector<16xf32>
        %swap3A_659 = vector.shape_cast %mul3A_654 : vector<16xf32> to vector<1x16xf32>
        tpu.vector_store %arg13[%swap3A_655, %swap3A_656], %swap3A_659 {strides = array<i32>} : memref<128x128xf32, #tpu.memory_space<vmem>>, vector<1x16xf32>,
        %get3A_660 = arith.index_cast %add3A_635 : i32 to index
        %get3A_661 = arith.constant 32 : index
        %get3A_662 = tpu.vector_load %arg13[%get3A_660, %get3A_661] {strides = array<i32>} : memref<128x128xf32, #tpu.memory_space<vmem>>, vector<1x16xf32>,
        %get3A_663 = vector.shape_cast %get3A_662 : vector<1x16xf32> to vector<16xf32>
        %mul3A_664 = arith.mulf %get3A_663, %gather3A_639 : vector<16xf32>
        %swap3A_665 = arith.index_cast %add3A_635 : i32 to index
        %swap3A_666 = arith.constant 32 : index
        %swap3A_667 = tpu.vector_load %arg13[%swap3A_665, %swap3A_666] {strides = array<i32>} : memref<128x128xf32, #tpu.memory_space<vmem>>, vector<1x16xf32>,
        %swap3A_668 = vector.shape_cast %swap3A_667 : vector<1x16xf32> to vector<16xf32>
        %swap3A_669 = vector.shape_cast %mul3A_664 : vector<16xf32> to vector<1x16xf32>
        tpu.vector_store %arg13[%swap3A_665, %swap3A_666], %swap3A_669 {strides = array<i32>} : memref<128x128xf32, #tpu.memory_space<vmem>>, vector<1x16xf32>,
        %get3A_670 = arith.index_cast %add3A_635 : i32 to index
        %get3A_671 = arith.constant 48 : index
        %get3A_672 = tpu.vector_load %arg13[%get3A_670, %get3A_671] {strides = array<i32>} : memref<128x128xf32, #tpu.memory_space<vmem>>, vector<1x16xf32>,
        %get3A_673 = vector.shape_cast %get3A_672 : vector<1x16xf32> to vector<16xf32>
        %mul3A_674 = arith.mulf %get3A_673, %gather3A_639 : vector<16xf32>
        %swap3A_675 = arith.index_cast %add3A_635 : i32 to index
        %swap3A_676 = arith.constant 48 : index
        %swap3A_677 = tpu.vector_load %arg13[%swap3A_675, %swap3A_676] {strides = array<i32>} : memref<128x128xf32, #tpu.memory_space<vmem>>, vector<1x16xf32>,
        %swap3A_678 = vector.shape_cast %swap3A_677 : vector<1x16xf32> to vector<16xf32>
        %swap3A_679 = vector.shape_cast %mul3A_674 : vector<16xf32> to vector<1x16xf32>
        tpu.vector_store %arg13[%swap3A_675, %swap3A_676], %swap3A_679 {strides = array<i32>} : memref<128x128xf32, #tpu.memory_space<vmem>>, vector<1x16xf32>,
        %get3A_680 = arith.index_cast %add3A_635 : i32 to index
        %get3A_681 = arith.constant 64 : index
        %get3A_682 = tpu.vector_load %arg13[%get3A_680, %get3A_681] {strides = array<i32>} : memref<128x128xf32, #tpu.memory_space<vmem>>, vector<1x16xf32>,
        %get3A_683 = vector.shape_cast %get3A_682 : vector<1x16xf32> to vector<16xf32>
        %mul3A_684 = arith.mulf %get3A_683, %gather3A_639 : vector<16xf32>
        %swap3A_685 = arith.index_cast %add3A_635 : i32 to index
        %swap3A_686 = arith.constant 64 : index
        %swap3A_687 = tpu.vector_load %arg13[%swap3A_685, %swap3A_686] {strides = array<i32>} : memref<128x128xf32, #tpu.memory_space<vmem>>, vector<1x16xf32>,
        %swap3A_688 = vector.shape_cast %swap3A_687 : vector<1x16xf32> to vector<16xf32>
        %swap3A_689 = vector.shape_cast %mul3A_684 : vector<16xf32> to vector<1x16xf32>
        tpu.vector_store %arg13[%swap3A_685, %swap3A_686], %swap3A_689 {strides = array<i32>} : memref<128x128xf32, #tpu.memory_space<vmem>>, vector<1x16xf32>,
        %get3A_690 = arith.index_cast %add3A_635 : i32 to index
        %get3A_691 = arith.constant 80 : index
        %get3A_692 = tpu.vector_load %arg13[%get3A_690, %get3A_691] {strides = array<i32>} : memref<128x128xf32, #tpu.memory_space<vmem>>, vector<1x16xf32>,
        %get3A_693 = vector.shape_cast %get3A_692 : vector<1x16xf32> to vector<16xf32>
        %mul3A_694 = arith.mulf %get3A_693, %gather3A_639 : vector<16xf32>
        %swap3A_695 = arith.index_cast %add3A_635 : i32 to index
        %swap3A_696 = arith.constant 80 : index
        %swap3A_697 = tpu.vector_load %arg13[%swap3A_695, %swap3A_696] {strides = array<i32>} : memref<128x128xf32, #tpu.memory_space<vmem>>, vector<1x16xf32>,
        %swap3A_698 = vector.shape_cast %swap3A_697 : vector<1x16xf32> to vector<16xf32>
        %swap3A_699 = vector.shape_cast %mul3A_694 : vector<16xf32> to vector<1x16xf32>
        tpu.vector_store %arg13[%swap3A_695, %swap3A_696], %swap3A_699 {strides = array<i32>} : memref<128x128xf32, #tpu.memory_space<vmem>>, vector<1x16xf32>,
        %get3A_700 = arith.index_cast %add3A_635 : i32 to index
        %get3A_701 = arith.constant 96 : index
        %get3A_702 = tpu.vector_load %arg13[%get3A_700, %get3A_701] {strides = array<i32>} : memref<128x128xf32, #tpu.memory_space<vmem>>, vector<1x16xf32>,
        %get3A_703 = vector.shape_cast %get3A_702 : vector<1x16xf32> to vector<16xf32>
        %mul3A_704 = arith.mulf %get3A_703, %gather3A_639 : vector<16xf32>
        %swap3A_705 = arith.index_cast %add3A_635 : i32 to index
        %swap3A_706 = arith.constant 96 : index
        %swap3A_707 = tpu.vector_load %arg13[%swap3A_705, %swap3A_706] {strides = array<i32>} : memref<128x128xf32, #tpu.memory_space<vmem>>, vector<1x16xf32>,
        %swap3A_708 = vector.shape_cast %swap3A_707 : vector<1x16xf32> to vector<16xf32>
        %swap3A_709 = vector.shape_cast %mul3A_704 : vector<16xf32> to vector<1x16xf32>
        tpu.vector_store %arg13[%swap3A_705, %swap3A_706], %swap3A_709 {strides = array<i32>} : memref<128x128xf32, #tpu.memory_space<vmem>>, vector<1x16xf32>,
        %get3A_710 = arith.index_cast %add3A_635 : i32 to index
        %get3A_711 = arith.constant 112 : index
        %get3A_712 = tpu.vector_load %arg13[%get3A_710, %get3A_711] {strides = array<i32>} : memref<128x128xf32, #tpu.memory_space<vmem>>, vector<1x16xf32>,
        %get3A_713 = vector.shape_cast %get3A_712 : vector<1x16xf32> to vector<16xf32>
        %mul3A_714 = arith.mulf %get3A_713, %gather3A_639 : vector<16xf32>
        %swap3A_715 = arith.index_cast %add3A_635 : i32 to index
        %swap3A_716 = arith.constant 112 : index
        %swap3A_717 = tpu.vector_load %arg13[%swap3A_715, %swap3A_716] {strides = array<i32>} : memref<128x128xf32, #tpu.memory_space<vmem>>, vector<1x16xf32>,
        %swap3A_718 = vector.shape_cast %swap3A_717 : vector<1x16xf32> to vector<16xf32>
        %swap3A_719 = vector.shape_cast %mul3A_714 : vector<16xf32> to vector<1x16xf32>
        tpu.vector_store %arg13[%swap3A_715, %swap3A_716], %swap3A_719 {strides = array<i32>} : memref<128x128xf32, #tpu.memory_space<vmem>>, vector<1x16xf32>,
        %mul3A_720 = arith.constant 16 : i32
        %mul3A_721 = arith.muli %scan3A_101, %mul3A_720 : i32
        %add3A_722 = arith.constant 7 : i32
        %add3A_723 = arith.addi %mul3A_721, %add3A_722 : i32
        %broadcast_in_dim3A_724 = arith.constant 7 : i32
        %broadcast_in_dim3A_725 = vector.broadcast %broadcast_in_dim3A_724 : i32 to vector<16x1xi32>
        %gather3A_726 = vector.shape_cast %broadcast_in_dim3A_725 : vector<16x1xi32> to vector<16xi32>
        %gather3A_727 = tpu.dynamic_gather %get3A_105[%gather3A_726] in [0] : vector<16xf32>, vector<16xi32> -> vector<16xf32>
        %get3A_728 = arith.index_cast %add3A_723 : i32 to index
        %get3A_729 = arith.constant 0 : index
        %get3A_730 = tpu.vector_load %arg13[%get3A_728, %get3A_729] {strides = array<i32>} : memref<128x128xf32, #tpu.memory_space<vmem>>, vector<1x16xf32>,
        %get3A_731 = vector.shape_cast %get3A_730 : vector<1x16xf32> to vector<16xf32>
        %mul3A_732 = arith.mulf %get3A_731, %gather3A_727 : vector<16xf32>
        %swap3A_733 = arith.index_cast %add3A_723 : i32 to index
        %swap3A_734 = arith.constant 0 : index
        %swap3A_735 = tpu.vector_load %arg13[%swap3A_733, %swap3A_734] {strides = array<i32>} : memref<128x128xf32, #tpu.memory_space<vmem>>, vector<1x16xf32>,
        %swap3A_736 = vector.shape_cast %swap3A_735 : vector<1x16xf32> to vector<16xf32>
        %swap3A_737 = vector.shape_cast %mul3A_732 : vector<16xf32> to vector<1x16xf32>
        tpu.vector_store %arg13[%swap3A_733, %swap3A_734], %swap3A_737 {strides = array<i32>} : memref<128x128xf32, #tpu.memory_space<vmem>>, vector<1x16xf32>,
        %get3A_738 = arith.index_cast %add3A_723 : i32 to index
        %get3A_739 = arith.constant 16 : index
        %get3A_740 = tpu.vector_load %arg13[%get3A_738, %get3A_739] {strides = array<i32>} : memref<128x128xf32, #tpu.memory_space<vmem>>, vector<1x16xf32>,
        %get3A_741 = vector.shape_cast %get3A_740 : vector<1x16xf32> to vector<16xf32>
        %mul3A_742 = arith.mulf %get3A_741, %gather3A_727 : vector<16xf32>
        %swap3A_743 = arith.index_cast %add3A_723 : i32 to index
        %swap3A_744 = arith.constant 16 : index
        %swap3A_745 = tpu.vector_load %arg13[%swap3A_743, %swap3A_744] {strides = array<i32>} : memref<128x128xf32, #tpu.memory_space<vmem>>, vector<1x16xf32>,
        %swap3A_746 = vector.shape_cast %swap3A_745 : vector<1x16xf32> to vector<16xf32>
        %swap3A_747 = vector.shape_cast %mul3A_742 : vector<16xf32> to vector<1x16xf32>
        tpu.vector_store %arg13[%swap3A_743, %swap3A_744], %swap3A_747 {strides = array<i32>} : memref<128x128xf32, #tpu.memory_space<vmem>>, vector<1x16xf32>,
        %get3A_748 = arith.index_cast %add3A_723 : i32 to index
        %get3A_749 = arith.constant 32 : index
        %get3A_750 = tpu.vector_load %arg13[%get3A_748, %get3A_749] {strides = array<i32>} : memref<128x128xf32, #tpu.memory_space<vmem>>, vector<1x16xf32>,
        %get3A_751 = vector.shape_cast %get3A_750 : vector<1x16xf32> to vector<16xf32>
        %mul3A_752 = arith.mulf %get3A_751, %gather3A_727 : vector<16xf32>
        %swap3A_753 = arith.index_cast %add3A_723 : i32 to index
        %swap3A_754 = arith.constant 32 : index
        %swap3A_755 = tpu.vector_load %arg13[%swap3A_753, %swap3A_754] {strides = array<i32>} : memref<128x128xf32, #tpu.memory_space<vmem>>, vector<1x16xf32>,
        %swap3A_756 = vector.shape_cast %swap3A_755 : vector<1x16xf32> to vector<16xf32>
        %swap3A_757 = vector.shape_cast %mul3A_752 : vector<16xf32> to vector<1x16xf32>
        tpu.vector_store %arg13[%swap3A_753, %swap3A_754], %swap3A_757 {strides = array<i32>} : memref<128x128xf32, #tpu.memory_space<vmem>>, vector<1x16xf32>,
        %get3A_758 = arith.index_cast %add3A_723 : i32 to index
        %get3A_759 = arith.constant 48 : index
        %get3A_760 = tpu.vector_load %arg13[%get3A_758, %get3A_759] {strides = array<i32>} : memref<128x128xf32, #tpu.memory_space<vmem>>, vector<1x16xf32>,
        %get3A_761 = vector.shape_cast %get3A_760 : vector<1x16xf32> to vector<16xf32>
        %mul3A_762 = arith.mulf %get3A_761, %gather3A_727 : vector<16xf32>
        %swap3A_763 = arith.index_cast %add3A_723 : i32 to index
        %swap3A_764 = arith.constant 48 : index
        %swap3A_765 = tpu.vector_load %arg13[%swap3A_763, %swap3A_764] {strides = array<i32>} : memref<128x128xf32, #tpu.memory_space<vmem>>, vector<1x16xf32>,
        %swap3A_766 = vector.shape_cast %swap3A_765 : vector<1x16xf32> to vector<16xf32>
        %swap3A_767 = vector.shape_cast %mul3A_762 : vector<16xf32> to vector<1x16xf32>
        tpu.vector_store %arg13[%swap3A_763, %swap3A_764], %swap3A_767 {strides = array<i32>} : memref<128x128xf32, #tpu.memory_space<vmem>>, vector<1x16xf32>,
        %get3A_768 = arith.index_cast %add3A_723 : i32 to index
        %get3A_769 = arith.constant 64 : index
        %get3A_770 = tpu.vector_load %arg13[%get3A_768, %get3A_769] {strides = array<i32>} : memref<128x128xf32, #tpu.memory_space<vmem>>, vector<1x16xf32>,
        %get3A_771 = vector.shape_cast %get3A_770 : vector<1x16xf32> to vector<16xf32>
        %mul3A_772 = arith.mulf %get3A_771, %gather3A_727 : vector<16xf32>
        %swap3A_773 = arith.index_cast %add3A_723 : i32 to index
        %swap3A_774 = arith.constant 64 : index
        %swap3A_775 = tpu.vector_load %arg13[%swap3A_773, %swap3A_774] {strides = array<i32>} : memref<128x128xf32, #tpu.memory_space<vmem>>, vector<1x16xf32>,
        %swap3A_776 = vector.shape_cast %swap3A_775 : vector<1x16xf32> to vector<16xf32>
        %swap3A_777 = vector.shape_cast %mul3A_772 : vector<16xf32> to vector<1x16xf32>
        tpu.vector_store %arg13[%swap3A_773, %swap3A_774], %swap3A_777 {strides = array<i32>} : memref<128x128xf32, #tpu.memory_space<vmem>>, vector<1x16xf32>,
        %get3A_778 = arith.index_cast %add3A_723 : i32 to index
        %get3A_779 = arith.constant 80 : index
        %get3A_780 = tpu.vector_load %arg13[%get3A_778, %get3A_779] {strides = array<i32>} : memref<128x128xf32, #tpu.memory_space<vmem>>, vector<1x16xf32>,
        %get3A_781 = vector.shape_cast %get3A_780 : vector<1x16xf32> to vector<16xf32>
        %mul3A_782 = arith.mulf %get3A_781, %gather3A_727 : vector<16xf32>
        %swap3A_783 = arith.index_cast %add3A_723 : i32 to index
        %swap3A_784 = arith.constant 80 : index
        %swap3A_785 = tpu.vector_load %arg13[%swap3A_783, %swap3A_784] {strides = array<i32>} : memref<128x128xf32, #tpu.memory_space<vmem>>, vector<1x16xf32>,
        %swap3A_786 = vector.shape_cast %swap3A_785 : vector<1x16xf32> to vector<16xf32>
        %swap3A_787 = vector.shape_cast %mul3A_782 : vector<16xf32> to vector<1x16xf32>
        tpu.vector_store %arg13[%swap3A_783, %swap3A_784], %swap3A_787 {strides = array<i32>} : memref<128x128xf32, #tpu.memory_space<vmem>>, vector<1x16xf32>,
        %get3A_788 = arith.index_cast %add3A_723 : i32 to index
        %get3A_789 = arith.constant 96 : index
        %get3A_790 = tpu.vector_load %arg13[%get3A_788, %get3A_789] {strides = array<i32>} : memref<128x128xf32, #tpu.memory_space<vmem>>, vector<1x16xf32>,
        %get3A_791 = vector.shape_cast %get3A_790 : vector<1x16xf32> to vector<16xf32>
        %mul3A_792 = arith.mulf %get3A_791, %gather3A_727 : vector<16xf32>
        %swap3A_793 = arith.index_cast %add3A_723 : i32 to index
        %swap3A_794 = arith.constant 96 : index
        %swap3A_795 = tpu.vector_load %arg13[%swap3A_793, %swap3A_794] {strides = array<i32>} : memref<128x128xf32, #tpu.memory_space<vmem>>, vector<1x16xf32>,
        %swap3A_796 = vector.shape_cast %swap3A_795 : vector<1x16xf32> to vector<16xf32>
        %swap3A_797 = vector.shape_cast %mul3A_792 : vector<16xf32> to vector<1x16xf32>
        tpu.vector_store %arg13[%swap3A_793, %swap3A_794], %swap3A_797 {strides = array<i32>} : memref<128x128xf32, #tpu.memory_space<vmem>>, vector<1x16xf32>,
        %get3A_798 = arith.index_cast %add3A_723 : i32 to index
        %get3A_799 = arith.constant 112 : index
        %get3A_800 = tpu.vector_load %arg13[%get3A_798, %get3A_799] {strides = array<i32>} : memref<128x128xf32, #tpu.memory_space<vmem>>, vector<1x16xf32>,
        %get3A_801 = vector.shape_cast %get3A_800 : vector<1x16xf32> to vector<16xf32>
        %mul3A_802 = arith.mulf %get3A_801, %gather3A_727 : vector<16xf32>
        %swap3A_803 = arith.index_cast %add3A_723 : i32 to index
        %swap3A_804 = arith.constant 112 : index
        %swap3A_805 = tpu.vector_load %arg13[%swap3A_803, %swap3A_804] {strides = array<i32>} : memref<128x128xf32, #tpu.memory_space<vmem>>, vector<1x16xf32>,
        %swap3A_806 = vector.shape_cast %swap3A_805 : vector<1x16xf32> to vector<16xf32>
        %swap3A_807 = vector.shape_cast %mul3A_802 : vector<16xf32> to vector<1x16xf32>
        tpu.vector_store %arg13[%swap3A_803, %swap3A_804], %swap3A_807 {strides = array<i32>} : memref<128x128xf32, #tpu.memory_space<vmem>>, vector<1x16xf32>,
        %mul3A_808 = arith.constant 16 : i32
        %mul3A_809 = arith.muli %scan3A_101, %mul3A_808 : i32
        %add3A_810 = arith.constant 8 : i32
        %add3A_811 = arith.addi %mul3A_809, %add3A_810 : i32
        %broadcast_in_dim3A_812 = arith.constant 8 : i32
        %broadcast_in_dim3A_813 = vector.broadcast %broadcast_in_dim3A_812 : i32 to vector<16x1xi32>
        %gather3A_814 = vector.shape_cast %broadcast_in_dim3A_813 : vector<16x1xi32> to vector<16xi32>
        %gather3A_815 = tpu.dynamic_gather %get3A_105[%gather3A_814] in [0] : vector<16xf32>, vector<16xi32> -> vector<16xf32>
        %get3A_816 = arith.index_cast %add3A_811 : i32 to index
        %get3A_817 = arith.constant 0 : index
        %get3A_818 = tpu.vector_load %arg13[%get3A_816, %get3A_817] {strides = array<i32>} : memref<128x128xf32, #tpu.memory_space<vmem>>, vector<1x16xf32>,
        %get3A_819 = vector.shape_cast %get3A_818 : vector<1x16xf32> to vector<16xf32>
        %mul3A_820 = arith.mulf %get3A_819, %gather3A_815 : vector<16xf32>
        %swap3A_821 = arith.index_cast %add3A_811 : i32 to index
        %swap3A_822 = arith.constant 0 : index
        %swap3A_823 = tpu.vector_load %arg13[%swap3A_821, %swap3A_822] {strides = array<i32>} : memref<128x128xf32, #tpu.memory_space<vmem>>, vector<1x16xf32>,
        %swap3A_824 = vector.shape_cast %swap3A_823 : vector<1x16xf32> to vector<16xf32>
        %swap3A_825 = vector.shape_cast %mul3A_820 : vector<16xf32> to vector<1x16xf32>
        tpu.vector_store %arg13[%swap3A_821, %swap3A_822], %swap3A_825 {strides = array<i32>} : memref<128x128xf32, #tpu.memory_space<vmem>>, vector<1x16xf32>,
        %get3A_826 = arith.index_cast %add3A_811 : i32 to index
        %get3A_827 = arith.constant 16 : index
        %get3A_828 = tpu.vector_load %arg13[%get3A_826, %get3A_827] {strides = array<i32>} : memref<128x128xf32, #tpu.memory_space<vmem>>, vector<1x16xf32>,
        %get3A_829 = vector.shape_cast %get3A_828 : vector<1x16xf32> to vector<16xf32>
        %mul3A_830 = arith.mulf %get3A_829, %gather3A_815 : vector<16xf32>
        %swap3A_831 = arith.index_cast %add3A_811 : i32 to index
        %swap3A_832 = arith.constant 16 : index
        %swap3A_833 = tpu.vector_load %arg13[%swap3A_831, %swap3A_832] {strides = array<i32>} : memref<128x128xf32, #tpu.memory_space<vmem>>, vector<1x16xf32>,
        %swap3A_834 = vector.shape_cast %swap3A_833 : vector<1x16xf32> to vector<16xf32>
        %swap3A_835 = vector.shape_cast %mul3A_830 : vector<16xf32> to vector<1x16xf32>
        tpu.vector_store %arg13[%swap3A_831, %swap3A_832], %swap3A_835 {strides = array<i32>} : memref<128x128xf32, #tpu.memory_space<vmem>>, vector<1x16xf32>,
        %get3A_836 = arith.index_cast %add3A_811 : i32 to index
        %get3A_837 = arith.constant 32 : index
        %get3A_838 = tpu.vector_load %arg13[%get3A_836, %get3A_837] {strides = array<i32>} : memref<128x128xf32, #tpu.memory_space<vmem>>, vector<1x16xf32>,
        %get3A_839 = vector.shape_cast %get3A_838 : vector<1x16xf32> to vector<16xf32>
        %mul3A_840 = arith.mulf %get3A_839, %gather3A_815 : vector<16xf32>
        %swap3A_841 = arith.index_cast %add3A_811 : i32 to index
        %swap3A_842 = arith.constant 32 : index
        %swap3A_843 = tpu.vector_load %arg13[%swap3A_841, %swap3A_842] {strides = array<i32>} : memref<128x128xf32, #tpu.memory_space<vmem>>, vector<1x16xf32>,
        %swap3A_844 = vector.shape_cast %swap3A_843 : vector<1x16xf32> to vector<16xf32>
        %swap3A_845 = vector.shape_cast %mul3A_840 : vector<16xf32> to vector<1x16xf32>
        tpu.vector_store %arg13[%swap3A_841, %swap3A_842], %swap3A_845 {strides = array<i32>} : memref<128x128xf32, #tpu.memory_space<vmem>>, vector<1x16xf32>,
        %get3A_846 = arith.index_cast %add3A_811 : i32 to index
        %get3A_847 = arith.constant 48 : index
        %get3A_848 = tpu.vector_load %arg13[%get3A_846, %get3A_847] {strides = array<i32>} : memref<128x128xf32, #tpu.memory_space<vmem>>, vector<1x16xf32>,
        %get3A_849 = vector.shape_cast %get3A_848 : vector<1x16xf32> to vector<16xf32>
        %mul3A_850 = arith.mulf %get3A_849, %gather3A_815 : vector<16xf32>
        %swap3A_851 = arith.index_cast %add3A_811 : i32 to index
        %swap3A_852 = arith.constant 48 : index
        %swap3A_853 = tpu.vector_load %arg13[%swap3A_851, %swap3A_852] {strides = array<i32>} : memref<128x128xf32, #tpu.memory_space<vmem>>, vector<1x16xf32>,
        %swap3A_854 = vector.shape_cast %swap3A_853 : vector<1x16xf32> to vector<16xf32>
        %swap3A_855 = vector.shape_cast %mul3A_850 : vector<16xf32> to vector<1x16xf32>
        tpu.vector_store %arg13[%swap3A_851, %swap3A_852], %swap3A_855 {strides = array<i32>} : memref<128x128xf32, #tpu.memory_space<vmem>>, vector<1x16xf32>,
        %get3A_856 = arith.index_cast %add3A_811 : i32 to index
        %get3A_857 = arith.constant 64 : index
        %get3A_858 = tpu.vector_load %arg13[%get3A_856, %get3A_857] {strides = array<i32>} : memref<128x128xf32, #tpu.memory_space<vmem>>, vector<1x16xf32>,
        %get3A_859 = vector.shape_cast %get3A_858 : vector<1x16xf32> to vector<16xf32>
        %mul3A_860 = arith.mulf %get3A_859, %gather3A_815 : vector<16xf32>
        %swap3A_861 = arith.index_cast %add3A_811 : i32 to index
        %swap3A_862 = arith.constant 64 : index
        %swap3A_863 = tpu.vector_load %arg13[%swap3A_861, %swap3A_862] {strides = array<i32>} : memref<128x128xf32, #tpu.memory_space<vmem>>, vector<1x16xf32>,
        %swap3A_864 = vector.shape_cast %swap3A_863 : vector<1x16xf32> to vector<16xf32>
        %swap3A_865 = vector.shape_cast %mul3A_860 : vector<16xf32> to vector<1x16xf32>
        tpu.vector_store %arg13[%swap3A_861, %swap3A_862], %swap3A_865 {strides = array<i32>} : memref<128x128xf32, #tpu.memory_space<vmem>>, vector<1x16xf32>,
        %get3A_866 = arith.index_cast %add3A_811 : i32 to index
        %get3A_867 = arith.constant 80 : index
        %get3A_868 = tpu.vector_load %arg13[%get3A_866, %get3A_867] {strides = array<i32>} : memref<128x128xf32, #tpu.memory_space<vmem>>, vector<1x16xf32>,
        %get3A_869 = vector.shape_cast %get3A_868 : vector<1x16xf32> to vector<16xf32>
        %mul3A_870 = arith.mulf %get3A_869, %gather3A_815 : vector<16xf32>
        %swap3A_871 = arith.index_cast %add3A_811 : i32 to index
        %swap3A_872 = arith.constant 80 : index
        %swap3A_873 = tpu.vector_load %arg13[%swap3A_871, %swap3A_872] {strides = array<i32>} : memref<128x128xf32, #tpu.memory_space<vmem>>, vector<1x16xf32>,
        %swap3A_874 = vector.shape_cast %swap3A_873 : vector<1x16xf32> to vector<16xf32>
        %swap3A_875 = vector.shape_cast %mul3A_870 : vector<16xf32> to vector<1x16xf32>
        tpu.vector_store %arg13[%swap3A_871, %swap3A_872], %swap3A_875 {strides = array<i32>} : memref<128x128xf32, #tpu.memory_space<vmem>>, vector<1x16xf32>,
        %get3A_876 = arith.index_cast %add3A_811 : i32 to index
        %get3A_877 = arith.constant 96 : index
        %get3A_878 = tpu.vector_load %arg13[%get3A_876, %get3A_877] {strides = array<i32>} : memref<128x128xf32, #tpu.memory_space<vmem>>, vector<1x16xf32>,
        %get3A_879 = vector.shape_cast %get3A_878 : vector<1x16xf32> to vector<16xf32>
        %mul3A_880 = arith.mulf %get3A_879, %gather3A_815 : vector<16xf32>
        %swap3A_881 = arith.index_cast %add3A_811 : i32 to index
        %swap3A_882 = arith.constant 96 : index
        %swap3A_883 = tpu.vector_load %arg13[%swap3A_881, %swap3A_882] {strides = array<i32>} : memref<128x128xf32, #tpu.memory_space<vmem>>, vector<1x16xf32>,
        %swap3A_884 = vector.shape_cast %swap3A_883 : vector<1x16xf32> to vector<16xf32>
        %swap3A_885 = vector.shape_cast %mul3A_880 : vector<16xf32> to vector<1x16xf32>
        tpu.vector_store %arg13[%swap3A_881, %swap3A_882], %swap3A_885 {strides = array<i32>} : memref<128x128xf32, #tpu.memory_space<vmem>>, vector<1x16xf32>,
        %get3A_886 = arith.index_cast %add3A_811 : i32 to index
        %get3A_887 = arith.constant 112 : index
        %get3A_888 = tpu.vector_load %arg13[%get3A_886, %get3A_887] {strides = array<i32>} : memref<128x128xf32, #tpu.memory_space<vmem>>, vector<1x16xf32>,
        %get3A_889 = vector.shape_cast %get3A_888 : vector<1x16xf32> to vector<16xf32>
        %mul3A_890 = arith.mulf %get3A_889, %gather3A_815 : vector<16xf32>
        %swap3A_891 = arith.index_cast %add3A_811 : i32 to index
        %swap3A_892 = arith.constant 112 : index
        %swap3A_893 = tpu.vector_load %arg13[%swap3A_891, %swap3A_892] {strides = array<i32>} : memref<128x128xf32, #tpu.memory_space<vmem>>, vector<1x16xf32>,
        %swap3A_894 = vector.shape_cast %swap3A_893 : vector<1x16xf32> to vector<16xf32>
        %swap3A_895 = vector.shape_cast %mul3A_890 : vector<16xf32> to vector<1x16xf32>
        tpu.vector_store %arg13[%swap3A_891, %swap3A_892], %swap3A_895 {strides = array<i32>} : memref<128x128xf32, #tpu.memory_space<vmem>>, vector<1x16xf32>,
        %mul3A_896 = arith.constant 16 : i32
        %mul3A_897 = arith.muli %scan3A_101, %mul3A_896 : i32
        %add3A_898 = arith.constant 9 : i32
        %add3A_899 = arith.addi %mul3A_897, %add3A_898 : i32
        %broadcast_in_dim3A_900 = arith.constant 9 : i32
        %broadcast_in_dim3A_901 = vector.broadcast %broadcast_in_dim3A_900 : i32 to vector<16x1xi32>
        %gather3A_902 = vector.shape_cast %broadcast_in_dim3A_901 : vector<16x1xi32> to vector<16xi32>
        %gather3A_903 = tpu.dynamic_gather %get3A_105[%gather3A_902] in [0] : vector<16xf32>, vector<16xi32> -> vector<16xf32>
        %get3A_904 = arith.index_cast %add3A_899 : i32 to index
        %get3A_905 = arith.constant 0 : index
        %get3A_906 = tpu.vector_load %arg13[%get3A_904, %get3A_905] {strides = array<i32>} : memref<128x128xf32, #tpu.memory_space<vmem>>, vector<1x16xf32>,
        %get3A_907 = vector.shape_cast %get3A_906 : vector<1x16xf32> to vector<16xf32>
        %mul3A_908 = arith.mulf %get3A_907, %gather3A_903 : vector<16xf32>
        %swap3A_909 = arith.index_cast %add3A_899 : i32 to index
        %swap3A_910 = arith.constant 0 : index
        %swap3A_911 = tpu.vector_load %arg13[%swap3A_909, %swap3A_910] {strides = array<i32>} : memref<128x128xf32, #tpu.memory_space<vmem>>, vector<1x16xf32>,
        %swap3A_912 = vector.shape_cast %swap3A_911 : vector<1x16xf32> to vector<16xf32>
        %swap3A_913 = vector.shape_cast %mul3A_908 : vector<16xf32> to vector<1x16xf32>
        tpu.vector_store %arg13[%swap3A_909, %swap3A_910], %swap3A_913 {strides = array<i32>} : memref<128x128xf32, #tpu.memory_space<vmem>>, vector<1x16xf32>,
        %get3A_914 = arith.index_cast %add3A_899 : i32 to index
        %get3A_915 = arith.constant 16 : index
        %get3A_916 = tpu.vector_load %arg13[%get3A_914, %get3A_915] {strides = array<i32>} : memref<128x128xf32, #tpu.memory_space<vmem>>, vector<1x16xf32>,
        %get3A_917 = vector.shape_cast %get3A_916 : vector<1x16xf32> to vector<16xf32>
        %mul3A_918 = arith.mulf %get3A_917, %gather3A_903 : vector<16xf32>
        %swap3A_919 = arith.index_cast %add3A_899 : i32 to index
        %swap3A_920 = arith.constant 16 : index
        %swap3A_921 = tpu.vector_load %arg13[%swap3A_919, %swap3A_920] {strides = array<i32>} : memref<128x128xf32, #tpu.memory_space<vmem>>, vector<1x16xf32>,
        %swap3A_922 = vector.shape_cast %swap3A_921 : vector<1x16xf32> to vector<16xf32>
        %swap3A_923 = vector.shape_cast %mul3A_918 : vector<16xf32> to vector<1x16xf32>
        tpu.vector_store %arg13[%swap3A_919, %swap3A_920], %swap3A_923 {strides = array<i32>} : memref<128x128xf32, #tpu.memory_space<vmem>>, vector<1x16xf32>,
        %get3A_924 = arith.index_cast %add3A_899 : i32 to index
        %get3A_925 = arith.constant 32 : index
        %get3A_926 = tpu.vector_load %arg13[%get3A_924, %get3A_925] {strides = array<i32>} : memref<128x128xf32, #tpu.memory_space<vmem>>, vector<1x16xf32>,
        %get3A_927 = vector.shape_cast %get3A_926 : vector<1x16xf32> to vector<16xf32>
        %mul3A_928 = arith.mulf %get3A_927, %gather3A_903 : vector<16xf32>
        %swap3A_929 = arith.index_cast %add3A_899 : i32 to index
        %swap3A_930 = arith.constant 32 : index
        %swap3A_931 = tpu.vector_load %arg13[%swap3A_929, %swap3A_930] {strides = array<i32>} : memref<128x128xf32, #tpu.memory_space<vmem>>, vector<1x16xf32>,
        %swap3A_932 = vector.shape_cast %swap3A_931 : vector<1x16xf32> to vector<16xf32>
        %swap3A_933 = vector.shape_cast %mul3A_928 : vector<16xf32> to vector<1x16xf32>
        tpu.vector_store %arg13[%swap3A_929, %swap3A_930], %swap3A_933 {strides = array<i32>} : memref<128x128xf32, #tpu.memory_space<vmem>>, vector<1x16xf32>,
        %get3A_934 = arith.index_cast %add3A_899 : i32 to index
        %get3A_935 = arith.constant 48 : index
        %get3A_936 = tpu.vector_load %arg13[%get3A_934, %get3A_935] {strides = array<i32>} : memref<128x128xf32, #tpu.memory_space<vmem>>, vector<1x16xf32>,
        %get3A_937 = vector.shape_cast %get3A_936 : vector<1x16xf32> to vector<16xf32>
        %mul3A_938 = arith.mulf %get3A_937, %gather3A_903 : vector<16xf32>
        %swap3A_939 = arith.index_cast %add3A_899 : i32 to index
        %swap3A_940 = arith.constant 48 : index
        %swap3A_941 = tpu.vector_load %arg13[%swap3A_939, %swap3A_940] {strides = array<i32>} : memref<128x128xf32, #tpu.memory_space<vmem>>, vector<1x16xf32>,
        %swap3A_942 = vector.shape_cast %swap3A_941 : vector<1x16xf32> to vector<16xf32>
        %swap3A_943 = vector.shape_cast %mul3A_938 : vector<16xf32> to vector<1x16xf32>
        tpu.vector_store %arg13[%swap3A_939, %swap3A_940], %swap3A_943 {strides = array<i32>} : memref<128x128xf32, #tpu.memory_space<vmem>>, vector<1x16xf32>,
        %get3A_944 = arith.index_cast %add3A_899 : i32 to index
        %get3A_945 = arith.constant 64 : index
        %get3A_946 = tpu.vector_load %arg13[%get3A_944, %get3A_945] {strides = array<i32>} : memref<128x128xf32, #tpu.memory_space<vmem>>, vector<1x16xf32>,
        %get3A_947 = vector.shape_cast %get3A_946 : vector<1x16xf32> to vector<16xf32>
        %mul3A_948 = arith.mulf %get3A_947, %gather3A_903 : vector<16xf32>
        %swap3A_949 = arith.index_cast %add3A_899 : i32 to index
        %swap3A_950 = arith.constant 64 : index
        %swap3A_951 = tpu.vector_load %arg13[%swap3A_949, %swap3A_950] {strides = array<i32>} : memref<128x128xf32, #tpu.memory_space<vmem>>, vector<1x16xf32>,
        %swap3A_952 = vector.shape_cast %swap3A_951 : vector<1x16xf32> to vector<16xf32>
        %swap3A_953 = vector.shape_cast %mul3A_948 : vector<16xf32> to vector<1x16xf32>
        tpu.vector_store %arg13[%swap3A_949, %swap3A_950], %swap3A_953 {strides = array<i32>} : memref<128x128xf32, #tpu.memory_space<vmem>>, vector<1x16xf32>,
        %get3A_954 = arith.index_cast %add3A_899 : i32 to index
        %get3A_955 = arith.constant 80 : index
        %get3A_956 = tpu.vector_load %arg13[%get3A_954, %get3A_955] {strides = array<i32>} : memref<128x128xf32, #tpu.memory_space<vmem>>, vector<1x16xf32>,
        %get3A_957 = vector.shape_cast %get3A_956 : vector<1x16xf32> to vector<16xf32>
        %mul3A_958 = arith.mulf %get3A_957, %gather3A_903 : vector<16xf32>
        %swap3A_959 = arith.index_cast %add3A_899 : i32 to index
        %swap3A_960 = arith.constant 80 : index
        %swap3A_961 = tpu.vector_load %arg13[%swap3A_959, %swap3A_960] {strides = array<i32>} : memref<128x128xf32, #tpu.memory_space<vmem>>, vector<1x16xf32>,
        %swap3A_962 = vector.shape_cast %swap3A_961 : vector<1x16xf32> to vector<16xf32>
        %swap3A_963 = vector.shape_cast %mul3A_958 : vector<16xf32> to vector<1x16xf32>
        tpu.vector_store %arg13[%swap3A_959, %swap3A_960], %swap3A_963 {strides = array<i32>} : memref<128x128xf32, #tpu.memory_space<vmem>>, vector<1x16xf32>,
        %get3A_964 = arith.index_cast %add3A_899 : i32 to index
        %get3A_965 = arith.constant 96 : index
        %get3A_966 = tpu.vector_load %arg13[%get3A_964, %get3A_965] {strides = array<i32>} : memref<128x128xf32, #tpu.memory_space<vmem>>, vector<1x16xf32>,
        %get3A_967 = vector.shape_cast %get3A_966 : vector<1x16xf32> to vector<16xf32>
        %mul3A_968 = arith.mulf %get3A_967, %gather3A_903 : vector<16xf32>
        %swap3A_969 = arith.index_cast %add3A_899 : i32 to index
        %swap3A_970 = arith.constant 96 : index
        %swap3A_971 = tpu.vector_load %arg13[%swap3A_969, %swap3A_970] {strides = array<i32>} : memref<128x128xf32, #tpu.memory_space<vmem>>, vector<1x16xf32>,
        %swap3A_972 = vector.shape_cast %swap3A_971 : vector<1x16xf32> to vector<16xf32>
        %swap3A_973 = vector.shape_cast %mul3A_968 : vector<16xf32> to vector<1x16xf32>
        tpu.vector_store %arg13[%swap3A_969, %swap3A_970], %swap3A_973 {strides = array<i32>} : memref<128x128xf32, #tpu.memory_space<vmem>>, vector<1x16xf32>,
        %get3A_974 = arith.index_cast %add3A_899 : i32 to index
        %get3A_975 = arith.constant 112 : index
        %get3A_976 = tpu.vector_load %arg13[%get3A_974, %get3A_975] {strides = array<i32>} : memref<128x128xf32, #tpu.memory_space<vmem>>, vector<1x16xf32>,
        %get3A_977 = vector.shape_cast %get3A_976 : vector<1x16xf32> to vector<16xf32>
        %mul3A_978 = arith.mulf %get3A_977, %gather3A_903 : vector<16xf32>
        %swap3A_979 = arith.index_cast %add3A_899 : i32 to index
        %swap3A_980 = arith.constant 112 : index
        %swap3A_981 = tpu.vector_load %arg13[%swap3A_979, %swap3A_980] {strides = array<i32>} : memref<128x128xf32, #tpu.memory_space<vmem>>, vector<1x16xf32>,
        %swap3A_982 = vector.shape_cast %swap3A_981 : vector<1x16xf32> to vector<16xf32>
        %swap3A_983 = vector.shape_cast %mul3A_978 : vector<16xf32> to vector<1x16xf32>
        tpu.vector_store %arg13[%swap3A_979, %swap3A_980], %swap3A_983 {strides = array<i32>} : memref<128x128xf32, #tpu.memory_space<vmem>>, vector<1x16xf32>,
        %mul3A_984 = arith.constant 16 : i32
        %mul3A_985 = arith.muli %scan3A_101, %mul3A_984 : i32
        %add3A_986 = arith.constant 10 : i32
        %add3A_987 = arith.addi %mul3A_985, %add3A_986 : i32
        %broadcast_in_dim3A_988 = arith.constant 10 : i32
        %broadcast_in_dim3A_989 = vector.broadcast %broadcast_in_dim3A_988 : i32 to vector<16x1xi32>
        %gather3A_990 = vector.shape_cast %broadcast_in_dim3A_989 : vector<16x1xi32> to vector<16xi32>
        %gather3A_991 = tpu.dynamic_gather %get3A_105[%gather3A_990] in [0] : vector<16xf32>, vector<16xi32> -> vector<16xf32>
        %get3A_992 = arith.index_cast %add3A_987 : i32 to index
        %get3A_993 = arith.constant 0 : index
        %get3A_994 = tpu.vector_load %arg13[%get3A_992, %get3A_993] {strides = array<i32>} : memref<128x128xf32, #tpu.memory_space<vmem>>, vector<1x16xf32>,
        %get3A_995 = vector.shape_cast %get3A_994 : vector<1x16xf32> to vector<16xf32>
        %mul3A_996 = arith.mulf %get3A_995, %gather3A_991 : vector<16xf32>
        %swap3A_997 = arith.index_cast %add3A_987 : i32 to index
        %swap3A_998 = arith.constant 0 : index
        %swap3A_999 = tpu.vector_load %arg13[%swap3A_997, %swap3A_998] {strides = array<i32>} : memref<128x128xf32, #tpu.memory_space<vmem>>, vector<1x16xf32>,
        %swap3A_1000 = vector.shape_cast %swap3A_999 : vector<1x16xf32> to vector<16xf32>
        %swap3A_1001 = vector.shape_cast %mul3A_996 : vector<16xf32> to vector<1x16xf32>
        tpu.vector_store %arg13[%swap3A_997, %swap3A_998], %swap3A_1001 {strides = array<i32>} : memref<128x128xf32, #tpu.memory_space<vmem>>, vector<1x16xf32>,
        %get3A_1002 = arith.index_cast %add3A_987 : i32 to index
        %get3A_1003 = arith.constant 16 : index
        %get3A_1004 = tpu.vector_load %arg13[%get3A_1002, %get3A_1003] {strides = array<i32>} : memref<128x128xf32, #tpu.memory_space<vmem>>, vector<1x16xf32>,
        %get3A_1005 = vector.shape_cast %get3A_1004 : vector<1x16xf32> to vector<16xf32>
        %mul3A_1006 = arith.mulf %get3A_1005, %gather3A_991 : vector<16xf32>
        %swap3A_1007 = arith.index_cast %add3A_987 : i32 to index
        %swap3A_1008 = arith.constant 16 : index
        %swap3A_1009 = tpu.vector_load %arg13[%swap3A_1007, %swap3A_1008] {strides = array<i32>} : memref<128x128xf32, #tpu.memory_space<vmem>>, vector<1x16xf32>,
        %swap3A_1010 = vector.shape_cast %swap3A_1009 : vector<1x16xf32> to vector<16xf32>
        %swap3A_1011 = vector.shape_cast %mul3A_1006 : vector<16xf32> to vector<1x16xf32>
        tpu.vector_store %arg13[%swap3A_1007, %swap3A_1008], %swap3A_1011 {strides = array<i32>} : memref<128x128xf32, #tpu.memory_space<vmem>>, vector<1x16xf32>,
        %get3A_1012 = arith.index_cast %add3A_987 : i32 to index
        %get3A_1013 = arith.constant 32 : index
        %get3A_1014 = tpu.vector_load %arg13[%get3A_1012, %get3A_1013] {strides = array<i32>} : memref<128x128xf32, #tpu.memory_space<vmem>>, vector<1x16xf32>,
        %get3A_1015 = vector.shape_cast %get3A_1014 : vector<1x16xf32> to vector<16xf32>
        %mul3A_1016 = arith.mulf %get3A_1015, %gather3A_991 : vector<16xf32>
        %swap3A_1017 = arith.index_cast %add3A_987 : i32 to index
        %swap3A_1018 = arith.constant 32 : index
        %swap3A_1019 = tpu.vector_load %arg13[%swap3A_1017, %swap3A_1018] {strides = array<i32>} : memref<128x128xf32, #tpu.memory_space<vmem>>, vector<1x16xf32>,
        %swap3A_1020 = vector.shape_cast %swap3A_1019 : vector<1x16xf32> to vector<16xf32>
        %swap3A_1021 = vector.shape_cast %mul3A_1016 : vector<16xf32> to vector<1x16xf32>
        tpu.vector_store %arg13[%swap3A_1017, %swap3A_1018], %swap3A_1021 {strides = array<i32>} : memref<128x128xf32, #tpu.memory_space<vmem>>, vector<1x16xf32>,
        %get3A_1022 = arith.index_cast %add3A_987 : i32 to index
        %get3A_1023 = arith.constant 48 : index
        %get3A_1024 = tpu.vector_load %arg13[%get3A_1022, %get3A_1023] {strides = array<i32>} : memref<128x128xf32, #tpu.memory_space<vmem>>, vector<1x16xf32>,
        %get3A_1025 = vector.shape_cast %get3A_1024 : vector<1x16xf32> to vector<16xf32>
        %mul3A_1026 = arith.mulf %get3A_1025, %gather3A_991 : vector<16xf32>
        %swap3A_1027 = arith.index_cast %add3A_987 : i32 to index
        %swap3A_1028 = arith.constant 48 : index
        %swap3A_1029 = tpu.vector_load %arg13[%swap3A_1027, %swap3A_1028] {strides = array<i32>} : memref<128x128xf32, #tpu.memory_space<vmem>>, vector<1x16xf32>,
        %swap3A_1030 = vector.shape_cast %swap3A_1029 : vector<1x16xf32> to vector<16xf32>
        %swap3A_1031 = vector.shape_cast %mul3A_1026 : vector<16xf32> to vector<1x16xf32>
        tpu.vector_store %arg13[%swap3A_1027, %swap3A_1028], %swap3A_1031 {strides = array<i32>} : memref<128x128xf32, #tpu.memory_space<vmem>>, vector<1x16xf32>,
        %get3A_1032 = arith.index_cast %add3A_987 : i32 to index
        %get3A_1033 = arith.constant 64 : index
        %get3A_1034 = tpu.vector_load %arg13[%get3A_1032, %get3A_1033] {strides = array<i32>} : memref<128x128xf32, #tpu.memory_space<vmem>>, vector<1x16xf32>,
        %get3A_1035 = vector.shape_cast %get3A_1034 : vector<1x16xf32> to vector<16xf32>
        %mul3A_1036 = arith.mulf %get3A_1035, %gather3A_991 : vector<16xf32>
        %swap3A_1037 = arith.index_cast %add3A_987 : i32 to index
        %swap3A_1038 = arith.constant 64 : index
        %swap3A_1039 = tpu.vector_load %arg13[%swap3A_1037, %swap3A_1038] {strides = array<i32>} : memref<128x128xf32, #tpu.memory_space<vmem>>, vector<1x16xf32>,
        %swap3A_1040 = vector.shape_cast %swap3A_1039 : vector<1x16xf32> to vector<16xf32>
        %swap3A_1041 = vector.shape_cast %mul3A_1036 : vector<16xf32> to vector<1x16xf32>
        tpu.vector_store %arg13[%swap3A_1037, %swap3A_1038], %swap3A_1041 {strides = array<i32>} : memref<128x128xf32, #tpu.memory_space<vmem>>, vector<1x16xf32>,
        %get3A_1042 = arith.index_cast %add3A_987 : i32 to index
        %get3A_1043 = arith.constant 80 : index
        %get3A_1044 = tpu.vector_load %arg13[%get3A_1042, %get3A_1043] {strides = array<i32>} : memref<128x128xf32, #tpu.memory_space<vmem>>, vector<1x16xf32>,
        %get3A_1045 = vector.shape_cast %get3A_1044 : vector<1x16xf32> to vector<16xf32>
        %mul3A_1046 = arith.mulf %get3A_1045, %gather3A_991 : vector<16xf32>
        %swap3A_1047 = arith.index_cast %add3A_987 : i32 to index
        %swap3A_1048 = arith.constant 80 : index
        %swap3A_1049 = tpu.vector_load %arg13[%swap3A_1047, %swap3A_1048] {strides = array<i32>} : memref<128x128xf32, #tpu.memory_space<vmem>>, vector<1x16xf32>,
        %swap3A_1050 = vector.shape_cast %swap3A_1049 : vector<1x16xf32> to vector<16xf32>
        %swap3A_1051 = vector.shape_cast %mul3A_1046 : vector<16xf32> to vector<1x16xf32>
        tpu.vector_store %arg13[%swap3A_1047, %swap3A_1048], %swap3A_1051 {strides = array<i32>} : memref<128x128xf32, #tpu.memory_space<vmem>>, vector<1x16xf32>,
        %get3A_1052 = arith.index_cast %add3A_987 : i32 to index
        %get3A_1053 = arith.constant 96 : index
        %get3A_1054 = tpu.vector_load %arg13[%get3A_1052, %get3A_1053] {strides = array<i32>} : memref<128x128xf32, #tpu.memory_space<vmem>>, vector<1x16xf32>,
        %get3A_1055 = vector.shape_cast %get3A_1054 : vector<1x16xf32> to vector<16xf32>
        %mul3A_1056 = arith.mulf %get3A_1055, %gather3A_991 : vector<16xf32>
        %swap3A_1057 = arith.index_cast %add3A_987 : i32 to index
        %swap3A_1058 = arith.constant 96 : index
        %swap3A_1059 = tpu.vector_load %arg13[%swap3A_1057, %swap3A_1058] {strides = array<i32>} : memref<128x128xf32, #tpu.memory_space<vmem>>, vector<1x16xf32>,
        %swap3A_1060 = vector.shape_cast %swap3A_1059 : vector<1x16xf32> to vector<16xf32>
        %swap3A_1061 = vector.shape_cast %mul3A_1056 : vector<16xf32> to vector<1x16xf32>
        tpu.vector_store %arg13[%swap3A_1057, %swap3A_1058], %swap3A_1061 {strides = array<i32>} : memref<128x128xf32, #tpu.memory_space<vmem>>, vector<1x16xf32>,
        %get3A_1062 = arith.index_cast %add3A_987 : i32 to index
        %get3A_1063 = arith.constant 112 : index
        %get3A_1064 = tpu.vector_load %arg13[%get3A_1062, %get3A_1063] {strides = array<i32>} : memref<128x128xf32, #tpu.memory_space<vmem>>, vector<1x16xf32>,
        %get3A_1065 = vector.shape_cast %get3A_1064 : vector<1x16xf32> to vector<16xf32>
        %mul3A_1066 = arith.mulf %get3A_1065, %gather3A_991 : vector<16xf32>
        %swap3A_1067 = arith.index_cast %add3A_987 : i32 to index
        %swap3A_1068 = arith.constant 112 : index
        %swap3A_1069 = tpu.vector_load %arg13[%swap3A_1067, %swap3A_1068] {strides = array<i32>} : memref<128x128xf32, #tpu.memory_space<vmem>>, vector<1x16xf32>,
        %swap3A_1070 = vector.shape_cast %swap3A_1069 : vector<1x16xf32> to vector<16xf32>
        %swap3A_1071 = vector.shape_cast %mul3A_1066 : vector<16xf32> to vector<1x16xf32>
        tpu.vector_store %arg13[%swap3A_1067, %swap3A_1068], %swap3A_1071 {strides = array<i32>} : memref<128x128xf32, #tpu.memory_space<vmem>>, vector<1x16xf32>,
        %mul3A_1072 = arith.constant 16 : i32
        %mul3A_1073 = arith.muli %scan3A_101, %mul3A_1072 : i32
        %add3A_1074 = arith.constant 11 : i32
        %add3A_1075 = arith.addi %mul3A_1073, %add3A_1074 : i32
        %broadcast_in_dim3A_1076 = arith.constant 11 : i32
        %broadcast_in_dim3A_1077 = vector.broadcast %broadcast_in_dim3A_1076 : i32 to vector<16x1xi32>
        %gather3A_1078 = vector.shape_cast %broadcast_in_dim3A_1077 : vector<16x1xi32> to vector<16xi32>
        %gather3A_1079 = tpu.dynamic_gather %get3A_105[%gather3A_1078] in [0] : vector<16xf32>, vector<16xi32> -> vector<16xf32>
        %get3A_1080 = arith.index_cast %add3A_1075 : i32 to index
        %get3A_1081 = arith.constant 0 : index
        %get3A_1082 = tpu.vector_load %arg13[%get3A_1080, %get3A_1081] {strides = array<i32>} : memref<128x128xf32, #tpu.memory_space<vmem>>, vector<1x16xf32>,
        %get3A_1083 = vector.shape_cast %get3A_1082 : vector<1x16xf32> to vector<16xf32>
        %mul3A_1084 = arith.mulf %get3A_1083, %gather3A_1079 : vector<16xf32>
        %swap3A_1085 = arith.index_cast %add3A_1075 : i32 to index
        %swap3A_1086 = arith.constant 0 : index
        %swap3A_1087 = tpu.vector_load %arg13[%swap3A_1085, %swap3A_1086] {strides = array<i32>} : memref<128x128xf32, #tpu.memory_space<vmem>>, vector<1x16xf32>,
        %swap3A_1088 = vector.shape_cast %swap3A_1087 : vector<1x16xf32> to vector<16xf32>
        %swap3A_1089 = vector.shape_cast %mul3A_1084 : vector<16xf32> to vector<1x16xf32>
        tpu.vector_store %arg13[%swap3A_1085, %swap3A_1086], %swap3A_1089 {strides = array<i32>} : memref<128x128xf32, #tpu.memory_space<vmem>>, vector<1x16xf32>,
        %get3A_1090 = arith.index_cast %add3A_1075 : i32 to index
        %get3A_1091 = arith.constant 16 : index
        %get3A_1092 = tpu.vector_load %arg13[%get3A_1090, %get3A_1091] {strides = array<i32>} : memref<128x128xf32, #tpu.memory_space<vmem>>, vector<1x16xf32>,
        %get3A_1093 = vector.shape_cast %get3A_1092 : vector<1x16xf32> to vector<16xf32>
        %mul3A_1094 = arith.mulf %get3A_1093, %gather3A_1079 : vector<16xf32>
        %swap3A_1095 = arith.index_cast %add3A_1075 : i32 to index
        %swap3A_1096 = arith.constant 16 : index
        %swap3A_1097 = tpu.vector_load %arg13[%swap3A_1095, %swap3A_1096] {strides = array<i32>} : memref<128x128xf32, #tpu.memory_space<vmem>>, vector<1x16xf32>,
        %swap3A_1098 = vector.shape_cast %swap3A_1097 : vector<1x16xf32> to vector<16xf32>
        %swap3A_1099 = vector.shape_cast %mul3A_1094 : vector<16xf32> to vector<1x16xf32>
        tpu.vector_store %arg13[%swap3A_1095, %swap3A_1096], %swap3A_1099 {strides = array<i32>} : memref<128x128xf32, #tpu.memory_space<vmem>>, vector<1x16xf32>,
        %get3A_1100 = arith.index_cast %add3A_1075 : i32 to index
        %get3A_1101 = arith.constant 32 : index
        %get3A_1102 = tpu.vector_load %arg13[%get3A_1100, %get3A_1101] {strides = array<i32>} : memref<128x128xf32, #tpu.memory_space<vmem>>, vector<1x16xf32>,
        %get3A_1103 = vector.shape_cast %get3A_1102 : vector<1x16xf32> to vector<16xf32>
        %mul3A_1104 = arith.mulf %get3A_1103, %gather3A_1079 : vector<16xf32>
        %swap3A_1105 = arith.index_cast %add3A_1075 : i32 to index
        %swap3A_1106 = arith.constant 32 : index
        %swap3A_1107 = tpu.vector_load %arg13[%swap3A_1105, %swap3A_1106] {strides = array<i32>} : memref<128x128xf32, #tpu.memory_space<vmem>>, vector<1x16xf32>,
        %swap3A_1108 = vector.shape_cast %swap3A_1107 : vector<1x16xf32> to vector<16xf32>
        %swap3A_1109 = vector.shape_cast %mul3A_1104 : vector<16xf32> to vector<1x16xf32>
        tpu.vector_store %arg13[%swap3A_1105, %swap3A_1106], %swap3A_1109 {strides = array<i32>} : memref<128x128xf32, #tpu.memory_space<vmem>>, vector<1x16xf32>,
        %get3A_1110 = arith.index_cast %add3A_1075 : i32 to index
        %get3A_1111 = arith.constant 48 : index
        %get3A_1112 = tpu.vector_load %arg13[%get3A_1110, %get3A_1111] {strides = array<i32>} : memref<128x128xf32, #tpu.memory_space<vmem>>, vector<1x16xf32>,
        %get3A_1113 = vector.shape_cast %get3A_1112 : vector<1x16xf32> to vector<16xf32>
        %mul3A_1114 = arith.mulf %get3A_1113, %gather3A_1079 : vector<16xf32>
        %swap3A_1115 = arith.index_cast %add3A_1075 : i32 to index
        %swap3A_1116 = arith.constant 48 : index
        %swap3A_1117 = tpu.vector_load %arg13[%swap3A_1115, %swap3A_1116] {strides = array<i32>} : memref<128x128xf32, #tpu.memory_space<vmem>>, vector<1x16xf32>,
        %swap3A_1118 = vector.shape_cast %swap3A_1117 : vector<1x16xf32> to vector<16xf32>
        %swap3A_1119 = vector.shape_cast %mul3A_1114 : vector<16xf32> to vector<1x16xf32>
        tpu.vector_store %arg13[%swap3A_1115, %swap3A_1116], %swap3A_1119 {strides = array<i32>} : memref<128x128xf32, #tpu.memory_space<vmem>>, vector<1x16xf32>,
        %get3A_1120 = arith.index_cast %add3A_1075 : i32 to index
        %get3A_1121 = arith.constant 64 : index
        %get3A_1122 = tpu.vector_load %arg13[%get3A_1120, %get3A_1121] {strides = array<i32>} : memref<128x128xf32, #tpu.memory_space<vmem>>, vector<1x16xf32>,
        %get3A_1123 = vector.shape_cast %get3A_1122 : vector<1x16xf32> to vector<16xf32>
        %mul3A_1124 = arith.mulf %get3A_1123, %gather3A_1079 : vector<16xf32>
        %swap3A_1125 = arith.index_cast %add3A_1075 : i32 to index
        %swap3A_1126 = arith.constant 64 : index
        %swap3A_1127 = tpu.vector_load %arg13[%swap3A_1125, %swap3A_1126] {strides = array<i32>} : memref<128x128xf32, #tpu.memory_space<vmem>>, vector<1x16xf32>,
        %swap3A_1128 = vector.shape_cast %swap3A_1127 : vector<1x16xf32> to vector<16xf32>
        %swap3A_1129 = vector.shape_cast %mul3A_1124 : vector<16xf32> to vector<1x16xf32>
        tpu.vector_store %arg13[%swap3A_1125, %swap3A_1126], %swap3A_1129 {strides = array<i32>} : memref<128x128xf32, #tpu.memory_space<vmem>>, vector<1x16xf32>,
        %get3A_1130 = arith.index_cast %add3A_1075 : i32 to index
        %get3A_1131 = arith.constant 80 : index
        %get3A_1132 = tpu.vector_load %arg13[%get3A_1130, %get3A_1131] {strides = array<i32>} : memref<128x128xf32, #tpu.memory_space<vmem>>, vector<1x16xf32>,
        %get3A_1133 = vector.shape_cast %get3A_1132 : vector<1x16xf32> to vector<16xf32>
        %mul3A_1134 = arith.mulf %get3A_1133, %gather3A_1079 : vector<16xf32>
        %swap3A_1135 = arith.index_cast %add3A_1075 : i32 to index
        %swap3A_1136 = arith.constant 80 : index
        %swap3A_1137 = tpu.vector_load %arg13[%swap3A_1135, %swap3A_1136] {strides = array<i32>} : memref<128x128xf32, #tpu.memory_space<vmem>>, vector<1x16xf32>,
        %swap3A_1138 = vector.shape_cast %swap3A_1137 : vector<1x16xf32> to vector<16xf32>
        %swap3A_1139 = vector.shape_cast %mul3A_1134 : vector<16xf32> to vector<1x16xf32>
        tpu.vector_store %arg13[%swap3A_1135, %swap3A_1136], %swap3A_1139 {strides = array<i32>} : memref<128x128xf32, #tpu.memory_space<vmem>>, vector<1x16xf32>,
        %get3A_1140 = arith.index_cast %add3A_1075 : i32 to index
        %get3A_1141 = arith.constant 96 : index
        %get3A_1142 = tpu.vector_load %arg13[%get3A_1140, %get3A_1141] {strides = array<i32>} : memref<128x128xf32, #tpu.memory_space<vmem>>, vector<1x16xf32>,
        %get3A_1143 = vector.shape_cast %get3A_1142 : vector<1x16xf32> to vector<16xf32>
        %mul3A_1144 = arith.mulf %get3A_1143, %gather3A_1079 : vector<16xf32>
        %swap3A_1145 = arith.index_cast %add3A_1075 : i32 to index
        %swap3A_1146 = arith.constant 96 : index
        %swap3A_1147 = tpu.vector_load %arg13[%swap3A_1145, %swap3A_1146] {strides = array<i32>} : memref<128x128xf32, #tpu.memory_space<vmem>>, vector<1x16xf32>,
        %swap3A_1148 = vector.shape_cast %swap3A_1147 : vector<1x16xf32> to vector<16xf32>
        %swap3A_1149 = vector.shape_cast %mul3A_1144 : vector<16xf32> to vector<1x16xf32>
        tpu.vector_store %arg13[%swap3A_1145, %swap3A_1146], %swap3A_1149 {strides = array<i32>} : memref<128x128xf32, #tpu.memory_space<vmem>>, vector<1x16xf32>,
        %get3A_1150 = arith.index_cast %add3A_1075 : i32 to index
        %get3A_1151 = arith.constant 112 : index
        %get3A_1152 = tpu.vector_load %arg13[%get3A_1150, %get3A_1151] {strides = array<i32>} : memref<128x128xf32, #tpu.memory_space<vmem>>, vector<1x16xf32>,
        %get3A_1153 = vector.shape_cast %get3A_1152 : vector<1x16xf32> to vector<16xf32>
        %mul3A_1154 = arith.mulf %get3A_1153, %gather3A_1079 : vector<16xf32>
        %swap3A_1155 = arith.index_cast %add3A_1075 : i32 to index
        %swap3A_1156 = arith.constant 112 : index
        %swap3A_1157 = tpu.vector_load %arg13[%swap3A_1155, %swap3A_1156] {strides = array<i32>} : memref<128x128xf32, #tpu.memory_space<vmem>>, vector<1x16xf32>,
        %swap3A_1158 = vector.shape_cast %swap3A_1157 : vector<1x16xf32> to vector<16xf32>
        %swap3A_1159 = vector.shape_cast %mul3A_1154 : vector<16xf32> to vector<1x16xf32>
        tpu.vector_store %arg13[%swap3A_1155, %swap3A_1156], %swap3A_1159 {strides = array<i32>} : memref<128x128xf32, #tpu.memory_space<vmem>>, vector<1x16xf32>,
        %mul3A_1160 = arith.constant 16 : i32
        %mul3A_1161 = arith.muli %scan3A_101, %mul3A_1160 : i32
        %add3A_1162 = arith.constant 12 : i32
        %add3A_1163 = arith.addi %mul3A_1161, %add3A_1162 : i32
        %broadcast_in_dim3A_1164 = arith.constant 12 : i32
        %broadcast_in_dim3A_1165 = vector.broadcast %broadcast_in_dim3A_1164 : i32 to vector<16x1xi32>
        %gather3A_1166 = vector.shape_cast %broadcast_in_dim3A_1165 : vector<16x1xi32> to vector<16xi32>
        %gather3A_1167 = tpu.dynamic_gather %get3A_105[%gather3A_1166] in [0] : vector<16xf32>, vector<16xi32> -> vector<16xf32>
        %get3A_1168 = arith.index_cast %add3A_1163 : i32 to index
        %get3A_1169 = arith.constant 0 : index
        %get3A_1170 = tpu.vector_load %arg13[%get3A_1168, %get3A_1169] {strides = array<i32>} : memref<128x128xf32, #tpu.memory_space<vmem>>, vector<1x16xf32>,
        %get3A_1171 = vector.shape_cast %get3A_1170 : vector<1x16xf32> to vector<16xf32>
        %mul3A_1172 = arith.mulf %get3A_1171, %gather3A_1167 : vector<16xf32>
        %swap3A_1173 = arith.index_cast %add3A_1163 : i32 to index
        %swap3A_1174 = arith.constant 0 : index
        %swap3A_1175 = tpu.vector_load %arg13[%swap3A_1173, %swap3A_1174] {strides = array<i32>} : memref<128x128xf32, #tpu.memory_space<vmem>>, vector<1x16xf32>,
        %swap3A_1176 = vector.shape_cast %swap3A_1175 : vector<1x16xf32> to vector<16xf32>
        %swap3A_1177 = vector.shape_cast %mul3A_1172 : vector<16xf32> to vector<1x16xf32>
        tpu.vector_store %arg13[%swap3A_1173, %swap3A_1174], %swap3A_1177 {strides = array<i32>} : memref<128x128xf32, #tpu.memory_space<vmem>>, vector<1x16xf32>,
        %get3A_1178 = arith.index_cast %add3A_1163 : i32 to index
        %get3A_1179 = arith.constant 16 : index
        %get3A_1180 = tpu.vector_load %arg13[%get3A_1178, %get3A_1179] {strides = array<i32>} : memref<128x128xf32, #tpu.memory_space<vmem>>, vector<1x16xf32>,
        %get3A_1181 = vector.shape_cast %get3A_1180 : vector<1x16xf32> to vector<16xf32>
        %mul3A_1182 = arith.mulf %get3A_1181, %gather3A_1167 : vector<16xf32>
        %swap3A_1183 = arith.index_cast %add3A_1163 : i32 to index
        %swap3A_1184 = arith.constant 16 : index
        %swap3A_1185 = tpu.vector_load %arg13[%swap3A_1183, %swap3A_1184] {strides = array<i32>} : memref<128x128xf32, #tpu.memory_space<vmem>>, vector<1x16xf32>,
        %swap3A_1186 = vector.shape_cast %swap3A_1185 : vector<1x16xf32> to vector<16xf32>
        %swap3A_1187 = vector.shape_cast %mul3A_1182 : vector<16xf32> to vector<1x16xf32>
        tpu.vector_store %arg13[%swap3A_1183, %swap3A_1184], %swap3A_1187 {strides = array<i32>} : memref<128x128xf32, #tpu.memory_space<vmem>>, vector<1x16xf32>,
        %get3A_1188 = arith.index_cast %add3A_1163 : i32 to index
        %get3A_1189 = arith.constant 32 : index
        %get3A_1190 = tpu.vector_load %arg13[%get3A_1188, %get3A_1189] {strides = array<i32>} : memref<128x128xf32, #tpu.memory_space<vmem>>, vector<1x16xf32>,
        %get3A_1191 = vector.shape_cast %get3A_1190 : vector<1x16xf32> to vector<16xf32>
        %mul3A_1192 = arith.mulf %get3A_1191, %gather3A_1167 : vector<16xf32>
        %swap3A_1193 = arith.index_cast %add3A_1163 : i32 to index
        %swap3A_1194 = arith.constant 32 : index
        %swap3A_1195 = tpu.vector_load %arg13[%swap3A_1193, %swap3A_1194] {strides = array<i32>} : memref<128x128xf32, #tpu.memory_space<vmem>>, vector<1x16xf32>,
        %swap3A_1196 = vector.shape_cast %swap3A_1195 : vector<1x16xf32> to vector<16xf32>
        %swap3A_1197 = vector.shape_cast %mul3A_1192 : vector<16xf32> to vector<1x16xf32>
        tpu.vector_store %arg13[%swap3A_1193, %swap3A_1194], %swap3A_1197 {strides = array<i32>} : memref<128x128xf32, #tpu.memory_space<vmem>>, vector<1x16xf32>,
        %get3A_1198 = arith.index_cast %add3A_1163 : i32 to index
        %get3A_1199 = arith.constant 48 : index
        %get3A_1200 = tpu.vector_load %arg13[%get3A_1198, %get3A_1199] {strides = array<i32>} : memref<128x128xf32, #tpu.memory_space<vmem>>, vector<1x16xf32>,
        %get3A_1201 = vector.shape_cast %get3A_1200 : vector<1x16xf32> to vector<16xf32>
        %mul3A_1202 = arith.mulf %get3A_1201, %gather3A_1167 : vector<16xf32>
        %swap3A_1203 = arith.index_cast %add3A_1163 : i32 to index
        %swap3A_1204 = arith.constant 48 : index
        %swap3A_1205 = tpu.vector_load %arg13[%swap3A_1203, %swap3A_1204] {strides = array<i32>} : memref<128x128xf32, #tpu.memory_space<vmem>>, vector<1x16xf32>,
        %swap3A_1206 = vector.shape_cast %swap3A_1205 : vector<1x16xf32> to vector<16xf32>
        %swap3A_1207 = vector.shape_cast %mul3A_1202 : vector<16xf32> to vector<1x16xf32>
        tpu.vector_store %arg13[%swap3A_1203, %swap3A_1204], %swap3A_1207 {strides = array<i32>} : memref<128x128xf32, #tpu.memory_space<vmem>>, vector<1x16xf32>,
        %get3A_1208 = arith.index_cast %add3A_1163 : i32 to index
        %get3A_1209 = arith.constant 64 : index
        %get3A_1210 = tpu.vector_load %arg13[%get3A_1208, %get3A_1209] {strides = array<i32>} : memref<128x128xf32, #tpu.memory_space<vmem>>, vector<1x16xf32>,
        %get3A_1211 = vector.shape_cast %get3A_1210 : vector<1x16xf32> to vector<16xf32>
        %mul3A_1212 = arith.mulf %get3A_1211, %gather3A_1167 : vector<16xf32>
        %swap3A_1213 = arith.index_cast %add3A_1163 : i32 to index
        %swap3A_1214 = arith.constant 64 : index
        %swap3A_1215 = tpu.vector_load %arg13[%swap3A_1213, %swap3A_1214] {strides = array<i32>} : memref<128x128xf32, #tpu.memory_space<vmem>>, vector<1x16xf32>,
        %swap3A_1216 = vector.shape_cast %swap3A_1215 : vector<1x16xf32> to vector<16xf32>
        %swap3A_1217 = vector.shape_cast %mul3A_1212 : vector<16xf32> to vector<1x16xf32>
        tpu.vector_store %arg13[%swap3A_1213, %swap3A_1214], %swap3A_1217 {strides = array<i32>} : memref<128x128xf32, #tpu.memory_space<vmem>>, vector<1x16xf32>,
        %get3A_1218 = arith.index_cast %add3A_1163 : i32 to index
        %get3A_1219 = arith.constant 80 : index
        %get3A_1220 = tpu.vector_load %arg13[%get3A_1218, %get3A_1219] {strides = array<i32>} : memref<128x128xf32, #tpu.memory_space<vmem>>, vector<1x16xf32>,
        %get3A_1221 = vector.shape_cast %get3A_1220 : vector<1x16xf32> to vector<16xf32>
        %mul3A_1222 = arith.mulf %get3A_1221, %gather3A_1167 : vector<16xf32>
        %swap3A_1223 = arith.index_cast %add3A_1163 : i32 to index
        %swap3A_1224 = arith.constant 80 : index
        %swap3A_1225 = tpu.vector_load %arg13[%swap3A_1223, %swap3A_1224] {strides = array<i32>} : memref<128x128xf32, #tpu.memory_space<vmem>>, vector<1x16xf32>,
        %swap3A_1226 = vector.shape_cast %swap3A_1225 : vector<1x16xf32> to vector<16xf32>
        %swap3A_1227 = vector.shape_cast %mul3A_1222 : vector<16xf32> to vector<1x16xf32>
        tpu.vector_store %arg13[%swap3A_1223, %swap3A_1224], %swap3A_1227 {strides = array<i32>} : memref<128x128xf32, #tpu.memory_space<vmem>>, vector<1x16xf32>,
        %get3A_1228 = arith.index_cast %add3A_1163 : i32 to index
        %get3A_1229 = arith.constant 96 : index
        %get3A_1230 = tpu.vector_load %arg13[%get3A_1228, %get3A_1229] {strides = array<i32>} : memref<128x128xf32, #tpu.memory_space<vmem>>, vector<1x16xf32>,
        %get3A_1231 = vector.shape_cast %get3A_1230 : vector<1x16xf32> to vector<16xf32>
        %mul3A_1232 = arith.mulf %get3A_1231, %gather3A_1167 : vector<16xf32>
        %swap3A_1233 = arith.index_cast %add3A_1163 : i32 to index
        %swap3A_1234 = arith.constant 96 : index
        %swap3A_1235 = tpu.vector_load %arg13[%swap3A_1233, %swap3A_1234] {strides = array<i32>} : memref<128x128xf32, #tpu.memory_space<vmem>>, vector<1x16xf32>,
        %swap3A_1236 = vector.shape_cast %swap3A_1235 : vector<1x16xf32> to vector<16xf32>
        %swap3A_1237 = vector.shape_cast %mul3A_1232 : vector<16xf32> to vector<1x16xf32>
        tpu.vector_store %arg13[%swap3A_1233, %swap3A_1234], %swap3A_1237 {strides = array<i32>} : memref<128x128xf32, #tpu.memory_space<vmem>>, vector<1x16xf32>,
        %get3A_1238 = arith.index_cast %add3A_1163 : i32 to index
        %get3A_1239 = arith.constant 112 : index
        %get3A_1240 = tpu.vector_load %arg13[%get3A_1238, %get3A_1239] {strides = array<i32>} : memref<128x128xf32, #tpu.memory_space<vmem>>, vector<1x16xf32>,
        %get3A_1241 = vector.shape_cast %get3A_1240 : vector<1x16xf32> to vector<16xf32>
        %mul3A_1242 = arith.mulf %get3A_1241, %gather3A_1167 : vector<16xf32>
        %swap3A_1243 = arith.index_cast %add3A_1163 : i32 to index
        %swap3A_1244 = arith.constant 112 : index
        %swap3A_1245 = tpu.vector_load %arg13[%swap3A_1243, %swap3A_1244] {strides = array<i32>} : memref<128x128xf32, #tpu.memory_space<vmem>>, vector<1x16xf32>,
        %swap3A_1246 = vector.shape_cast %swap3A_1245 : vector<1x16xf32> to vector<16xf32>
        %swap3A_1247 = vector.shape_cast %mul3A_1242 : vector<16xf32> to vector<1x16xf32>
        tpu.vector_store %arg13[%swap3A_1243, %swap3A_1244], %swap3A_1247 {strides = array<i32>} : memref<128x128xf32, #tpu.memory_space<vmem>>, vector<1x16xf32>,
        %mul3A_1248 = arith.constant 16 : i32
        %mul3A_1249 = arith.muli %scan3A_101, %mul3A_1248 : i32
        %add3A_1250 = arith.constant 13 : i32
        %add3A_1251 = arith.addi %mul3A_1249, %add3A_1250 : i32
        %broadcast_in_dim3A_1252 = arith.constant 13 : i32
        %broadcast_in_dim3A_1253 = vector.broadcast %broadcast_in_dim3A_1252 : i32 to vector<16x1xi32>
        %gather3A_1254 = vector.shape_cast %broadcast_in_dim3A_1253 : vector<16x1xi32> to vector<16xi32>
        %gather3A_1255 = tpu.dynamic_gather %get3A_105[%gather3A_1254] in [0] : vector<16xf32>, vector<16xi32> -> vector<16xf32>
        %get3A_1256 = arith.index_cast %add3A_1251 : i32 to index
        %get3A_1257 = arith.constant 0 : index
        %get3A_1258 = tpu.vector_load %arg13[%get3A_1256, %get3A_1257] {strides = array<i32>} : memref<128x128xf32, #tpu.memory_space<vmem>>, vector<1x16xf32>,
        %get3A_1259 = vector.shape_cast %get3A_1258 : vector<1x16xf32> to vector<16xf32>
        %mul3A_1260 = arith.mulf %get3A_1259, %gather3A_1255 : vector<16xf32>
        %swap3A_1261 = arith.index_cast %add3A_1251 : i32 to index
        %swap3A_1262 = arith.constant 0 : index
        %swap3A_1263 = tpu.vector_load %arg13[%swap3A_1261, %swap3A_1262] {strides = array<i32>} : memref<128x128xf32, #tpu.memory_space<vmem>>, vector<1x16xf32>,
        %swap3A_1264 = vector.shape_cast %swap3A_1263 : vector<1x16xf32> to vector<16xf32>
        %swap3A_1265 = vector.shape_cast %mul3A_1260 : vector<16xf32> to vector<1x16xf32>
        tpu.vector_store %arg13[%swap3A_1261, %swap3A_1262], %swap3A_1265 {strides = array<i32>} : memref<128x128xf32, #tpu.memory_space<vmem>>, vector<1x16xf32>,
        %get3A_1266 = arith.index_cast %add3A_1251 : i32 to index
        %get3A_1267 = arith.constant 16 : index
        %get3A_1268 = tpu.vector_load %arg13[%get3A_1266, %get3A_1267] {strides = array<i32>} : memref<128x128xf32, #tpu.memory_space<vmem>>, vector<1x16xf32>,
        %get3A_1269 = vector.shape_cast %get3A_1268 : vector<1x16xf32> to vector<16xf32>
        %mul3A_1270 = arith.mulf %get3A_1269, %gather3A_1255 : vector<16xf32>
        %swap3A_1271 = arith.index_cast %add3A_1251 : i32 to index
        %swap3A_1272 = arith.constant 16 : index
        %swap3A_1273 = tpu.vector_load %arg13[%swap3A_1271, %swap3A_1272] {strides = array<i32>} : memref<128x128xf32, #tpu.memory_space<vmem>>, vector<1x16xf32>,
        %swap3A_1274 = vector.shape_cast %swap3A_1273 : vector<1x16xf32> to vector<16xf32>
        %swap3A_1275 = vector.shape_cast %mul3A_1270 : vector<16xf32> to vector<1x16xf32>
        tpu.vector_store %arg13[%swap3A_1271, %swap3A_1272], %swap3A_1275 {strides = array<i32>} : memref<128x128xf32, #tpu.memory_space<vmem>>, vector<1x16xf32>,
        %get3A_1276 = arith.index_cast %add3A_1251 : i32 to index
        %get3A_1277 = arith.constant 32 : index
        %get3A_1278 = tpu.vector_load %arg13[%get3A_1276, %get3A_1277] {strides = array<i32>} : memref<128x128xf32, #tpu.memory_space<vmem>>, vector<1x16xf32>,
        %get3A_1279 = vector.shape_cast %get3A_1278 : vector<1x16xf32> to vector<16xf32>
        %mul3A_1280 = arith.mulf %get3A_1279, %gather3A_1255 : vector<16xf32>
        %swap3A_1281 = arith.index_cast %add3A_1251 : i32 to index
        %swap3A_1282 = arith.constant 32 : index
        %swap3A_1283 = tpu.vector_load %arg13[%swap3A_1281, %swap3A_1282] {strides = array<i32>} : memref<128x128xf32, #tpu.memory_space<vmem>>, vector<1x16xf32>,
        %swap3A_1284 = vector.shape_cast %swap3A_1283 : vector<1x16xf32> to vector<16xf32>
        %swap3A_1285 = vector.shape_cast %mul3A_1280 : vector<16xf32> to vector<1x16xf32>
        tpu.vector_store %arg13[%swap3A_1281, %swap3A_1282], %swap3A_1285 {strides = array<i32>} : memref<128x128xf32, #tpu.memory_space<vmem>>, vector<1x16xf32>,
        %get3A_1286 = arith.index_cast %add3A_1251 : i32 to index
        %get3A_1287 = arith.constant 48 : index
        %get3A_1288 = tpu.vector_load %arg13[%get3A_1286, %get3A_1287] {strides = array<i32>} : memref<128x128xf32, #tpu.memory_space<vmem>>, vector<1x16xf32>,
        %get3A_1289 = vector.shape_cast %get3A_1288 : vector<1x16xf32> to vector<16xf32>
        %mul3A_1290 = arith.mulf %get3A_1289, %gather3A_1255 : vector<16xf32>
        %swap3A_1291 = arith.index_cast %add3A_1251 : i32 to index
        %swap3A_1292 = arith.constant 48 : index
        %swap3A_1293 = tpu.vector_load %arg13[%swap3A_1291, %swap3A_1292] {strides = array<i32>} : memref<128x128xf32, #tpu.memory_space<vmem>>, vector<1x16xf32>,
        %swap3A_1294 = vector.shape_cast %swap3A_1293 : vector<1x16xf32> to vector<16xf32>
        %swap3A_1295 = vector.shape_cast %mul3A_1290 : vector<16xf32> to vector<1x16xf32>
        tpu.vector_store %arg13[%swap3A_1291, %swap3A_1292], %swap3A_1295 {strides = array<i32>} : memref<128x128xf32, #tpu.memory_space<vmem>>, vector<1x16xf32>,
        %get3A_1296 = arith.index_cast %add3A_1251 : i32 to index
        %get3A_1297 = arith.constant 64 : index
        %get3A_1298 = tpu.vector_load %arg13[%get3A_1296, %get3A_1297] {strides = array<i32>} : memref<128x128xf32, #tpu.memory_space<vmem>>, vector<1x16xf32>,
        %get3A_1299 = vector.shape_cast %get3A_1298 : vector<1x16xf32> to vector<16xf32>
        %mul3A_1300 = arith.mulf %get3A_1299, %gather3A_1255 : vector<16xf32>
        %swap3A_1301 = arith.index_cast %add3A_1251 : i32 to index
        %swap3A_1302 = arith.constant 64 : index
        %swap3A_1303 = tpu.vector_load %arg13[%swap3A_1301, %swap3A_1302] {strides = array<i32>} : memref<128x128xf32, #tpu.memory_space<vmem>>, vector<1x16xf32>,
        %swap3A_1304 = vector.shape_cast %swap3A_1303 : vector<1x16xf32> to vector<16xf32>
        %swap3A_1305 = vector.shape_cast %mul3A_1300 : vector<16xf32> to vector<1x16xf32>
        tpu.vector_store %arg13[%swap3A_1301, %swap3A_1302], %swap3A_1305 {strides = array<i32>} : memref<128x128xf32, #tpu.memory_space<vmem>>, vector<1x16xf32>,
        %get3A_1306 = arith.index_cast %add3A_1251 : i32 to index
        %get3A_1307 = arith.constant 80 : index
        %get3A_1308 = tpu.vector_load %arg13[%get3A_1306, %get3A_1307] {strides = array<i32>} : memref<128x128xf32, #tpu.memory_space<vmem>>, vector<1x16xf32>,
        %get3A_1309 = vector.shape_cast %get3A_1308 : vector<1x16xf32> to vector<16xf32>
        %mul3A_1310 = arith.mulf %get3A_1309, %gather3A_1255 : vector<16xf32>
        %swap3A_1311 = arith.index_cast %add3A_1251 : i32 to index
        %swap3A_1312 = arith.constant 80 : index
        %swap3A_1313 = tpu.vector_load %arg13[%swap3A_1311, %swap3A_1312] {strides = array<i32>} : memref<128x128xf32, #tpu.memory_space<vmem>>, vector<1x16xf32>,
        %swap3A_1314 = vector.shape_cast %swap3A_1313 : vector<1x16xf32> to vector<16xf32>
        %swap3A_1315 = vector.shape_cast %mul3A_1310 : vector<16xf32> to vector<1x16xf32>
        tpu.vector_store %arg13[%swap3A_1311, %swap3A_1312], %swap3A_1315 {strides = array<i32>} : memref<128x128xf32, #tpu.memory_space<vmem>>, vector<1x16xf32>,
        %get3A_1316 = arith.index_cast %add3A_1251 : i32 to index
        %get3A_1317 = arith.constant 96 : index
        %get3A_1318 = tpu.vector_load %arg13[%get3A_1316, %get3A_1317] {strides = array<i32>} : memref<128x128xf32, #tpu.memory_space<vmem>>, vector<1x16xf32>,
        %get3A_1319 = vector.shape_cast %get3A_1318 : vector<1x16xf32> to vector<16xf32>
        %mul3A_1320 = arith.mulf %get3A_1319, %gather3A_1255 : vector<16xf32>
        %swap3A_1321 = arith.index_cast %add3A_1251 : i32 to index
        %swap3A_1322 = arith.constant 96 : index
        %swap3A_1323 = tpu.vector_load %arg13[%swap3A_1321, %swap3A_1322] {strides = array<i32>} : memref<128x128xf32, #tpu.memory_space<vmem>>, vector<1x16xf32>,
        %swap3A_1324 = vector.shape_cast %swap3A_1323 : vector<1x16xf32> to vector<16xf32>
        %swap3A_1325 = vector.shape_cast %mul3A_1320 : vector<16xf32> to vector<1x16xf32>
        tpu.vector_store %arg13[%swap3A_1321, %swap3A_1322], %swap3A_1325 {strides = array<i32>} : memref<128x128xf32, #tpu.memory_space<vmem>>, vector<1x16xf32>,
        %get3A_1326 = arith.index_cast %add3A_1251 : i32 to index
        %get3A_1327 = arith.constant 112 : index
        %get3A_1328 = tpu.vector_load %arg13[%get3A_1326, %get3A_1327] {strides = array<i32>} : memref<128x128xf32, #tpu.memory_space<vmem>>, vector<1x16xf32>,
        %get3A_1329 = vector.shape_cast %get3A_1328 : vector<1x16xf32> to vector<16xf32>
        %mul3A_1330 = arith.mulf %get3A_1329, %gather3A_1255 : vector<16xf32>
        %swap3A_1331 = arith.index_cast %add3A_1251 : i32 to index
        %swap3A_1332 = arith.constant 112 : index
        %swap3A_1333 = tpu.vector_load %arg13[%swap3A_1331, %swap3A_1332] {strides = array<i32>} : memref<128x128xf32, #tpu.memory_space<vmem>>, vector<1x16xf32>,
        %swap3A_1334 = vector.shape_cast %swap3A_1333 : vector<1x16xf32> to vector<16xf32>
        %swap3A_1335 = vector.shape_cast %mul3A_1330 : vector<16xf32> to vector<1x16xf32>
        tpu.vector_store %arg13[%swap3A_1331, %swap3A_1332], %swap3A_1335 {strides = array<i32>} : memref<128x128xf32, #tpu.memory_space<vmem>>, vector<1x16xf32>,
        %mul3A_1336 = arith.constant 16 : i32
        %mul3A_1337 = arith.muli %scan3A_101, %mul3A_1336 : i32
        %add3A_1338 = arith.constant 14 : i32
        %add3A_1339 = arith.addi %mul3A_1337, %add3A_1338 : i32
        %broadcast_in_dim3A_1340 = arith.constant 14 : i32
        %broadcast_in_dim3A_1341 = vector.broadcast %broadcast_in_dim3A_1340 : i32 to vector<16x1xi32>
        %gather3A_1342 = vector.shape_cast %broadcast_in_dim3A_1341 : vector<16x1xi32> to vector<16xi32>
        %gather3A_1343 = tpu.dynamic_gather %get3A_105[%gather3A_1342] in [0] : vector<16xf32>, vector<16xi32> -> vector<16xf32>
        %get3A_1344 = arith.index_cast %add3A_1339 : i32 to index
        %get3A_1345 = arith.constant 0 : index
        %get3A_1346 = tpu.vector_load %arg13[%get3A_1344, %get3A_1345] {strides = array<i32>} : memref<128x128xf32, #tpu.memory_space<vmem>>, vector<1x16xf32>,
        %get3A_1347 = vector.shape_cast %get3A_1346 : vector<1x16xf32> to vector<16xf32>
        %mul3A_1348 = arith.mulf %get3A_1347, %gather3A_1343 : vector<16xf32>
        %swap3A_1349 = arith.index_cast %add3A_1339 : i32 to index
        %swap3A_1350 = arith.constant 0 : index
        %swap3A_1351 = tpu.vector_load %arg13[%swap3A_1349, %swap3A_1350] {strides = array<i32>} : memref<128x128xf32, #tpu.memory_space<vmem>>, vector<1x16xf32>,
        %swap3A_1352 = vector.shape_cast %swap3A_1351 : vector<1x16xf32> to vector<16xf32>
        %swap3A_1353 = vector.shape_cast %mul3A_1348 : vector<16xf32> to vector<1x16xf32>
        tpu.vector_store %arg13[%swap3A_1349, %swap3A_1350], %swap3A_1353 {strides = array<i32>} : memref<128x128xf32, #tpu.memory_space<vmem>>, vector<1x16xf32>,
        %get3A_1354 = arith.index_cast %add3A_1339 : i32 to index
        %get3A_1355 = arith.constant 16 : index
        %get3A_1356 = tpu.vector_load %arg13[%get3A_1354, %get3A_1355] {strides = array<i32>} : memref<128x128xf32, #tpu.memory_space<vmem>>, vector<1x16xf32>,
        %get3A_1357 = vector.shape_cast %get3A_1356 : vector<1x16xf32> to vector<16xf32>
        %mul3A_1358 = arith.mulf %get3A_1357, %gather3A_1343 : vector<16xf32>
        %swap3A_1359 = arith.index_cast %add3A_1339 : i32 to index
        %swap3A_1360 = arith.constant 16 : index
        %swap3A_1361 = tpu.vector_load %arg13[%swap3A_1359, %swap3A_1360] {strides = array<i32>} : memref<128x128xf32, #tpu.memory_space<vmem>>, vector<1x16xf32>,
        %swap3A_1362 = vector.shape_cast %swap3A_1361 : vector<1x16xf32> to vector<16xf32>
        %swap3A_1363 = vector.shape_cast %mul3A_1358 : vector<16xf32> to vector<1x16xf32>
        tpu.vector_store %arg13[%swap3A_1359, %swap3A_1360], %swap3A_1363 {strides = array<i32>} : memref<128x128xf32, #tpu.memory_space<vmem>>, vector<1x16xf32>,
        %get3A_1364 = arith.index_cast %add3A_1339 : i32 to index
        %get3A_1365 = arith.constant 32 : index
        %get3A_1366 = tpu.vector_load %arg13[%get3A_1364, %get3A_1365] {strides = array<i32>} : memref<128x128xf32, #tpu.memory_space<vmem>>, vector<1x16xf32>,
        %get3A_1367 = vector.shape_cast %get3A_1366 : vector<1x16xf32> to vector<16xf32>
        %mul3A_1368 = arith.mulf %get3A_1367, %gather3A_1343 : vector<16xf32>
        %swap3A_1369 = arith.index_cast %add3A_1339 : i32 to index
        %swap3A_1370 = arith.constant 32 : index
        %swap3A_1371 = tpu.vector_load %arg13[%swap3A_1369, %swap3A_1370] {strides = array<i32>} : memref<128x128xf32, #tpu.memory_space<vmem>>, vector<1x16xf32>,
        %swap3A_1372 = vector.shape_cast %swap3A_1371 : vector<1x16xf32> to vector<16xf32>
        %swap3A_1373 = vector.shape_cast %mul3A_1368 : vector<16xf32> to vector<1x16xf32>
        tpu.vector_store %arg13[%swap3A_1369, %swap3A_1370], %swap3A_1373 {strides = array<i32>} : memref<128x128xf32, #tpu.memory_space<vmem>>, vector<1x16xf32>,
        %get3A_1374 = arith.index_cast %add3A_1339 : i32 to index
        %get3A_1375 = arith.constant 48 : index
        %get3A_1376 = tpu.vector_load %arg13[%get3A_1374, %get3A_1375] {strides = array<i32>} : memref<128x128xf32, #tpu.memory_space<vmem>>, vector<1x16xf32>,
        %get3A_1377 = vector.shape_cast %get3A_1376 : vector<1x16xf32> to vector<16xf32>
        %mul3A_1378 = arith.mulf %get3A_1377, %gather3A_1343 : vector<16xf32>
        %swap3A_1379 = arith.index_cast %add3A_1339 : i32 to index
        %swap3A_1380 = arith.constant 48 : index
        %swap3A_1381 = tpu.vector_load %arg13[%swap3A_1379, %swap3A_1380] {strides = array<i32>} : memref<128x128xf32, #tpu.memory_space<vmem>>, vector<1x16xf32>,
        %swap3A_1382 = vector.shape_cast %swap3A_1381 : vector<1x16xf32> to vector<16xf32>
        %swap3A_1383 = vector.shape_cast %mul3A_1378 : vector<16xf32> to vector<1x16xf32>
        tpu.vector_store %arg13[%swap3A_1379, %swap3A_1380], %swap3A_1383 {strides = array<i32>} : memref<128x128xf32, #tpu.memory_space<vmem>>, vector<1x16xf32>,
        %get3A_1384 = arith.index_cast %add3A_1339 : i32 to index
        %get3A_1385 = arith.constant 64 : index
        %get3A_1386 = tpu.vector_load %arg13[%get3A_1384, %get3A_1385] {strides = array<i32>} : memref<128x128xf32, #tpu.memory_space<vmem>>, vector<1x16xf32>,
        %get3A_1387 = vector.shape_cast %get3A_1386 : vector<1x16xf32> to vector<16xf32>
        %mul3A_1388 = arith.mulf %get3A_1387, %gather3A_1343 : vector<16xf32>
        %swap3A_1389 = arith.index_cast %add3A_1339 : i32 to index
        %swap3A_1390 = arith.constant 64 : index
        %swap3A_1391 = tpu.vector_load %arg13[%swap3A_1389, %swap3A_1390] {strides = array<i32>} : memref<128x128xf32, #tpu.memory_space<vmem>>, vector<1x16xf32>,
        %swap3A_1392 = vector.shape_cast %swap3A_1391 : vector<1x16xf32> to vector<16xf32>
        %swap3A_1393 = vector.shape_cast %mul3A_1388 : vector<16xf32> to vector<1x16xf32>
        tpu.vector_store %arg13[%swap3A_1389, %swap3A_1390], %swap3A_1393 {strides = array<i32>} : memref<128x128xf32, #tpu.memory_space<vmem>>, vector<1x16xf32>,
        %get3A_1394 = arith.index_cast %add3A_1339 : i32 to index
        %get3A_1395 = arith.constant 80 : index
        %get3A_1396 = tpu.vector_load %arg13[%get3A_1394, %get3A_1395] {strides = array<i32>} : memref<128x128xf32, #tpu.memory_space<vmem>>, vector<1x16xf32>,
        %get3A_1397 = vector.shape_cast %get3A_1396 : vector<1x16xf32> to vector<16xf32>
        %mul3A_1398 = arith.mulf %get3A_1397, %gather3A_1343 : vector<16xf32>
        %swap3A_1399 = arith.index_cast %add3A_1339 : i32 to index
        %swap3A_1400 = arith.constant 80 : index
        %swap3A_1401 = tpu.vector_load %arg13[%swap3A_1399, %swap3A_1400] {strides = array<i32>} : memref<128x128xf32, #tpu.memory_space<vmem>>, vector<1x16xf32>,
        %swap3A_1402 = vector.shape_cast %swap3A_1401 : vector<1x16xf32> to vector<16xf32>
        %swap3A_1403 = vector.shape_cast %mul3A_1398 : vector<16xf32> to vector<1x16xf32>
        tpu.vector_store %arg13[%swap3A_1399, %swap3A_1400], %swap3A_1403 {strides = array<i32>} : memref<128x128xf32, #tpu.memory_space<vmem>>, vector<1x16xf32>,
        %get3A_1404 = arith.index_cast %add3A_1339 : i32 to index
        %get3A_1405 = arith.constant 96 : index
        %get3A_1406 = tpu.vector_load %arg13[%get3A_1404, %get3A_1405] {strides = array<i32>} : memref<128x128xf32, #tpu.memory_space<vmem>>, vector<1x16xf32>,
        %get3A_1407 = vector.shape_cast %get3A_1406 : vector<1x16xf32> to vector<16xf32>
        %mul3A_1408 = arith.mulf %get3A_1407, %gather3A_1343 : vector<16xf32>
        %swap3A_1409 = arith.index_cast %add3A_1339 : i32 to index
        %swap3A_1410 = arith.constant 96 : index
        %swap3A_1411 = tpu.vector_load %arg13[%swap3A_1409, %swap3A_1410] {strides = array<i32>} : memref<128x128xf32, #tpu.memory_space<vmem>>, vector<1x16xf32>,
        %swap3A_1412 = vector.shape_cast %swap3A_1411 : vector<1x16xf32> to vector<16xf32>
        %swap3A_1413 = vector.shape_cast %mul3A_1408 : vector<16xf32> to vector<1x16xf32>
        tpu.vector_store %arg13[%swap3A_1409, %swap3A_1410], %swap3A_1413 {strides = array<i32>} : memref<128x128xf32, #tpu.memory_space<vmem>>, vector<1x16xf32>,
        %get3A_1414 = arith.index_cast %add3A_1339 : i32 to index
        %get3A_1415 = arith.constant 112 : index
        %get3A_1416 = tpu.vector_load %arg13[%get3A_1414, %get3A_1415] {strides = array<i32>} : memref<128x128xf32, #tpu.memory_space<vmem>>, vector<1x16xf32>,
        %get3A_1417 = vector.shape_cast %get3A_1416 : vector<1x16xf32> to vector<16xf32>
        %mul3A_1418 = arith.mulf %get3A_1417, %gather3A_1343 : vector<16xf32>
        %swap3A_1419 = arith.index_cast %add3A_1339 : i32 to index
        %swap3A_1420 = arith.constant 112 : index
        %swap3A_1421 = tpu.vector_load %arg13[%swap3A_1419, %swap3A_1420] {strides = array<i32>} : memref<128x128xf32, #tpu.memory_space<vmem>>, vector<1x16xf32>,
        %swap3A_1422 = vector.shape_cast %swap3A_1421 : vector<1x16xf32> to vector<16xf32>
        %swap3A_1423 = vector.shape_cast %mul3A_1418 : vector<16xf32> to vector<1x16xf32>
        tpu.vector_store %arg13[%swap3A_1419, %swap3A_1420], %swap3A_1423 {strides = array<i32>} : memref<128x128xf32, #tpu.memory_space<vmem>>, vector<1x16xf32>,
        %mul3A_1424 = arith.constant 16 : i32
        %mul3A_1425 = arith.muli %scan3A_101, %mul3A_1424 : i32
        %add3A_1426 = arith.constant 15 : i32
        %add3A_1427 = arith.addi %mul3A_1425, %add3A_1426 : i32
        %broadcast_in_dim3A_1428 = arith.constant 15 : i32
        %broadcast_in_dim3A_1429 = vector.broadcast %broadcast_in_dim3A_1428 : i32 to vector<16x1xi32>
        %gather3A_1430 = vector.shape_cast %broadcast_in_dim3A_1429 : vector<16x1xi32> to vector<16xi32>
        %gather3A_1431 = tpu.dynamic_gather %get3A_105[%gather3A_1430] in [0] : vector<16xf32>, vector<16xi32> -> vector<16xf32>
        %get3A_1432 = arith.index_cast %add3A_1427 : i32 to index
        %get3A_1433 = arith.constant 0 : index
        %get3A_1434 = tpu.vector_load %arg13[%get3A_1432, %get3A_1433] {strides = array<i32>} : memref<128x128xf32, #tpu.memory_space<vmem>>, vector<1x16xf32>,
        %get3A_1435 = vector.shape_cast %get3A_1434 : vector<1x16xf32> to vector<16xf32>
        %mul3A_1436 = arith.mulf %get3A_1435, %gather3A_1431 : vector<16xf32>
        %swap3A_1437 = arith.index_cast %add3A_1427 : i32 to index
        %swap3A_1438 = arith.constant 0 : index
        %swap3A_1439 = tpu.vector_load %arg13[%swap3A_1437, %swap3A_1438] {strides = array<i32>} : memref<128x128xf32, #tpu.memory_space<vmem>>, vector<1x16xf32>,
        %swap3A_1440 = vector.shape_cast %swap3A_1439 : vector<1x16xf32> to vector<16xf32>
        %swap3A_1441 = vector.shape_cast %mul3A_1436 : vector<16xf32> to vector<1x16xf32>
        tpu.vector_store %arg13[%swap3A_1437, %swap3A_1438], %swap3A_1441 {strides = array<i32>} : memref<128x128xf32, #tpu.memory_space<vmem>>, vector<1x16xf32>,
        %get3A_1442 = arith.index_cast %add3A_1427 : i32 to index
        %get3A_1443 = arith.constant 16 : index
        %get3A_1444 = tpu.vector_load %arg13[%get3A_1442, %get3A_1443] {strides = array<i32>} : memref<128x128xf32, #tpu.memory_space<vmem>>, vector<1x16xf32>,
        %get3A_1445 = vector.shape_cast %get3A_1444 : vector<1x16xf32> to vector<16xf32>
        %mul3A_1446 = arith.mulf %get3A_1445, %gather3A_1431 : vector<16xf32>
        %swap3A_1447 = arith.index_cast %add3A_1427 : i32 to index
        %swap3A_1448 = arith.constant 16 : index
        %swap3A_1449 = tpu.vector_load %arg13[%swap3A_1447, %swap3A_1448] {strides = array<i32>} : memref<128x128xf32, #tpu.memory_space<vmem>>, vector<1x16xf32>,
        %swap3A_1450 = vector.shape_cast %swap3A_1449 : vector<1x16xf32> to vector<16xf32>
        %swap3A_1451 = vector.shape_cast %mul3A_1446 : vector<16xf32> to vector<1x16xf32>
        tpu.vector_store %arg13[%swap3A_1447, %swap3A_1448], %swap3A_1451 {strides = array<i32>} : memref<128x128xf32, #tpu.memory_space<vmem>>, vector<1x16xf32>,
        %get3A_1452 = arith.index_cast %add3A_1427 : i32 to index
        %get3A_1453 = arith.constant 32 : index
        %get3A_1454 = tpu.vector_load %arg13[%get3A_1452, %get3A_1453] {strides = array<i32>} : memref<128x128xf32, #tpu.memory_space<vmem>>, vector<1x16xf32>,
        %get3A_1455 = vector.shape_cast %get3A_1454 : vector<1x16xf32> to vector<16xf32>
        %mul3A_1456 = arith.mulf %get3A_1455, %gather3A_1431 : vector<16xf32>
        %swap3A_1457 = arith.index_cast %add3A_1427 : i32 to index
        %swap3A_1458 = arith.constant 32 : index
        %swap3A_1459 = tpu.vector_load %arg13[%swap3A_1457, %swap3A_1458] {strides = array<i32>} : memref<128x128xf32, #tpu.memory_space<vmem>>, vector<1x16xf32>,
        %swap3A_1460 = vector.shape_cast %swap3A_1459 : vector<1x16xf32> to vector<16xf32>
        %swap3A_1461 = vector.shape_cast %mul3A_1456 : vector<16xf32> to vector<1x16xf32>
        tpu.vector_store %arg13[%swap3A_1457, %swap3A_1458], %swap3A_1461 {strides = array<i32>} : memref<128x128xf32, #tpu.memory_space<vmem>>, vector<1x16xf32>,
        %get3A_1462 = arith.index_cast %add3A_1427 : i32 to index
        %get3A_1463 = arith.constant 48 : index
        %get3A_1464 = tpu.vector_load %arg13[%get3A_1462, %get3A_1463] {strides = array<i32>} : memref<128x128xf32, #tpu.memory_space<vmem>>, vector<1x16xf32>,
        %get3A_1465 = vector.shape_cast %get3A_1464 : vector<1x16xf32> to vector<16xf32>
        %mul3A_1466 = arith.mulf %get3A_1465, %gather3A_1431 : vector<16xf32>
        %swap3A_1467 = arith.index_cast %add3A_1427 : i32 to index
        %swap3A_1468 = arith.constant 48 : index
        %swap3A_1469 = tpu.vector_load %arg13[%swap3A_1467, %swap3A_1468] {strides = array<i32>} : memref<128x128xf32, #tpu.memory_space<vmem>>, vector<1x16xf32>,
        %swap3A_1470 = vector.shape_cast %swap3A_1469 : vector<1x16xf32> to vector<16xf32>
        %swap3A_1471 = vector.shape_cast %mul3A_1466 : vector<16xf32> to vector<1x16xf32>
        tpu.vector_store %arg13[%swap3A_1467, %swap3A_1468], %swap3A_1471 {strides = array<i32>} : memref<128x128xf32, #tpu.memory_space<vmem>>, vector<1x16xf32>,
        %get3A_1472 = arith.index_cast %add3A_1427 : i32 to index
        %get3A_1473 = arith.constant 64 : index
        %get3A_1474 = tpu.vector_load %arg13[%get3A_1472, %get3A_1473] {strides = array<i32>} : memref<128x128xf32, #tpu.memory_space<vmem>>, vector<1x16xf32>,
        %get3A_1475 = vector.shape_cast %get3A_1474 : vector<1x16xf32> to vector<16xf32>
        %mul3A_1476 = arith.mulf %get3A_1475, %gather3A_1431 : vector<16xf32>
        %swap3A_1477 = arith.index_cast %add3A_1427 : i32 to index
        %swap3A_1478 = arith.constant 64 : index
        %swap3A_1479 = tpu.vector_load %arg13[%swap3A_1477, %swap3A_1478] {strides = array<i32>} : memref<128x128xf32, #tpu.memory_space<vmem>>, vector<1x16xf32>,
        %swap3A_1480 = vector.shape_cast %swap3A_1479 : vector<1x16xf32> to vector<16xf32>
        %swap3A_1481 = vector.shape_cast %mul3A_1476 : vector<16xf32> to vector<1x16xf32>
        tpu.vector_store %arg13[%swap3A_1477, %swap3A_1478], %swap3A_1481 {strides = array<i32>} : memref<128x128xf32, #tpu.memory_space<vmem>>, vector<1x16xf32>,
        %get3A_1482 = arith.index_cast %add3A_1427 : i32 to index
        %get3A_1483 = arith.constant 80 : index
        %get3A_1484 = tpu.vector_load %arg13[%get3A_1482, %get3A_1483] {strides = array<i32>} : memref<128x128xf32, #tpu.memory_space<vmem>>, vector<1x16xf32>,
        %get3A_1485 = vector.shape_cast %get3A_1484 : vector<1x16xf32> to vector<16xf32>
        %mul3A_1486 = arith.mulf %get3A_1485, %gather3A_1431 : vector<16xf32>
        %swap3A_1487 = arith.index_cast %add3A_1427 : i32 to index
        %swap3A_1488 = arith.constant 80 : index
        %swap3A_1489 = tpu.vector_load %arg13[%swap3A_1487, %swap3A_1488] {strides = array<i32>} : memref<128x128xf32, #tpu.memory_space<vmem>>, vector<1x16xf32>,
        %swap3A_1490 = vector.shape_cast %swap3A_1489 : vector<1x16xf32> to vector<16xf32>
        %swap3A_1491 = vector.shape_cast %mul3A_1486 : vector<16xf32> to vector<1x16xf32>
        tpu.vector_store %arg13[%swap3A_1487, %swap3A_1488], %swap3A_1491 {strides = array<i32>} : memref<128x128xf32, #tpu.memory_space<vmem>>, vector<1x16xf32>,
        %get3A_1492 = arith.index_cast %add3A_1427 : i32 to index
        %get3A_1493 = arith.constant 96 : index
        %get3A_1494 = tpu.vector_load %arg13[%get3A_1492, %get3A_1493] {strides = array<i32>} : memref<128x128xf32, #tpu.memory_space<vmem>>, vector<1x16xf32>,
        %get3A_1495 = vector.shape_cast %get3A_1494 : vector<1x16xf32> to vector<16xf32>
        %mul3A_1496 = arith.mulf %get3A_1495, %gather3A_1431 : vector<16xf32>
        %swap3A_1497 = arith.index_cast %add3A_1427 : i32 to index
        %swap3A_1498 = arith.constant 96 : index
        %swap3A_1499 = tpu.vector_load %arg13[%swap3A_1497, %swap3A_1498] {strides = array<i32>} : memref<128x128xf32, #tpu.memory_space<vmem>>, vector<1x16xf32>,
        %swap3A_1500 = vector.shape_cast %swap3A_1499 : vector<1x16xf32> to vector<16xf32>
        %swap3A_1501 = vector.shape_cast %mul3A_1496 : vector<16xf32> to vector<1x16xf32>
        tpu.vector_store %arg13[%swap3A_1497, %swap3A_1498], %swap3A_1501 {strides = array<i32>} : memref<128x128xf32, #tpu.memory_space<vmem>>, vector<1x16xf32>,
        %get3A_1502 = arith.index_cast %add3A_1427 : i32 to index
        %get3A_1503 = arith.constant 112 : index
        %get3A_1504 = tpu.vector_load %arg13[%get3A_1502, %get3A_1503] {strides = array<i32>} : memref<128x128xf32, #tpu.memory_space<vmem>>, vector<1x16xf32>,
        %get3A_1505 = vector.shape_cast %get3A_1504 : vector<1x16xf32> to vector<16xf32>
        %mul3A_1506 = arith.mulf %get3A_1505, %gather3A_1431 : vector<16xf32>
        %swap3A_1507 = arith.index_cast %add3A_1427 : i32 to index
        %swap3A_1508 = arith.constant 112 : index
        %swap3A_1509 = tpu.vector_load %arg13[%swap3A_1507, %swap3A_1508] {strides = array<i32>} : memref<128x128xf32, #tpu.memory_space<vmem>>, vector<1x16xf32>,
        %swap3A_1510 = vector.shape_cast %swap3A_1509 : vector<1x16xf32> to vector<16xf32>
        %swap3A_1511 = vector.shape_cast %mul3A_1506 : vector<16xf32> to vector<1x16xf32>
        tpu.vector_store %arg13[%swap3A_1507, %swap3A_1508], %swap3A_1511 {strides = array<i32>} : memref<128x128xf32, #tpu.memory_space<vmem>>, vector<1x16xf32>,
      }
      %scan3A_86 = arith.constant 8 : i32
      %dma_start3A_87 = arith.constant 0 : i32
      %dma_start3A_88 = arith.constant 0 : i32
      %dma_start3A_89 = tpu.memref_slice %arg10[%dma_start3A_87, %dma_start3A_88] : memref<2x128xi32, #tpu.memory_space<vmem>> -> memref<1x128xi32, #tpu.memory_space<vmem>>
      %dma_start3A_90 = tpu.memref_squeeze %dma_start3A_89 : memref<1x128xi32, #tpu.memory_space<vmem>> -> memref<128xi32, #tpu.memory_space<vmem>>
      %dma_start3A_91 = arith.constant 0 : i32
      %dma_start3A_92 = arith.constant 0 : i32
      %dma_start3A_93 = tpu.memref_slice %arg15[%dma_start3A_91, %dma_start3A_92] : memref<10000x128xf32, #tpu.memory_space<vmem_shared>> -> memref<10000x128xf32, #tpu.memory_space<vmem_shared>>
      tpu.enqueue_indirect_dma source(%arg13 : memref<128x128xf32, #tpu.memory_space<vmem>>) target(%dma_start3A_93 : memref<10000x128xf32, #tpu.memory_space<vmem_shared>>) offsets(%dma_start3A_90 : memref<128xi32, #tpu.memory_space<vmem>>) semaphore(%arg20 : memref<!tpu.dma_semaphore, #tpu.memory_space<semaphore_mem>>) {add = true}
      %dma_wait3A_94 = arith.constant 0 : i32
      %dma_wait3A_95 = arith.constant 0 : i32
      %dma_wait3A_96 = tpu.memref_slice %arg10[%dma_wait3A_94, %dma_wait3A_95] : memref<2x128xi32, #tpu.memory_space<vmem>> -> memref<1x128xi32, #tpu.memory_space<vmem>>
      %dma_wait3A_97 = tpu.memref_squeeze %dma_wait3A_96 : memref<1x128xi32, #tpu.memory_space<vmem>> -> memref<128xi32, #tpu.memory_space<vmem>>
      %dma_wait3A_98 = arith.constant 0 : i32
      %dma_wait3A_99 = arith.constant 0 : i32
      %dma_wait3A_100 = tpu.memref_slice %arg15[%dma_wait3A_98, %dma_wait3A_99] : memref<10000x128xf32, #tpu.memory_space<vmem_shared>> -> memref<10000x128xf32, #tpu.memory_space<vmem_shared>>
      tpu.wait_indirect_dma semaphore(%arg20 : memref<!tpu.dma_semaphore, #tpu.memory_space<semaphore_mem>>) src(%arg13 : memref<128x128xf32, #tpu.memory_space<vmem>>) dst(%dma_wait3A_100 : memref<10000x128xf32, #tpu.memory_space<vmem_shared>>)
    } else {
    }
    %barrier3A_52 = arith.constant 0 : index
    tpu.barrier barrier_id(%barrier3A_52)
    %while3A_53 = arith.constant 0 : i32
    %while3A_54 = arith.constant 0 : i32
    %while3A_55 = arith.subi %select_n3A, %while3A_54 : i32
    %while3A_56 = arith.addi %while3A_54, %while3A_55 : i32
    %while3A_57 = arith.constant 1 : i32
    %while3A_58 = arith.divsi %while3A_55, %while3A_57 : i32
    %while3A_59 = arith.muli %while3A_58, %while3A_57 : i32
    %while3A_60 = arith.addi %while3A_54, %while3A_59 : i32
    %while3A_61 = arith.constant 1 : i32
    scf.for %while3A_63 = %while3A_54 to %while3A_60 step %while3A_61  : i32 {
      %mul3A_64 = arith.constant 80 : i32
      %mul3A_65 = arith.muli %while3A_63, %mul3A_64 : i32
      %add3A_66 = arith.addi %mul3A_15, %mul3A_65 : i32
      "tpu.region"() ({
        %run_scoped3A = tpu.sem_alloc : memref<!tpu.dma_semaphore, #tpu.memory_space<semaphore_mem>>
        %dma_start3A_67 = arith.constant 0 : i32
        %dma_start3A_68 = tpu.memref_slice %arg6[%arg0, %add3A_66, %dma_start3A_67] : memref<2x10000x128xf32, #tpu.memory_space<hbm>> -> memref<1x80x128xf32, #tpu.memory_space<hbm>>
        %dma_start3A_69 = tpu.memref_squeeze %dma_start3A_68 : memref<1x80x128xf32, #tpu.memory_space<hbm>> -> memref<80x128xf32, #tpu.memory_space<hbm>>
        %dma_start3A_70 = arith.constant 0 : i32
        %dma_start3A_71 = tpu.memref_slice %arg15[%add3A_66, %dma_start3A_70] : memref<10000x128xf32, #tpu.memory_space<vmem_shared>> -> memref<80x128xf32, #tpu.memory_space<vmem_shared>>
        tpu.enqueue_dma source(%dma_start3A_71 : memref<80x128xf32, #tpu.memory_space<vmem_shared>>) target(%dma_start3A_69 : memref<80x128xf32, #tpu.memory_space<hbm>>) target_semaphore(%run_scoped3A : memref<!tpu.dma_semaphore, #tpu.memory_space<semaphore_mem>>)
        %dma_wait3A_72 = arith.constant 0 : i32
        %dma_wait3A_73 = tpu.memref_slice %arg6[%arg0, %add3A_66, %dma_wait3A_72] : memref<2x10000x128xf32, #tpu.memory_space<hbm>> -> memref<1x80x128xf32, #tpu.memory_space<hbm>>
        %dma_wait3A_74 = tpu.memref_squeeze %dma_wait3A_73 : memref<1x80x128xf32, #tpu.memory_space<hbm>> -> memref<80x128xf32, #tpu.memory_space<hbm>>
        %dma_wait3A_75 = arith.constant 0 : i32
        %dma_wait3A_76 = tpu.memref_slice %arg15[%add3A_66, %dma_wait3A_75] : memref<10000x128xf32, #tpu.memory_space<vmem_shared>> -> memref<80x128xf32, #tpu.memory_space<vmem_shared>>
        tpu.wait_dma2 semaphore(%run_scoped3A : memref<!tpu.dma_semaphore, #tpu.memory_space<semaphore_mem>>) src(%dma_wait3A_76 : memref<80x128xf32, #tpu.memory_space<vmem_shared>>) dst(%dma_wait3A_74 : memref<80x128xf32, #tpu.memory_space<hbm>>)
        tpu.yield
      }) : () -> ()
    }
    %while3A_62 = arith.constant 1 : i32
    scf.for %while3A_63 = %while3A_60 to %while3A_56 step %while3A_62  : i32 {
      %mul3A_64 = arith.constant 80 : i32
      %mul3A_65 = arith.muli %while3A_63, %mul3A_64 : i32
      %add3A_66 = arith.addi %mul3A_15, %mul3A_65 : i32
      "tpu.region"() ({
        %run_scoped3A = tpu.sem_alloc : memref<!tpu.dma_semaphore, #tpu.memory_space<semaphore_mem>>
        %dma_start3A_67 = arith.constant 0 : i32
        %dma_start3A_68 = tpu.memref_slice %arg6[%arg0, %add3A_66, %dma_start3A_67] : memref<2x10000x128xf32, #tpu.memory_space<hbm>> -> memref<1x80x128xf32, #tpu.memory_space<hbm>>
        %dma_start3A_69 = tpu.memref_squeeze %dma_start3A_68 : memref<1x80x128xf32, #tpu.memory_space<hbm>> -> memref<80x128xf32, #tpu.memory_space<hbm>>
        %dma_start3A_70 = arith.constant 0 : i32
        %dma_start3A_71 = tpu.memref_slice %arg15[%add3A_66, %dma_start3A_70] : memref<10000x128xf32, #tpu.memory_space<vmem_shared>> -> memref<80x128xf32, #tpu.memory_space<vmem_shared>>
        tpu.enqueue_dma source(%dma_start3A_71 : memref<80x128xf32, #tpu.memory_space<vmem_shared>>) target(%dma_start3A_69 : memref<80x128xf32, #tpu.memory_space<hbm>>) target_semaphore(%run_scoped3A : memref<!tpu.dma_semaphore, #tpu.memory_space<semaphore_mem>>)
        %dma_wait3A_72 = arith.constant 0 : i32
        %dma_wait3A_73 = tpu.memref_slice %arg6[%arg0, %add3A_66, %dma_wait3A_72] : memref<2x10000x128xf32, #tpu.memory_space<hbm>> -> memref<1x80x128xf32, #tpu.memory_space<hbm>>
        %dma_wait3A_74 = tpu.memref_squeeze %dma_wait3A_73 : memref<1x80x128xf32, #tpu.memory_space<hbm>> -> memref<80x128xf32, #tpu.memory_space<hbm>>
        %dma_wait3A_75 = arith.constant 0 : i32
        %dma_wait3A_76 = tpu.memref_slice %arg15[%add3A_66, %dma_wait3A_75] : memref<10000x128xf32, #tpu.memory_space<vmem_shared>> -> memref<80x128xf32, #tpu.memory_space<vmem_shared>>
        tpu.wait_dma2 semaphore(%run_scoped3A : memref<!tpu.dma_semaphore, #tpu.memory_space<semaphore_mem>>) src(%dma_wait3A_76 : memref<80x128xf32, #tpu.memory_space<vmem_shared>>) dst(%dma_wait3A_74 : memref<80x128xf32, #tpu.memory_space<hbm>>)
        tpu.yield
      }) : () -> ()
    }
    return
  }
}

module attributes {stable_mosaic.version = 14 : i64} {
  func.func @_add_body(%arg0: i32, %arg1: memref<2x1000x128xf32, #tpu.memory_space<vmem>>, %arg2: memref<1000x128xf32, #tpu.memory_space<vmem>>) attributes {dimension_semantics = [#tpu.dimension_semantics<arbitrary>], iteration_bounds = array<i64: 10>, scalar_prefetch = 0 : i64, scratch_operands = 0 : i64, tpu.core_type = #tpu.core_type<tc>, window_params = [{transform_indices = @transform_0, window_bounds = array<i64: 2, 1000, 128>}, {transform_indices = @transform_1, window_bounds = array<i64: 1000, 128>}]} {
    %get3A = arith.constant 0 : index
    %get3A_0 = arith.constant 0 : index
    %get3A_1 = arith.constant 0 : index
    %get3A_2 = vector.load %arg1[%get3A, %get3A_0, %get3A_1] : memref<2x1000x128xf32, #tpu.memory_space<vmem>>, vector<1x1000x128xf32>
    %get3A_3 = vector.shape_cast %get3A_2 : vector<1x1000x128xf32> to vector<1000x128xf32>
    %get3A_4 = arith.constant 1 : index
    %get3A_5 = arith.constant 0 : index
    %get3A_6 = arith.constant 0 : index
    %get3A_7 = vector.load %arg1[%get3A_4, %get3A_5, %get3A_6] : memref<2x1000x128xf32, #tpu.memory_space<vmem>>, vector<1x1000x128xf32>
    %get3A_8 = vector.shape_cast %get3A_7 : vector<1x1000x128xf32> to vector<1000x128xf32>
    %add3A = arith.addf %get3A_3, %get3A_8 : vector<1000x128xf32>
    %swap3A = arith.constant 0 : index
    %swap3A_9 = arith.constant 0 : index
    %swap3A_10 = vector.load %arg2[%swap3A, %swap3A_9] : memref<1000x128xf32, #tpu.memory_space<vmem>>, vector<1000x128xf32>
    tpu.vector_store %arg2[%swap3A, %swap3A_9], %add3A {strides = array<i32>} : memref<1000x128xf32, #tpu.memory_space<vmem>>, vector<1000x128xf32>,
    return
  }
  func.func @transform_0(%arg0: i32) -> (i32, i32, i32) {
    %c0_i32 = arith.constant 0 : i32
    %c0_i32_0 = arith.constant 0 : i32
    %c0_i32_1 = arith.constant 0 : i32
    return %c0_i32, %arg0, %c0_i32_0 : i32, i32, i32
  }
  func.func @transform_1(%arg0: i32) -> (i32, i32) {
    %c0_i32 = arith.constant 0 : i32
    %c0_i32_0 = arith.constant 0 : i32
    return %arg0, %c0_i32 : i32, i32
  }
}

module attributes {stable_mosaic.version = 14 : i64} {
  func.func @_mm_body(%arg0: i32, %arg1: memref<2000x128xf32, #tpu.memory_space<vmem>>, %arg2: memref<128x128xf32, #tpu.memory_space<vmem>>, %arg3: memref<1x128xf32, #tpu.memory_space<vmem>>, %arg4: memref<2x320000xi32, #tpu.memory_space<vmem>>, %arg5: memref<2000x128xf32, #tpu.memory_space<vmem>>, %arg6: memref<320000xi32, #tpu.memory_space<vmem>>) attributes {dimension_semantics = [#tpu.dimension_semantics<arbitrary>], iteration_bounds = array<i64: 5>, scalar_prefetch = 0 : i64, scratch_operands = 0 : i64, tpu.core_type = #tpu.core_type<tc>, window_params = [{transform_indices = @transform_0, window_bounds = array<i64: 2000, 128>}, {pipeline_mode = #tpu.pipeline_mode<synchronous>, transform_indices = @transform_1, window_bounds = array<i64: 128, 128>}, {pipeline_mode = #tpu.pipeline_mode<synchronous>, transform_indices = @transform_2, window_bounds = array<i64: 1, 128>}, {pipeline_mode = #tpu.pipeline_mode<synchronous>, transform_indices = @transform_3, window_bounds = array<i64: 2, 320000>}, {transform_indices = @transform_4, window_bounds = array<i64: 2000, 128>}, {pipeline_mode = #tpu.pipeline_mode<synchronous>, transform_indices = @transform_5, window_bounds = array<i64: 320000>}]} {
    %get3A = arith.constant 0 : index
    %get3A_0 = arith.constant 0 : index
    %get3A_1 = vector.load %arg1[%get3A, %get3A_0] : memref<2000x128xf32, #tpu.memory_space<vmem>>, vector<2000x128xf32>
    %get3A_2 = arith.constant 0 : index
    %get3A_3 = arith.constant 0 : index
    %get3A_4 = vector.load %arg2[%get3A_2, %get3A_3] : memref<128x128xf32, #tpu.memory_space<vmem>>, vector<128x128xf32>
    %dot_general3A = arith.constant dense<0.000000e+00> : vector<2000x128xf32>
    %dot_general3A_5 = tpu.matmul %get3A_1, %get3A_4, %dot_general3A {dimension_numbers = #tpu.dot_dimension_numbers<[1], [1], [0], [0], [0, 0, 1, 0], [], []>, transpose_lhs_hint = false} : vector<2000x128xf32>, vector<128x128xf32>, vector<2000x128xf32> -> vector<2000x128xf32>
    %get3A_6 = arith.constant 0 : index
    %get3A_7 = arith.constant 0 : index
    %get3A_8 = vector.load %arg3[%get3A_6, %get3A_7] : memref<1x128xf32, #tpu.memory_space<vmem>>, vector<1x128xf32>
    %add3A = vector.broadcast %get3A_8 : vector<1x128xf32> to vector<2000x128xf32>
    %add3A_9 = arith.addf %dot_general3A_5, %add3A : vector<2000x128xf32>
    %swap3A = arith.constant 0 : index
    %swap3A_10 = arith.constant 0 : index
    %swap3A_11 = vector.load %arg5[%swap3A, %swap3A_10] : memref<2000x128xf32, #tpu.memory_space<vmem>>, vector<2000x128xf32>
    tpu.vector_store %arg5[%swap3A, %swap3A_10], %add3A_9 {strides = array<i32>} : memref<2000x128xf32, #tpu.memory_space<vmem>>, vector<2000x128xf32>,
    %eq3A = arith.constant 0 : i32
    %eq3A_12 = arith.cmpi eq, %arg0, %eq3A : i32
    %convert_element_type3A = arith.extui %eq3A_12 : i1 to i32
    %cond3A = arith.constant 0 : i32
    %cond3A_13 = arith.cmpi ne, %convert_element_type3A, %cond3A : i32
    scf.if %cond3A_13 {
      %get3A_14 = arith.constant 1 : index
      %get3A_15 = arith.constant 0 : index
      %get3A_16 = vector.load %arg4[%get3A_14, %get3A_15] : memref<2x320000xi32, #tpu.memory_space<vmem>>, vector<1x320000xi32>
      %get3A_17 = vector.shape_cast %get3A_16 : vector<1x320000xi32> to vector<320000xi32>
      %swap3A_18 = arith.constant 0 : index
      %swap3A_19 = vector.load %arg6[%swap3A_18] : memref<320000xi32, #tpu.memory_space<vmem>>, vector<320000xi32>
      tpu.vector_store %arg6[%swap3A_18], %get3A_17 {strides = array<i32>} : memref<320000xi32, #tpu.memory_space<vmem>>, vector<320000xi32>,
    } else {
    }
    return
  }
  func.func @transform_0(%arg0: i32) -> (i32, i32) {
    %c0_i32 = arith.constant 0 : i32
    %c0_i32_0 = arith.constant 0 : i32
    return %arg0, %c0_i32 : i32, i32
  }
  func.func @transform_1(%arg0: i32) -> (i32, i32) {
    %c0_i32 = arith.constant 0 : i32
    %c0_i32_0 = arith.constant 0 : i32
    %c0_i32_1 = arith.constant 0 : i32
    return %c0_i32, %c0_i32_0 : i32, i32
  }
  func.func @transform_2(%arg0: i32) -> (i32, i32) {
    %c0_i32 = arith.constant 0 : i32
    %c0_i32_0 = arith.constant 0 : i32
    %c0_i32_1 = arith.constant 0 : i32
    return %c0_i32, %c0_i32_0 : i32, i32
  }
  func.func @transform_3(%arg0: i32) -> (i32, i32) {
    %c0_i32 = arith.constant 0 : i32
    %c0_i32_0 = arith.constant 0 : i32
    %c0_i32_1 = arith.constant 0 : i32
    return %c0_i32, %c0_i32_0 : i32, i32
  }
  func.func @transform_4(%arg0: i32) -> (i32, i32) {
    %c0_i32 = arith.constant 0 : i32
    %c0_i32_0 = arith.constant 0 : i32
    return %arg0, %c0_i32 : i32, i32
  }
  func.func @transform_5(%arg0: i32) -> i32 {
    %c0_i32 = arith.constant 0 : i32
    %c0_i32_0 = arith.constant 0 : i32
    return %c0_i32 : i32
  }
}

</mosaic_0001>

<sc_bundles>
// kernel: kernel.5.cloned.1.call-start
scs
__scs_entry_jumppad:
0x0: {  	(pc) =	sbr.rel $0x88, $3  }
0x1: {  	(tag) =	ssettag $0x0;
	lr =	simm.s32 $0x1  }
0x2: {  	[smem:$0x3F9C] =	sst lr;
	_ =	strace $0xD0000000  }
0x3: {  	_ = 	snop  }
0x4: {  	_ = 	snop  }
0x5: {  	_ = 	snop  }
0x6: {  	_ = 	snop  }
0x7: {  	_ = 	snop  }
__scs_overlays_trampoline_lowered:
0x8: {  	[smem:$0x3FAB] =	sst s0  }
0x9: {  	[smem:$0x3FAC] =	sst s1  }
0xa: {  	[smem:$0x3FAD] =	sst s2  }
0xb: {  	[smem:$0x3FAE] =	sst s3  }
0xc: {  	[smem:$0x3FAF] =	sst s4  }
0xd: {  	[smem:$0x3FB0] =	sst s5  }
0xe: {  	[smem:$0x3FB1] =	sst s6  }
0xf: {  	[smem:$0x3FB2] =	sst s7  }
0x10: {  	[smem:$0x3FB3] =	sst s8  }
0x11: {  	[smem:$0x3FB4] =	sst s9;
	s0 =	simm.s32 @!p0 $0x0  }
0x12: {  	s1 =	sld [smem:$0x3F9A];
	s0 =	simm.s32 @p0 $0x1  }
0x13: {  	[smem:$0x3FB5] =	sst s0;
	s0 =	simm.s32 @!p1 $0x0  }
0x14: {  	s2 =	sld [smem:$0x3F99];
	s0 =	simm.s32 @p1 $0x1  }
0x15: {  	[smem:$0x3FB6] =	sst s0;
	s0 =	simm.s32 @!p2 $0x0  }
0x16: {  	s3 =	sld [smem:$0x3FDB];
	s0 =	simm.s32 @p2 $0x1  }
0x17: {  	s4 =	simm.s32 $0x1BF5;
	[smem:$0x3FB8] =	sst s0  }
0x18: {  	s0 =	sld [smem:$0x3F9B];
	_ =	swait.ge [sflag:s4], $0x0  }
0x19: {  	s7 =	sld [smem:$0x3F9C]  }
0x1a: {  	s8 =	sadd.s32 $0xFFFFE003, lr  }
0x1b: {  	s9 =	sadd.s32 $0xFFFFFEF7, lr;
	s5 =	simm.s32 $0xFFFFFFFF;
	p2 =	slt.u32 s8, $0xFFFFF086  }
0x1c: {  	p1 =	slt.u32 s9, $0xF7A;
	s5 =	simm.s32 @!p2 $0x0  }
0x1d: {  	s5 =	simm.s32 @p1 $0x1;
	p0 =	seq.s32 s7, s2  }
0x1e: {  	s7 =	smul.u32 @!p0 $0xF7A, s2;
	p2 =	seq.s32 @!p0 s5, $0x0  }
0x1f: {  	s9 =	smul.u32 $0xF7A, s1;
	s8 =	simm.s32 @!p0 $0x1BF5;
	p2 =	por !p2, p0  }
0x20: {  	[sflag:s8] =	ssyncset.s32 @!p0 $0xFFFFF086;
	s6 =	sadd.s32 @!p0 s3, s7;
	s7 =	simm.s32 @!p0 $0x108  }
0x21: {  	s3 =	sadd.s32 s3, s9;
	s6 =	sadd.s32 @!p0 $0x88, s6;
	s7 =	simm.s32 @p2 $0x1082  }
0x22: {  	[simem:s7], [sflag:s8] =	dma.local @!p0 [hbm:s6], $0xF7A  }
0x23: {  	s9 =	sor.u32 $0xD0000000, s2;
	s6 =	simm.s32 $0x108;
	_ =	swait.ge @!p0 [sflag:s8], $0x0  }
0x24: {  	s3 =	sadd.s32 $0x88, s3;
	s6 =	simm.s32 @!p1 $0x1082;
	[sflag:s4] =	ssyncset.s32 $0xFFFFF086  }
0x25: {  	[simem:s6], [sflag:s4] =	dma.local [hbm:s3], $0xF7A  }
0x26: {  	[smem:$0x3F9C] =	sst s1;
	(tag) =	ssettag s2;
	_ =	strace s9  }
0x27: {  	s1 =	sld [smem:$0x3FAC]  }
0x28: {  	s2 =	sld [smem:$0x3FAD]  }
0x29: {  	s4 =	sld [smem:$0x3FAF]  }
0x2a: {  	p0 =	seq.s32 s5, $0x0;
	s5 =	sld [smem:$0x3FB0]  }
0x2b: {  	s6 =	sld [smem:$0x3FB1]  }
0x2c: {  	s7 =	sld [smem:$0x3FB2]  }
0x2d: {  	s3 =	simm.s32 $0x108;
	s8 =	sld [smem:$0x3FB3]  }
0x2e: {  	s3 =	simm.s32 @!p0 $0x1082;
	s9 =	sld [smem:$0x3FB4]  }
0x2f: {  	lr =	sadd.s32 s0, s3;
	s0 =	sld [smem:$0x3FAB]  }
0x30: {  	s3 =	sld [smem:$0x3FAE]  }
0x31: {  	[smem:$0x3FB7] =	sst s10  }
0x32: {  	s10 =	sld [smem:$0x3FB5];
	_ =	sdelay $0x3  }
0x33: {  	p0 =	seq.s32 s10, $0x1;
	s10 =	sld [smem:$0x3FB7];
	_ =	sdelay $0x3  }
0x34: {  	[smem:$0x3FB7] =	sst s10  }
0x35: {  	s10 =	sld [smem:$0x3FB6];
	_ =	sdelay $0x3  }
0x36: {  	p1 =	seq.s32 s10, $0x1;
	s10 =	sld [smem:$0x3FB7];
	_ =	sdelay $0x3  }
0x37: {  	[smem:$0x3FB7] =	sst s10  }
0x38: {  	s10 =	sld [smem:$0x3FB8]  }
0x39: {  	_ = 	snop;
	(pc) =	sbr.ind lr, $3  }
0x3a: {  	_ = 	snop  }
0x3b: {  	_ = 	snop  }
0x3c: {  	p2 =	seq.s32 s10, $0x1;
	s10 =	sld [smem:$0x3FB7]  }
0x3d: {  	_ =	shalt  }
0x3e: {  	_ =	shalt  }
0x3f: {  	_ =	shalt  }
0x40: {  	_ =	shalt  }
0x41: {  	_ =	shalt  }
0x42: {  	_ =	shalt  }
0x43: {  	_ =	shalt  }
0x44: {  	_ =	shalt  }
0x45: {  	_ =	shalt  }
0x46: {  	_ =	shalt  }
0x47: {  	_ =	shalt  }
0x48: {  	_ =	shalt  }
0x49: {  	_ =	shalt  }
0x4a: {  	_ =	shalt  }
0x4b: {  	_ =	shalt  }
0x4c: {  	_ =	shalt  }
0x4d: {  	_ =	shalt  }
0x4e: {  	_ =	shalt  }
0x4f: {  	_ =	shalt  }
0x50: {  	_ =	shalt  }
0x51: {  	_ =	shalt  }
0x52: {  	_ =	shalt  }
0x53: {  	_ =	shalt  }
0x54: {  	_ =	shalt  }
0x55: {  	_ =	shalt  }
0x56: {  	_ =	shalt  }
0x57: {  	_ =	shalt  }
0x58: {  	_ =	shalt  }
0x59: {  	_ =	shalt  }
0x5a: {  	_ =	shalt  }
0x5b: {  	_ =	shalt  }
0x5c: {  	_ =	shalt  }
0x5d: {  	_ =	shalt  }
0x5e: {  	_ =	shalt  }
0x5f: {  	_ =	shalt  }
0x60: {  	_ =	shalt  }
0x61: {  	_ =	shalt  }
0x62: {  	_ =	shalt  }
0x63: {  	_ =	shalt  }
0x64: {  	_ =	shalt  }
0x65: {  	_ =	shalt  }
0x66: {  	_ =	shalt  }
0x67: {  	_ =	shalt  }
0x68: {  	_ =	shalt  }
0x69: {  	_ =	shalt  }
0x6a: {  	_ =	shalt  }
0x6b: {  	_ =	shalt  }
0x6c: {  	_ =	shalt  }
0x6d: {  	_ =	shalt  }
0x6e: {  	_ =	shalt  }
0x6f: {  	_ =	shalt  }
0x70: {  	_ =	shalt  }
0x71: {  	_ =	shalt  }
0x72: {  	_ =	shalt  }
0x73: {  	_ =	shalt  }
0x74: {  	_ =	shalt  }
0x75: {  	_ =	shalt  }
0x76: {  	_ =	shalt  }
0x77: {  	_ =	shalt  }
0x78: {  	_ =	shalt  }
0x79: {  	_ =	shalt  }
0x7a: {  	_ =	shalt  }
0x7b: {  	_ =	shalt  }
0x7c: {  	_ =	shalt  }
0x7d: {  	_ =	shalt  }
0x7e: {  	_ =	shalt  }
0x7f: {  	_ =	shalt  }
0x80: {  	_ =	shalt  }
0x81: {  	_ =	shalt  }
0x82: {  	_ =	shalt  }
0x83: {  	_ =	shalt  }
0x84: {  	_ =	shalt  }
0x85: {  	_ =	shalt  }
0x86: {  	_ =	shalt  }
0x87: {  	_ =	shalt  }
.Lfunc_end0:
.L_simem_size_0:
called_computation_lowered:
.L_overlay_start_0:
0x88: {  	s2 =	sld [smem:$0x3FD9]  }
0x89: {  	s3 =	sld [smem:$0x3FFE];
	_ =	sdelay $0x1  }
0x8a: {  	s1 =	srdreg.scid  }
0x8b: {  	s0 =	sand.u32 $0x1, s1  }
0x8c: {  	s17 =	sshll.u32 s0, $0xA;
	s2 =	sadd.s32 s3, s2  }
0x8d: {  	s2 =	sadd.s32 s2, s17  }
0x8e: {  	[smem:$0x3FC3] =	sst s2  }
0x8f: {  	_ = 	snop  }
0x90: {  	s2 =	sld [smem:$0x3FC9]  }
0x91: {  	s18 =	sld [smem:$0x3FC8]  }
0x92: {  	s4 =	sld [smem:$0x3FD0];
	(tm) =	ssettm $0x1  }
0x93: {  	s5 =	sld [smem:$0x3FFB];
	_ =	sdelay $0x3  }
0x94: {  	_ =	strace s5  }
0x95: {  	s5 =	sld [smem:$0x3FFC];
	_ =	sdelay $0x3  }
0x96: {  	_ =	strace s5  }
0x97: {  	s5 =	sld [smem:$0x3FFD];
	_ =	sdelay $0x3  }
0x98: {  	_ =	strace s5  }
0x99: {  	_ =	strace $0x8FFFFFFF  }
0x9a: {  	s19 =	sld [smem:$0x3FDB];
	_ =	sdelay $0x1  }
0x9b: {  	s6 =	simm.s32 $_scs_section_size  }
0x9c: {  	s7 =	simm.s32 $_size__tile_overlayer_lowered;
	s8 =	simm.s32 $_tile_overlayer_lowered  }
0x9d: {  	s22 =	simm.s32 $0x1BFF;
	s21 =	sshll.u32 s8, $0x1;
	s5 =	sadd.s32 s6, s19  }
0x9e: {  	s9 =	simm.s32 $0x0;
	s20 =	sshll.u32 s7, $0x1;
	s7 =	sadd.s32 s21, s5  }
0x9f: {  	[timem:s9], [sflag:s22] =	dma.local [hbm:s7], s20  }
0xa0: {  	_ =	swait.ge [sflag:s22], s20  }
0xa1: {  	s6 =	ssub.s32 $0x0, s20;
	[sflag:s22] =	ssyncset.done $0x0  }
0xa2: {  	[sflag:s22] =	ssyncadd.s32 s6;
	_ =	sdelay $0x1  }
0xa3: {  	s23 =	simm.s32 $0x1B8B  }
0xa4: {  	_ =	swait.ge [sflag:s23], $0x1  }
0xa5: {  	[sflag:s23] =	ssyncset.done $0x0  }
0xa6: {  	s25 =	simm.s32 $0x1B8E;
	s24 =	sld [smem:$0x3FFE];
	[sflag:s23] =	ssyncadd.s32 $0xFFFFFFFF  }
0xa7: {  	s26 =	simm.s32 $execute0_lowered;
	[smem:$0x3FD2] =	sst s25  }
0xa8: {  	s7 =	sshll.u32 s26, $0x1;
	_ =	strace $0x80000046;
	[dreg:$0x1] =	wrdreg $0xFFFFFFFF  }
0xa9: {  	s28 =	simm.s32 $_size_execute0_lowered;
	s5 =	sadd.s32 s5, s7;
	[dreg:$0x0] =	wrdreg $0x0  }
0xaa: {  	s7 =	sshll.u32 s28, $0x1;
	[dreg:$0x2] =	wrdreg s5  }
0xab: {  	[dreg:$0x3] =	wrdreg s7  }
0xac: {  	[dreg:$0x4] =	wrdreg $0xC0  }
0xad: {  	_ =	task [dreg:s9], $0x5FFFF  }
0xae: {  	[dreg:$0x1] =	wrdreg $0xFFFFFFFF  }
0xaf: {  	[dreg:$0x0] =	wrdreg $0x60  }
0xb0: {  	[dreg:$0x2] =	wrdreg s4  }
0xb1: {  	[dreg:$0x3] =	wrdreg s2  }
0xb2: {  	[dreg:$0x4] =	wrdreg s24  }
0xb3: {  	[dreg:$0x5] =	wrdreg s18  }
0xb4: {  	[dreg:$0x6] =	wrdreg $0xAA000  }
0xb5: {  	[dreg:$0x7] =	wrdreg $0x9  }
0xb6: {  	_ =	task.clear_ibuf [dreg:s9], $0x8FFFF;
	_ =	strace $0x90000046  }
0xb7: {  	s29 =	simm.s32 $0x9;
	_ =	strace $0x80000048  }
0xb8: {  	_ =	swait.ge [sflag:s29], $0x1  }
0xb9: {  	[sflag:s29] =	ssyncadd.s32 $0xFFFFFFFF  }
0xba: {  	_ =	strace $0x90000048  }
0xbb: {  	_ =	sfence  }
0xbc: {  	s30 =	sld [smem:$0x0];
	_ =	sdelay $0x2  }
0xbd: {  	s31 =	sshll.u32 s1, $0xD;
	s1 =	sshrl.u32 s1, $0x2  }
0xbe: {  	s3 =	sand.u32 $0x4000, s31;
	s1 =	sadd.s32 s1, s30  }
0xbf: {  	s0 =	sor.u32 s3, s0;
	s1 =	sshll.u32 s1, $0x11  }
0xc0: {  	s0 =	sor.u32 s1, s0  }
0xc1: {  	s0 =	sadd.s32 $0x8F2B, s0  }
0xc2: {  	[sflag:s0] =	ssyncadd.remote.s32 $0x1  }
0xc3: {  	_ =	sfence.sel $0xFFFF  }
0xc4: {  	[dreg:$0x0] =	wrdreg $0xFFFFFFFF;
	(pc) =	sbr.abs _section_cstart, $3  }
0xc5: {  	[dreg:$0x1] =	wrdreg $0xFFFFFFFF  }
0xc6: {  	_ =	task.clear_ibuf [dreg:s9], $0x2FFFF;
	_ =	strace $0x9FFFFFFF  }
0xc7: {  	(tm) =	ssettm $0x7FFFFFFF  }
tec
execute0_lowered:
.L_overlay_start_1:
0x0: {  	(tag) =	ssettag $0x1  }
0x1: {  	s1 =	rddreg [dreg:$0x0]  }
0x2: {  	s2 =	rddreg [dreg:$0x1]  }
0x3: {  	s6 =	rddreg [dreg:$0x2]  }
0x4: {  	s0 =	srdreg.scid;
	s4 =	rddreg [dreg:$0x3]  }
0x5: {  	s16 =	stileid.u32;
	s5 =	rddreg [dreg:$0x4];
	s9 =	simm.s32 $0x0  }
0x6: {  	s11 =	simm.s32 $0x5;
	s19 =	simm.s32 $0x2A00;
	s28 =	simm.s32 $0x2780  }
0x7: {  	s29 =	simm.s32 $0x2980;
	s30 =	simm.s32 $0x2;
	s31 =	simm.s32 $0x4  }
0x8: {  	s0 =	sand.u32 $0x1, s0;
	[smem:$0x7FF] =	sst s9;
	s17 =	smul.u32 $0x50000, s16  }
0x9: {  	p0 =	seq.s32 s16, $0xF;
	s24 =	smul.u32 $0x14000, s16;
	s3 =	sshll.u32 s0, $0x4  }
0xa: {  	s20 =	ssub.s32 $0x2, s0;
	_ =	strace $0x80000047;
	s0 =	smul.u32 $0x138800, s0  }
0xb: {  	s3 =	sor.u32 s16, s3;
	s10 =	sshrl.u32 s20, $0x1;
	s26 =	sshrl.u32 s17, $0x2  }
0xc: {  	s7 =	smul.u32 $0x4E, s3;
	s8 =	smin.u32 s3, $0x4;
	s22 =	ssub.s32 s20, s10  }
0xd: {  	s10 =	simm.s32 $0x5;
	s17 =	sadd.s32 s26, s5;
	s18 =	sadd.s32 s24, s0  }
0xe: {  	s20 =	simm.s32 $0x6;
	s26 =	simm.s32 $0x6A00;
	s10 =	simm.s32 @!p0 $0x8  }
0xf: {  	s16 =	smax.u32 s22, $0x1;
	s22 =	simm.s32 $0x80;
	s12 =	sadd.s32 s8, s7  }
0x10: {  	p0 =	sgt.u32 s3, $0x3;
	s7 =	sadd.s32 $0xB200, s6;
	s13 =	sshll.u32 s12, $0x4  }
0x11: {  	v0 =	vimm.f32 $0.0e+00;
	v1 =	vimm.s32 $0x0;
	s8 =	sshll.u32 s12, $0x7;
	s12 =	sshll.u32 s12, $0x5;
	s21 =	sadd.s32 s13, s6  }
0x12: {  	v2 =	vimm.s32 $0x1;
	v3 =	vimm.s32 $0x2;
	v4 =	vimm.s32 $0x3;
	s12 =	sadd.s32 s2, s12;
	s14 =	sadd.s32 $0x2700, s8;
	s13 =	sadd.s32 s4, s13  }
0x13: {  	v5 =	vimm.s32 $0x4;
	v6 =	vimm.s32 $0x5;
	v7 =	vimm.s32 $0x6;
	s6 =	simm.s32 $0x0;
	s9 =	sadd.s32 $0x1400, s21;
	s15 =	sshrl.u32 s14, $0x2  }
0x14: {  	v8 =	vimm.s32 $0x7;
	v9 =	vimm.s32 $0x8;
	v10 =	vimm.s32 $0x9;
	s14 =	sshrl.u32 s14, $0x3;
	[dreg:$0x6] =	wrdreg s9;
	s23 =	sadd.s32 s2, s15  }
0x15: {  	v11 =	vimm.s32 $0xA;
	v12 =	vimm.s32 $0xB;
	v13 =	vimm.s32 $0xC;
	s21 =	simm.s32 $0x3;
	s25 =	sadd.s32 s4, s14;
	[dreg:$0x7] =	wrdreg s23  }
0x16: {  	v14 =	vimm.s32 $0xD;
	v15 =	vimm.s32 $0xE;
	v16 =	vimm.s32 $0xF;
	[dreg:$0x8] =	wrdreg s25;
	s23 =	simm.s32 $0x2700;
	s25 =	simm.s32 $0x1  }
.LBB2_1:
0x17: {  	s0 =	simm.s32 $0x0;
	s3 =	rddreg [dreg:$0x6]  }
0x18: {  	[tilespmem:s0], [sflag:$0x3] =	stream.linear.gather [hbm4b:s3+s0], $0x2700, $0x38;
	[tilespmem:$0x1E280] =	vst v63  }
0x19: {  	s0 =	simm.s32 $0x0;
	s3 =	simm.s32 $0x200  }
.LBB2_2:
0x1a: {  	p1 =	sne.s32 s3, $0xFE00;
	[tilespmem:s0+$0x2A70] =	vst v0  }
0x1b: {  	[tilespmem:s0+$0x2A00] =	vst v0  }
0x1c: {  	[tilespmem:s0+$0x2A10] =	vst v0  }
.Ltmp0:
0x1d: {  	[tilespmem:s0+$0x2A20] =	vst v0;
	(pc) =	sbr.rel @p1 .LBB2_2-.Ltmp0, $4  }
0x1e: {  	[tilespmem:s0+$0x2A30] =	vst v0  }
0x1f: {  	[tilespmem:s0+$0x2A40] =	vst v0  }
0x20: {  	[tilespmem:s0+$0x2A50] =	vst v0  }
0x21: {  	[tilespmem:s0+$0x2A60] =	vst v0;
	s0 =	sshra.s32 s3, $0x2;
	s3 =	sadd.s32 $0x200, s3  }
0x22: {  	[tilespmem:s0+$0x2A70] =	vst v0  }
0x23: {  	[tilespmem:s0+$0x2A00] =	vst v0  }
0x24: {  	[tilespmem:s0+$0x2A10] =	vst v0  }
0x25: {  	[tilespmem:s0+$0x2A20] =	vst v0  }
0x26: {  	[tilespmem:s0+$0x2A30] =	vst v0  }
0x27: {  	[tilespmem:s0+$0x2A40] =	vst v0;
	p1 =	sne.s32 s10, $0x1  }
.Ltmp1:
0x28: {  	[tilespmem:s0+$0x2A50] =	vst v0;
	(pc) =	sbr.rel @!p1 .LBB2_5-.Ltmp1, $4  }
0x29: {  	[tilespmem:s0+$0x2A60] =	vst v0  }
0x2a: {  	[spmem:s17] =	stream.linear.scatter [tilespmem:s19], [sflag:$0x6], $0x2800, $0x38;
	[tilespmem:$0x1E280] =	vst v63  }
0x2b: {  	_ =	swait.ge [sflag:s20], $0x2800  }
0x2c: {  	s0 =	sadd.s32 $0xFFFFFFFF, s10;
	s3 =	smov.u32 s17;
	[sflag:s20] =	ssyncset.done $0x0  }
.LBB2_4:
0x2d: {  	p2 =	sne.s32 s0, $0x1;
	[sflag:s20] =	ssyncadd.s32 $0xFFFFD800;
	s3 =	sadd.s32 $0x2800, s3  }
.Ltmp2:
0x2e: {  	s0 =	sadd.s32 $0xFFFFFFFF, s0;
	(pc) =	sbr.rel @p2 .LBB2_4-.Ltmp2, $4  }
0x2f: {  	_ = 	snop  }
0x30: {  	[spmem:s3] =	stream.linear.scatter [tilespmem:s19], [sflag:$0x6], $0x2800, $0x38;
	[tilespmem:$0x1E280] =	vst v63  }
0x31: {  	_ =	swait.ge [sflag:s20], $0x2800  }
0x32: {  	[sflag:s20] =	ssyncset.done $0x0  }
.LBB2_5:
0x33: {  	[sflag:s20] =	ssyncadd.s32 $0xFFFFD800  }
0x34: {  	[bflag:$0x0] =	sbarrier.arrive $0xFFFF  }
0x35: {  	_ =	swait.ge [sflag:s21], $0x2700  }
0x36: {  	[sflag:s21] =	ssyncset.done $0x0  }
0x37: {  	s3 =	simm.s32 $0x0;
	[sflag:s21] =	ssyncadd.s32 $0xFFFFD900  }
0x38: {  	[tilespmem:s19], [sflag:$0x1] =	stream.indirect.gather [hbm4b:s1+s22], $0x80, s3, s22, $0xb8;
	[tilespmem:$0x1E280] =	vst v63  }
0x39: {  	_ = 	snop  }
0x3a: {  	[tilespmem:s23], [sflag:$0x3] =	stream.linear.gather [hbm4b:s12+s3], $0x80, $0x38;
	[tilespmem:$0x1E280] =	vst v63  }
0x3b: {  	s0 =	simm.s32 $0x2900;
	s14 =	simm.s32 $0x0  }
0x3c: {  	[tilespmem:s0], [sflag:$0x3] =	stream.linear.gather [hbm4b:s13+s3], $0x80, $0x38;
	[tilespmem:$0x1E280] =	vst v63  }
.LBB2_6:
0x3d: {  	_ =	swait.ge [sflag:s25], $0x4000  }
0x3e: {  	[sflag:s25] =	ssyncset.done $0x0  }
0x3f: {  	[sflag:s25] =	ssyncadd.s32 $0xFFFFC000  }
0x40: {  	_ =	swait.ge [sflag:s21], $0x80  }
0x41: {  	[sflag:s21] =	ssyncset.done $0x0  }
0x42: {  	[sflag:s21] =	ssyncadd.s32 $0xFFFFFF80  }
0x43: {  	_ =	swait.ge [sflag:s21], $0x80  }
0x44: {  	s15 =	sshll.u32 s14, $0x8;
	[sflag:s21] =	ssyncset.done $0x0  }
0x45: {  	s0 =	sor.u32 $0x80, s15;
	[sflag:s21] =	ssyncadd.s32 $0xFFFFFF80  }
0x46: {  	[tilespmem:s26], [sflag:$0x2] =	stream.indirect.gather [hbm4b:s1+s22], $0x80, s0, s22, $0xb8;
	[tilespmem:$0x1E280] =	vst v63  }
0x47: {  	s0 =	sadd.s32 s8, s0  }
0x48: {  	s24 =	sshrl.u32 s0, $0x2  }
0x49: {  	s0 =	sshrl.u32 s0, $0x3;
	s24 =	sadd.s32 s2, s24  }
0x4a: {  	[tilespmem:s28], [sflag:$0x4] =	stream.linear.gather [hbm4b:s24+s3], $0x80, $0x38;
	[tilespmem:$0x1E280] =	vst v63  }
0x4b: {  	s0 =	sadd.s32 s4, s0  }
0x4c: {  	[tilespmem:s29], [sflag:$0x4] =	stream.linear.gather [hbm4b:s0+s3], $0x80, $0x38;
	[tilespmem:$0x1E280] =	vst v63  }
0x4d: {  	s0 =	simm.s32 $0x0  }
.LBB2_7:
0x4e: {  	s24 =	sshll.u32 s0, $0x4  }
0x4f: {  	s24 =	sand.u32 $0x3FFFFFF0, s24  }
0x50: {  	s9 =	sshll.u32 s0, $0xB;
	v17 =	vld [tilespmem:s24+$0x2900]  }
0x51: {  	s24 =	sand.u32 $0x3FFFF800, s9  }
0x52: {  	v18 =	vld [tilespmem:s24+$0x2A00]  }
0x53: {  	v19 =	vld [tilespmem:s24+$0x2A10]  }
0x54: {  	v20 =	vld [tilespmem:s24+$0x2A20]  }
0x55: {  	v22 =	vld [tilespmem:s24+$0x2A30];
	v21 =	vperm.xlane v17, v1  }
0x56: {  	v23 =	vld [tilespmem:s24+$0x2A40]  }
0x57: {  	v24 =	vld [tilespmem:s24+$0x2A50];
	v18 =	vmul.f32 v18, v21  }
0x58: {  	v25 =	vld [tilespmem:s24+$0x2A60];
	v19 =	vmul.f32 v19, v21  }
0x59: {  	v38 =	vld [tilespmem:s24+$0x2A70];
	[tilespmem:s24+$0x2A00] =	vst v18;
	v18 =	vmul.f32 v20, v21  }
0x5a: {  	v39 =	vld [tilespmem:s24+$0x2A80];
	[tilespmem:s24+$0x2A10] =	vst v19;
	v19 =	vmul.f32 v22, v21  }
0x5b: {  	v40 =	vld [tilespmem:s24+$0x2A90];
	[tilespmem:s24+$0x2A20] =	vst v18;
	v18 =	vmul.f32 v23, v21  }
0x5c: {  	v41 =	vld [tilespmem:s24+$0x2AA0];
	[tilespmem:s24+$0x2A30] =	vst v19;
	v19 =	vmul.f32 v24, v21  }
0x5d: {  	v26 =	vld [tilespmem:s24+$0x2AB0];
	v42 =	vperm.xlane v17, v2;
	[tilespmem:s24+$0x2A40] =	vst v18;
	v18 =	vmul.f32 v25, v21  }
0x5e: {  	v43 =	vld [tilespmem:s24+$0x2AC0];
	[tilespmem:s24+$0x2A50] =	vst v19;
	v19 =	vmul.f32 v38, v21  }
0x5f: {  	v44 =	vld [tilespmem:s24+$0x2AD0];
	[tilespmem:s24+$0x2A60] =	vst v18;
	v18 =	vmul.f32 v39, v42  }
0x60: {  	v45 =	vld [tilespmem:s24+$0x2AE0];
	[tilespmem:s24+$0x2A70] =	vst v19;
	v19 =	vmul.f32 v40, v42  }
0x61: {  	v46 =	vld [tilespmem:s24+$0x2AF0];
	[tilespmem:s24+$0x2A80] =	vst v18;
	v18 =	vmul.f32 v41, v42  }
0x62: {  	v47 =	vld [tilespmem:s24+$0x2B00];
	[tilespmem:s24+$0x2A90] =	vst v19;
	v19 =	vmul.f32 v26, v42  }
0x63: {  	v48 =	vld [tilespmem:s24+$0x2B10];
	[tilespmem:s24+$0x2AA0] =	vst v18;
	v18 =	vmul.f32 v43, v42  }
0x64: {  	v49 =	vld [tilespmem:s24+$0x2B20];
	[tilespmem:s24+$0x2AB0] =	vst v19;
	v19 =	vmul.f32 v44, v42  }
0x65: {  	v51 =	vld [tilespmem:s24+$0x2B30];
	v50 =	vperm.xlane v17, v3;
	[tilespmem:s24+$0x2AC0] =	vst v18;
	v18 =	vmul.f32 v45, v42  }
0x66: {  	v52 =	vld [tilespmem:s24+$0x2B40];
	[tilespmem:s24+$0x2AD0] =	vst v19;
	v19 =	vmul.f32 v46, v42  }
0x67: {  	v53 =	vld [tilespmem:s24+$0x2B50];
	[tilespmem:s24+$0x2AE0] =	vst v18;
	v18 =	vmul.f32 v47, v50  }
0x68: {  	v54 =	vld [tilespmem:s24+$0x2B60];
	[tilespmem:s24+$0x2AF0] =	vst v19;
	v19 =	vmul.f32 v48, v50  }
0x69: {  	v55 =	vld [tilespmem:s24+$0x2B70];
	[tilespmem:s24+$0x2B00] =	vst v18;
	v18 =	vmul.f32 v49, v50  }
0x6a: {  	v56 =	vld [tilespmem:s24+$0x2B80];
	[tilespmem:s24+$0x2B10] =	vst v19;
	v19 =	vmul.f32 v51, v50  }
0x6b: {  	v57 =	vld [tilespmem:s24+$0x2B90];
	[tilespmem:s24+$0x2B20] =	vst v18;
	v18 =	vmul.f32 v52, v50  }
0x6c: {  	v58 =	vld [tilespmem:s24+$0x2BA0];
	[tilespmem:s24+$0x2B30] =	vst v19;
	v19 =	vmul.f32 v53, v50  }
0x6d: {  	v60 =	vld [tilespmem:s24+$0x2BB0];
	v59 =	vperm.xlane v17, v4;
	[tilespmem:s24+$0x2B40] =	vst v18;
	v18 =	vmul.f32 v54, v50  }
0x6e: {  	v61 =	vld [tilespmem:s24+$0x2BC0];
	[tilespmem:s24+$0x2B50] =	vst v19;
	v19 =	vmul.f32 v55, v50  }
0x6f: {  	v62 =	vld [tilespmem:s24+$0x2BD0];
	[tilespmem:s24+$0x2B60] =	vst v18;
	v18 =	vmul.f32 v56, v59  }
0x70: {  	v63 =	vld [tilespmem:s24+$0x2BE0];
	[tilespmem:s24+$0x2B70] =	vst v19;
	v19 =	vmul.f32 v57, v59  }
0x71: {  	v28 =	vld [tilespmem:s24+$0x2BF0];
	[tilespmem:s24+$0x2B80] =	vst v18;
	v18 =	vmul.f32 v58, v59  }
0x72: {  	v29 =	vld [tilespmem:s24+$0x2C00];
	[tilespmem:s24+$0x2B90] =	vst v19;
	v19 =	vmul.f32 v60, v59  }
0x73: {  	v30 =	vld [tilespmem:s24+$0x2C10];
	[tilespmem:s24+$0x2BA0] =	vst v18;
	v18 =	vmul.f32 v61, v59  }
0x74: {  	v31 =	vld [tilespmem:s24+$0x2C20];
	[tilespmem:s24+$0x2BB0] =	vst v19;
	v19 =	vmul.f32 v62, v59  }
0x75: {  	v33 =	vld [tilespmem:s24+$0x2C30];
	v32 =	vperm.xlane v17, v5;
	[tilespmem:s24+$0x2BC0] =	vst v18;
	v18 =	vmul.f32 v63, v59  }
0x76: {  	v34 =	vld [tilespmem:s24+$0x2C40];
	[tilespmem:s24+$0x2BD0] =	vst v19;
	v19 =	vmul.f32 v28, v59  }
0x77: {  	v35 =	vld [tilespmem:s24+$0x2C50];
	[tilespmem:s24+$0x2BE0] =	vst v18;
	v18 =	vmul.f32 v29, v32  }
0x78: {  	v36 =	vld [tilespmem:s24+$0x2C60];
	[tilespmem:s24+$0x2BF0] =	vst v19;
	v19 =	vmul.f32 v30, v32  }
0x79: {  	v37 =	vld [tilespmem:s24+$0x2C70];
	[tilespmem:s24+$0x2C00] =	vst v18;
	v18 =	vmul.f32 v31, v32  }
0x7a: {  	v38 =	vld [tilespmem:s24+$0x2C80];
	[tilespmem:s24+$0x2C10] =	vst v19;
	v19 =	vmul.f32 v33, v32  }
0x7b: {  	v39 =	vld [tilespmem:s24+$0x2C90];
	[tilespmem:s24+$0x2C20] =	vst v18;
	v18 =	vmul.f32 v34, v32  }
0x7c: {  	v40 =	vld [tilespmem:s24+$0x2CA0];
	[tilespmem:s24+$0x2C30] =	vst v19;
	v19 =	vmul.f32 v35, v32  }
0x7d: {  	v41 =	vperm.xlane v17, v6;
	v42 =	vld [tilespmem:s24+$0x2CB0];
	[tilespmem:s24+$0x2C40] =	vst v18;
	v18 =	vmul.f32 v36, v32  }
0x7e: {  	v43 =	vld [tilespmem:s24+$0x2CC0];
	[tilespmem:s24+$0x2C50] =	vst v19;
	v19 =	vmul.f32 v37, v32  }
0x7f: {  	v44 =	vld [tilespmem:s24+$0x2CD0];
	[tilespmem:s24+$0x2C60] =	vst v18;
	v18 =	vmul.f32 v38, v41  }
0x80: {  	v45 =	vld [tilespmem:s24+$0x2CE0];
	[tilespmem:s24+$0x2C70] =	vst v19;
	v19 =	vmul.f32 v39, v41  }
0x81: {  	v46 =	vld [tilespmem:s24+$0x2CF0];
	[tilespmem:s24+$0x2C80] =	vst v18;
	v18 =	vmul.f32 v40, v41  }
0x82: {  	v47 =	vld [tilespmem:s24+$0x2D00];
	[tilespmem:s24+$0x2C90] =	vst v19;
	v19 =	vmul.f32 v42, v41  }
0x83: {  	v48 =	vld [tilespmem:s24+$0x2D10];
	[tilespmem:s24+$0x2CA0] =	vst v18;
	v18 =	vmul.f32 v43, v41  }
0x84: {  	v49 =	vld [tilespmem:s24+$0x2D20];
	[tilespmem:s24+$0x2CB0] =	vst v19;
	v19 =	vmul.f32 v44, v41  }
0x85: {  	v51 =	vld [tilespmem:s24+$0x2D30];
	v50 =	vperm.xlane v17, v7;
	[tilespmem:s24+$0x2CC0] =	vst v18;
	v18 =	vmul.f32 v45, v41  }
0x86: {  	v52 =	vld [tilespmem:s24+$0x2D40];
	[tilespmem:s24+$0x2CD0] =	vst v19;
	v19 =	vmul.f32 v46, v41  }
0x87: {  	v53 =	vld [tilespmem:s24+$0x2D50];
	[tilespmem:s24+$0x2CE0] =	vst v18;
	v18 =	vmul.f32 v47, v50  }
0x88: {  	v54 =	vld [tilespmem:s24+$0x2D60];
	[tilespmem:s24+$0x2CF0] =	vst v19;
	v19 =	vmul.f32 v48, v50  }
0x89: {  	v55 =	vld [tilespmem:s24+$0x2D70];
	[tilespmem:s24+$0x2D00] =	vst v18;
	v18 =	vmul.f32 v49, v50  }
0x8a: {  	v56 =	vld [tilespmem:s24+$0x2D80];
	[tilespmem:s24+$0x2D10] =	vst v19;
	v19 =	vmul.f32 v51, v50  }
0x8b: {  	v57 =	vld [tilespmem:s24+$0x2D90];
	[tilespmem:s24+$0x2D20] =	vst v18;
	v18 =	vmul.f32 v52, v50  }
0x8c: {  	v58 =	vld [tilespmem:s24+$0x2DA0];
	[tilespmem:s24+$0x2D30] =	vst v19;
	v19 =	vmul.f32 v53, v50  }
0x8d: {  	v60 =	vld [tilespmem:s24+$0x2DB0];
	v59 =	vperm.xlane v17, v8;
	[tilespmem:s24+$0x2D40] =	vst v18;
	v18 =	vmul.f32 v54, v50  }
0x8e: {  	v61 =	vld [tilespmem:s24+$0x2DC0];
	[tilespmem:s24+$0x2D50] =	vst v19;
	v19 =	vmul.f32 v55, v50  }
0x8f: {  	v62 =	vld [tilespmem:s24+$0x2DD0];
	[tilespmem:s24+$0x2D60] =	vst v18;
	v18 =	vmul.f32 v56, v59  }
0x90: {  	v63 =	vld [tilespmem:s24+$0x2DE0];
	[tilespmem:s24+$0x2D70] =	vst v19;
	v19 =	vmul.f32 v57, v59  }
0x91: {  	v28 =	vld [tilespmem:s24+$0x2DF0];
	[tilespmem:s24+$0x2D80] =	vst v18;
	v18 =	vmul.f32 v58, v59  }
0x92: {  	v29 =	vld [tilespmem:s24+$0x2E00];
	[tilespmem:s24+$0x2D90] =	vst v19;
	v19 =	vmul.f32 v60, v59  }
0x93: {  	v30 =	vld [tilespmem:s24+$0x2E10];
	[tilespmem:s24+$0x2DA0] =	vst v18;
	v18 =	vmul.f32 v61, v59  }
0x94: {  	v31 =	vld [tilespmem:s24+$0x2E20];
	[tilespmem:s24+$0x2DB0] =	vst v19;
	v19 =	vmul.f32 v62, v59  }
0x95: {  	v33 =	vld [tilespmem:s24+$0x2E30];
	v32 =	vperm.xlane v17, v9;
	[tilespmem:s24+$0x2DC0] =	vst v18;
	v18 =	vmul.f32 v63, v59  }
0x96: {  	v34 =	vld [tilespmem:s24+$0x2E40];
	[tilespmem:s24+$0x2DD0] =	vst v19;
	v19 =	vmul.f32 v28, v59  }
0x97: {  	v35 =	vld [tilespmem:s24+$0x2E50];
	[tilespmem:s24+$0x2DE0] =	vst v18;
	v18 =	vmul.f32 v29, v32  }
0x98: {  	v36 =	vld [tilespmem:s24+$0x2E60];
	[tilespmem:s24+$0x2DF0] =	vst v19;
	v19 =	vmul.f32 v30, v32  }
0x99: {  	v37 =	vld [tilespmem:s24+$0x2E70];
	[tilespmem:s24+$0x2E00] =	vst v18;
	v18 =	vmul.f32 v31, v32  }
0x9a: {  	v38 =	vld [tilespmem:s24+$0x2E80];
	[tilespmem:s24+$0x2E10] =	vst v19;
	v19 =	vmul.f32 v33, v32  }
0x9b: {  	v39 =	vld [tilespmem:s24+$0x2E90];
	[tilespmem:s24+$0x2E20] =	vst v18;
	v18 =	vmul.f32 v34, v32  }
0x9c: {  	v40 =	vld [tilespmem:s24+$0x2EA0];
	[tilespmem:s24+$0x2E30] =	vst v19;
	v19 =	vmul.f32 v35, v32  }
0x9d: {  	v42 =	vld [tilespmem:s24+$0x2EB0];
	v41 =	vperm.xlane v17, v10;
	[tilespmem:s24+$0x2E40] =	vst v18;
	v18 =	vmul.f32 v36, v32  }
0x9e: {  	v43 =	vld [tilespmem:s24+$0x2EC0];
	[tilespmem:s24+$0x2E50] =	vst v19;
	v19 =	vmul.f32 v37, v32  }
0x9f: {  	v44 =	vld [tilespmem:s24+$0x2ED0];
	[tilespmem:s24+$0x2E60] =	vst v18;
	v18 =	vmul.f32 v38, v41  }
0xa0: {  	v45 =	vld [tilespmem:s24+$0x2EE0];
	[tilespmem:s24+$0x2E70] =	vst v19;
	v19 =	vmul.f32 v39, v41  }
0xa1: {  	v46 =	vld [tilespmem:s24+$0x2EF0];
	[tilespmem:s24+$0x2E80] =	vst v18;
	v18 =	vmul.f32 v40, v41  }
0xa2: {  	v47 =	vld [tilespmem:s24+$0x2F00];
	[tilespmem:s24+$0x2E90] =	vst v19;
	v19 =	vmul.f32 v42, v41  }
0xa3: {  	v48 =	vld [tilespmem:s24+$0x2F10];
	[tilespmem:s24+$0x2EA0] =	vst v18;
	v18 =	vmul.f32 v43, v41  }
0xa4: {  	v49 =	vld [tilespmem:s24+$0x2F20];
	[tilespmem:s24+$0x2EB0] =	vst v19;
	v19 =	vmul.f32 v44, v41  }
0xa5: {  	v51 =	vld [tilespmem:s24+$0x2F30];
	v50 =	vperm.xlane v17, v11;
	[tilespmem:s24+$0x2EC0] =	vst v18;
	v18 =	vmul.f32 v45, v41  }
0xa6: {  	v52 =	vld [tilespmem:s24+$0x2F40];
	[tilespmem:s24+$0x2ED0] =	vst v19;
	v19 =	vmul.f32 v46, v41  }
0xa7: {  	v53 =	vld [tilespmem:s24+$0x2F50];
	[tilespmem:s24+$0x2EE0] =	vst v18;
	v18 =	vmul.f32 v47, v50  }
0xa8: {  	v54 =	vld [tilespmem:s24+$0x2F60];
	[tilespmem:s24+$0x2EF0] =	vst v19;
	v19 =	vmul.f32 v48, v50  }
0xa9: {  	v55 =	vld [tilespmem:s24+$0x2F70];
	[tilespmem:s24+$0x2F00] =	vst v18;
	v18 =	vmul.f32 v49, v50  }
0xaa: {  	v56 =	vld [tilespmem:s24+$0x2F80];
	[tilespmem:s24+$0x2F10] =	vst v19;
	v19 =	vmul.f32 v51, v50  }
0xab: {  	v57 =	vld [tilespmem:s24+$0x2F90];
	[tilespmem:s24+$0x2F20] =	vst v18;
	v18 =	vmul.f32 v52, v50  }
0xac: {  	v58 =	vld [tilespmem:s24+$0x2FA0];
	[tilespmem:s24+$0x2F30] =	vst v19;
	v19 =	vmul.f32 v53, v50  }
0xad: {  	v60 =	vld [tilespmem:s24+$0x2FB0];
	v59 =	vperm.xlane v17, v12;
	[tilespmem:s24+$0x2F40] =	vst v18;
	v18 =	vmul.f32 v54, v50  }
0xae: {  	v61 =	vld [tilespmem:s24+$0x2FC0];
	[tilespmem:s24+$0x2F50] =	vst v19;
	v19 =	vmul.f32 v55, v50  }
0xaf: {  	v62 =	vld [tilespmem:s24+$0x2FD0];
	[tilespmem:s24+$0x2F60] =	vst v18;
	v18 =	vmul.f32 v56, v59  }
0xb0: {  	v63 =	vld [tilespmem:s24+$0x2FE0];
	[tilespmem:s24+$0x2F70] =	vst v19;
	v19 =	vmul.f32 v57, v59  }
0xb1: {  	v28 =	vld [tilespmem:s24+$0x2FF0];
	[tilespmem:s24+$0x2F80] =	vst v18;
	v18 =	vmul.f32 v58, v59  }
0xb2: {  	v29 =	vld [tilespmem:s24+$0x3000];
	[tilespmem:s24+$0x2F90] =	vst v19;
	v19 =	vmul.f32 v60, v59  }
0xb3: {  	v30 =	vld [tilespmem:s24+$0x3010];
	[tilespmem:s24+$0x2FA0] =	vst v18;
	v18 =	vmul.f32 v61, v59  }
0xb4: {  	v31 =	vld [tilespmem:s24+$0x3020];
	[tilespmem:s24+$0x2FB0] =	vst v19;
	v19 =	vmul.f32 v62, v59  }
0xb5: {  	v33 =	vld [tilespmem:s24+$0x3030];
	v32 =	vperm.xlane v17, v13;
	[tilespmem:s24+$0x2FC0] =	vst v18;
	v18 =	vmul.f32 v63, v59  }
0xb6: {  	v34 =	vld [tilespmem:s24+$0x3040];
	[tilespmem:s24+$0x2FD0] =	vst v19;
	v19 =	vmul.f32 v28, v59  }
0xb7: {  	v35 =	vld [tilespmem:s24+$0x3050];
	[tilespmem:s24+$0x2FE0] =	vst v18;
	v18 =	vmul.f32 v29, v32  }
0xb8: {  	v36 =	vld [tilespmem:s24+$0x3060];
	[tilespmem:s24+$0x2FF0] =	vst v19;
	v19 =	vmul.f32 v30, v32  }
0xb9: {  	v37 =	vld [tilespmem:s24+$0x3070];
	[tilespmem:s24+$0x3000] =	vst v18;
	v18 =	vmul.f32 v31, v32  }
0xba: {  	v38 =	vld [tilespmem:s24+$0x3080];
	[tilespmem:s24+$0x3010] =	vst v19;
	v19 =	vmul.f32 v33, v32  }
0xbb: {  	v39 =	vld [tilespmem:s24+$0x3090];
	[tilespmem:s24+$0x3020] =	vst v18;
	v18 =	vmul.f32 v34, v32  }
0xbc: {  	v40 =	vld [tilespmem:s24+$0x30A0];
	[tilespmem:s24+$0x3030] =	vst v19;
	v19 =	vmul.f32 v35, v32  }
0xbd: {  	v42 =	vld [tilespmem:s24+$0x30B0];
	v41 =	vperm.xlane v17, v14;
	[tilespmem:s24+$0x3040] =	vst v18;
	v18 =	vmul.f32 v36, v32  }
0xbe: {  	v43 =	vld [tilespmem:s24+$0x30C0];
	[tilespmem:s24+$0x3050] =	vst v19;
	v19 =	vmul.f32 v37, v32  }
0xbf: {  	v44 =	vld [tilespmem:s24+$0x30D0];
	[tilespmem:s24+$0x3060] =	vst v18;
	v18 =	vmul.f32 v38, v41  }
0xc0: {  	v45 =	vld [tilespmem:s24+$0x30E0];
	[tilespmem:s24+$0x3070] =	vst v19;
	v19 =	vmul.f32 v39, v41  }
0xc1: {  	v46 =	vld [tilespmem:s24+$0x30F0];
	[tilespmem:s24+$0x3080] =	vst v18;
	v18 =	vmul.f32 v40, v41  }
0xc2: {  	v47 =	vld [tilespmem:s24+$0x3100];
	[tilespmem:s24+$0x3090] =	vst v19;
	v19 =	vmul.f32 v42, v41  }
0xc3: {  	v48 =	vld [tilespmem:s24+$0x3110];
	[tilespmem:s24+$0x30A0] =	vst v18;
	v18 =	vmul.f32 v43, v41  }
0xc4: {  	v49 =	vld [tilespmem:s24+$0x3120];
	[tilespmem:s24+$0x30B0] =	vst v19;
	v19 =	vmul.f32 v44, v41  }
0xc5: {  	v51 =	vld [tilespmem:s24+$0x3130];
	v50 =	vperm.xlane v17, v15;
	[tilespmem:s24+$0x30C0] =	vst v18;
	v18 =	vmul.f32 v45, v41  }
0xc6: {  	v52 =	vld [tilespmem:s24+$0x3140];
	[tilespmem:s24+$0x30D0] =	vst v19;
	v19 =	vmul.f32 v46, v41  }
0xc7: {  	v53 =	vld [tilespmem:s24+$0x3150];
	[tilespmem:s24+$0x30E0] =	vst v18;
	v18 =	vmul.f32 v47, v50  }
0xc8: {  	v54 =	vld [tilespmem:s24+$0x3160];
	[tilespmem:s24+$0x30F0] =	vst v19;
	v19 =	vmul.f32 v48, v50  }
0xc9: {  	v55 =	vld [tilespmem:s24+$0x3170];
	[tilespmem:s24+$0x3100] =	vst v18;
	v18 =	vmul.f32 v49, v50  }
0xca: {  	v56 =	vld [tilespmem:s24+$0x3180];
	[tilespmem:s24+$0x3110] =	vst v19;
	v19 =	vmul.f32 v51, v50  }
0xcb: {  	v57 =	vld [tilespmem:s24+$0x3190];
	[tilespmem:s24+$0x3120] =	vst v18;
	v18 =	vmul.f32 v52, v50  }
0xcc: {  	v58 =	vld [tilespmem:s24+$0x31A0];
	[tilespmem:s24+$0x3130] =	vst v19;
	v19 =	vmul.f32 v53, v50  }
0xcd: {  	v17 =	vperm.xlane v17, v16;
	v59 =	vld [tilespmem:s24+$0x31B0];
	[tilespmem:s24+$0x3140] =	vst v18;
	v18 =	vmul.f32 v54, v50  }
0xce: {  	v60 =	vld [tilespmem:s24+$0x31C0];
	[tilespmem:s24+$0x3150] =	vst v19;
	v19 =	vmul.f32 v55, v50  }
0xcf: {  	v61 =	vld [tilespmem:s24+$0x31D0];
	[tilespmem:s24+$0x3160] =	vst v18;
	v18 =	vmul.f32 v56, v17  }
0xd0: {  	v62 =	vld [tilespmem:s24+$0x31E0];
	[tilespmem:s24+$0x3170] =	vst v19;
	v19 =	vmul.f32 v57, v17  }
0xd1: {  	v63 =	vld [tilespmem:s24+$0x31F0];
	[tilespmem:s24+$0x3180] =	vst v18;
	v18 =	vmul.f32 v58, v17  }
0xd2: {  	[tilespmem:s24+$0x3190] =	vst v19;
	v19 =	vmul.f32 v59, v17  }
0xd3: {  	p2 =	sne.s32 s0, $0x7;
	[tilespmem:s24+$0x31A0] =	vst v18;
	v18 =	vmul.f32 v60, v17  }
.Ltmp3:
0xd4: {  	[tilespmem:s24+$0x31B0] =	vst v19;
	v19 =	vmul.f32 v61, v17;
	(pc) =	sbr.rel @p2 .LBB2_7-.Ltmp3, $4  }
0xd5: {  	[tilespmem:s24+$0x31C0] =	vst v18;
	v18 =	vmul.f32 v62, v17  }
0xd6: {  	[tilespmem:s24+$0x31D0] =	vst v19;
	v17 =	vmul.f32 v63, v17  }
0xd7: {  	[tilespmem:s24+$0x31E0] =	vst v18  }
0xd8: {  	s0 =	sadd.s32 $0x1, s0;
	[tilespmem:s24+$0x31F0] =	vst v17  }
0xd9: {  	[spmem:s5] =	stream.indirect.scatter.add.f32 [tilespmem:s19], [sflag:$0x5], $0x80, s23, s22, $0xb8;
	[tilespmem:$0x1E280] =	vst v63  }
0xda: {  	_ =	swait.ge [sflag:s11], $0x4000  }
0xdb: {  	[sflag:s11] =	ssyncset.done $0x0  }
0xdc: {  	[sflag:s11] =	ssyncadd.s32 $0xFFFFC000  }
0xdd: {  	_ =	swait.ge [sflag:s30], $0x4000  }
0xde: {  	[sflag:s30] =	ssyncset.done $0x0  }
0xdf: {  	[sflag:s30] =	ssyncadd.s32 $0xFFFFC000  }
0xe0: {  	_ =	swait.ge [sflag:s31], $0x80  }
0xe1: {  	[sflag:s31] =	ssyncset.done $0x0  }
0xe2: {  	[sflag:s31] =	ssyncadd.s32 $0xFFFFFF80  }
0xe3: {  	p2 =	seq.s32 s14, $0x26;
	_ =	swait.ge [sflag:s31], $0x80  }
0xe4: {  	s0 =	sadd.s32 @!p2 $0x100, s15;
	[sflag:s31] =	ssyncset.done $0x0  }
0xe5: {  	s15 =	simm.s32 @!p2 $0x80;
	s24 =	simm.s32 @!p2 $0x2A00;
	[sflag:s31] =	ssyncadd.s32 $0xFFFFFF80  }
0xe6: {  	[tilespmem:s24], [sflag:$0x1] =	stream.indirect.gather @!p2 [hbm4b:s1+s15], $0x80, s0, s15, $0xb8;
	[tilespmem:$0x1E280] =	vst v63  }
0xe7: {  	s0 =	sadd.s32 @!p2 s8, s0  }
0xe8: {  	s9 =	simm.s32 @!p2 $0x2700;
	s15 =	sshrl.u32 @!p2 s0, $0x2  }
0xe9: {  	s24 =	simm.s32 @!p2 $0x0;
	s0 =	sshrl.u32 @!p2 s0, $0x3;
	s15 =	sadd.s32 @!p2 s2, s15  }
0xea: {  	[tilespmem:s9], [sflag:$0x3] =	stream.linear.gather @!p2 [hbm4b:s15+s24], $0x80, $0x38;
	[tilespmem:$0x1E280] =	vst v63  }
0xeb: {  	s0 =	sadd.s32 @!p2 s4, s0;
	s9 =	simm.s32 @!p2 $0x2900  }
0xec: {  	[tilespmem:s9], [sflag:$0x3] =	stream.linear.gather @!p2 [hbm4b:s0+s24], $0x80, $0x38;
	[tilespmem:$0x1E280] =	vst v63  }
0xed: {  	s0 =	simm.s32 $0x0  }
.LBB2_9:
0xee: {  	s9 =	sshll.u32 s0, $0x4  }
0xef: {  	s9 =	sand.u32 $0x3FFFFFF0, s9  }
0xf0: {  	s24 =	sshll.u32 s0, $0xB;
	v17 =	vld [tilespmem:s9+$0x2980]  }
0xf1: {  	s15 =	sand.u32 $0x3FFFF800, s24  }
0xf2: {  	v18 =	vld [tilespmem:s15+$0x6A00]  }
0xf3: {  	v19 =	vld [tilespmem:s15+$0x6A10]  }
0xf4: {  	v20 =	vld [tilespmem:s15+$0x6A20]  }
0xf5: {  	v22 =	vld [tilespmem:s15+$0x6A30];
	v21 =	vperm.xlane v17, v1  }
0xf6: {  	v23 =	vld [tilespmem:s15+$0x6A40]  }
0xf7: {  	v24 =	vld [tilespmem:s15+$0x6A50];
	v18 =	vmul.f32 v18, v21  }
0xf8: {  	v25 =	vld [tilespmem:s15+$0x6A60];
	v19 =	vmul.f32 v19, v21  }
0xf9: {  	v38 =	vld [tilespmem:s15+$0x6A70];
	[tilespmem:s15+$0x6A00] =	vst v18;
	v18 =	vmul.f32 v20, v21  }
0xfa: {  	v39 =	vld [tilespmem:s15+$0x6A80];
	[tilespmem:s15+$0x6A10] =	vst v19;
	v19 =	vmul.f32 v22, v21  }
0xfb: {  	v40 =	vld [tilespmem:s15+$0x6A90];
	[tilespmem:s15+$0x6A20] =	vst v18;
	v18 =	vmul.f32 v23, v21  }
0xfc: {  	v41 =	vld [tilespmem:s15+$0x6AA0];
	[tilespmem:s15+$0x6A30] =	vst v19;
	v19 =	vmul.f32 v24, v21  }
0xfd: {  	v26 =	vld [tilespmem:s15+$0x6AB0];
	v42 =	vperm.xlane v17, v2;
	[tilespmem:s15+$0x6A40] =	vst v18;
	v18 =	vmul.f32 v25, v21  }
0xfe: {  	v43 =	vld [tilespmem:s15+$0x6AC0];
	[tilespmem:s15+$0x6A50] =	vst v19;
	v19 =	vmul.f32 v38, v21  }
0xff: {  	v44 =	vld [tilespmem:s15+$0x6AD0];
	[tilespmem:s15+$0x6A60] =	vst v18;
	v18 =	vmul.f32 v39, v42  }
0x100: {  	v45 =	vld [tilespmem:s15+$0x6AE0];
	[tilespmem:s15+$0x6A70] =	vst v19;
	v19 =	vmul.f32 v40, v42  }
0x101: {  	v46 =	vld [tilespmem:s15+$0x6AF0];
	[tilespmem:s15+$0x6A80] =	vst v18;
	v18 =	vmul.f32 v41, v42  }
0x102: {  	v47 =	vld [tilespmem:s15+$0x6B00];
	[tilespmem:s15+$0x6A90] =	vst v19;
	v19 =	vmul.f32 v26, v42  }
0x103: {  	v48 =	vld [tilespmem:s15+$0x6B10];
	[tilespmem:s15+$0x6AA0] =	vst v18;
	v18 =	vmul.f32 v43, v42  }
0x104: {  	v49 =	vld [tilespmem:s15+$0x6B20];
	[tilespmem:s15+$0x6AB0] =	vst v19;
	v19 =	vmul.f32 v44, v42  }
0x105: {  	v51 =	vld [tilespmem:s15+$0x6B30];
	v50 =	vperm.xlane v17, v3;
	[tilespmem:s15+$0x6AC0] =	vst v18;
	v18 =	vmul.f32 v45, v42  }
0x106: {  	v52 =	vld [tilespmem:s15+$0x6B40];
	[tilespmem:s15+$0x6AD0] =	vst v19;
	v19 =	vmul.f32 v46, v42  }
0x107: {  	v53 =	vld [tilespmem:s15+$0x6B50];
	[tilespmem:s15+$0x6AE0] =	vst v18;
	v18 =	vmul.f32 v47, v50  }
0x108: {  	v54 =	vld [tilespmem:s15+$0x6B60];
	[tilespmem:s15+$0x6AF0] =	vst v19;
	v19 =	vmul.f32 v48, v50  }
0x109: {  	v55 =	vld [tilespmem:s15+$0x6B70];
	[tilespmem:s15+$0x6B00] =	vst v18;
	v18 =	vmul.f32 v49, v50  }
0x10a: {  	v56 =	vld [tilespmem:s15+$0x6B80];
	[tilespmem:s15+$0x6B10] =	vst v19;
	v19 =	vmul.f32 v51, v50  }
0x10b: {  	v57 =	vld [tilespmem:s15+$0x6B90];
	[tilespmem:s15+$0x6B20] =	vst v18;
	v18 =	vmul.f32 v52, v50  }
0x10c: {  	v58 =	vld [tilespmem:s15+$0x6BA0];
	[tilespmem:s15+$0x6B30] =	vst v19;
	v19 =	vmul.f32 v53, v50  }
0x10d: {  	v60 =	vld [tilespmem:s15+$0x6BB0];
	v59 =	vperm.xlane v17, v4;
	[tilespmem:s15+$0x6B40] =	vst v18;
	v18 =	vmul.f32 v54, v50  }
0x10e: {  	v61 =	vld [tilespmem:s15+$0x6BC0];
	[tilespmem:s15+$0x6B50] =	vst v19;
	v19 =	vmul.f32 v55, v50  }
0x10f: {  	v62 =	vld [tilespmem:s15+$0x6BD0];
	[tilespmem:s15+$0x6B60] =	vst v18;
	v18 =	vmul.f32 v56, v59  }
0x110: {  	v63 =	vld [tilespmem:s15+$0x6BE0];
	[tilespmem:s15+$0x6B70] =	vst v19;
	v19 =	vmul.f32 v57, v59  }
0x111: {  	v28 =	vld [tilespmem:s15+$0x6BF0];
	[tilespmem:s15+$0x6B80] =	vst v18;
	v18 =	vmul.f32 v58, v59  }
0x112: {  	v29 =	vld [tilespmem:s15+$0x6C00];
	[tilespmem:s15+$0x6B90] =	vst v19;
	v19 =	vmul.f32 v60, v59  }
0x113: {  	v30 =	vld [tilespmem:s15+$0x6C10];
	[tilespmem:s15+$0x6BA0] =	vst v18;
	v18 =	vmul.f32 v61, v59  }
0x114: {  	v31 =	vld [tilespmem:s15+$0x6C20];
	[tilespmem:s15+$0x6BB0] =	vst v19;
	v19 =	vmul.f32 v62, v59  }
0x115: {  	v33 =	vld [tilespmem:s15+$0x6C30];
	v32 =	vperm.xlane v17, v5;
	[tilespmem:s15+$0x6BC0] =	vst v18;
	v18 =	vmul.f32 v63, v59  }
0x116: {  	v34 =	vld [tilespmem:s15+$0x6C40];
	[tilespmem:s15+$0x6BD0] =	vst v19;
	v19 =	vmul.f32 v28, v59  }
0x117: {  	v35 =	vld [tilespmem:s15+$0x6C50];
	[tilespmem:s15+$0x6BE0] =	vst v18;
	v18 =	vmul.f32 v29, v32  }
0x118: {  	v36 =	vld [tilespmem:s15+$0x6C60];
	[tilespmem:s15+$0x6BF0] =	vst v19;
	v19 =	vmul.f32 v30, v32  }
0x119: {  	v37 =	vld [tilespmem:s15+$0x6C70];
	[tilespmem:s15+$0x6C00] =	vst v18;
	v18 =	vmul.f32 v31, v32  }
0x11a: {  	v38 =	vld [tilespmem:s15+$0x6C80];
	[tilespmem:s15+$0x6C10] =	vst v19;
	v19 =	vmul.f32 v33, v32  }
0x11b: {  	v39 =	vld [tilespmem:s15+$0x6C90];
	[tilespmem:s15+$0x6C20] =	vst v18;
	v18 =	vmul.f32 v34, v32  }
0x11c: {  	v40 =	vld [tilespmem:s15+$0x6CA0];
	[tilespmem:s15+$0x6C30] =	vst v19;
	v19 =	vmul.f32 v35, v32  }
0x11d: {  	v41 =	vperm.xlane v17, v6;
	v42 =	vld [tilespmem:s15+$0x6CB0];
	[tilespmem:s15+$0x6C40] =	vst v18;
	v18 =	vmul.f32 v36, v32  }
0x11e: {  	v43 =	vld [tilespmem:s15+$0x6CC0];
	[tilespmem:s15+$0x6C50] =	vst v19;
	v19 =	vmul.f32 v37, v32  }
0x11f: {  	v44 =	vld [tilespmem:s15+$0x6CD0];
	[tilespmem:s15+$0x6C60] =	vst v18;
	v18 =	vmul.f32 v38, v41  }
0x120: {  	v45 =	vld [tilespmem:s15+$0x6CE0];
	[tilespmem:s15+$0x6C70] =	vst v19;
	v19 =	vmul.f32 v39, v41  }
0x121: {  	v46 =	vld [tilespmem:s15+$0x6CF0];
	[tilespmem:s15+$0x6C80] =	vst v18;
	v18 =	vmul.f32 v40, v41  }
0x122: {  	v47 =	vld [tilespmem:s15+$0x6D00];
	[tilespmem:s15+$0x6C90] =	vst v19;
	v19 =	vmul.f32 v42, v41  }
0x123: {  	v48 =	vld [tilespmem:s15+$0x6D10];
	[tilespmem:s15+$0x6CA0] =	vst v18;
	v18 =	vmul.f32 v43, v41  }
0x124: {  	v49 =	vld [tilespmem:s15+$0x6D20];
	[tilespmem:s15+$0x6CB0] =	vst v19;
	v19 =	vmul.f32 v44, v41  }
0x125: {  	v51 =	vld [tilespmem:s15+$0x6D30];
	v50 =	vperm.xlane v17, v7;
	[tilespmem:s15+$0x6CC0] =	vst v18;
	v18 =	vmul.f32 v45, v41  }
0x126: {  	v52 =	vld [tilespmem:s15+$0x6D40];
	[tilespmem:s15+$0x6CD0] =	vst v19;
	v19 =	vmul.f32 v46, v41  }
0x127: {  	v53 =	vld [tilespmem:s15+$0x6D50];
	[tilespmem:s15+$0x6CE0] =	vst v18;
	v18 =	vmul.f32 v47, v50  }
0x128: {  	v54 =	vld [tilespmem:s15+$0x6D60];
	[tilespmem:s15+$0x6CF0] =	vst v19;
	v19 =	vmul.f32 v48, v50  }
0x129: {  	v55 =	vld [tilespmem:s15+$0x6D70];
	[tilespmem:s15+$0x6D00] =	vst v18;
	v18 =	vmul.f32 v49, v50  }
0x12a: {  	v56 =	vld [tilespmem:s15+$0x6D80];
	[tilespmem:s15+$0x6D10] =	vst v19;
	v19 =	vmul.f32 v51, v50  }
0x12b: {  	v57 =	vld [tilespmem:s15+$0x6D90];
	[tilespmem:s15+$0x6D20] =	vst v18;
	v18 =	vmul.f32 v52, v50  }
0x12c: {  	v58 =	vld [tilespmem:s15+$0x6DA0];
	[tilespmem:s15+$0x6D30] =	vst v19;
	v19 =	vmul.f32 v53, v50  }
0x12d: {  	v60 =	vld [tilespmem:s15+$0x6DB0];
	v59 =	vperm.xlane v17, v8;
	[tilespmem:s15+$0x6D40] =	vst v18;
	v18 =	vmul.f32 v54, v50  }
0x12e: {  	v61 =	vld [tilespmem:s15+$0x6DC0];
	[tilespmem:s15+$0x6D50] =	vst v19;
	v19 =	vmul.f32 v55, v50  }
0x12f: {  	v62 =	vld [tilespmem:s15+$0x6DD0];
	[tilespmem:s15+$0x6D60] =	vst v18;
	v18 =	vmul.f32 v56, v59  }
0x130: {  	v63 =	vld [tilespmem:s15+$0x6DE0];
	[tilespmem:s15+$0x6D70] =	vst v19;
	v19 =	vmul.f32 v57, v59  }
0x131: {  	v28 =	vld [tilespmem:s15+$0x6DF0];
	[tilespmem:s15+$0x6D80] =	vst v18;
	v18 =	vmul.f32 v58, v59  }
0x132: {  	v29 =	vld [tilespmem:s15+$0x6E00];
	[tilespmem:s15+$0x6D90] =	vst v19;
	v19 =	vmul.f32 v60, v59  }
0x133: {  	v30 =	vld [tilespmem:s15+$0x6E10];
	[tilespmem:s15+$0x6DA0] =	vst v18;
	v18 =	vmul.f32 v61, v59  }
0x134: {  	v31 =	vld [tilespmem:s15+$0x6E20];
	[tilespmem:s15+$0x6DB0] =	vst v19;
	v19 =	vmul.f32 v62, v59  }
0x135: {  	v33 =	vld [tilespmem:s15+$0x6E30];
	v32 =	vperm.xlane v17, v9;
	[tilespmem:s15+$0x6DC0] =	vst v18;
	v18 =	vmul.f32 v63, v59  }
0x136: {  	v34 =	vld [tilespmem:s15+$0x6E40];
	[tilespmem:s15+$0x6DD0] =	vst v19;
	v19 =	vmul.f32 v28, v59  }
0x137: {  	v35 =	vld [tilespmem:s15+$0x6E50];
	[tilespmem:s15+$0x6DE0] =	vst v18;
	v18 =	vmul.f32 v29, v32  }
0x138: {  	v36 =	vld [tilespmem:s15+$0x6E60];
	[tilespmem:s15+$0x6DF0] =	vst v19;
	v19 =	vmul.f32 v30, v32  }
0x139: {  	v37 =	vld [tilespmem:s15+$0x6E70];
	[tilespmem:s15+$0x6E00] =	vst v18;
	v18 =	vmul.f32 v31, v32  }
0x13a: {  	v38 =	vld [tilespmem:s15+$0x6E80];
	[tilespmem:s15+$0x6E10] =	vst v19;
	v19 =	vmul.f32 v33, v32  }
0x13b: {  	v39 =	vld [tilespmem:s15+$0x6E90];
	[tilespmem:s15+$0x6E20] =	vst v18;
	v18 =	vmul.f32 v34, v32  }
0x13c: {  	v40 =	vld [tilespmem:s15+$0x6EA0];
	[tilespmem:s15+$0x6E30] =	vst v19;
	v19 =	vmul.f32 v35, v32  }
0x13d: {  	v42 =	vld [tilespmem:s15+$0x6EB0];
	v41 =	vperm.xlane v17, v10;
	[tilespmem:s15+$0x6E40] =	vst v18;
	v18 =	vmul.f32 v36, v32  }
0x13e: {  	v43 =	vld [tilespmem:s15+$0x6EC0];
	[tilespmem:s15+$0x6E50] =	vst v19;
	v19 =	vmul.f32 v37, v32  }
0x13f: {  	v44 =	vld [tilespmem:s15+$0x6ED0];
	[tilespmem:s15+$0x6E60] =	vst v18;
	v18 =	vmul.f32 v38, v41  }
0x140: {  	v45 =	vld [tilespmem:s15+$0x6EE0];
	[tilespmem:s15+$0x6E70] =	vst v19;
	v19 =	vmul.f32 v39, v41  }
0x141: {  	v46 =	vld [tilespmem:s15+$0x6EF0];
	[tilespmem:s15+$0x6E80] =	vst v18;
	v18 =	vmul.f32 v40, v41  }
0x142: {  	v47 =	vld [tilespmem:s15+$0x6F00];
	[tilespmem:s15+$0x6E90] =	vst v19;
	v19 =	vmul.f32 v42, v41  }
0x143: {  	v48 =	vld [tilespmem:s15+$0x6F10];
	[tilespmem:s15+$0x6EA0] =	vst v18;
	v18 =	vmul.f32 v43, v41  }
0x144: {  	v49 =	vld [tilespmem:s15+$0x6F20];
	[tilespmem:s15+$0x6EB0] =	vst v19;
	v19 =	vmul.f32 v44, v41  }
0x145: {  	v51 =	vld [tilespmem:s15+$0x6F30];
	v50 =	vperm.xlane v17, v11;
	[tilespmem:s15+$0x6EC0] =	vst v18;
	v18 =	vmul.f32 v45, v41  }
0x146: {  	v52 =	vld [tilespmem:s15+$0x6F40];
	[tilespmem:s15+$0x6ED0] =	vst v19;
	v19 =	vmul.f32 v46, v41  }
0x147: {  	v53 =	vld [tilespmem:s15+$0x6F50];
	[tilespmem:s15+$0x6EE0] =	vst v18;
	v18 =	vmul.f32 v47, v50  }
0x148: {  	v54 =	vld [tilespmem:s15+$0x6F60];
	[tilespmem:s15+$0x6EF0] =	vst v19;
	v19 =	vmul.f32 v48, v50  }
0x149: {  	v55 =	vld [tilespmem:s15+$0x6F70];
	[tilespmem:s15+$0x6F00] =	vst v18;
	v18 =	vmul.f32 v49, v50  }
0x14a: {  	v56 =	vld [tilespmem:s15+$0x6F80];
	[tilespmem:s15+$0x6F10] =	vst v19;
	v19 =	vmul.f32 v51, v50  }
0x14b: {  	v57 =	vld [tilespmem:s15+$0x6F90];
	[tilespmem:s15+$0x6F20] =	vst v18;
	v18 =	vmul.f32 v52, v50  }
0x14c: {  	v58 =	vld [tilespmem:s15+$0x6FA0];
	[tilespmem:s15+$0x6F30] =	vst v19;
	v19 =	vmul.f32 v53, v50  }
0x14d: {  	v60 =	vld [tilespmem:s15+$0x6FB0];
	v59 =	vperm.xlane v17, v12;
	[tilespmem:s15+$0x6F40] =	vst v18;
	v18 =	vmul.f32 v54, v50  }
0x14e: {  	v61 =	vld [tilespmem:s15+$0x6FC0];
	[tilespmem:s15+$0x6F50] =	vst v19;
	v19 =	vmul.f32 v55, v50  }
0x14f: {  	v62 =	vld [tilespmem:s15+$0x6FD0];
	[tilespmem:s15+$0x6F60] =	vst v18;
	v18 =	vmul.f32 v56, v59  }
0x150: {  	v63 =	vld [tilespmem:s15+$0x6FE0];
	[tilespmem:s15+$0x6F70] =	vst v19;
	v19 =	vmul.f32 v57, v59  }
0x151: {  	v28 =	vld [tilespmem:s15+$0x6FF0];
	[tilespmem:s15+$0x6F80] =	vst v18;
	v18 =	vmul.f32 v58, v59  }
0x152: {  	v29 =	vld [tilespmem:s15+$0x7000];
	[tilespmem:s15+$0x6F90] =	vst v19;
	v19 =	vmul.f32 v60, v59  }
0x153: {  	v30 =	vld [tilespmem:s15+$0x7010];
	[tilespmem:s15+$0x6FA0] =	vst v18;
	v18 =	vmul.f32 v61, v59  }
0x154: {  	v31 =	vld [tilespmem:s15+$0x7020];
	[tilespmem:s15+$0x6FB0] =	vst v19;
	v19 =	vmul.f32 v62, v59  }
0x155: {  	v33 =	vld [tilespmem:s15+$0x7030];
	v32 =	vperm.xlane v17, v13;
	[tilespmem:s15+$0x6FC0] =	vst v18;
	v18 =	vmul.f32 v63, v59  }
0x156: {  	v34 =	vld [tilespmem:s15+$0x7040];
	[tilespmem:s15+$0x6FD0] =	vst v19;
	v19 =	vmul.f32 v28, v59  }
0x157: {  	v35 =	vld [tilespmem:s15+$0x7050];
	[tilespmem:s15+$0x6FE0] =	vst v18;
	v18 =	vmul.f32 v29, v32  }
0x158: {  	v36 =	vld [tilespmem:s15+$0x7060];
	[tilespmem:s15+$0x6FF0] =	vst v19;
	v19 =	vmul.f32 v30, v32  }
0x159: {  	v37 =	vld [tilespmem:s15+$0x7070];
	[tilespmem:s15+$0x7000] =	vst v18;
	v18 =	vmul.f32 v31, v32  }
0x15a: {  	v38 =	vld [tilespmem:s15+$0x7080];
	[tilespmem:s15+$0x7010] =	vst v19;
	v19 =	vmul.f32 v33, v32  }
0x15b: {  	v39 =	vld [tilespmem:s15+$0x7090];
	[tilespmem:s15+$0x7020] =	vst v18;
	v18 =	vmul.f32 v34, v32  }
0x15c: {  	v40 =	vld [tilespmem:s15+$0x70A0];
	[tilespmem:s15+$0x7030] =	vst v19;
	v19 =	vmul.f32 v35, v32  }
0x15d: {  	v42 =	vld [tilespmem:s15+$0x70B0];
	v41 =	vperm.xlane v17, v14;
	[tilespmem:s15+$0x7040] =	vst v18;
	v18 =	vmul.f32 v36, v32  }
0x15e: {  	v43 =	vld [tilespmem:s15+$0x70C0];
	[tilespmem:s15+$0x7050] =	vst v19;
	v19 =	vmul.f32 v37, v32  }
0x15f: {  	v44 =	vld [tilespmem:s15+$0x70D0];
	[tilespmem:s15+$0x7060] =	vst v18;
	v18 =	vmul.f32 v38, v41  }
0x160: {  	v45 =	vld [tilespmem:s15+$0x70E0];
	[tilespmem:s15+$0x7070] =	vst v19;
	v19 =	vmul.f32 v39, v41  }
0x161: {  	v46 =	vld [tilespmem:s15+$0x70F0];
	[tilespmem:s15+$0x7080] =	vst v18;
	v18 =	vmul.f32 v40, v41  }
0x162: {  	v47 =	vld [tilespmem:s15+$0x7100];
	[tilespmem:s15+$0x7090] =	vst v19;
	v19 =	vmul.f32 v42, v41  }
0x163: {  	v48 =	vld [tilespmem:s15+$0x7110];
	[tilespmem:s15+$0x70A0] =	vst v18;
	v18 =	vmul.f32 v43, v41  }
0x164: {  	v49 =	vld [tilespmem:s15+$0x7120];
	[tilespmem:s15+$0x70B0] =	vst v19;
	v19 =	vmul.f32 v44, v41  }
0x165: {  	v51 =	vld [tilespmem:s15+$0x7130];
	v50 =	vperm.xlane v17, v15;
	[tilespmem:s15+$0x70C0] =	vst v18;
	v18 =	vmul.f32 v45, v41  }
0x166: {  	v52 =	vld [tilespmem:s15+$0x7140];
	[tilespmem:s15+$0x70D0] =	vst v19;
	v19 =	vmul.f32 v46, v41  }
0x167: {  	v53 =	vld [tilespmem:s15+$0x7150];
	[tilespmem:s15+$0x70E0] =	vst v18;
	v18 =	vmul.f32 v47, v50  }
0x168: {  	v54 =	vld [tilespmem:s15+$0x7160];
	[tilespmem:s15+$0x70F0] =	vst v19;
	v19 =	vmul.f32 v48, v50  }
0x169: {  	v55 =	vld [tilespmem:s15+$0x7170];
	[tilespmem:s15+$0x7100] =	vst v18;
	v18 =	vmul.f32 v49, v50  }
0x16a: {  	v56 =	vld [tilespmem:s15+$0x7180];
	[tilespmem:s15+$0x7110] =	vst v19;
	v19 =	vmul.f32 v51, v50  }
0x16b: {  	v57 =	vld [tilespmem:s15+$0x7190];
	[tilespmem:s15+$0x7120] =	vst v18;
	v18 =	vmul.f32 v52, v50  }
0x16c: {  	v58 =	vld [tilespmem:s15+$0x71A0];
	[tilespmem:s15+$0x7130] =	vst v19;
	v19 =	vmul.f32 v53, v50  }
0x16d: {  	v17 =	vperm.xlane v17, v16;
	v59 =	vld [tilespmem:s15+$0x71B0];
	[tilespmem:s15+$0x7140] =	vst v18;
	v18 =	vmul.f32 v54, v50  }
0x16e: {  	v60 =	vld [tilespmem:s15+$0x71C0];
	[tilespmem:s15+$0x7150] =	vst v19;
	v19 =	vmul.f32 v55, v50  }
0x16f: {  	v61 =	vld [tilespmem:s15+$0x71D0];
	[tilespmem:s15+$0x7160] =	vst v18;
	v18 =	vmul.f32 v56, v17  }
0x170: {  	v62 =	vld [tilespmem:s15+$0x71E0];
	[tilespmem:s15+$0x7170] =	vst v19;
	v19 =	vmul.f32 v57, v17  }
0x171: {  	v63 =	vld [tilespmem:s15+$0x71F0];
	[tilespmem:s15+$0x7180] =	vst v18;
	v18 =	vmul.f32 v58, v17  }
0x172: {  	[tilespmem:s15+$0x7190] =	vst v19;
	v19 =	vmul.f32 v59, v17  }
0x173: {  	p2 =	sne.s32 s0, $0x7;
	[tilespmem:s15+$0x71A0] =	vst v18;
	v18 =	vmul.f32 v60, v17  }
.Ltmp4:
0x174: {  	[tilespmem:s15+$0x71B0] =	vst v19;
	v19 =	vmul.f32 v61, v17;
	(pc) =	sbr.rel @p2 .LBB2_9-.Ltmp4, $4  }
0x175: {  	[tilespmem:s15+$0x71C0] =	vst v18;
	v18 =	vmul.f32 v62, v17  }
0x176: {  	[tilespmem:s15+$0x71D0] =	vst v19;
	v17 =	vmul.f32 v63, v17  }
0x177: {  	[tilespmem:s15+$0x71E0] =	vst v18  }
0x178: {  	s0 =	sadd.s32 $0x1, s0;
	[tilespmem:s15+$0x71F0] =	vst v17  }
0x179: {  	s14 =	sadd.s32 $0x1, s14  }
0x17a: {  	p2 =	sne.s32 s14, $0x27  }
.Ltmp5:
0x17b: {  	_ = 	snop;
	(pc) =	sbr.rel @p2 .LBB2_6-.Ltmp5, $4  }
0x17c: {  	[spmem:s5] =	stream.indirect.scatter.add.f32 [tilespmem:s26], [sflag:$0x5], $0x80, s28, s22, $0xb8;
	[tilespmem:$0x1E280] =	vst v63  }
0x17d: {  	_ =	swait.ge [sflag:s11], $0x4000  }
0x17e: {  	[sflag:s11] =	ssyncset.done $0x0  }
0x17f: {  	[sflag:s11] =	ssyncadd.s32 $0xFFFFC000  }
.Ltmp6:
0x180: {  	(pc) =	sbr.rel @p0 .LBB2_15-.Ltmp6, $1  }
0x181: {  	_ =	sdelay $0x3  }
0x182: {  	s3 =	simm.s32 $0x0;
	s0 =	rddreg [dreg:$0x7];
	s9 =	simm.s32 $0x2800  }
0x183: {  	[tilespmem:s9], [sflag:$0x6] =	stream.linear.gather [hbm4b:s0+s3], $0x100, $0x38;
	[tilespmem:$0x1E280] =	vst v63  }
0x184: {  	_ =	swait.ge [sflag:s20], $0x100  }
0x185: {  	[sflag:s20] =	ssyncset.done $0x0  }
0x186: {  	s15 =	simm.s32 $0x2900;
	s14 =	rddreg [dreg:$0x8];
	[sflag:s20] =	ssyncadd.s32 $0xFFFFFF00  }
0x187: {  	[tilespmem:s15], [sflag:$0x6] =	stream.linear.gather [hbm4b:s14+s3], $0x80, $0x38;
	[tilespmem:$0x1E280] =	vst v63  }
0x188: {  	_ =	swait.ge [sflag:s20], $0x80  }
0x189: {  	[sflag:s20] =	ssyncset.done $0x0  }
0x18a: {  	s24 =	simm.s32 $0x2880;
	[sflag:s20] =	ssyncadd.s32 $0xFFFFFF80  }
0x18b: {  	[tilespmem:s19], [sflag:$0x1] =	stream.indirect.gather [hbm4b:s1+s22], $0x80, s24, s22, $0xb8;
	[tilespmem:$0x1E280] =	vst v63  }
0x18c: {  	_ =	swait.ge [sflag:s25], $0x4000  }
0x18d: {  	[sflag:s25] =	ssyncset.done $0x0  }
0x18e: {  	[sflag:s25] =	ssyncadd.s32 $0xFFFFC000  }
.LBB2_13:
0x18f: {  	s0 =	sshll.u32 s3, $0x4  }
0x190: {  	s0 =	sand.u32 $0x3FFFFFF0, s0  }
0x191: {  	s24 =	sshll.u32 s3, $0xB;
	v17 =	vld [tilespmem:s0+$0x2900]  }
0x192: {  	s0 =	sand.u32 $0x3FFFF800, s24  }
0x193: {  	v18 =	vld [tilespmem:s0+$0x2A00]  }
0x194: {  	v19 =	vld [tilespmem:s0+$0x2A10]  }
0x195: {  	v20 =	vld [tilespmem:s0+$0x2A20]  }
0x196: {  	v22 =	vld [tilespmem:s0+$0x2A30];
	v21 =	vperm.xlane v17, v1  }
0x197: {  	v23 =	vld [tilespmem:s0+$0x2A40]  }
0x198: {  	v24 =	vld [tilespmem:s0+$0x2A50];
	v18 =	vmul.f32 v18, v21  }
0x199: {  	v25 =	vld [tilespmem:s0+$0x2A60];
	v19 =	vmul.f32 v19, v21  }
0x19a: {  	v38 =	vld [tilespmem:s0+$0x2A70];
	[tilespmem:s0+$0x2A00] =	vst v18;
	v18 =	vmul.f32 v20, v21  }
0x19b: {  	v39 =	vld [tilespmem:s0+$0x2A80];
	[tilespmem:s0+$0x2A10] =	vst v19;
	v19 =	vmul.f32 v22, v21  }
0x19c: {  	v40 =	vld [tilespmem:s0+$0x2A90];
	[tilespmem:s0+$0x2A20] =	vst v18;
	v18 =	vmul.f32 v23, v21  }
0x19d: {  	v41 =	vld [tilespmem:s0+$0x2AA0];
	[tilespmem:s0+$0x2A30] =	vst v19;
	v19 =	vmul.f32 v24, v21  }
0x19e: {  	v26 =	vld [tilespmem:s0+$0x2AB0];
	v42 =	vperm.xlane v17, v2;
	[tilespmem:s0+$0x2A40] =	vst v18;
	v18 =	vmul.f32 v25, v21  }
0x19f: {  	v43 =	vld [tilespmem:s0+$0x2AC0];
	[tilespmem:s0+$0x2A50] =	vst v19;
	v19 =	vmul.f32 v38, v21  }
0x1a0: {  	v44 =	vld [tilespmem:s0+$0x2AD0];
	[tilespmem:s0+$0x2A60] =	vst v18;
	v18 =	vmul.f32 v39, v42  }
0x1a1: {  	v45 =	vld [tilespmem:s0+$0x2AE0];
	[tilespmem:s0+$0x2A70] =	vst v19;
	v19 =	vmul.f32 v40, v42  }
0x1a2: {  	v46 =	vld [tilespmem:s0+$0x2AF0];
	[tilespmem:s0+$0x2A80] =	vst v18;
	v18 =	vmul.f32 v41, v42  }
0x1a3: {  	v47 =	vld [tilespmem:s0+$0x2B00];
	[tilespmem:s0+$0x2A90] =	vst v19;
	v19 =	vmul.f32 v26, v42  }
0x1a4: {  	v48 =	vld [tilespmem:s0+$0x2B10];
	[tilespmem:s0+$0x2AA0] =	vst v18;
	v18 =	vmul.f32 v43, v42  }
0x1a5: {  	v49 =	vld [tilespmem:s0+$0x2B20];
	[tilespmem:s0+$0x2AB0] =	vst v19;
	v19 =	vmul.f32 v44, v42  }
0x1a6: {  	v51 =	vld [tilespmem:s0+$0x2B30];
	v50 =	vperm.xlane v17, v3;
	[tilespmem:s0+$0x2AC0] =	vst v18;
	v18 =	vmul.f32 v45, v42  }
0x1a7: {  	v52 =	vld [tilespmem:s0+$0x2B40];
	[tilespmem:s0+$0x2AD0] =	vst v19;
	v19 =	vmul.f32 v46, v42  }
0x1a8: {  	v53 =	vld [tilespmem:s0+$0x2B50];
	[tilespmem:s0+$0x2AE0] =	vst v18;
	v18 =	vmul.f32 v47, v50  }
0x1a9: {  	v54 =	vld [tilespmem:s0+$0x2B60];
	[tilespmem:s0+$0x2AF0] =	vst v19;
	v19 =	vmul.f32 v48, v50  }
0x1aa: {  	v55 =	vld [tilespmem:s0+$0x2B70];
	[tilespmem:s0+$0x2B00] =	vst v18;
	v18 =	vmul.f32 v49, v50  }
0x1ab: {  	v56 =	vld [tilespmem:s0+$0x2B80];
	[tilespmem:s0+$0x2B10] =	vst v19;
	v19 =	vmul.f32 v51, v50  }
0x1ac: {  	v57 =	vld [tilespmem:s0+$0x2B90];
	[tilespmem:s0+$0x2B20] =	vst v18;
	v18 =	vmul.f32 v52, v50  }
0x1ad: {  	v58 =	vld [tilespmem:s0+$0x2BA0];
	[tilespmem:s0+$0x2B30] =	vst v19;
	v19 =	vmul.f32 v53, v50  }
0x1ae: {  	v60 =	vld [tilespmem:s0+$0x2BB0];
	v59 =	vperm.xlane v17, v4;
	[tilespmem:s0+$0x2B40] =	vst v18;
	v18 =	vmul.f32 v54, v50  }
0x1af: {  	v61 =	vld [tilespmem:s0+$0x2BC0];
	[tilespmem:s0+$0x2B50] =	vst v19;
	v19 =	vmul.f32 v55, v50  }
0x1b0: {  	v62 =	vld [tilespmem:s0+$0x2BD0];
	[tilespmem:s0+$0x2B60] =	vst v18;
	v18 =	vmul.f32 v56, v59  }
0x1b1: {  	v63 =	vld [tilespmem:s0+$0x2BE0];
	[tilespmem:s0+$0x2B70] =	vst v19;
	v19 =	vmul.f32 v57, v59  }
0x1b2: {  	v28 =	vld [tilespmem:s0+$0x2BF0];
	[tilespmem:s0+$0x2B80] =	vst v18;
	v18 =	vmul.f32 v58, v59  }
0x1b3: {  	v29 =	vld [tilespmem:s0+$0x2C00];
	[tilespmem:s0+$0x2B90] =	vst v19;
	v19 =	vmul.f32 v60, v59  }
0x1b4: {  	v30 =	vld [tilespmem:s0+$0x2C10];
	[tilespmem:s0+$0x2BA0] =	vst v18;
	v18 =	vmul.f32 v61, v59  }
0x1b5: {  	v31 =	vld [tilespmem:s0+$0x2C20];
	[tilespmem:s0+$0x2BB0] =	vst v19;
	v19 =	vmul.f32 v62, v59  }
0x1b6: {  	v33 =	vld [tilespmem:s0+$0x2C30];
	v32 =	vperm.xlane v17, v5;
	[tilespmem:s0+$0x2BC0] =	vst v18;
	v18 =	vmul.f32 v63, v59  }
0x1b7: {  	v34 =	vld [tilespmem:s0+$0x2C40];
	[tilespmem:s0+$0x2BD0] =	vst v19;
	v19 =	vmul.f32 v28, v59  }
0x1b8: {  	v35 =	vld [tilespmem:s0+$0x2C50];
	[tilespmem:s0+$0x2BE0] =	vst v18;
	v18 =	vmul.f32 v29, v32  }
0x1b9: {  	v36 =	vld [tilespmem:s0+$0x2C60];
	[tilespmem:s0+$0x2BF0] =	vst v19;
	v19 =	vmul.f32 v30, v32  }
0x1ba: {  	v37 =	vld [tilespmem:s0+$0x2C70];
	[tilespmem:s0+$0x2C00] =	vst v18;
	v18 =	vmul.f32 v31, v32  }
0x1bb: {  	v38 =	vld [tilespmem:s0+$0x2C80];
	[tilespmem:s0+$0x2C10] =	vst v19;
	v19 =	vmul.f32 v33, v32  }
0x1bc: {  	v39 =	vld [tilespmem:s0+$0x2C90];
	[tilespmem:s0+$0x2C20] =	vst v18;
	v18 =	vmul.f32 v34, v32  }
0x1bd: {  	v40 =	vld [tilespmem:s0+$0x2CA0];
	[tilespmem:s0+$0x2C30] =	vst v19;
	v19 =	vmul.f32 v35, v32  }
0x1be: {  	v41 =	vperm.xlane v17, v6;
	v42 =	vld [tilespmem:s0+$0x2CB0];
	[tilespmem:s0+$0x2C40] =	vst v18;
	v18 =	vmul.f32 v36, v32  }
0x1bf: {  	v43 =	vld [tilespmem:s0+$0x2CC0];
	[tilespmem:s0+$0x2C50] =	vst v19;
	v19 =	vmul.f32 v37, v32  }
0x1c0: {  	v44 =	vld [tilespmem:s0+$0x2CD0];
	[tilespmem:s0+$0x2C60] =	vst v18;
	v18 =	vmul.f32 v38, v41  }
0x1c1: {  	v45 =	vld [tilespmem:s0+$0x2CE0];
	[tilespmem:s0+$0x2C70] =	vst v19;
	v19 =	vmul.f32 v39, v41  }
0x1c2: {  	v46 =	vld [tilespmem:s0+$0x2CF0];
	[tilespmem:s0+$0x2C80] =	vst v18;
	v18 =	vmul.f32 v40, v41  }
0x1c3: {  	v47 =	vld [tilespmem:s0+$0x2D00];
	[tilespmem:s0+$0x2C90] =	vst v19;
	v19 =	vmul.f32 v42, v41  }
0x1c4: {  	v48 =	vld [tilespmem:s0+$0x2D10];
	[tilespmem:s0+$0x2CA0] =	vst v18;
	v18 =	vmul.f32 v43, v41  }
0x1c5: {  	v49 =	vld [tilespmem:s0+$0x2D20];
	[tilespmem:s0+$0x2CB0] =	vst v19;
	v19 =	vmul.f32 v44, v41  }
0x1c6: {  	v51 =	vld [tilespmem:s0+$0x2D30];
	v50 =	vperm.xlane v17, v7;
	[tilespmem:s0+$0x2CC0] =	vst v18;
	v18 =	vmul.f32 v45, v41  }
0x1c7: {  	v52 =	vld [tilespmem:s0+$0x2D40];
	[tilespmem:s0+$0x2CD0] =	vst v19;
	v19 =	vmul.f32 v46, v41  }
0x1c8: {  	v53 =	vld [tilespmem:s0+$0x2D50];
	[tilespmem:s0+$0x2CE0] =	vst v18;
	v18 =	vmul.f32 v47, v50  }
0x1c9: {  	v54 =	vld [tilespmem:s0+$0x2D60];
	[tilespmem:s0+$0x2CF0] =	vst v19;
	v19 =	vmul.f32 v48, v50  }
0x1ca: {  	v55 =	vld [tilespmem:s0+$0x2D70];
	[tilespmem:s0+$0x2D00] =	vst v18;
	v18 =	vmul.f32 v49, v50  }
0x1cb: {  	v56 =	vld [tilespmem:s0+$0x2D80];
	[tilespmem:s0+$0x2D10] =	vst v19;
	v19 =	vmul.f32 v51, v50  }
0x1cc: {  	v57 =	vld [tilespmem:s0+$0x2D90];
	[tilespmem:s0+$0x2D20] =	vst v18;
	v18 =	vmul.f32 v52, v50  }
0x1cd: {  	v58 =	vld [tilespmem:s0+$0x2DA0];
	[tilespmem:s0+$0x2D30] =	vst v19;
	v19 =	vmul.f32 v53, v50  }
0x1ce: {  	v60 =	vld [tilespmem:s0+$0x2DB0];
	v59 =	vperm.xlane v17, v8;
	[tilespmem:s0+$0x2D40] =	vst v18;
	v18 =	vmul.f32 v54, v50  }
0x1cf: {  	v61 =	vld [tilespmem:s0+$0x2DC0];
	[tilespmem:s0+$0x2D50] =	vst v19;
	v19 =	vmul.f32 v55, v50  }
0x1d0: {  	v62 =	vld [tilespmem:s0+$0x2DD0];
	[tilespmem:s0+$0x2D60] =	vst v18;
	v18 =	vmul.f32 v56, v59  }
0x1d1: {  	v63 =	vld [tilespmem:s0+$0x2DE0];
	[tilespmem:s0+$0x2D70] =	vst v19;
	v19 =	vmul.f32 v57, v59  }
0x1d2: {  	v28 =	vld [tilespmem:s0+$0x2DF0];
	[tilespmem:s0+$0x2D80] =	vst v18;
	v18 =	vmul.f32 v58, v59  }
0x1d3: {  	v29 =	vld [tilespmem:s0+$0x2E00];
	[tilespmem:s0+$0x2D90] =	vst v19;
	v19 =	vmul.f32 v60, v59  }
0x1d4: {  	v30 =	vld [tilespmem:s0+$0x2E10];
	[tilespmem:s0+$0x2DA0] =	vst v18;
	v18 =	vmul.f32 v61, v59  }
0x1d5: {  	v31 =	vld [tilespmem:s0+$0x2E20];
	[tilespmem:s0+$0x2DB0] =	vst v19;
	v19 =	vmul.f32 v62, v59  }
0x1d6: {  	v33 =	vld [tilespmem:s0+$0x2E30];
	v32 =	vperm.xlane v17, v9;
	[tilespmem:s0+$0x2DC0] =	vst v18;
	v18 =	vmul.f32 v63, v59  }
0x1d7: {  	v34 =	vld [tilespmem:s0+$0x2E40];
	[tilespmem:s0+$0x2DD0] =	vst v19;
	v19 =	vmul.f32 v28, v59  }
0x1d8: {  	v35 =	vld [tilespmem:s0+$0x2E50];
	[tilespmem:s0+$0x2DE0] =	vst v18;
	v18 =	vmul.f32 v29, v32  }
0x1d9: {  	v36 =	vld [tilespmem:s0+$0x2E60];
	[tilespmem:s0+$0x2DF0] =	vst v19;
	v19 =	vmul.f32 v30, v32  }
0x1da: {  	v37 =	vld [tilespmem:s0+$0x2E70];
	[tilespmem:s0+$0x2E00] =	vst v18;
	v18 =	vmul.f32 v31, v32  }
0x1db: {  	v38 =	vld [tilespmem:s0+$0x2E80];
	[tilespmem:s0+$0x2E10] =	vst v19;
	v19 =	vmul.f32 v33, v32  }
0x1dc: {  	v39 =	vld [tilespmem:s0+$0x2E90];
	[tilespmem:s0+$0x2E20] =	vst v18;
	v18 =	vmul.f32 v34, v32  }
0x1dd: {  	v40 =	vld [tilespmem:s0+$0x2EA0];
	[tilespmem:s0+$0x2E30] =	vst v19;
	v19 =	vmul.f32 v35, v32  }
0x1de: {  	v42 =	vld [tilespmem:s0+$0x2EB0];
	v41 =	vperm.xlane v17, v10;
	[tilespmem:s0+$0x2E40] =	vst v18;
	v18 =	vmul.f32 v36, v32  }
0x1df: {  	v43 =	vld [tilespmem:s0+$0x2EC0];
	[tilespmem:s0+$0x2E50] =	vst v19;
	v19 =	vmul.f32 v37, v32  }
0x1e0: {  	v44 =	vld [tilespmem:s0+$0x2ED0];
	[tilespmem:s0+$0x2E60] =	vst v18;
	v18 =	vmul.f32 v38, v41  }
0x1e1: {  	v45 =	vld [tilespmem:s0+$0x2EE0];
	[tilespmem:s0+$0x2E70] =	vst v19;
	v19 =	vmul.f32 v39, v41  }
0x1e2: {  	v46 =	vld [tilespmem:s0+$0x2EF0];
	[tilespmem:s0+$0x2E80] =	vst v18;
	v18 =	vmul.f32 v40, v41  }
0x1e3: {  	v47 =	vld [tilespmem:s0+$0x2F00];
	[tilespmem:s0+$0x2E90] =	vst v19;
	v19 =	vmul.f32 v42, v41  }
0x1e4: {  	v48 =	vld [tilespmem:s0+$0x2F10];
	[tilespmem:s0+$0x2EA0] =	vst v18;
	v18 =	vmul.f32 v43, v41  }
0x1e5: {  	v49 =	vld [tilespmem:s0+$0x2F20];
	[tilespmem:s0+$0x2EB0] =	vst v19;
	v19 =	vmul.f32 v44, v41  }
0x1e6: {  	v51 =	vld [tilespmem:s0+$0x2F30];
	v50 =	vperm.xlane v17, v11;
	[tilespmem:s0+$0x2EC0] =	vst v18;
	v18 =	vmul.f32 v45, v41  }
0x1e7: {  	v52 =	vld [tilespmem:s0+$0x2F40];
	[tilespmem:s0+$0x2ED0] =	vst v19;
	v19 =	vmul.f32 v46, v41  }
0x1e8: {  	v53 =	vld [tilespmem:s0+$0x2F50];
	[tilespmem:s0+$0x2EE0] =	vst v18;
	v18 =	vmul.f32 v47, v50  }
0x1e9: {  	v54 =	vld [tilespmem:s0+$0x2F60];
	[tilespmem:s0+$0x2EF0] =	vst v19;
	v19 =	vmul.f32 v48, v50  }
0x1ea: {  	v55 =	vld [tilespmem:s0+$0x2F70];
	[tilespmem:s0+$0x2F00] =	vst v18;
	v18 =	vmul.f32 v49, v50  }
0x1eb: {  	v56 =	vld [tilespmem:s0+$0x2F80];
	[tilespmem:s0+$0x2F10] =	vst v19;
	v19 =	vmul.f32 v51, v50  }
0x1ec: {  	v57 =	vld [tilespmem:s0+$0x2F90];
	[tilespmem:s0+$0x2F20] =	vst v18;
	v18 =	vmul.f32 v52, v50  }
0x1ed: {  	v58 =	vld [tilespmem:s0+$0x2FA0];
	[tilespmem:s0+$0x2F30] =	vst v19;
	v19 =	vmul.f32 v53, v50  }
0x1ee: {  	v60 =	vld [tilespmem:s0+$0x2FB0];
	v59 =	vperm.xlane v17, v12;
	[tilespmem:s0+$0x2F40] =	vst v18;
	v18 =	vmul.f32 v54, v50  }
0x1ef: {  	v61 =	vld [tilespmem:s0+$0x2FC0];
	[tilespmem:s0+$0x2F50] =	vst v19;
	v19 =	vmul.f32 v55, v50  }
0x1f0: {  	v62 =	vld [tilespmem:s0+$0x2FD0];
	[tilespmem:s0+$0x2F60] =	vst v18;
	v18 =	vmul.f32 v56, v59  }
0x1f1: {  	v63 =	vld [tilespmem:s0+$0x2FE0];
	[tilespmem:s0+$0x2F70] =	vst v19;
	v19 =	vmul.f32 v57, v59  }
0x1f2: {  	v28 =	vld [tilespmem:s0+$0x2FF0];
	[tilespmem:s0+$0x2F80] =	vst v18;
	v18 =	vmul.f32 v58, v59  }
0x1f3: {  	v29 =	vld [tilespmem:s0+$0x3000];
	[tilespmem:s0+$0x2F90] =	vst v19;
	v19 =	vmul.f32 v60, v59  }
0x1f4: {  	v30 =	vld [tilespmem:s0+$0x3010];
	[tilespmem:s0+$0x2FA0] =	vst v18;
	v18 =	vmul.f32 v61, v59  }
0x1f5: {  	v31 =	vld [tilespmem:s0+$0x3020];
	[tilespmem:s0+$0x2FB0] =	vst v19;
	v19 =	vmul.f32 v62, v59  }
0x1f6: {  	v33 =	vld [tilespmem:s0+$0x3030];
	v32 =	vperm.xlane v17, v13;
	[tilespmem:s0+$0x2FC0] =	vst v18;
	v18 =	vmul.f32 v63, v59  }
0x1f7: {  	v34 =	vld [tilespmem:s0+$0x3040];
	[tilespmem:s0+$0x2FD0] =	vst v19;
	v19 =	vmul.f32 v28, v59  }
0x1f8: {  	v35 =	vld [tilespmem:s0+$0x3050];
	[tilespmem:s0+$0x2FE0] =	vst v18;
	v18 =	vmul.f32 v29, v32  }
0x1f9: {  	v36 =	vld [tilespmem:s0+$0x3060];
	[tilespmem:s0+$0x2FF0] =	vst v19;
	v19 =	vmul.f32 v30, v32  }
0x1fa: {  	v37 =	vld [tilespmem:s0+$0x3070];
	[tilespmem:s0+$0x3000] =	vst v18;
	v18 =	vmul.f32 v31, v32  }
0x1fb: {  	v38 =	vld [tilespmem:s0+$0x3080];
	[tilespmem:s0+$0x3010] =	vst v19;
	v19 =	vmul.f32 v33, v32  }
0x1fc: {  	v39 =	vld [tilespmem:s0+$0x3090];
	[tilespmem:s0+$0x3020] =	vst v18;
	v18 =	vmul.f32 v34, v32  }
0x1fd: {  	v40 =	vld [tilespmem:s0+$0x30A0];
	[tilespmem:s0+$0x3030] =	vst v19;
	v19 =	vmul.f32 v35, v32  }
0x1fe: {  	v42 =	vld [tilespmem:s0+$0x30B0];
	v41 =	vperm.xlane v17, v14;
	[tilespmem:s0+$0x3040] =	vst v18;
	v18 =	vmul.f32 v36, v32  }
0x1ff: {  	v43 =	vld [tilespmem:s0+$0x30C0];
	[tilespmem:s0+$0x3050] =	vst v19;
	v19 =	vmul.f32 v37, v32  }
0x200: {  	v44 =	vld [tilespmem:s0+$0x30D0];
	[tilespmem:s0+$0x3060] =	vst v18;
	v18 =	vmul.f32 v38, v41  }
0x201: {  	v45 =	vld [tilespmem:s0+$0x30E0];
	[tilespmem:s0+$0x3070] =	vst v19;
	v19 =	vmul.f32 v39, v41  }
0x202: {  	v46 =	vld [tilespmem:s0+$0x30F0];
	[tilespmem:s0+$0x3080] =	vst v18;
	v18 =	vmul.f32 v40, v41  }
0x203: {  	v47 =	vld [tilespmem:s0+$0x3100];
	[tilespmem:s0+$0x3090] =	vst v19;
	v19 =	vmul.f32 v42, v41  }
0x204: {  	v48 =	vld [tilespmem:s0+$0x3110];
	[tilespmem:s0+$0x30A0] =	vst v18;
	v18 =	vmul.f32 v43, v41  }
0x205: {  	v49 =	vld [tilespmem:s0+$0x3120];
	[tilespmem:s0+$0x30B0] =	vst v19;
	v19 =	vmul.f32 v44, v41  }
0x206: {  	v51 =	vld [tilespmem:s0+$0x3130];
	v50 =	vperm.xlane v17, v15;
	[tilespmem:s0+$0x30C0] =	vst v18;
	v18 =	vmul.f32 v45, v41  }
0x207: {  	v52 =	vld [tilespmem:s0+$0x3140];
	[tilespmem:s0+$0x30D0] =	vst v19;
	v19 =	vmul.f32 v46, v41  }
0x208: {  	v53 =	vld [tilespmem:s0+$0x3150];
	[tilespmem:s0+$0x30E0] =	vst v18;
	v18 =	vmul.f32 v47, v50  }
0x209: {  	v54 =	vld [tilespmem:s0+$0x3160];
	[tilespmem:s0+$0x30F0] =	vst v19;
	v19 =	vmul.f32 v48, v50  }
0x20a: {  	v55 =	vld [tilespmem:s0+$0x3170];
	[tilespmem:s0+$0x3100] =	vst v18;
	v18 =	vmul.f32 v49, v50  }
0x20b: {  	v56 =	vld [tilespmem:s0+$0x3180];
	[tilespmem:s0+$0x3110] =	vst v19;
	v19 =	vmul.f32 v51, v50  }
0x20c: {  	v57 =	vld [tilespmem:s0+$0x3190];
	[tilespmem:s0+$0x3120] =	vst v18;
	v18 =	vmul.f32 v52, v50  }
0x20d: {  	v58 =	vld [tilespmem:s0+$0x31A0];
	[tilespmem:s0+$0x3130] =	vst v19;
	v19 =	vmul.f32 v53, v50  }
0x20e: {  	v17 =	vperm.xlane v17, v16;
	v59 =	vld [tilespmem:s0+$0x31B0];
	[tilespmem:s0+$0x3140] =	vst v18;
	v18 =	vmul.f32 v54, v50  }
0x20f: {  	v60 =	vld [tilespmem:s0+$0x31C0];
	[tilespmem:s0+$0x3150] =	vst v19;
	v19 =	vmul.f32 v55, v50  }
0x210: {  	v61 =	vld [tilespmem:s0+$0x31D0];
	[tilespmem:s0+$0x3160] =	vst v18;
	v18 =	vmul.f32 v56, v17  }
0x211: {  	v62 =	vld [tilespmem:s0+$0x31E0];
	[tilespmem:s0+$0x3170] =	vst v19;
	v19 =	vmul.f32 v57, v17  }
0x212: {  	v63 =	vld [tilespmem:s0+$0x31F0];
	[tilespmem:s0+$0x3180] =	vst v18;
	v18 =	vmul.f32 v58, v17  }
0x213: {  	[tilespmem:s0+$0x3190] =	vst v19;
	v19 =	vmul.f32 v59, v17  }
0x214: {  	p2 =	sne.s32 s3, $0x7;
	[tilespmem:s0+$0x31A0] =	vst v18;
	v18 =	vmul.f32 v60, v17  }
.Ltmp7:
0x215: {  	[tilespmem:s0+$0x31B0] =	vst v19;
	v19 =	vmul.f32 v61, v17;
	(pc) =	sbr.rel @p2 .LBB2_13-.Ltmp7, $4  }
0x216: {  	[tilespmem:s0+$0x31C0] =	vst v18;
	v18 =	vmul.f32 v62, v17  }
0x217: {  	[tilespmem:s0+$0x31D0] =	vst v19;
	v17 =	vmul.f32 v63, v17  }
0x218: {  	[tilespmem:s0+$0x31E0] =	vst v18  }
0x219: {  	s3 =	sadd.s32 $0x1, s3;
	[tilespmem:s0+$0x31F0] =	vst v17  }
0x21a: {  	s0 =	simm.s32 $0x2800  }
0x21b: {  	[spmem:s5] =	stream.indirect.scatter.add.f32 [tilespmem:s19], [sflag:$0x5], $0x80, s0, s22, $0xb8;
	[tilespmem:$0x1E280] =	vst v63  }
0x21c: {  	_ =	swait.ge [sflag:s11], $0x4000  }
0x21d: {  	[sflag:s11] =	ssyncset.done $0x0  }
0x21e: {  	[sflag:s11] =	ssyncadd.s32 $0xFFFFC000  }
.LBB2_15:
.Ltmp8:
0x21f: {  	s0 =	stileid.u32;
	(pc) =	sbr.rel @!p1 .LBB2_17-.Ltmp8, $4  }
0x220: {  	[bflag:$0x0] =	sbarrier.arrive $0xFFFF;
	s3 =	sshrl.u32 s18, $0x3;
	s0 =	sshll.u32 s0, $0x6  }
0x221: {  	s9 =	sshrl.u32 s17, $0x3;
	s3 =	sadd.s32 s7, s3;
	s0 =	sor.u32 $0x1C06, s0  }
0x222: {  	[hbm:s3], [sflag:s0] =	dma.local [spmem:s9], $0x500  }
0x223: {  	s14 =	sadd.s32 $0x2800, s18;
	s15 =	smov.u32 s17;
	s3 =	sadd.s32 $0xFFFFFFFF, s10  }
.LBB2_16:
0x224: {  	_ =	swait.ge [sflag:s20], $0x500  }
0x225: {  	s15 =	sadd.s32 $0x2800, s15;
	s9 =	sshrl.u32 s14, $0x3;
	p1 =	sne.s32 s3, $0x1  }
.Ltmp9:
0x226: {  	s24 =	sshrl.u32 s15, $0x3;
	[sflag:s20] =	ssyncset.done $0x0;
	(pc) =	sbr.rel @p1 .LBB2_16-.Ltmp9, $4  }
0x227: {  	s9 =	sadd.s32 s7, s9;
	[sflag:s20] =	ssyncadd.s32 $0xFFFFFB00  }
0x228: {  	[hbm:s9], [sflag:s0] =	dma.local [spmem:s24], $0x500  }
0x229: {  	s3 =	sadd.s32 $0xFFFFFFFF, s3  }
0x22a: {  	s14 =	sadd.s32 $0x2800, s14  }
.LBB2_17:
0x22b: {  	s6 =	sadd.s32 $0x1, s6  }
0x22c: {  	p1 =	sne.s32 s6, s16  }
.Ltmp10:
0x22d: {  	_ = 	snop;
	(pc) =	sbr.rel @p1 .LBB2_1-.Ltmp10, $4  }
0x22e: {  	_ = 	snop  }
0x22f: {  	_ =	swait.ge [sflag:s20], $0x500  }
0x230: {  	[sflag:s20] =	ssyncset.done $0x0  }
0x231: {  	[sflag:s20] =	ssyncadd.s32 $0xFFFFFB00  }
0x232: {  	_ =	sfence.sel $0x180000  }
0x233: {  	[bflag:$0x0] =	sbarrier.arrive $0xFFFF  }
0x234: {  	_ =	strace $0x90000047  }
0x235: {  	s0 =	stileid.u32;
	[bflag:$0x2] =	sbarrier.arrive $0xFFFF  }
0x236: {  	p0 =	sne.s32 s0, $0x0;
	s0 =	rddreg [dreg:$0x5]  }
0x237: {  	s0 =	sadd.s32 @!p0 $0x100000, s0  }
0x238: {  	[sflag:s0] =	ssyncadd.tile.s32 @!p0 $0x1;
	_ =	shalt  }
.Lfunc_end2:
_tile_overlayer_lowered:
.L_overlay_start_2:
0x239: {  	(tag) =	ssettag $0x2  }
0x23a: {  	s0 =	rddreg [dreg:$0x0];
	s2 =	stileid.u32  }
0x23b: {  	s1 =	rddreg [dreg:$0x1];
	p0 =	sne.s32 s2, $0x0  }
0x23c: {  	s3 =	rddreg [dreg:$0x2];
	[bflag:$0x3] =	sbarrier.arrive $0xFFFF;
	s2 =	simm.s32 @!p0 $0x1C06  }
0x23d: {  	[timem:s3], [sflag:s2] =	dma.local @!p0 [hbm:s0], s1  }
0x23e: {  	s0 =	simm.s32 @!p0 $0x6  }
0x23f: {  	_ =	swait.ge @!p0 [sflag:s0], s1  }
0x240: {  	s1 =	ssub.s32 @!p0 $0x0, s1;
	[sflag:s0] =	ssyncset.done @!p0 $0x0  }
0x241: {  	[sflag:s0] =	ssyncadd.s32 @!p0 s1  }
0x242: {  	[bflag:$0x3] =	sbarrier.arrive $0xFFFF  }
0x243: {  	_ =	shalt  }

</sc_bundles>
